<compile_context>
chip_gen: v7x
topology: tpu7x:2x2x1
jax: 0.10.2.dev20260603
libtpu: 0.0.44.dev20260713+nightly
codegen_flags: <defaults>
</compile_context>

<pallas_src>
import jax
import jax.numpy as jnp
from jax import lax
from jax.experimental import pallas as pl
from jax.experimental.pallas import tpu as pltpu
from jax.experimental.pallas import tpu_sc as plsc

N = 10000
D = 128
E = 320000

NC = 2
NS = 16
NW = NC * NS
K = 128
EPAD = 327680
EPT = EPAD // NW
NPHASE = 2
PCH = EPT // (NPHASE * K)
PE = PCH * K

NPAD = 10240
RPT = NPAD // NS

_MESH = plsc.VectorSubcoreMesh(core_axis_name="c", subcore_axis_name="s")
_SC_PARAMS = pltpu.CompilerParams(needs_layout_passes=False)



def _deg_body(dst_hbm, deg_out, dst_v, acc_v, tbuf, rbuf, deg_sh, sem):
    c = lax.axis_index("c")
    s = lax.axis_index("s")
    wid = c * NS + s

    pltpu.async_copy(dst_hbm.at[wid], dst_v, sem).wait()

    z16 = jnp.zeros((16,), jnp.float32)

    @pl.loop(0, NPAD, step=16)
    def _(i):
        acc_v[pl.ds(i, 16)] = z16

    ones16 = jnp.ones((16,), jnp.float32)

    @pl.loop(0, EPT, step=16)
    def _(e):
        idx = dst_v[pl.ds(e, 16)]
        plsc.addupdate_scatter(acc_v, [idx], ones16)

    pltpu.sync_copy(acc_v, deg_sh.at[s])
    plsc.subcore_barrier()

    @pl.loop(0, RPT, step=16)
    def _(i):
        rbuf[pl.ds(i, 16)] = z16

    for j in range(NS):
        pltpu.sync_copy(deg_sh.at[j, pl.ds(s * RPT, RPT)], tbuf)

        @pl.loop(0, RPT, step=16)
        def _(i):
            rbuf[pl.ds(i, 16)] = rbuf[pl.ds(i, 16)] + tbuf[pl.ds(i, 16)]

    pltpu.sync_copy(rbuf, deg_out.at[c, pl.ds(s * RPT, RPT)])


_deg_kernel = pl.kernel(
    _deg_body,
    out_type=jax.ShapeDtypeStruct((NC, NPAD), jnp.float32),
    mesh=_MESH,
    compiler_params=_SC_PARAMS,
    scratch_types=[
        pltpu.VMEM((EPT,), jnp.int32),
        pltpu.VMEM((NPAD,), jnp.float32),
        pltpu.VMEM((RPT,), jnp.float32),
        pltpu.VMEM((RPT,), jnp.float32),
        pltpu.VMEM_SHARED((NS, NPAD), jnp.float32),
        pltpu.SemaphoreType.DMA,
    ],
)



def _agg_body(y_hbm, src_hbm, dst_hbm, out_hbm,
              src_v, dst_v, rbuf0, rbuf1, acc_sh, sem0, sem1, sem2, sem3):
    c = lax.axis_index("c")
    s = lax.axis_index("s")
    wid = c * NS + s

    z16 = jnp.zeros((16,), jnp.float32)

    @pl.loop(0, K)
    def _(r):
        for i in range(D // 16):
            rbuf0[r, pl.ds(i * 16, 16)] = z16

    for t in range(RPT // K):
        pltpu.sync_copy(rbuf0, acc_sh.at[pl.ds(s * RPT + t * K, K)])
    plsc.subcore_barrier()

    H = K // 2

    def gather(j, rbuf, sem):
        pltpu.async_copy(y_hbm.at[src_v.at[pl.ds(j * K, H)]],
                         rbuf.at[pl.ds(0, H)], sem)
        pltpu.async_copy(y_hbm.at[src_v.at[pl.ds(j * K + H, H)]],
                         rbuf.at[pl.ds(H, H)], sem)

    def gather_wait(j, rbuf, sem):
        pltpu.make_async_copy(y_hbm.at[src_v.at[pl.ds(j * K, H)]],
                              rbuf.at[pl.ds(0, H)], sem).wait()
        pltpu.make_async_copy(y_hbm.at[src_v.at[pl.ds(j * K + H, H)]],
                              rbuf.at[pl.ds(H, H)], sem).wait()

    def scatter_fire(j, rbuf, sem):
        pltpu.async_copy(rbuf, acc_sh.at[dst_v.at[j]], sem, add=True)

    def scatter_drain(j, rbuf, sem):
        pltpu.make_async_copy(rbuf, acc_sh.at[dst_v.at[j]], sem).wait()

    for p in range(NPHASE):
        pltpu.async_copy(src_hbm.at[wid, pl.ds(p * PE, PE)], src_v,
                         sem0).wait()
        pltpu.async_copy(dst_hbm.at[wid, p], dst_v, sem1).wait()
        gather(0, rbuf0, sem0)
        gather(1, rbuf1, sem1)

        @pl.loop(0, PCH, step=2)
        def _(j):
            gather_wait(j, rbuf0, sem0)
            scatter_fire(j, rbuf0, sem2)
            gather_wait(j + 1, rbuf1, sem1)
            scatter_fire(j + 1, rbuf1, sem3)

            @pl.when(j + 2 < PCH)
            def _():
                scatter_drain(j, rbuf0, sem2)
                gather(j + 2, rbuf0, sem0)
                scatter_drain(j + 1, rbuf1, sem3)
                gather(j + 3, rbuf1, sem1)

        scatter_drain(PCH - 2, rbuf0, sem2)
        scatter_drain(PCH - 1, rbuf1, sem3)

    plsc.subcore_barrier()

    bufs = (rbuf0, rbuf1)
    sems = (sem0, sem1)

    def orow(t):
        return out_hbm.at[c, pl.ds(s * RPT + t * K, K)]

    for t in range(RPT // K):
        if t >= 2:
            pltpu.make_async_copy(bufs[(t - 2) % 2], orow(t - 2),
                                  sems[(t - 2) % 2]).wait()
        pltpu.sync_copy(acc_sh.at[pl.ds(s * RPT + t * K, K)], bufs[t % 2])
        pltpu.async_copy(bufs[t % 2], orow(t), sems[t % 2])
    for t in (RPT // K - 2, RPT // K - 1):
        pltpu.make_async_copy(bufs[t % 2], orow(t), sems[t % 2]).wait()


_agg_kernel = pl.kernel(
    _agg_body,
    out_type=jax.ShapeDtypeStruct((NC, NPAD, D), jnp.float32),
    mesh=_MESH,
    compiler_params=_SC_PARAMS,
    scratch_types=[
        pltpu.VMEM((PE,), jnp.int32),
        pltpu.VMEM((PCH, K), jnp.int32),
        pltpu.VMEM((K, D), jnp.float32),
        pltpu.VMEM((K, D), jnp.float32),
        pltpu.VMEM_SHARED((NPAD, D), jnp.float32),
        pltpu.SemaphoreType.DMA,
        pltpu.SemaphoreType.DMA,
        pltpu.SemaphoreType.DMA,
        pltpu.SemaphoreType.DMA,
    ],
)



_GRID = NPAD // RPT


NSPUR = EPAD - E


def _tc0_body(x_ref, w_ref, xw_ref):
    xw_ref[...] = jnp.dot(x_ref[...], w_ref[...],
                          preferred_element_type=jnp.float32,
                          precision=lax.Precision.HIGHEST)


def _tc1_body(dega_ref, degb_ref, xw_ref, y_ref, d_ref):
    row = pl.program_id(0) * RPT + lax.broadcasted_iota(jnp.int32, (RPT, 1), 0)
    spur = jnp.where(row < NSPUR, 1.0, 0.0)
    d = lax.rsqrt(1.0 + dega_ref[...] + degb_ref[...] - spur)
    y_ref[...] = jnp.where(row < N, xw_ref[...] * d, 0.0)
    d_ref[...] = d


def _tc2_body(a_ref, y1_ref, d_ref, b_ref, w_ref, y2_ref):
    d = d_ref[...]
    h = d * (a_ref[0] + a_ref[1] + y1_ref[...]) + b_ref[...]
    h = jnp.maximum(h, 0.0)
    y2 = d * jnp.dot(h, w_ref[...],
                     preferred_element_type=jnp.float32,
                     precision=lax.Precision.HIGHEST)
    row = pl.program_id(0) * RPT + lax.broadcasted_iota(jnp.int32, (RPT, 1), 0)
    y2_ref[...] = jnp.where(row < N, y2, 0.0)


def _tc3_body(a_ref, y2_ref, d_ref, b_ref, o_ref):
    o_ref[...] = d_ref[...] * (a_ref[0] + a_ref[1] + y2_ref[...]) + b_ref[...]


def _row_spec(shape_last):
    return pl.BlockSpec((RPT, shape_last), lambda i: (i, 0))


_AGG_SPEC = pl.BlockSpec((NC, RPT, D), lambda i: (0, i, 0))
_FULL_W = pl.BlockSpec((D, D), lambda i: (0, 0))
_FULL_B = pl.BlockSpec((1, D), lambda i: (0, 0))

_tc0 = pl.pallas_call(
    _tc0_body,
    grid=(_GRID,),
    in_specs=[pl.BlockSpec((RPT, D), lambda i: (i, 0)), _FULL_W],
    out_specs=_row_spec(D),
    out_shape=jax.ShapeDtypeStruct((NPAD, D), jnp.float32),
)

_tc1 = pl.pallas_call(
    _tc1_body,
    grid=(_GRID,),
    in_specs=[_row_spec(1), _row_spec(1), _row_spec(D)],
    out_specs=[_row_spec(D), _row_spec(1)],
    out_shape=[jax.ShapeDtypeStruct((NPAD, D), jnp.float32),
               jax.ShapeDtypeStruct((NPAD, 1), jnp.float32)],
)

_tc2 = pl.pallas_call(
    _tc2_body,
    grid=(_GRID,),
    in_specs=[_AGG_SPEC, _row_spec(D), _row_spec(1), _FULL_B, _FULL_W],
    out_specs=_row_spec(D),
    out_shape=jax.ShapeDtypeStruct((NPAD, D), jnp.float32),
)

_R3 = 1000
_tc3 = pl.pallas_call(
    _tc3_body,
    grid=(N // _R3,),
    in_specs=[pl.BlockSpec((NC, _R3, D), lambda i: (0, i, 0)),
              pl.BlockSpec((_R3, D), lambda i: (i, 0)),
              pl.BlockSpec((_R3, 1), lambda i: (i, 0)),
              _FULL_B],
    out_specs=pl.BlockSpec((_R3, D), lambda i: (i, 0)),
    out_shape=jax.ShapeDtypeStruct((N, D), jnp.float32),
)



@jax.jit
def kernel(x, edge_index, W1, b1, W2, b2):
    src = edge_index[0].astype(jnp.int32)
    dst = edge_index[1].astype(jnp.int32)
    pad = jnp.arange(EPAD - E, dtype=jnp.int32)
    src_p = jnp.concatenate(
        [src, N + pad % (NPAD - N)]).reshape(NW, EPT)
    dst_p = jnp.concatenate([dst, pad]).reshape(NW, NPHASE, PCH, K)

    xw = _tc0(x, W1)
    deg_p = _deg_kernel(dst_p.reshape(NW, EPT))
    dega = deg_p[0].reshape(NPAD, 1)
    degb = deg_p[1].reshape(NPAD, 1)
    y1, dcol = _tc1(dega, degb, xw)

    agg1 = _agg_kernel(y1, src_p, dst_p)
    y2 = _tc2(agg1, y1, dcol, b1.reshape(1, D), W2)

    agg2 = _agg_kernel(y2, src_p, dst_p)
    return _tc3(agg2, y2, dcol, b2.reshape(1, D))

# --- scband reference (transcript-rebuilt; emitter-appended) ---
"""Pipeline reference for scband-gnnmodel-6098853560682 (READ-ONLY COPY).

The authoritative reference and input builder live on the scoring server;
editing this copy changes nothing except your own understanding.
"""

import jax, jax.numpy as jnp
import numpy as np

N_NODES = 10000
D_IN = 128
D_HID = 128
D_OUT = 128
N_EDGES = 320000


def _gcn_conv(x, edge_index, W, b, n_nodes):
    # Faithful port of torch_geometric.nn.GCNConv (default settings:
    # add_self_loops=True, normalize=True, improved=False, bias=True).
    src = edge_index[0]
    dst = edge_index[1]
    loop = jnp.arange(n_nodes, dtype=edge_index.dtype)
    src = jnp.concatenate([src, loop])
    dst = jnp.concatenate([dst, loop])
    # gcn_norm: degree computed on col (dst) with unit edge weights incl. self loops
    ones = jnp.ones(src.shape[0], dtype=x.dtype)
    deg = jnp.zeros((n_nodes,), dtype=x.dtype).at[dst].add(ones)
    deg_inv_sqrt = jnp.where(deg > 0, deg ** -0.5, 0.0)
    norm = deg_inv_sqrt[src] * deg_inv_sqrt[dst]
    # linear transform first (PyG applies lin before propagate)
    xw = x @ W
    msg = xw[src] * norm[:, None]
    out = jnp.zeros((n_nodes, W.shape[1]), dtype=x.dtype).at[dst].add(msg)
    return out + b


def setup_inputs(seed: int = 0) -> dict:
    key = jax.random.key(seed)
    k_x, k_ei, k_w1, k_b1, k_w2, k_b2 = jax.random.split(key, 6)
    x = jax.random.normal(k_x, (N_NODES, D_IN), dtype=jnp.float32)
    edge_index = jax.random.randint(k_ei, (2, N_EDGES), 0, N_NODES, dtype=jnp.int64)
    W1 = jax.random.normal(k_w1, (D_IN, D_HID), dtype=jnp.float32) * 0.05
    b1 = jnp.zeros((D_HID,), dtype=jnp.float32)
    W2 = jax.random.normal(k_w2, (D_HID, D_OUT), dtype=jnp.float32) * 0.05
    b2 = jnp.zeros((D_OUT,), dtype=jnp.float32)
    return {"x": x, "edge_index": edge_index, "W1": W1, "b1": b1, "W2": W2, "b2": b2}


def reference(x, edge_index, W1, b1, W2, b2):
    n_nodes = x.shape[0]
    # layer 1: GCNConv -> ReLU -> Dropout (eval mode: identity)
    h = _gcn_conv(x, edge_index, W1, b1, n_nodes)
    h = jax.nn.relu(h)
    # dropout(p=0.1) is identity in eval mode
    # layer 2: GCNConv
    out = _gcn_conv(h, edge_index, W2, b2, n_nodes)
    return out

if __name__ == "__main__":
    import jax
    _d = setup_inputs()
    print(jax.jit(kernel)(*tuple(_d.values())))

</pallas_src>

<mosaic_0001>
#map = affine_map<(d0, d1) -> (0, 0)>
#map1 = affine_map<(d0, d1) -> (0, 0, 0, 0)>
#map2 = affine_map<(d0, d1) -> (0, 0, 0)>
module attributes {stable_mosaic.version = 14 : i64} {
  func.func @_agg_body(%arg0: i32, %arg1: i32, %arg2: memref<10240x128xf32, #tpu.memory_space<hbm>>, %arg3: memref<32x10240xi32, #tpu.memory_space<hbm>>, %arg4: memref<32x2x40x128xi32, #tpu.memory_space<hbm>>, %arg5: memref<2x10240x128xf32, #tpu.memory_space<hbm>>, %arg6: memref<5120xi32, #tpu.memory_space<vmem>>, %arg7: memref<40x128xi32, #tpu.memory_space<vmem>>, %arg8: memref<128x128xf32, #tpu.memory_space<vmem>>, %arg9: memref<128x128xf32, #tpu.memory_space<vmem>>, %arg10: memref<10240x128xf32, #tpu.memory_space<vmem_shared>>, %arg11: memref<!tpu.dma_semaphore, #tpu.memory_space<semaphore_mem>>, %arg12: memref<!tpu.dma_semaphore, #tpu.memory_space<semaphore_mem>>, %arg13: memref<!tpu.dma_semaphore, #tpu.memory_space<semaphore_mem>>, %arg14: memref<!tpu.dma_semaphore, #tpu.memory_space<semaphore_mem>>) attributes {dimension_semantics = [#tpu.dimension_semantics<core_parallel>, #tpu.dimension_semantics<subcore_parallel>], iteration_bounds = array<i64: 2, 16>, scalar_prefetch = 0 : i64, scratch_operands = 9 : i64, tpu.core_type = #tpu.core_type<sc_vector_subcore>, window_params = [{transform_indices = #map}, {transform_indices = #map}, {transform_indices = #map1}, {transform_indices = #map2}]} {
    %mul3A = arith.constant 16 : i32
    %mul3A_0 = arith.muli %arg0, %mul3A : i32
    %add3A = arith.addi %mul3A_0, %arg1 : i32
    %broadcast_in_dim3A = arith.constant 0.000000e+00 : f32
    %broadcast_in_dim3A_1 = vector.broadcast %broadcast_in_dim3A : f32 to vector<16xf32>
    %scan3A = arith.constant 0 : i32
    %scan3A_2 = arith.constant 128 : i32
    %scan3A_3 = arith.addi %scan3A, %scan3A_2 : i32
    %scan3A_4 = arith.constant 1 : i32
    scf.for %scan3A_307 = %scan3A to %scan3A_3 step %scan3A_4  : i32 {
      %mul3A_308 = arith.constant 1 : i32
      %mul3A_309 = arith.muli %scan3A_307, %mul3A_308 : i32
      %add3A_310 = arith.constant 0 : i32
      %add3A_311 = arith.addi %add3A_310, %mul3A_309 : i32
      %swap3A = arith.index_cast %add3A_311 : i32 to index
      %swap3A_312 = arith.constant 0 : index
      %swap3A_313 = tpu.vector_load %arg8[%swap3A, %swap3A_312] {strides = array<i32>} : memref<128x128xf32, #tpu.memory_space<vmem>>, vector<16xf32>,
      tpu.vector_store %arg8[%swap3A, %swap3A_312], %broadcast_in_dim3A_1 {strides = array<i32>} : memref<128x128xf32, #tpu.memory_space<vmem>>, vector<16xf32>,
      %swap3A_314 = arith.index_cast %add3A_311 : i32 to index
      %swap3A_315 = arith.constant 16 : index
      %swap3A_316 = tpu.vector_load %arg8[%swap3A_314, %swap3A_315] {strides = array<i32>} : memref<128x128xf32, #tpu.memory_space<vmem>>, vector<16xf32>,
      tpu.vector_store %arg8[%swap3A_314, %swap3A_315], %broadcast_in_dim3A_1 {strides = array<i32>} : memref<128x128xf32, #tpu.memory_space<vmem>>, vector<16xf32>,
      %swap3A_317 = arith.index_cast %add3A_311 : i32 to index
      %swap3A_318 = arith.constant 32 : index
      %swap3A_319 = tpu.vector_load %arg8[%swap3A_317, %swap3A_318] {strides = array<i32>} : memref<128x128xf32, #tpu.memory_space<vmem>>, vector<16xf32>,
      tpu.vector_store %arg8[%swap3A_317, %swap3A_318], %broadcast_in_dim3A_1 {strides = array<i32>} : memref<128x128xf32, #tpu.memory_space<vmem>>, vector<16xf32>,
      %swap3A_320 = arith.index_cast %add3A_311 : i32 to index
      %swap3A_321 = arith.constant 48 : index
      %swap3A_322 = tpu.vector_load %arg8[%swap3A_320, %swap3A_321] {strides = array<i32>} : memref<128x128xf32, #tpu.memory_space<vmem>>, vector<16xf32>,
      tpu.vector_store %arg8[%swap3A_320, %swap3A_321], %broadcast_in_dim3A_1 {strides = array<i32>} : memref<128x128xf32, #tpu.memory_space<vmem>>, vector<16xf32>,
      %swap3A_323 = arith.index_cast %add3A_311 : i32 to index
      %swap3A_324 = arith.constant 64 : index
      %swap3A_325 = tpu.vector_load %arg8[%swap3A_323, %swap3A_324] {strides = array<i32>} : memref<128x128xf32, #tpu.memory_space<vmem>>, vector<16xf32>,
      tpu.vector_store %arg8[%swap3A_323, %swap3A_324], %broadcast_in_dim3A_1 {strides = array<i32>} : memref<128x128xf32, #tpu.memory_space<vmem>>, vector<16xf32>,
      %swap3A_326 = arith.index_cast %add3A_311 : i32 to index
      %swap3A_327 = arith.constant 80 : index
      %swap3A_328 = tpu.vector_load %arg8[%swap3A_326, %swap3A_327] {strides = array<i32>} : memref<128x128xf32, #tpu.memory_space<vmem>>, vector<16xf32>,
      tpu.vector_store %arg8[%swap3A_326, %swap3A_327], %broadcast_in_dim3A_1 {strides = array<i32>} : memref<128x128xf32, #tpu.memory_space<vmem>>, vector<16xf32>,
      %swap3A_329 = arith.index_cast %add3A_311 : i32 to index
      %swap3A_330 = arith.constant 96 : index
      %swap3A_331 = tpu.vector_load %arg8[%swap3A_329, %swap3A_330] {strides = array<i32>} : memref<128x128xf32, #tpu.memory_space<vmem>>, vector<16xf32>,
      tpu.vector_store %arg8[%swap3A_329, %swap3A_330], %broadcast_in_dim3A_1 {strides = array<i32>} : memref<128x128xf32, #tpu.memory_space<vmem>>, vector<16xf32>,
      %swap3A_332 = arith.index_cast %add3A_311 : i32 to index
      %swap3A_333 = arith.constant 112 : index
      %swap3A_334 = tpu.vector_load %arg8[%swap3A_332, %swap3A_333] {strides = array<i32>} : memref<128x128xf32, #tpu.memory_space<vmem>>, vector<16xf32>,
      tpu.vector_store %arg8[%swap3A_332, %swap3A_333], %broadcast_in_dim3A_1 {strides = array<i32>} : memref<128x128xf32, #tpu.memory_space<vmem>>, vector<16xf32>,
    }
    %scan3A_5 = arith.constant 128 : i32
    %mul3A_6 = arith.constant 640 : i32
    %mul3A_7 = arith.muli %arg1, %mul3A_6 : i32
    %add3A_8 = arith.constant 0 : i32
    %add3A_9 = arith.addi %mul3A_7, %add3A_8 : i32
    "tpu.region"() ({
      %run_scoped3A = tpu.sem_alloc : memref<!tpu.dma_semaphore, #tpu.memory_space<semaphore_mem>>
      %dma_start3A_307 = arith.constant 0 : i32
      %dma_start3A_308 = tpu.memref_slice %arg10[%add3A_9, %dma_start3A_307] : memref<10240x128xf32, #tpu.memory_space<vmem_shared>> -> memref<128x128xf32, #tpu.memory_space<vmem_shared>>
      %dma_start3A_309 = arith.constant 0 : i32
      %dma_start3A_310 = tpu.memref_slice %arg10[%add3A_9, %dma_start3A_309] : memref<10240x128xf32, #tpu.memory_space<vmem_shared>> -> memref<128x128xf32, #tpu.memory_space<vmem_shared>>
      tpu.enqueue_dma source(%arg8 : memref<128x128xf32, #tpu.memory_space<vmem>>) target(%dma_start3A_310 : memref<128x128xf32, #tpu.memory_space<vmem_shared>>) target_semaphore(%run_scoped3A : memref<!tpu.dma_semaphore, #tpu.memory_space<semaphore_mem>>)
      %dma_wait3A_311 = arith.constant 0 : i32
      %dma_wait3A_312 = tpu.memref_slice %arg10[%add3A_9, %dma_wait3A_311] : memref<10240x128xf32, #tpu.memory_space<vmem_shared>> -> memref<128x128xf32, #tpu.memory_space<vmem_shared>>
      %dma_wait3A_313 = arith.constant 0 : i32
      %dma_wait3A_314 = tpu.memref_slice %arg10[%add3A_9, %dma_wait3A_313] : memref<10240x128xf32, #tpu.memory_space<vmem_shared>> -> memref<128x128xf32, #tpu.memory_space<vmem_shared>>
      tpu.wait_dma2 semaphore(%run_scoped3A : memref<!tpu.dma_semaphore, #tpu.memory_space<semaphore_mem>>) src(%arg8 : memref<128x128xf32, #tpu.memory_space<vmem>>) dst(%dma_wait3A_314 : memref<128x128xf32, #tpu.memory_space<vmem_shared>>)
      tpu.yield
    }) : () -> ()
    %mul3A_10 = arith.constant 640 : i32
    %mul3A_11 = arith.muli %arg1, %mul3A_10 : i32
    %add3A_12 = arith.constant 128 : i32
    %add3A_13 = arith.addi %mul3A_11, %add3A_12 : i32
    "tpu.region"() ({
      %run_scoped3A = tpu.sem_alloc : memref<!tpu.dma_semaphore, #tpu.memory_space<semaphore_mem>>
      %dma_start3A_307 = arith.constant 0 : i32
      %dma_start3A_308 = tpu.memref_slice %arg10[%add3A_13, %dma_start3A_307] : memref<10240x128xf32, #tpu.memory_space<vmem_shared>> -> memref<128x128xf32, #tpu.memory_space<vmem_shared>>
      %dma_start3A_309 = arith.constant 0 : i32
      %dma_start3A_310 = tpu.memref_slice %arg10[%add3A_13, %dma_start3A_309] : memref<10240x128xf32, #tpu.memory_space<vmem_shared>> -> memref<128x128xf32, #tpu.memory_space<vmem_shared>>
      tpu.enqueue_dma source(%arg8 : memref<128x128xf32, #tpu.memory_space<vmem>>) target(%dma_start3A_310 : memref<128x128xf32, #tpu.memory_space<vmem_shared>>) target_semaphore(%run_scoped3A : memref<!tpu.dma_semaphore, #tpu.memory_space<semaphore_mem>>)
      %dma_wait3A_311 = arith.constant 0 : i32
      %dma_wait3A_312 = tpu.memref_slice %arg10[%add3A_13, %dma_wait3A_311] : memref<10240x128xf32, #tpu.memory_space<vmem_shared>> -> memref<128x128xf32, #tpu.memory_space<vmem_shared>>
      %dma_wait3A_313 = arith.constant 0 : i32
      %dma_wait3A_314 = tpu.memref_slice %arg10[%add3A_13, %dma_wait3A_313] : memref<10240x128xf32, #tpu.memory_space<vmem_shared>> -> memref<128x128xf32, #tpu.memory_space<vmem_shared>>
      tpu.wait_dma2 semaphore(%run_scoped3A : memref<!tpu.dma_semaphore, #tpu.memory_space<semaphore_mem>>) src(%arg8 : memref<128x128xf32, #tpu.memory_space<vmem>>) dst(%dma_wait3A_314 : memref<128x128xf32, #tpu.memory_space<vmem_shared>>)
      tpu.yield
    }) : () -> ()
    %mul3A_14 = arith.constant 640 : i32
    %mul3A_15 = arith.muli %arg1, %mul3A_14 : i32
    %add3A_16 = arith.constant 256 : i32
    %add3A_17 = arith.addi %mul3A_15, %add3A_16 : i32
    "tpu.region"() ({
      %run_scoped3A = tpu.sem_alloc : memref<!tpu.dma_semaphore, #tpu.memory_space<semaphore_mem>>
      %dma_start3A_307 = arith.constant 0 : i32
      %dma_start3A_308 = tpu.memref_slice %arg10[%add3A_17, %dma_start3A_307] : memref<10240x128xf32, #tpu.memory_space<vmem_shared>> -> memref<128x128xf32, #tpu.memory_space<vmem_shared>>
      %dma_start3A_309 = arith.constant 0 : i32
      %dma_start3A_310 = tpu.memref_slice %arg10[%add3A_17, %dma_start3A_309] : memref<10240x128xf32, #tpu.memory_space<vmem_shared>> -> memref<128x128xf32, #tpu.memory_space<vmem_shared>>
      tpu.enqueue_dma source(%arg8 : memref<128x128xf32, #tpu.memory_space<vmem>>) target(%dma_start3A_310 : memref<128x128xf32, #tpu.memory_space<vmem_shared>>) target_semaphore(%run_scoped3A : memref<!tpu.dma_semaphore, #tpu.memory_space<semaphore_mem>>)
      %dma_wait3A_311 = arith.constant 0 : i32
      %dma_wait3A_312 = tpu.memref_slice %arg10[%add3A_17, %dma_wait3A_311] : memref<10240x128xf32, #tpu.memory_space<vmem_shared>> -> memref<128x128xf32, #tpu.memory_space<vmem_shared>>
      %dma_wait3A_313 = arith.constant 0 : i32
      %dma_wait3A_314 = tpu.memref_slice %arg10[%add3A_17, %dma_wait3A_313] : memref<10240x128xf32, #tpu.memory_space<vmem_shared>> -> memref<128x128xf32, #tpu.memory_space<vmem_shared>>
      tpu.wait_dma2 semaphore(%run_scoped3A : memref<!tpu.dma_semaphore, #tpu.memory_space<semaphore_mem>>) src(%arg8 : memref<128x128xf32, #tpu.memory_space<vmem>>) dst(%dma_wait3A_314 : memref<128x128xf32, #tpu.memory_space<vmem_shared>>)
      tpu.yield
    }) : () -> ()
    %mul3A_18 = arith.constant 640 : i32
    %mul3A_19 = arith.muli %arg1, %mul3A_18 : i32
    %add3A_20 = arith.constant 384 : i32
    %add3A_21 = arith.addi %mul3A_19, %add3A_20 : i32
    "tpu.region"() ({
      %run_scoped3A = tpu.sem_alloc : memref<!tpu.dma_semaphore, #tpu.memory_space<semaphore_mem>>
      %dma_start3A_307 = arith.constant 0 : i32
      %dma_start3A_308 = tpu.memref_slice %arg10[%add3A_21, %dma_start3A_307] : memref<10240x128xf32, #tpu.memory_space<vmem_shared>> -> memref<128x128xf32, #tpu.memory_space<vmem_shared>>
      %dma_start3A_309 = arith.constant 0 : i32
      %dma_start3A_310 = tpu.memref_slice %arg10[%add3A_21, %dma_start3A_309] : memref<10240x128xf32, #tpu.memory_space<vmem_shared>> -> memref<128x128xf32, #tpu.memory_space<vmem_shared>>
      tpu.enqueue_dma source(%arg8 : memref<128x128xf32, #tpu.memory_space<vmem>>) target(%dma_start3A_310 : memref<128x128xf32, #tpu.memory_space<vmem_shared>>) target_semaphore(%run_scoped3A : memref<!tpu.dma_semaphore, #tpu.memory_space<semaphore_mem>>)
      %dma_wait3A_311 = arith.constant 0 : i32
      %dma_wait3A_312 = tpu.memref_slice %arg10[%add3A_21, %dma_wait3A_311] : memref<10240x128xf32, #tpu.memory_space<vmem_shared>> -> memref<128x128xf32, #tpu.memory_space<vmem_shared>>
      %dma_wait3A_313 = arith.constant 0 : i32
      %dma_wait3A_314 = tpu.memref_slice %arg10[%add3A_21, %dma_wait3A_313] : memref<10240x128xf32, #tpu.memory_space<vmem_shared>> -> memref<128x128xf32, #tpu.memory_space<vmem_shared>>
      tpu.wait_dma2 semaphore(%run_scoped3A : memref<!tpu.dma_semaphore, #tpu.memory_space<semaphore_mem>>) src(%arg8 : memref<128x128xf32, #tpu.memory_space<vmem>>) dst(%dma_wait3A_314 : memref<128x128xf32, #tpu.memory_space<vmem_shared>>)
      tpu.yield
    }) : () -> ()
    %mul3A_22 = arith.constant 640 : i32
    %mul3A_23 = arith.muli %arg1, %mul3A_22 : i32
    %add3A_24 = arith.constant 512 : i32
    %add3A_25 = arith.addi %mul3A_23, %add3A_24 : i32
    "tpu.region"() ({
      %run_scoped3A = tpu.sem_alloc : memref<!tpu.dma_semaphore, #tpu.memory_space<semaphore_mem>>
      %dma_start3A_307 = arith.constant 0 : i32
      %dma_start3A_308 = tpu.memref_slice %arg10[%add3A_25, %dma_start3A_307] : memref<10240x128xf32, #tpu.memory_space<vmem_shared>> -> memref<128x128xf32, #tpu.memory_space<vmem_shared>>
      %dma_start3A_309 = arith.constant 0 : i32
      %dma_start3A_310 = tpu.memref_slice %arg10[%add3A_25, %dma_start3A_309] : memref<10240x128xf32, #tpu.memory_space<vmem_shared>> -> memref<128x128xf32, #tpu.memory_space<vmem_shared>>
      tpu.enqueue_dma source(%arg8 : memref<128x128xf32, #tpu.memory_space<vmem>>) target(%dma_start3A_310 : memref<128x128xf32, #tpu.memory_space<vmem_shared>>) target_semaphore(%run_scoped3A : memref<!tpu.dma_semaphore, #tpu.memory_space<semaphore_mem>>)
      %dma_wait3A_311 = arith.constant 0 : i32
      %dma_wait3A_312 = tpu.memref_slice %arg10[%add3A_25, %dma_wait3A_311] : memref<10240x128xf32, #tpu.memory_space<vmem_shared>> -> memref<128x128xf32, #tpu.memory_space<vmem_shared>>
      %dma_wait3A_313 = arith.constant 0 : i32
      %dma_wait3A_314 = tpu.memref_slice %arg10[%add3A_25, %dma_wait3A_313] : memref<10240x128xf32, #tpu.memory_space<vmem_shared>> -> memref<128x128xf32, #tpu.memory_space<vmem_shared>>
      tpu.wait_dma2 semaphore(%run_scoped3A : memref<!tpu.dma_semaphore, #tpu.memory_space<semaphore_mem>>) src(%arg8 : memref<128x128xf32, #tpu.memory_space<vmem>>) dst(%dma_wait3A_314 : memref<128x128xf32, #tpu.memory_space<vmem_shared>>)
      tpu.yield
    }) : () -> ()
    %barrier3A = arith.constant 0 : index
    tpu.barrier barrier_id(%barrier3A)
    %dma_start3A = arith.constant 0 : i32
    %dma_start3A_26 = tpu.memref_slice %arg3[%add3A, %dma_start3A] : memref<32x10240xi32, #tpu.memory_space<hbm>> -> memref<1x5120xi32, #tpu.memory_space<hbm>>
    %dma_start3A_27 = tpu.memref_squeeze %dma_start3A_26 : memref<1x5120xi32, #tpu.memory_space<hbm>> -> memref<5120xi32, #tpu.memory_space<hbm>>
    %dma_start3A_28 = arith.constant 0 : i32
    %dma_start3A_29 = tpu.memref_slice %arg3[%add3A, %dma_start3A_28] : memref<32x10240xi32, #tpu.memory_space<hbm>> -> memref<1x5120xi32, #tpu.memory_space<hbm>>
    %dma_start3A_30 = tpu.memref_squeeze %dma_start3A_29 : memref<1x5120xi32, #tpu.memory_space<hbm>> -> memref<5120xi32, #tpu.memory_space<hbm>>
    tpu.enqueue_dma source(%dma_start3A_30 : memref<5120xi32, #tpu.memory_space<hbm>>) target(%arg6 : memref<5120xi32, #tpu.memory_space<vmem>>) target_semaphore(%arg11 : memref<!tpu.dma_semaphore, #tpu.memory_space<semaphore_mem>>)
    %dma_wait3A = arith.constant 0 : i32
    %dma_wait3A_31 = tpu.memref_slice %arg3[%add3A, %dma_wait3A] : memref<32x10240xi32, #tpu.memory_space<hbm>> -> memref<1x5120xi32, #tpu.memory_space<hbm>>
    %dma_wait3A_32 = tpu.memref_squeeze %dma_wait3A_31 : memref<1x5120xi32, #tpu.memory_space<hbm>> -> memref<5120xi32, #tpu.memory_space<hbm>>
    %dma_wait3A_33 = arith.constant 0 : i32
    %dma_wait3A_34 = tpu.memref_slice %arg3[%add3A, %dma_wait3A_33] : memref<32x10240xi32, #tpu.memory_space<hbm>> -> memref<1x5120xi32, #tpu.memory_space<hbm>>
    %dma_wait3A_35 = tpu.memref_squeeze %dma_wait3A_34 : memref<1x5120xi32, #tpu.memory_space<hbm>> -> memref<5120xi32, #tpu.memory_space<hbm>>
    tpu.wait_dma2 semaphore(%arg11 : memref<!tpu.dma_semaphore, #tpu.memory_space<semaphore_mem>>) src(%dma_wait3A_35 : memref<5120xi32, #tpu.memory_space<hbm>>) dst(%arg6 : memref<5120xi32, #tpu.memory_space<vmem>>)
    %dma_start3A_36 = arith.constant 0 : i32
    %dma_start3A_37 = arith.constant 0 : i32
    %dma_start3A_38 = arith.constant 0 : i32
    %dma_start3A_39 = tpu.memref_slice %arg4[%add3A, %dma_start3A_36, %dma_start3A_37, %dma_start3A_38] : memref<32x2x40x128xi32, #tpu.memory_space<hbm>> -> memref<1x1x40x128xi32, #tpu.memory_space<hbm>>
    %dma_start3A_40 = tpu.memref_squeeze %dma_start3A_39 : memref<1x1x40x128xi32, #tpu.memory_space<hbm>> -> memref<40x128xi32, #tpu.memory_space<hbm>>
    %dma_start3A_41 = arith.constant 0 : i32
    %dma_start3A_42 = arith.constant 0 : i32
    %dma_start3A_43 = tpu.memref_slice %arg4[%add3A, %dma_start3A_36, %dma_start3A_41, %dma_start3A_42] : memref<32x2x40x128xi32, #tpu.memory_space<hbm>> -> memref<1x1x40x128xi32, #tpu.memory_space<hbm>>
    %dma_start3A_44 = tpu.memref_squeeze %dma_start3A_43 : memref<1x1x40x128xi32, #tpu.memory_space<hbm>> -> memref<40x128xi32, #tpu.memory_space<hbm>>
    tpu.enqueue_dma source(%dma_start3A_44 : memref<40x128xi32, #tpu.memory_space<hbm>>) target(%arg7 : memref<40x128xi32, #tpu.memory_space<vmem>>) target_semaphore(%arg12 : memref<!tpu.dma_semaphore, #tpu.memory_space<semaphore_mem>>)
    %dma_wait3A_45 = arith.constant 0 : i32
    %dma_wait3A_46 = arith.constant 0 : i32
    %dma_wait3A_47 = arith.constant 0 : i32
    %dma_wait3A_48 = tpu.memref_slice %arg4[%add3A, %dma_wait3A_45, %dma_wait3A_46, %dma_wait3A_47] : memref<32x2x40x128xi32, #tpu.memory_space<hbm>> -> memref<1x1x40x128xi32, #tpu.memory_space<hbm>>
    %dma_wait3A_49 = tpu.memref_squeeze %dma_wait3A_48 : memref<1x1x40x128xi32, #tpu.memory_space<hbm>> -> memref<40x128xi32, #tpu.memory_space<hbm>>
    %dma_wait3A_50 = arith.constant 0 : i32
    %dma_wait3A_51 = arith.constant 0 : i32
    %dma_wait3A_52 = tpu.memref_slice %arg4[%add3A, %dma_wait3A_45, %dma_wait3A_50, %dma_wait3A_51] : memref<32x2x40x128xi32, #tpu.memory_space<hbm>> -> memref<1x1x40x128xi32, #tpu.memory_space<hbm>>
    %dma_wait3A_53 = tpu.memref_squeeze %dma_wait3A_52 : memref<1x1x40x128xi32, #tpu.memory_space<hbm>> -> memref<40x128xi32, #tpu.memory_space<hbm>>
    tpu.wait_dma2 semaphore(%arg12 : memref<!tpu.dma_semaphore, #tpu.memory_space<semaphore_mem>>) src(%dma_wait3A_53 : memref<40x128xi32, #tpu.memory_space<hbm>>) dst(%arg7 : memref<40x128xi32, #tpu.memory_space<vmem>>)
    %dma_start3A_54 = arith.constant 0 : i32
    %dma_start3A_55 = arith.constant 0 : i32
    %dma_start3A_56 = tpu.memref_slice %arg8[%dma_start3A_54, %dma_start3A_55] : memref<128x128xf32, #tpu.memory_space<vmem>> -> memref<64x128xf32, #tpu.memory_space<vmem>>
    %dma_start3A_57 = arith.constant 0 : i32
    %dma_start3A_58 = tpu.memref_slice %arg6[%dma_start3A_57] : memref<5120xi32, #tpu.memory_space<vmem>> -> memref<64xi32, #tpu.memory_space<vmem>>
    %dma_start3A_59 = arith.constant 0 : i32
    %dma_start3A_60 = arith.constant 0 : i32
    %dma_start3A_61 = tpu.memref_slice %arg2[%dma_start3A_59, %dma_start3A_60] : memref<10240x128xf32, #tpu.memory_space<hbm>> -> memref<10240x128xf32, #tpu.memory_space<hbm>>
    tpu.enqueue_indirect_dma source(%dma_start3A_61 : memref<10240x128xf32, #tpu.memory_space<hbm>>) target(%dma_start3A_56 : memref<64x128xf32, #tpu.memory_space<vmem>>) offsets(%dma_start3A_58 : memref<64xi32, #tpu.memory_space<vmem>>) semaphore(%arg11 : memref<!tpu.dma_semaphore, #tpu.memory_space<semaphore_mem>>)
    %dma_start3A_62 = arith.constant 64 : i32
    %dma_start3A_63 = arith.constant 0 : i32
    %dma_start3A_64 = tpu.memref_slice %arg8[%dma_start3A_62, %dma_start3A_63] : memref<128x128xf32, #tpu.memory_space<vmem>> -> memref<64x128xf32, #tpu.memory_space<vmem>>
    %dma_start3A_65 = arith.constant 64 : i32
    %dma_start3A_66 = tpu.memref_slice %arg6[%dma_start3A_65] : memref<5120xi32, #tpu.memory_space<vmem>> -> memref<64xi32, #tpu.memory_space<vmem>>
    %dma_start3A_67 = arith.constant 0 : i32
    %dma_start3A_68 = arith.constant 0 : i32
    %dma_start3A_69 = tpu.memref_slice %arg2[%dma_start3A_67, %dma_start3A_68] : memref<10240x128xf32, #tpu.memory_space<hbm>> -> memref<10240x128xf32, #tpu.memory_space<hbm>>
    tpu.enqueue_indirect_dma source(%dma_start3A_69 : memref<10240x128xf32, #tpu.memory_space<hbm>>) target(%dma_start3A_64 : memref<64x128xf32, #tpu.memory_space<vmem>>) offsets(%dma_start3A_66 : memref<64xi32, #tpu.memory_space<vmem>>) semaphore(%arg11 : memref<!tpu.dma_semaphore, #tpu.memory_space<semaphore_mem>>)
    %dma_start3A_70 = arith.constant 0 : i32
    %dma_start3A_71 = arith.constant 0 : i32
    %dma_start3A_72 = tpu.memref_slice %arg9[%dma_start3A_70, %dma_start3A_71] : memref<128x128xf32, #tpu.memory_space<vmem>> -> memref<64x128xf32, #tpu.memory_space<vmem>>
    %dma_start3A_73 = arith.constant 128 : i32
    %dma_start3A_74 = tpu.memref_slice %arg6[%dma_start3A_73] : memref<5120xi32, #tpu.memory_space<vmem>> -> memref<64xi32, #tpu.memory_space<vmem>>
    %dma_start3A_75 = arith.constant 0 : i32
    %dma_start3A_76 = arith.constant 0 : i32
    %dma_start3A_77 = tpu.memref_slice %arg2[%dma_start3A_75, %dma_start3A_76] : memref<10240x128xf32, #tpu.memory_space<hbm>> -> memref<10240x128xf32, #tpu.memory_space<hbm>>
    tpu.enqueue_indirect_dma source(%dma_start3A_77 : memref<10240x128xf32, #tpu.memory_space<hbm>>) target(%dma_start3A_72 : memref<64x128xf32, #tpu.memory_space<vmem>>) offsets(%dma_start3A_74 : memref<64xi32, #tpu.memory_space<vmem>>) semaphore(%arg12 : memref<!tpu.dma_semaphore, #tpu.memory_space<semaphore_mem>>)
    %dma_start3A_78 = arith.constant 64 : i32
    %dma_start3A_79 = arith.constant 0 : i32
    %dma_start3A_80 = tpu.memref_slice %arg9[%dma_start3A_78, %dma_start3A_79] : memref<128x128xf32, #tpu.memory_space<vmem>> -> memref<64x128xf32, #tpu.memory_space<vmem>>
    %dma_start3A_81 = arith.constant 192 : i32
    %dma_start3A_82 = tpu.memref_slice %arg6[%dma_start3A_81] : memref<5120xi32, #tpu.memory_space<vmem>> -> memref<64xi32, #tpu.memory_space<vmem>>
    %dma_start3A_83 = arith.constant 0 : i32
    %dma_start3A_84 = arith.constant 0 : i32
    %dma_start3A_85 = tpu.memref_slice %arg2[%dma_start3A_83, %dma_start3A_84] : memref<10240x128xf32, #tpu.memory_space<hbm>> -> memref<10240x128xf32, #tpu.memory_space<hbm>>
    tpu.enqueue_indirect_dma source(%dma_start3A_85 : memref<10240x128xf32, #tpu.memory_space<hbm>>) target(%dma_start3A_80 : memref<64x128xf32, #tpu.memory_space<vmem>>) offsets(%dma_start3A_82 : memref<64xi32, #tpu.memory_space<vmem>>) semaphore(%arg12 : memref<!tpu.dma_semaphore, #tpu.memory_space<semaphore_mem>>)
    %scan3A_86 = arith.constant 0 : i32
    %scan3A_87 = arith.constant 20 : i32
    %scan3A_88 = arith.addi %scan3A_86, %scan3A_87 : i32
    %scan3A_89 = arith.constant 1 : i32
    scf.for %scan3A_307 = %scan3A_86 to %scan3A_88 step %scan3A_89  : i32 {
      %mul3A_308 = arith.constant 2 : i32
      %mul3A_309 = arith.muli %scan3A_307, %mul3A_308 : i32
      %add3A_310 = arith.constant 0 : i32
      %add3A_311 = arith.addi %add3A_310, %mul3A_309 : i32
      %mul3A_312 = arith.constant 128 : i32
      %mul3A_313 = arith.muli %add3A_311, %mul3A_312 : i32
      %dma_wait3A_314 = arith.constant 0 : i32
      %dma_wait3A_315 = arith.constant 0 : i32
      %dma_wait3A_316 = tpu.memref_slice %arg8[%dma_wait3A_314, %dma_wait3A_315] : memref<128x128xf32, #tpu.memory_space<vmem>> -> memref<64x128xf32, #tpu.memory_space<vmem>>
      %dma_wait3A_317 = tpu.memref_slice %arg6[%mul3A_313] : memref<5120xi32, #tpu.memory_space<vmem>> -> memref<64xi32, #tpu.memory_space<vmem>>
      %dma_wait3A_318 = arith.constant 0 : i32
      %dma_wait3A_319 = arith.constant 0 : i32
      %dma_wait3A_320 = tpu.memref_slice %arg2[%dma_wait3A_318, %dma_wait3A_319] : memref<10240x128xf32, #tpu.memory_space<hbm>> -> memref<10240x128xf32, #tpu.memory_space<hbm>>
      tpu.wait_indirect_dma semaphore(%arg11 : memref<!tpu.dma_semaphore, #tpu.memory_space<semaphore_mem>>) src(%dma_wait3A_320 : memref<10240x128xf32, #tpu.memory_space<hbm>>) dst(%dma_wait3A_316 : memref<64x128xf32, #tpu.memory_space<vmem>>)
      %mul3A_321 = arith.constant 128 : i32
      %mul3A_322 = arith.muli %add3A_311, %mul3A_321 : i32
      %add3A_323 = arith.constant 64 : i32
      %add3A_324 = arith.addi %mul3A_322, %add3A_323 : i32
      %dma_wait3A_325 = arith.constant 64 : i32
      %dma_wait3A_326 = arith.constant 0 : i32
      %dma_wait3A_327 = tpu.memref_slice %arg8[%dma_wait3A_325, %dma_wait3A_326] : memref<128x128xf32, #tpu.memory_space<vmem>> -> memref<64x128xf32, #tpu.memory_space<vmem>>
      %dma_wait3A_328 = tpu.memref_slice %arg6[%add3A_324] : memref<5120xi32, #tpu.memory_space<vmem>> -> memref<64xi32, #tpu.memory_space<vmem>>
      %dma_wait3A_329 = arith.constant 0 : i32
      %dma_wait3A_330 = arith.constant 0 : i32
      %dma_wait3A_331 = tpu.memref_slice %arg2[%dma_wait3A_329, %dma_wait3A_330] : memref<10240x128xf32, #tpu.memory_space<hbm>> -> memref<10240x128xf32, #tpu.memory_space<hbm>>
      tpu.wait_indirect_dma semaphore(%arg11 : memref<!tpu.dma_semaphore, #tpu.memory_space<semaphore_mem>>) src(%dma_wait3A_331 : memref<10240x128xf32, #tpu.memory_space<hbm>>) dst(%dma_wait3A_327 : memref<64x128xf32, #tpu.memory_space<vmem>>)
      %dma_start3A_332 = arith.constant 0 : i32
      %dma_start3A_333 = tpu.memref_slice %arg7[%add3A_311, %dma_start3A_332] : memref<40x128xi32, #tpu.memory_space<vmem>> -> memref<1x128xi32, #tpu.memory_space<vmem>>
      %dma_start3A_334 = tpu.memref_squeeze %dma_start3A_333 : memref<1x128xi32, #tpu.memory_space<vmem>> -> memref<128xi32, #tpu.memory_space<vmem>>
      %dma_start3A_335 = arith.constant 0 : i32
      %dma_start3A_336 = arith.constant 0 : i32
      %dma_start3A_337 = tpu.memref_slice %arg10[%dma_start3A_335, %dma_start3A_336] : memref<10240x128xf32, #tpu.memory_space<vmem_shared>> -> memref<10240x128xf32, #tpu.memory_space<vmem_shared>>
      tpu.enqueue_indirect_dma source(%arg8 : memref<128x128xf32, #tpu.memory_space<vmem>>) target(%dma_start3A_337 : memref<10240x128xf32, #tpu.memory_space<vmem_shared>>) offsets(%dma_start3A_334 : memref<128xi32, #tpu.memory_space<vmem>>) semaphore(%arg13 : memref<!tpu.dma_semaphore, #tpu.memory_space<semaphore_mem>>) {add = true}
      %add3A_338 = arith.constant 1 : i32
      %add3A_339 = arith.addi %add3A_311, %add3A_338 : i32
      %mul3A_340 = arith.constant 128 : i32
      %mul3A_341 = arith.muli %add3A_339, %mul3A_340 : i32
      %dma_wait3A_342 = arith.constant 0 : i32
      %dma_wait3A_343 = arith.constant 0 : i32
      %dma_wait3A_344 = tpu.memref_slice %arg9[%dma_wait3A_342, %dma_wait3A_343] : memref<128x128xf32, #tpu.memory_space<vmem>> -> memref<64x128xf32, #tpu.memory_space<vmem>>
      %dma_wait3A_345 = tpu.memref_slice %arg6[%mul3A_341] : memref<5120xi32, #tpu.memory_space<vmem>> -> memref<64xi32, #tpu.memory_space<vmem>>
      %dma_wait3A_346 = arith.constant 0 : i32
      %dma_wait3A_347 = arith.constant 0 : i32
      %dma_wait3A_348 = tpu.memref_slice %arg2[%dma_wait3A_346, %dma_wait3A_347] : memref<10240x128xf32, #tpu.memory_space<hbm>> -> memref<10240x128xf32, #tpu.memory_space<hbm>>
      tpu.wait_indirect_dma semaphore(%arg12 : memref<!tpu.dma_semaphore, #tpu.memory_space<semaphore_mem>>) src(%dma_wait3A_348 : memref<10240x128xf32, #tpu.memory_space<hbm>>) dst(%dma_wait3A_344 : memref<64x128xf32, #tpu.memory_space<vmem>>)
      %mul3A_349 = arith.constant 128 : i32
      %mul3A_350 = arith.muli %add3A_339, %mul3A_349 : i32
      %add3A_351 = arith.constant 64 : i32
      %add3A_352 = arith.addi %mul3A_350, %add3A_351 : i32
      %dma_wait3A_353 = arith.constant 64 : i32
      %dma_wait3A_354 = arith.constant 0 : i32
      %dma_wait3A_355 = tpu.memref_slice %arg9[%dma_wait3A_353, %dma_wait3A_354] : memref<128x128xf32, #tpu.memory_space<vmem>> -> memref<64x128xf32, #tpu.memory_space<vmem>>
      %dma_wait3A_356 = tpu.memref_slice %arg6[%add3A_352] : memref<5120xi32, #tpu.memory_space<vmem>> -> memref<64xi32, #tpu.memory_space<vmem>>
      %dma_wait3A_357 = arith.constant 0 : i32
      %dma_wait3A_358 = arith.constant 0 : i32
      %dma_wait3A_359 = tpu.memref_slice %arg2[%dma_wait3A_357, %dma_wait3A_358] : memref<10240x128xf32, #tpu.memory_space<hbm>> -> memref<10240x128xf32, #tpu.memory_space<hbm>>
      tpu.wait_indirect_dma semaphore(%arg12 : memref<!tpu.dma_semaphore, #tpu.memory_space<semaphore_mem>>) src(%dma_wait3A_359 : memref<10240x128xf32, #tpu.memory_space<hbm>>) dst(%dma_wait3A_355 : memref<64x128xf32, #tpu.memory_space<vmem>>)
      %add3A_360 = arith.constant 1 : i32
      %add3A_361 = arith.addi %add3A_311, %add3A_360 : i32
      %dma_start3A_362 = arith.constant 0 : i32
      %dma_start3A_363 = tpu.memref_slice %arg7[%add3A_361, %dma_start3A_362] : memref<40x128xi32, #tpu.memory_space<vmem>> -> memref<1x128xi32, #tpu.memory_space<vmem>>
      %dma_start3A_364 = tpu.memref_squeeze %dma_start3A_363 : memref<1x128xi32, #tpu.memory_space<vmem>> -> memref<128xi32, #tpu.memory_space<vmem>>
      %dma_start3A_365 = arith.constant 0 : i32
      %dma_start3A_366 = arith.constant 0 : i32
      %dma_start3A_367 = tpu.memref_slice %arg10[%dma_start3A_365, %dma_start3A_366] : memref<10240x128xf32, #tpu.memory_space<vmem_shared>> -> memref<10240x128xf32, #tpu.memory_space<vmem_shared>>
      tpu.enqueue_indirect_dma source(%arg9 : memref<128x128xf32, #tpu.memory_space<vmem>>) target(%dma_start3A_367 : memref<10240x128xf32, #tpu.memory_space<vmem_shared>>) offsets(%dma_start3A_364 : memref<128xi32, #tpu.memory_space<vmem>>) semaphore(%arg14 : memref<!tpu.dma_semaphore, #tpu.memory_space<semaphore_mem>>) {add = true}
      %add3A_368 = arith.constant 2 : i32
      %add3A_369 = arith.addi %add3A_311, %add3A_368 : i32
      %lt3A = arith.constant 40 : i32
      %lt3A_370 = arith.cmpi slt, %add3A_369, %lt3A : i32
      %convert_element_type3A = arith.extui %lt3A_370 : i1 to i32
      %cond3A = arith.constant 0 : i32
      %cond3A_371 = arith.cmpi ne, %convert_element_type3A, %cond3A : i32
      scf.if %cond3A_371 {
        %dma_wait3A_372 = arith.constant 0 : i32
        %dma_wait3A_373 = tpu.memref_slice %arg7[%add3A_311, %dma_wait3A_372] : memref<40x128xi32, #tpu.memory_space<vmem>> -> memref<1x128xi32, #tpu.memory_space<vmem>>
        %dma_wait3A_374 = tpu.memref_squeeze %dma_wait3A_373 : memref<1x128xi32, #tpu.memory_space<vmem>> -> memref<128xi32, #tpu.memory_space<vmem>>
        %dma_wait3A_375 = arith.constant 0 : i32
        %dma_wait3A_376 = arith.constant 0 : i32
        %dma_wait3A_377 = tpu.memref_slice %arg10[%dma_wait3A_375, %dma_wait3A_376] : memref<10240x128xf32, #tpu.memory_space<vmem_shared>> -> memref<10240x128xf32, #tpu.memory_space<vmem_shared>>
        tpu.wait_indirect_dma semaphore(%arg13 : memref<!tpu.dma_semaphore, #tpu.memory_space<semaphore_mem>>) src(%arg8 : memref<128x128xf32, #tpu.memory_space<vmem>>) dst(%dma_wait3A_377 : memref<10240x128xf32, #tpu.memory_space<vmem_shared>>)
        %add3A_378 = arith.constant 2 : i32
        %add3A_379 = arith.addi %add3A_311, %add3A_378 : i32
        %mul3A_380 = arith.constant 128 : i32
        %mul3A_381 = arith.muli %add3A_379, %mul3A_380 : i32
        %dma_start3A_382 = arith.constant 0 : i32
        %dma_start3A_383 = arith.constant 0 : i32
        %dma_start3A_384 = tpu.memref_slice %arg8[%dma_start3A_382, %dma_start3A_383] : memref<128x128xf32, #tpu.memory_space<vmem>> -> memref<64x128xf32, #tpu.memory_space<vmem>>
        %dma_start3A_385 = tpu.memref_slice %arg6[%mul3A_381] : memref<5120xi32, #tpu.memory_space<vmem>> -> memref<64xi32, #tpu.memory_space<vmem>>
        %dma_start3A_386 = arith.constant 0 : i32
        %dma_start3A_387 = arith.constant 0 : i32
        %dma_start3A_388 = tpu.memref_slice %arg2[%dma_start3A_386, %dma_start3A_387] : memref<10240x128xf32, #tpu.memory_space<hbm>> -> memref<10240x128xf32, #tpu.memory_space<hbm>>
        tpu.enqueue_indirect_dma source(%dma_start3A_388 : memref<10240x128xf32, #tpu.memory_space<hbm>>) target(%dma_start3A_384 : memref<64x128xf32, #tpu.memory_space<vmem>>) offsets(%dma_start3A_385 : memref<64xi32, #tpu.memory_space<vmem>>) semaphore(%arg11 : memref<!tpu.dma_semaphore, #tpu.memory_space<semaphore_mem>>)
        %mul3A_389 = arith.constant 128 : i32
        %mul3A_390 = arith.muli %add3A_379, %mul3A_389 : i32
        %add3A_391 = arith.constant 64 : i32
        %add3A_392 = arith.addi %mul3A_390, %add3A_391 : i32
        %dma_start3A_393 = arith.constant 64 : i32
        %dma_start3A_394 = arith.constant 0 : i32
        %dma_start3A_395 = tpu.memref_slice %arg8[%dma_start3A_393, %dma_start3A_394] : memref<128x128xf32, #tpu.memory_space<vmem>> -> memref<64x128xf32, #tpu.memory_space<vmem>>
        %dma_start3A_396 = tpu.memref_slice %arg6[%add3A_392] : memref<5120xi32, #tpu.memory_space<vmem>> -> memref<64xi32, #tpu.memory_space<vmem>>
        %dma_start3A_397 = arith.constant 0 : i32
        %dma_start3A_398 = arith.constant 0 : i32
        %dma_start3A_399 = tpu.memref_slice %arg2[%dma_start3A_397, %dma_start3A_398] : memref<10240x128xf32, #tpu.memory_space<hbm>> -> memref<10240x128xf32, #tpu.memory_space<hbm>>
        tpu.enqueue_indirect_dma source(%dma_start3A_399 : memref<10240x128xf32, #tpu.memory_space<hbm>>) target(%dma_start3A_395 : memref<64x128xf32, #tpu.memory_space<vmem>>) offsets(%dma_start3A_396 : memref<64xi32, #tpu.memory_space<vmem>>) semaphore(%arg11 : memref<!tpu.dma_semaphore, #tpu.memory_space<semaphore_mem>>)
        %add3A_400 = arith.constant 1 : i32
        %add3A_401 = arith.addi %add3A_311, %add3A_400 : i32
        %dma_wait3A_402 = arith.constant 0 : i32
        %dma_wait3A_403 = tpu.memref_slice %arg7[%add3A_401, %dma_wait3A_402] : memref<40x128xi32, #tpu.memory_space<vmem>> -> memref<1x128xi32, #tpu.memory_space<vmem>>
        %dma_wait3A_404 = tpu.memref_squeeze %dma_wait3A_403 : memref<1x128xi32, #tpu.memory_space<vmem>> -> memref<128xi32, #tpu.memory_space<vmem>>
        %dma_wait3A_405 = arith.constant 0 : i32
        %dma_wait3A_406 = arith.constant 0 : i32
        %dma_wait3A_407 = tpu.memref_slice %arg10[%dma_wait3A_405, %dma_wait3A_406] : memref<10240x128xf32, #tpu.memory_space<vmem_shared>> -> memref<10240x128xf32, #tpu.memory_space<vmem_shared>>
        tpu.wait_indirect_dma semaphore(%arg14 : memref<!tpu.dma_semaphore, #tpu.memory_space<semaphore_mem>>) src(%arg9 : memref<128x128xf32, #tpu.memory_space<vmem>>) dst(%dma_wait3A_407 : memref<10240x128xf32, #tpu.memory_space<vmem_shared>>)
        %add3A_408 = arith.constant 3 : i32
        %add3A_409 = arith.addi %add3A_311, %add3A_408 : i32
        %mul3A_410 = arith.constant 128 : i32
        %mul3A_411 = arith.muli %add3A_409, %mul3A_410 : i32
        %dma_start3A_412 = arith.constant 0 : i32
        %dma_start3A_413 = arith.constant 0 : i32
        %dma_start3A_414 = tpu.memref_slice %arg9[%dma_start3A_412, %dma_start3A_413] : memref<128x128xf32, #tpu.memory_space<vmem>> -> memref<64x128xf32, #tpu.memory_space<vmem>>
        %dma_start3A_415 = tpu.memref_slice %arg6[%mul3A_411] : memref<5120xi32, #tpu.memory_space<vmem>> -> memref<64xi32, #tpu.memory_space<vmem>>
        %dma_start3A_416 = arith.constant 0 : i32
        %dma_start3A_417 = arith.constant 0 : i32
        %dma_start3A_418 = tpu.memref_slice %arg2[%dma_start3A_416, %dma_start3A_417] : memref<10240x128xf32, #tpu.memory_space<hbm>> -> memref<10240x128xf32, #tpu.memory_space<hbm>>
        tpu.enqueue_indirect_dma source(%dma_start3A_418 : memref<10240x128xf32, #tpu.memory_space<hbm>>) target(%dma_start3A_414 : memref<64x128xf32, #tpu.memory_space<vmem>>) offsets(%dma_start3A_415 : memref<64xi32, #tpu.memory_space<vmem>>) semaphore(%arg12 : memref<!tpu.dma_semaphore, #tpu.memory_space<semaphore_mem>>)
        %mul3A_419 = arith.constant 128 : i32
        %mul3A_420 = arith.muli %add3A_409, %mul3A_419 : i32
        %add3A_421 = arith.constant 64 : i32
        %add3A_422 = arith.addi %mul3A_420, %add3A_421 : i32
        %dma_start3A_423 = arith.constant 64 : i32
        %dma_start3A_424 = arith.constant 0 : i32
        %dma_start3A_425 = tpu.memref_slice %arg9[%dma_start3A_423, %dma_start3A_424] : memref<128x128xf32, #tpu.memory_space<vmem>> -> memref<64x128xf32, #tpu.memory_space<vmem>>
        %dma_start3A_426 = tpu.memref_slice %arg6[%add3A_422] : memref<5120xi32, #tpu.memory_space<vmem>> -> memref<64xi32, #tpu.memory_space<vmem>>
        %dma_start3A_427 = arith.constant 0 : i32
        %dma_start3A_428 = arith.constant 0 : i32
        %dma_start3A_429 = tpu.memref_slice %arg2[%dma_start3A_427, %dma_start3A_428] : memref<10240x128xf32, #tpu.memory_space<hbm>> -> memref<10240x128xf32, #tpu.memory_space<hbm>>
        tpu.enqueue_indirect_dma source(%dma_start3A_429 : memref<10240x128xf32, #tpu.memory_space<hbm>>) target(%dma_start3A_425 : memref<64x128xf32, #tpu.memory_space<vmem>>) offsets(%dma_start3A_426 : memref<64xi32, #tpu.memory_space<vmem>>) semaphore(%arg12 : memref<!tpu.dma_semaphore, #tpu.memory_space<semaphore_mem>>)
      } else {
      }
    }
    %scan3A_90 = arith.constant 20 : i32
    %dma_wait3A_91 = arith.constant 38 : i32
    %dma_wait3A_92 = arith.constant 0 : i32
    %dma_wait3A_93 = tpu.memref_slice %arg7[%dma_wait3A_91, %dma_wait3A_92] : memref<40x128xi32, #tpu.memory_space<vmem>> -> memref<1x128xi32, #tpu.memory_space<vmem>>
    %dma_wait3A_94 = tpu.memref_squeeze %dma_wait3A_93 : memref<1x128xi32, #tpu.memory_space<vmem>> -> memref<128xi32, #tpu.memory_space<vmem>>
    %dma_wait3A_95 = arith.constant 0 : i32
    %dma_wait3A_96 = arith.constant 0 : i32
    %dma_wait3A_97 = tpu.memref_slice %arg10[%dma_wait3A_95, %dma_wait3A_96] : memref<10240x128xf32, #tpu.memory_space<vmem_shared>> -> memref<10240x128xf32, #tpu.memory_space<vmem_shared>>
    tpu.wait_indirect_dma semaphore(%arg13 : memref<!tpu.dma_semaphore, #tpu.memory_space<semaphore_mem>>) src(%arg8 : memref<128x128xf32, #tpu.memory_space<vmem>>) dst(%dma_wait3A_97 : memref<10240x128xf32, #tpu.memory_space<vmem_shared>>)
    %dma_wait3A_98 = arith.constant 39 : i32
    %dma_wait3A_99 = arith.constant 0 : i32
    %dma_wait3A_100 = tpu.memref_slice %arg7[%dma_wait3A_98, %dma_wait3A_99] : memref<40x128xi32, #tpu.memory_space<vmem>> -> memref<1x128xi32, #tpu.memory_space<vmem>>
    %dma_wait3A_101 = tpu.memref_squeeze %dma_wait3A_100 : memref<1x128xi32, #tpu.memory_space<vmem>> -> memref<128xi32, #tpu.memory_space<vmem>>
    %dma_wait3A_102 = arith.constant 0 : i32
    %dma_wait3A_103 = arith.constant 0 : i32
    %dma_wait3A_104 = tpu.memref_slice %arg10[%dma_wait3A_102, %dma_wait3A_103] : memref<10240x128xf32, #tpu.memory_space<vmem_shared>> -> memref<10240x128xf32, #tpu.memory_space<vmem_shared>>
    tpu.wait_indirect_dma semaphore(%arg14 : memref<!tpu.dma_semaphore, #tpu.memory_space<semaphore_mem>>) src(%arg9 : memref<128x128xf32, #tpu.memory_space<vmem>>) dst(%dma_wait3A_104 : memref<10240x128xf32, #tpu.memory_space<vmem_shared>>)
    %dma_start3A_105 = arith.constant 5120 : i32
    %dma_start3A_106 = tpu.memref_slice %arg3[%add3A, %dma_start3A_105] : memref<32x10240xi32, #tpu.memory_space<hbm>> -> memref<1x5120xi32, #tpu.memory_space<hbm>>
    %dma_start3A_107 = tpu.memref_squeeze %dma_start3A_106 : memref<1x5120xi32, #tpu.memory_space<hbm>> -> memref<5120xi32, #tpu.memory_space<hbm>>
    %dma_start3A_108 = arith.constant 5120 : i32
    %dma_start3A_109 = tpu.memref_slice %arg3[%add3A, %dma_start3A_108] : memref<32x10240xi32, #tpu.memory_space<hbm>> -> memref<1x5120xi32, #tpu.memory_space<hbm>>
    %dma_start3A_110 = tpu.memref_squeeze %dma_start3A_109 : memref<1x5120xi32, #tpu.memory_space<hbm>> -> memref<5120xi32, #tpu.memory_space<hbm>>
    tpu.enqueue_dma source(%dma_start3A_110 : memref<5120xi32, #tpu.memory_space<hbm>>) target(%arg6 : memref<5120xi32, #tpu.memory_space<vmem>>) target_semaphore(%arg11 : memref<!tpu.dma_semaphore, #tpu.memory_space<semaphore_mem>>)
    %dma_wait3A_111 = arith.constant 5120 : i32
    %dma_wait3A_112 = tpu.memref_slice %arg3[%add3A, %dma_wait3A_111] : memref<32x10240xi32, #tpu.memory_space<hbm>> -> memref<1x5120xi32, #tpu.memory_space<hbm>>
    %dma_wait3A_113 = tpu.memref_squeeze %dma_wait3A_112 : memref<1x5120xi32, #tpu.memory_space<hbm>> -> memref<5120xi32, #tpu.memory_space<hbm>>
    %dma_wait3A_114 = arith.constant 5120 : i32
    %dma_wait3A_115 = tpu.memref_slice %arg3[%add3A, %dma_wait3A_114] : memref<32x10240xi32, #tpu.memory_space<hbm>> -> memref<1x5120xi32, #tpu.memory_space<hbm>>
    %dma_wait3A_116 = tpu.memref_squeeze %dma_wait3A_115 : memref<1x5120xi32, #tpu.memory_space<hbm>> -> memref<5120xi32, #tpu.memory_space<hbm>>
    tpu.wait_dma2 semaphore(%arg11 : memref<!tpu.dma_semaphore, #tpu.memory_space<semaphore_mem>>) src(%dma_wait3A_116 : memref<5120xi32, #tpu.memory_space<hbm>>) dst(%arg6 : memref<5120xi32, #tpu.memory_space<vmem>>)
    %dma_start3A_117 = arith.constant 1 : i32
    %dma_start3A_118 = arith.constant 0 : i32
    %dma_start3A_119 = arith.constant 0 : i32
    %dma_start3A_120 = tpu.memref_slice %arg4[%add3A, %dma_start3A_117, %dma_start3A_118, %dma_start3A_119] : memref<32x2x40x128xi32, #tpu.memory_space<hbm>> -> memref<1x1x40x128xi32, #tpu.memory_space<hbm>>
    %dma_start3A_121 = tpu.memref_squeeze %dma_start3A_120 : memref<1x1x40x128xi32, #tpu.memory_space<hbm>> -> memref<40x128xi32, #tpu.memory_space<hbm>>
    %dma_start3A_122 = arith.constant 0 : i32
    %dma_start3A_123 = arith.constant 0 : i32
    %dma_start3A_124 = tpu.memref_slice %arg4[%add3A, %dma_start3A_117, %dma_start3A_122, %dma_start3A_123] : memref<32x2x40x128xi32, #tpu.memory_space<hbm>> -> memref<1x1x40x128xi32, #tpu.memory_space<hbm>>
    %dma_start3A_125 = tpu.memref_squeeze %dma_start3A_124 : memref<1x1x40x128xi32, #tpu.memory_space<hbm>> -> memref<40x128xi32, #tpu.memory_space<hbm>>
    tpu.enqueue_dma source(%dma_start3A_125 : memref<40x128xi32, #tpu.memory_space<hbm>>) target(%arg7 : memref<40x128xi32, #tpu.memory_space<vmem>>) target_semaphore(%arg12 : memref<!tpu.dma_semaphore, #tpu.memory_space<semaphore_mem>>)
    %dma_wait3A_126 = arith.constant 1 : i32
    %dma_wait3A_127 = arith.constant 0 : i32
    %dma_wait3A_128 = arith.constant 0 : i32
    %dma_wait3A_129 = tpu.memref_slice %arg4[%add3A, %dma_wait3A_126, %dma_wait3A_127, %dma_wait3A_128] : memref<32x2x40x128xi32, #tpu.memory_space<hbm>> -> memref<1x1x40x128xi32, #tpu.memory_space<hbm>>
    %dma_wait3A_130 = tpu.memref_squeeze %dma_wait3A_129 : memref<1x1x40x128xi32, #tpu.memory_space<hbm>> -> memref<40x128xi32, #tpu.memory_space<hbm>>
    %dma_wait3A_131 = arith.constant 0 : i32
    %dma_wait3A_132 = arith.constant 0 : i32
    %dma_wait3A_133 = tpu.memref_slice %arg4[%add3A, %dma_wait3A_126, %dma_wait3A_131, %dma_wait3A_132] : memref<32x2x40x128xi32, #tpu.memory_space<hbm>> -> memref<1x1x40x128xi32, #tpu.memory_space<hbm>>
    %dma_wait3A_134 = tpu.memref_squeeze %dma_wait3A_133 : memref<1x1x40x128xi32, #tpu.memory_space<hbm>> -> memref<40x128xi32, #tpu.memory_space<hbm>>
    tpu.wait_dma2 semaphore(%arg12 : memref<!tpu.dma_semaphore, #tpu.memory_space<semaphore_mem>>) src(%dma_wait3A_134 : memref<40x128xi32, #tpu.memory_space<hbm>>) dst(%arg7 : memref<40x128xi32, #tpu.memory_space<vmem>>)
    %dma_start3A_135 = arith.constant 0 : i32
    %dma_start3A_136 = arith.constant 0 : i32
    %dma_start3A_137 = tpu.memref_slice %arg8[%dma_start3A_135, %dma_start3A_136] : memref<128x128xf32, #tpu.memory_space<vmem>> -> memref<64x128xf32, #tpu.memory_space<vmem>>
    %dma_start3A_138 = arith.constant 0 : i32
    %dma_start3A_139 = tpu.memref_slice %arg6[%dma_start3A_138] : memref<5120xi32, #tpu.memory_space<vmem>> -> memref<64xi32, #tpu.memory_space<vmem>>
    %dma_start3A_140 = arith.constant 0 : i32
    %dma_start3A_141 = arith.constant 0 : i32
    %dma_start3A_142 = tpu.memref_slice %arg2[%dma_start3A_140, %dma_start3A_141] : memref<10240x128xf32, #tpu.memory_space<hbm>> -> memref<10240x128xf32, #tpu.memory_space<hbm>>
    tpu.enqueue_indirect_dma source(%dma_start3A_142 : memref<10240x128xf32, #tpu.memory_space<hbm>>) target(%dma_start3A_137 : memref<64x128xf32, #tpu.memory_space<vmem>>) offsets(%dma_start3A_139 : memref<64xi32, #tpu.memory_space<vmem>>) semaphore(%arg11 : memref<!tpu.dma_semaphore, #tpu.memory_space<semaphore_mem>>)
    %dma_start3A_143 = arith.constant 64 : i32
    %dma_start3A_144 = arith.constant 0 : i32
    %dma_start3A_145 = tpu.memref_slice %arg8[%dma_start3A_143, %dma_start3A_144] : memref<128x128xf32, #tpu.memory_space<vmem>> -> memref<64x128xf32, #tpu.memory_space<vmem>>
    %dma_start3A_146 = arith.constant 64 : i32
    %dma_start3A_147 = tpu.memref_slice %arg6[%dma_start3A_146] : memref<5120xi32, #tpu.memory_space<vmem>> -> memref<64xi32, #tpu.memory_space<vmem>>
    %dma_start3A_148 = arith.constant 0 : i32
    %dma_start3A_149 = arith.constant 0 : i32
    %dma_start3A_150 = tpu.memref_slice %arg2[%dma_start3A_148, %dma_start3A_149] : memref<10240x128xf32, #tpu.memory_space<hbm>> -> memref<10240x128xf32, #tpu.memory_space<hbm>>
    tpu.enqueue_indirect_dma source(%dma_start3A_150 : memref<10240x128xf32, #tpu.memory_space<hbm>>) target(%dma_start3A_145 : memref<64x128xf32, #tpu.memory_space<vmem>>) offsets(%dma_start3A_147 : memref<64xi32, #tpu.memory_space<vmem>>) semaphore(%arg11 : memref<!tpu.dma_semaphore, #tpu.memory_space<semaphore_mem>>)
    %dma_start3A_151 = arith.constant 0 : i32
    %dma_start3A_152 = arith.constant 0 : i32
    %dma_start3A_153 = tpu.memref_slice %arg9[%dma_start3A_151, %dma_start3A_152] : memref<128x128xf32, #tpu.memory_space<vmem>> -> memref<64x128xf32, #tpu.memory_space<vmem>>
    %dma_start3A_154 = arith.constant 128 : i32
    %dma_start3A_155 = tpu.memref_slice %arg6[%dma_start3A_154] : memref<5120xi32, #tpu.memory_space<vmem>> -> memref<64xi32, #tpu.memory_space<vmem>>
    %dma_start3A_156 = arith.constant 0 : i32
    %dma_start3A_157 = arith.constant 0 : i32
    %dma_start3A_158 = tpu.memref_slice %arg2[%dma_start3A_156, %dma_start3A_157] : memref<10240x128xf32, #tpu.memory_space<hbm>> -> memref<10240x128xf32, #tpu.memory_space<hbm>>
    tpu.enqueue_indirect_dma source(%dma_start3A_158 : memref<10240x128xf32, #tpu.memory_space<hbm>>) target(%dma_start3A_153 : memref<64x128xf32, #tpu.memory_space<vmem>>) offsets(%dma_start3A_155 : memref<64xi32, #tpu.memory_space<vmem>>) semaphore(%arg12 : memref<!tpu.dma_semaphore, #tpu.memory_space<semaphore_mem>>)
    %dma_start3A_159 = arith.constant 64 : i32
    %dma_start3A_160 = arith.constant 0 : i32
    %dma_start3A_161 = tpu.memref_slice %arg9[%dma_start3A_159, %dma_start3A_160] : memref<128x128xf32, #tpu.memory_space<vmem>> -> memref<64x128xf32, #tpu.memory_space<vmem>>
    %dma_start3A_162 = arith.constant 192 : i32
    %dma_start3A_163 = tpu.memref_slice %arg6[%dma_start3A_162] : memref<5120xi32, #tpu.memory_space<vmem>> -> memref<64xi32, #tpu.memory_space<vmem>>
    %dma_start3A_164 = arith.constant 0 : i32
    %dma_start3A_165 = arith.constant 0 : i32
    %dma_start3A_166 = tpu.memref_slice %arg2[%dma_start3A_164, %dma_start3A_165] : memref<10240x128xf32, #tpu.memory_space<hbm>> -> memref<10240x128xf32, #tpu.memory_space<hbm>>
    tpu.enqueue_indirect_dma source(%dma_start3A_166 : memref<10240x128xf32, #tpu.memory_space<hbm>>) target(%dma_start3A_161 : memref<64x128xf32, #tpu.memory_space<vmem>>) offsets(%dma_start3A_163 : memref<64xi32, #tpu.memory_space<vmem>>) semaphore(%arg12 : memref<!tpu.dma_semaphore, #tpu.memory_space<semaphore_mem>>)
    %scan3A_167 = arith.constant 0 : i32
    %scan3A_168 = arith.constant 20 : i32
    %scan3A_169 = arith.addi %scan3A_167, %scan3A_168 : i32
    %scan3A_170 = arith.constant 1 : i32
    scf.for %scan3A_307 = %scan3A_167 to %scan3A_169 step %scan3A_170  : i32 {
      %mul3A_308 = arith.constant 2 : i32
      %mul3A_309 = arith.muli %scan3A_307, %mul3A_308 : i32
      %add3A_310 = arith.constant 0 : i32
      %add3A_311 = arith.addi %add3A_310, %mul3A_309 : i32
      %mul3A_312 = arith.constant 128 : i32
      %mul3A_313 = arith.muli %add3A_311, %mul3A_312 : i32
      %dma_wait3A_314 = arith.constant 0 : i32
      %dma_wait3A_315 = arith.constant 0 : i32
      %dma_wait3A_316 = tpu.memref_slice %arg8[%dma_wait3A_314, %dma_wait3A_315] : memref<128x128xf32, #tpu.memory_space<vmem>> -> memref<64x128xf32, #tpu.memory_space<vmem>>
      %dma_wait3A_317 = tpu.memref_slice %arg6[%mul3A_313] : memref<5120xi32, #tpu.memory_space<vmem>> -> memref<64xi32, #tpu.memory_space<vmem>>
      %dma_wait3A_318 = arith.constant 0 : i32
      %dma_wait3A_319 = arith.constant 0 : i32
      %dma_wait3A_320 = tpu.memref_slice %arg2[%dma_wait3A_318, %dma_wait3A_319] : memref<10240x128xf32, #tpu.memory_space<hbm>> -> memref<10240x128xf32, #tpu.memory_space<hbm>>
      tpu.wait_indirect_dma semaphore(%arg11 : memref<!tpu.dma_semaphore, #tpu.memory_space<semaphore_mem>>) src(%dma_wait3A_320 : memref<10240x128xf32, #tpu.memory_space<hbm>>) dst(%dma_wait3A_316 : memref<64x128xf32, #tpu.memory_space<vmem>>)
      %mul3A_321 = arith.constant 128 : i32
      %mul3A_322 = arith.muli %add3A_311, %mul3A_321 : i32
      %add3A_323 = arith.constant 64 : i32
      %add3A_324 = arith.addi %mul3A_322, %add3A_323 : i32
      %dma_wait3A_325 = arith.constant 64 : i32
      %dma_wait3A_326 = arith.constant 0 : i32
      %dma_wait3A_327 = tpu.memref_slice %arg8[%dma_wait3A_325, %dma_wait3A_326] : memref<128x128xf32, #tpu.memory_space<vmem>> -> memref<64x128xf32, #tpu.memory_space<vmem>>
      %dma_wait3A_328 = tpu.memref_slice %arg6[%add3A_324] : memref<5120xi32, #tpu.memory_space<vmem>> -> memref<64xi32, #tpu.memory_space<vmem>>
      %dma_wait3A_329 = arith.constant 0 : i32
      %dma_wait3A_330 = arith.constant 0 : i32
      %dma_wait3A_331 = tpu.memref_slice %arg2[%dma_wait3A_329, %dma_wait3A_330] : memref<10240x128xf32, #tpu.memory_space<hbm>> -> memref<10240x128xf32, #tpu.memory_space<hbm>>
      tpu.wait_indirect_dma semaphore(%arg11 : memref<!tpu.dma_semaphore, #tpu.memory_space<semaphore_mem>>) src(%dma_wait3A_331 : memref<10240x128xf32, #tpu.memory_space<hbm>>) dst(%dma_wait3A_327 : memref<64x128xf32, #tpu.memory_space<vmem>>)
      %dma_start3A_332 = arith.constant 0 : i32
      %dma_start3A_333 = tpu.memref_slice %arg7[%add3A_311, %dma_start3A_332] : memref<40x128xi32, #tpu.memory_space<vmem>> -> memref<1x128xi32, #tpu.memory_space<vmem>>
      %dma_start3A_334 = tpu.memref_squeeze %dma_start3A_333 : memref<1x128xi32, #tpu.memory_space<vmem>> -> memref<128xi32, #tpu.memory_space<vmem>>
      %dma_start3A_335 = arith.constant 0 : i32
      %dma_start3A_336 = arith.constant 0 : i32
      %dma_start3A_337 = tpu.memref_slice %arg10[%dma_start3A_335, %dma_start3A_336] : memref<10240x128xf32, #tpu.memory_space<vmem_shared>> -> memref<10240x128xf32, #tpu.memory_space<vmem_shared>>
      tpu.enqueue_indirect_dma source(%arg8 : memref<128x128xf32, #tpu.memory_space<vmem>>) target(%dma_start3A_337 : memref<10240x128xf32, #tpu.memory_space<vmem_shared>>) offsets(%dma_start3A_334 : memref<128xi32, #tpu.memory_space<vmem>>) semaphore(%arg13 : memref<!tpu.dma_semaphore, #tpu.memory_space<semaphore_mem>>) {add = true}
      %add3A_338 = arith.constant 1 : i32
      %add3A_339 = arith.addi %add3A_311, %add3A_338 : i32
      %mul3A_340 = arith.constant 128 : i32
      %mul3A_341 = arith.muli %add3A_339, %mul3A_340 : i32
      %dma_wait3A_342 = arith.constant 0 : i32
      %dma_wait3A_343 = arith.constant 0 : i32
      %dma_wait3A_344 = tpu.memref_slice %arg9[%dma_wait3A_342, %dma_wait3A_343] : memref<128x128xf32, #tpu.memory_space<vmem>> -> memref<64x128xf32, #tpu.memory_space<vmem>>
      %dma_wait3A_345 = tpu.memref_slice %arg6[%mul3A_341] : memref<5120xi32, #tpu.memory_space<vmem>> -> memref<64xi32, #tpu.memory_space<vmem>>
      %dma_wait3A_346 = arith.constant 0 : i32
      %dma_wait3A_347 = arith.constant 0 : i32
      %dma_wait3A_348 = tpu.memref_slice %arg2[%dma_wait3A_346, %dma_wait3A_347] : memref<10240x128xf32, #tpu.memory_space<hbm>> -> memref<10240x128xf32, #tpu.memory_space<hbm>>
      tpu.wait_indirect_dma semaphore(%arg12 : memref<!tpu.dma_semaphore, #tpu.memory_space<semaphore_mem>>) src(%dma_wait3A_348 : memref<10240x128xf32, #tpu.memory_space<hbm>>) dst(%dma_wait3A_344 : memref<64x128xf32, #tpu.memory_space<vmem>>)
      %mul3A_349 = arith.constant 128 : i32
      %mul3A_350 = arith.muli %add3A_339, %mul3A_349 : i32
      %add3A_351 = arith.constant 64 : i32
      %add3A_352 = arith.addi %mul3A_350, %add3A_351 : i32
      %dma_wait3A_353 = arith.constant 64 : i32
      %dma_wait3A_354 = arith.constant 0 : i32
      %dma_wait3A_355 = tpu.memref_slice %arg9[%dma_wait3A_353, %dma_wait3A_354] : memref<128x128xf32, #tpu.memory_space<vmem>> -> memref<64x128xf32, #tpu.memory_space<vmem>>
      %dma_wait3A_356 = tpu.memref_slice %arg6[%add3A_352] : memref<5120xi32, #tpu.memory_space<vmem>> -> memref<64xi32, #tpu.memory_space<vmem>>
      %dma_wait3A_357 = arith.constant 0 : i32
      %dma_wait3A_358 = arith.constant 0 : i32
      %dma_wait3A_359 = tpu.memref_slice %arg2[%dma_wait3A_357, %dma_wait3A_358] : memref<10240x128xf32, #tpu.memory_space<hbm>> -> memref<10240x128xf32, #tpu.memory_space<hbm>>
      tpu.wait_indirect_dma semaphore(%arg12 : memref<!tpu.dma_semaphore, #tpu.memory_space<semaphore_mem>>) src(%dma_wait3A_359 : memref<10240x128xf32, #tpu.memory_space<hbm>>) dst(%dma_wait3A_355 : memref<64x128xf32, #tpu.memory_space<vmem>>)
      %add3A_360 = arith.constant 1 : i32
      %add3A_361 = arith.addi %add3A_311, %add3A_360 : i32
      %dma_start3A_362 = arith.constant 0 : i32
      %dma_start3A_363 = tpu.memref_slice %arg7[%add3A_361, %dma_start3A_362] : memref<40x128xi32, #tpu.memory_space<vmem>> -> memref<1x128xi32, #tpu.memory_space<vmem>>
      %dma_start3A_364 = tpu.memref_squeeze %dma_start3A_363 : memref<1x128xi32, #tpu.memory_space<vmem>> -> memref<128xi32, #tpu.memory_space<vmem>>
      %dma_start3A_365 = arith.constant 0 : i32
      %dma_start3A_366 = arith.constant 0 : i32
      %dma_start3A_367 = tpu.memref_slice %arg10[%dma_start3A_365, %dma_start3A_366] : memref<10240x128xf32, #tpu.memory_space<vmem_shared>> -> memref<10240x128xf32, #tpu.memory_space<vmem_shared>>
      tpu.enqueue_indirect_dma source(%arg9 : memref<128x128xf32, #tpu.memory_space<vmem>>) target(%dma_start3A_367 : memref<10240x128xf32, #tpu.memory_space<vmem_shared>>) offsets(%dma_start3A_364 : memref<128xi32, #tpu.memory_space<vmem>>) semaphore(%arg14 : memref<!tpu.dma_semaphore, #tpu.memory_space<semaphore_mem>>) {add = true}
      %add3A_368 = arith.constant 2 : i32
      %add3A_369 = arith.addi %add3A_311, %add3A_368 : i32
      %lt3A = arith.constant 40 : i32
      %lt3A_370 = arith.cmpi slt, %add3A_369, %lt3A : i32
      %convert_element_type3A = arith.extui %lt3A_370 : i1 to i32
      %cond3A = arith.constant 0 : i32
      %cond3A_371 = arith.cmpi ne, %convert_element_type3A, %cond3A : i32
      scf.if %cond3A_371 {
        %dma_wait3A_372 = arith.constant 0 : i32
        %dma_wait3A_373 = tpu.memref_slice %arg7[%add3A_311, %dma_wait3A_372] : memref<40x128xi32, #tpu.memory_space<vmem>> -> memref<1x128xi32, #tpu.memory_space<vmem>>
        %dma_wait3A_374 = tpu.memref_squeeze %dma_wait3A_373 : memref<1x128xi32, #tpu.memory_space<vmem>> -> memref<128xi32, #tpu.memory_space<vmem>>
        %dma_wait3A_375 = arith.constant 0 : i32
        %dma_wait3A_376 = arith.constant 0 : i32
        %dma_wait3A_377 = tpu.memref_slice %arg10[%dma_wait3A_375, %dma_wait3A_376] : memref<10240x128xf32, #tpu.memory_space<vmem_shared>> -> memref<10240x128xf32, #tpu.memory_space<vmem_shared>>
        tpu.wait_indirect_dma semaphore(%arg13 : memref<!tpu.dma_semaphore, #tpu.memory_space<semaphore_mem>>) src(%arg8 : memref<128x128xf32, #tpu.memory_space<vmem>>) dst(%dma_wait3A_377 : memref<10240x128xf32, #tpu.memory_space<vmem_shared>>)
        %add3A_378 = arith.constant 2 : i32
        %add3A_379 = arith.addi %add3A_311, %add3A_378 : i32
        %mul3A_380 = arith.constant 128 : i32
        %mul3A_381 = arith.muli %add3A_379, %mul3A_380 : i32
        %dma_start3A_382 = arith.constant 0 : i32
        %dma_start3A_383 = arith.constant 0 : i32
        %dma_start3A_384 = tpu.memref_slice %arg8[%dma_start3A_382, %dma_start3A_383] : memref<128x128xf32, #tpu.memory_space<vmem>> -> memref<64x128xf32, #tpu.memory_space<vmem>>
        %dma_start3A_385 = tpu.memref_slice %arg6[%mul3A_381] : memref<5120xi32, #tpu.memory_space<vmem>> -> memref<64xi32, #tpu.memory_space<vmem>>
        %dma_start3A_386 = arith.constant 0 : i32
        %dma_start3A_387 = arith.constant 0 : i32
        %dma_start3A_388 = tpu.memref_slice %arg2[%dma_start3A_386, %dma_start3A_387] : memref<10240x128xf32, #tpu.memory_space<hbm>> -> memref<10240x128xf32, #tpu.memory_space<hbm>>
        tpu.enqueue_indirect_dma source(%dma_start3A_388 : memref<10240x128xf32, #tpu.memory_space<hbm>>) target(%dma_start3A_384 : memref<64x128xf32, #tpu.memory_space<vmem>>) offsets(%dma_start3A_385 : memref<64xi32, #tpu.memory_space<vmem>>) semaphore(%arg11 : memref<!tpu.dma_semaphore, #tpu.memory_space<semaphore_mem>>)
        %mul3A_389 = arith.constant 128 : i32
        %mul3A_390 = arith.muli %add3A_379, %mul3A_389 : i32
        %add3A_391 = arith.constant 64 : i32
        %add3A_392 = arith.addi %mul3A_390, %add3A_391 : i32
        %dma_start3A_393 = arith.constant 64 : i32
        %dma_start3A_394 = arith.constant 0 : i32
        %dma_start3A_395 = tpu.memref_slice %arg8[%dma_start3A_393, %dma_start3A_394] : memref<128x128xf32, #tpu.memory_space<vmem>> -> memref<64x128xf32, #tpu.memory_space<vmem>>
        %dma_start3A_396 = tpu.memref_slice %arg6[%add3A_392] : memref<5120xi32, #tpu.memory_space<vmem>> -> memref<64xi32, #tpu.memory_space<vmem>>
        %dma_start3A_397 = arith.constant 0 : i32
        %dma_start3A_398 = arith.constant 0 : i32
        %dma_start3A_399 = tpu.memref_slice %arg2[%dma_start3A_397, %dma_start3A_398] : memref<10240x128xf32, #tpu.memory_space<hbm>> -> memref<10240x128xf32, #tpu.memory_space<hbm>>
        tpu.enqueue_indirect_dma source(%dma_start3A_399 : memref<10240x128xf32, #tpu.memory_space<hbm>>) target(%dma_start3A_395 : memref<64x128xf32, #tpu.memory_space<vmem>>) offsets(%dma_start3A_396 : memref<64xi32, #tpu.memory_space<vmem>>) semaphore(%arg11 : memref<!tpu.dma_semaphore, #tpu.memory_space<semaphore_mem>>)
        %add3A_400 = arith.constant 1 : i32
        %add3A_401 = arith.addi %add3A_311, %add3A_400 : i32
        %dma_wait3A_402 = arith.constant 0 : i32
        %dma_wait3A_403 = tpu.memref_slice %arg7[%add3A_401, %dma_wait3A_402] : memref<40x128xi32, #tpu.memory_space<vmem>> -> memref<1x128xi32, #tpu.memory_space<vmem>>
        %dma_wait3A_404 = tpu.memref_squeeze %dma_wait3A_403 : memref<1x128xi32, #tpu.memory_space<vmem>> -> memref<128xi32, #tpu.memory_space<vmem>>
        %dma_wait3A_405 = arith.constant 0 : i32
        %dma_wait3A_406 = arith.constant 0 : i32
        %dma_wait3A_407 = tpu.memref_slice %arg10[%dma_wait3A_405, %dma_wait3A_406] : memref<10240x128xf32, #tpu.memory_space<vmem_shared>> -> memref<10240x128xf32, #tpu.memory_space<vmem_shared>>
        tpu.wait_indirect_dma semaphore(%arg14 : memref<!tpu.dma_semaphore, #tpu.memory_space<semaphore_mem>>) src(%arg9 : memref<128x128xf32, #tpu.memory_space<vmem>>) dst(%dma_wait3A_407 : memref<10240x128xf32, #tpu.memory_space<vmem_shared>>)
        %add3A_408 = arith.constant 3 : i32
        %add3A_409 = arith.addi %add3A_311, %add3A_408 : i32
        %mul3A_410 = arith.constant 128 : i32
        %mul3A_411 = arith.muli %add3A_409, %mul3A_410 : i32
        %dma_start3A_412 = arith.constant 0 : i32
        %dma_start3A_413 = arith.constant 0 : i32
        %dma_start3A_414 = tpu.memref_slice %arg9[%dma_start3A_412, %dma_start3A_413] : memref<128x128xf32, #tpu.memory_space<vmem>> -> memref<64x128xf32, #tpu.memory_space<vmem>>
        %dma_start3A_415 = tpu.memref_slice %arg6[%mul3A_411] : memref<5120xi32, #tpu.memory_space<vmem>> -> memref<64xi32, #tpu.memory_space<vmem>>
        %dma_start3A_416 = arith.constant 0 : i32
        %dma_start3A_417 = arith.constant 0 : i32
        %dma_start3A_418 = tpu.memref_slice %arg2[%dma_start3A_416, %dma_start3A_417] : memref<10240x128xf32, #tpu.memory_space<hbm>> -> memref<10240x128xf32, #tpu.memory_space<hbm>>
        tpu.enqueue_indirect_dma source(%dma_start3A_418 : memref<10240x128xf32, #tpu.memory_space<hbm>>) target(%dma_start3A_414 : memref<64x128xf32, #tpu.memory_space<vmem>>) offsets(%dma_start3A_415 : memref<64xi32, #tpu.memory_space<vmem>>) semaphore(%arg12 : memref<!tpu.dma_semaphore, #tpu.memory_space<semaphore_mem>>)
        %mul3A_419 = arith.constant 128 : i32
        %mul3A_420 = arith.muli %add3A_409, %mul3A_419 : i32
        %add3A_421 = arith.constant 64 : i32
        %add3A_422 = arith.addi %mul3A_420, %add3A_421 : i32
        %dma_start3A_423 = arith.constant 64 : i32
        %dma_start3A_424 = arith.constant 0 : i32
        %dma_start3A_425 = tpu.memref_slice %arg9[%dma_start3A_423, %dma_start3A_424] : memref<128x128xf32, #tpu.memory_space<vmem>> -> memref<64x128xf32, #tpu.memory_space<vmem>>
        %dma_start3A_426 = tpu.memref_slice %arg6[%add3A_422] : memref<5120xi32, #tpu.memory_space<vmem>> -> memref<64xi32, #tpu.memory_space<vmem>>
        %dma_start3A_427 = arith.constant 0 : i32
        %dma_start3A_428 = arith.constant 0 : i32
        %dma_start3A_429 = tpu.memref_slice %arg2[%dma_start3A_427, %dma_start3A_428] : memref<10240x128xf32, #tpu.memory_space<hbm>> -> memref<10240x128xf32, #tpu.memory_space<hbm>>
        tpu.enqueue_indirect_dma source(%dma_start3A_429 : memref<10240x128xf32, #tpu.memory_space<hbm>>) target(%dma_start3A_425 : memref<64x128xf32, #tpu.memory_space<vmem>>) offsets(%dma_start3A_426 : memref<64xi32, #tpu.memory_space<vmem>>) semaphore(%arg12 : memref<!tpu.dma_semaphore, #tpu.memory_space<semaphore_mem>>)
      } else {
      }
    }
    %scan3A_171 = arith.constant 20 : i32
    %dma_wait3A_172 = arith.constant 38 : i32
    %dma_wait3A_173 = arith.constant 0 : i32
    %dma_wait3A_174 = tpu.memref_slice %arg7[%dma_wait3A_172, %dma_wait3A_173] : memref<40x128xi32, #tpu.memory_space<vmem>> -> memref<1x128xi32, #tpu.memory_space<vmem>>
    %dma_wait3A_175 = tpu.memref_squeeze %dma_wait3A_174 : memref<1x128xi32, #tpu.memory_space<vmem>> -> memref<128xi32, #tpu.memory_space<vmem>>
    %dma_wait3A_176 = arith.constant 0 : i32
    %dma_wait3A_177 = arith.constant 0 : i32
    %dma_wait3A_178 = tpu.memref_slice %arg10[%dma_wait3A_176, %dma_wait3A_177] : memref<10240x128xf32, #tpu.memory_space<vmem_shared>> -> memref<10240x128xf32, #tpu.memory_space<vmem_shared>>
    tpu.wait_indirect_dma semaphore(%arg13 : memref<!tpu.dma_semaphore, #tpu.memory_space<semaphore_mem>>) src(%arg8 : memref<128x128xf32, #tpu.memory_space<vmem>>) dst(%dma_wait3A_178 : memref<10240x128xf32, #tpu.memory_space<vmem_shared>>)
    %dma_wait3A_179 = arith.constant 39 : i32
    %dma_wait3A_180 = arith.constant 0 : i32
    %dma_wait3A_181 = tpu.memref_slice %arg7[%dma_wait3A_179, %dma_wait3A_180] : memref<40x128xi32, #tpu.memory_space<vmem>> -> memref<1x128xi32, #tpu.memory_space<vmem>>
    %dma_wait3A_182 = tpu.memref_squeeze %dma_wait3A_181 : memref<1x128xi32, #tpu.memory_space<vmem>> -> memref<128xi32, #tpu.memory_space<vmem>>
    %dma_wait3A_183 = arith.constant 0 : i32
    %dma_wait3A_184 = arith.constant 0 : i32
    %dma_wait3A_185 = tpu.memref_slice %arg10[%dma_wait3A_183, %dma_wait3A_184] : memref<10240x128xf32, #tpu.memory_space<vmem_shared>> -> memref<10240x128xf32, #tpu.memory_space<vmem_shared>>
    tpu.wait_indirect_dma semaphore(%arg14 : memref<!tpu.dma_semaphore, #tpu.memory_space<semaphore_mem>>) src(%arg9 : memref<128x128xf32, #tpu.memory_space<vmem>>) dst(%dma_wait3A_185 : memref<10240x128xf32, #tpu.memory_space<vmem_shared>>)
    %barrier3A_186 = arith.constant 0 : index
    tpu.barrier barrier_id(%barrier3A_186)
    %mul3A_187 = arith.constant 640 : i32
    %mul3A_188 = arith.muli %arg1, %mul3A_187 : i32
    %add3A_189 = arith.constant 0 : i32
    %add3A_190 = arith.addi %mul3A_188, %add3A_189 : i32
    "tpu.region"() ({
      %run_scoped3A = tpu.sem_alloc : memref<!tpu.dma_semaphore, #tpu.memory_space<semaphore_mem>>
      %dma_start3A_307 = arith.constant 0 : i32
      %dma_start3A_308 = tpu.memref_slice %arg10[%add3A_190, %dma_start3A_307] : memref<10240x128xf32, #tpu.memory_space<vmem_shared>> -> memref<128x128xf32, #tpu.memory_space<vmem_shared>>
      %dma_start3A_309 = arith.constant 0 : i32
      %dma_start3A_310 = tpu.memref_slice %arg10[%add3A_190, %dma_start3A_309] : memref<10240x128xf32, #tpu.memory_space<vmem_shared>> -> memref<128x128xf32, #tpu.memory_space<vmem_shared>>
      tpu.enqueue_dma source(%dma_start3A_310 : memref<128x128xf32, #tpu.memory_space<vmem_shared>>) target(%arg8 : memref<128x128xf32, #tpu.memory_space<vmem>>) target_semaphore(%run_scoped3A : memref<!tpu.dma_semaphore, #tpu.memory_space<semaphore_mem>>)
      %dma_wait3A_311 = arith.constant 0 : i32
      %dma_wait3A_312 = tpu.memref_slice %arg10[%add3A_190, %dma_wait3A_311] : memref<10240x128xf32, #tpu.memory_space<vmem_shared>> -> memref<128x128xf32, #tpu.memory_space<vmem_shared>>
      %dma_wait3A_313 = arith.constant 0 : i32
      %dma_wait3A_314 = tpu.memref_slice %arg10[%add3A_190, %dma_wait3A_313] : memref<10240x128xf32, #tpu.memory_space<vmem_shared>> -> memref<128x128xf32, #tpu.memory_space<vmem_shared>>
      tpu.wait_dma2 semaphore(%run_scoped3A : memref<!tpu.dma_semaphore, #tpu.memory_space<semaphore_mem>>) src(%dma_wait3A_314 : memref<128x128xf32, #tpu.memory_space<vmem_shared>>) dst(%arg8 : memref<128x128xf32, #tpu.memory_space<vmem>>)
      tpu.yield
    }) : () -> ()
    %mul3A_191 = arith.constant 640 : i32
    %mul3A_192 = arith.muli %arg1, %mul3A_191 : i32
    %add3A_193 = arith.constant 0 : i32
    %add3A_194 = arith.addi %mul3A_192, %add3A_193 : i32
    %dma_start3A_195 = arith.constant 0 : i32
    %dma_start3A_196 = tpu.memref_slice %arg5[%arg0, %add3A_194, %dma_start3A_195] : memref<2x10240x128xf32, #tpu.memory_space<hbm>> -> memref<1x128x128xf32, #tpu.memory_space<hbm>>
    %dma_start3A_197 = tpu.memref_squeeze %dma_start3A_196 : memref<1x128x128xf32, #tpu.memory_space<hbm>> -> memref<128x128xf32, #tpu.memory_space<hbm>>
    %dma_start3A_198 = arith.constant 0 : i32
    %dma_start3A_199 = tpu.memref_slice %arg5[%arg0, %add3A_194, %dma_start3A_198] : memref<2x10240x128xf32, #tpu.memory_space<hbm>> -> memref<1x128x128xf32, #tpu.memory_space<hbm>>
    %dma_start3A_200 = tpu.memref_squeeze %dma_start3A_199 : memref<1x128x128xf32, #tpu.memory_space<hbm>> -> memref<128x128xf32, #tpu.memory_space<hbm>>
    tpu.enqueue_dma source(%arg8 : memref<128x128xf32, #tpu.memory_space<vmem>>) target(%dma_start3A_200 : memref<128x128xf32, #tpu.memory_space<hbm>>) target_semaphore(%arg11 : memref<!tpu.dma_semaphore, #tpu.memory_space<semaphore_mem>>)
    %mul3A_201 = arith.constant 640 : i32
    %mul3A_202 = arith.muli %arg1, %mul3A_201 : i32
    %add3A_203 = arith.constant 128 : i32
    %add3A_204 = arith.addi %mul3A_202, %add3A_203 : i32
    "tpu.region"() ({
      %run_scoped3A = tpu.sem_alloc : memref<!tpu.dma_semaphore, #tpu.memory_space<semaphore_mem>>
      %dma_start3A_307 = arith.constant 0 : i32
      %dma_start3A_308 = tpu.memref_slice %arg10[%add3A_204, %dma_start3A_307] : memref<10240x128xf32, #tpu.memory_space<vmem_shared>> -> memref<128x128xf32, #tpu.memory_space<vmem_shared>>
      %dma_start3A_309 = arith.constant 0 : i32
      %dma_start3A_310 = tpu.memref_slice %arg10[%add3A_204, %dma_start3A_309] : memref<10240x128xf32, #tpu.memory_space<vmem_shared>> -> memref<128x128xf32, #tpu.memory_space<vmem_shared>>
      tpu.enqueue_dma source(%dma_start3A_310 : memref<128x128xf32, #tpu.memory_space<vmem_shared>>) target(%arg9 : memref<128x128xf32, #tpu.memory_space<vmem>>) target_semaphore(%run_scoped3A : memref<!tpu.dma_semaphore, #tpu.memory_space<semaphore_mem>>)
      %dma_wait3A_311 = arith.constant 0 : i32
      %dma_wait3A_312 = tpu.memref_slice %arg10[%add3A_204, %dma_wait3A_311] : memref<10240x128xf32, #tpu.memory_space<vmem_shared>> -> memref<128x128xf32, #tpu.memory_space<vmem_shared>>
      %dma_wait3A_313 = arith.constant 0 : i32
      %dma_wait3A_314 = tpu.memref_slice %arg10[%add3A_204, %dma_wait3A_313] : memref<10240x128xf32, #tpu.memory_space<vmem_shared>> -> memref<128x128xf32, #tpu.memory_space<vmem_shared>>
      tpu.wait_dma2 semaphore(%run_scoped3A : memref<!tpu.dma_semaphore, #tpu.memory_space<semaphore_mem>>) src(%dma_wait3A_314 : memref<128x128xf32, #tpu.memory_space<vmem_shared>>) dst(%arg9 : memref<128x128xf32, #tpu.memory_space<vmem>>)
      tpu.yield
    }) : () -> ()
    %mul3A_205 = arith.constant 640 : i32
    %mul3A_206 = arith.muli %arg1, %mul3A_205 : i32
    %add3A_207 = arith.constant 128 : i32
    %add3A_208 = arith.addi %mul3A_206, %add3A_207 : i32
    %dma_start3A_209 = arith.constant 0 : i32
    %dma_start3A_210 = tpu.memref_slice %arg5[%arg0, %add3A_208, %dma_start3A_209] : memref<2x10240x128xf32, #tpu.memory_space<hbm>> -> memref<1x128x128xf32, #tpu.memory_space<hbm>>
    %dma_start3A_211 = tpu.memref_squeeze %dma_start3A_210 : memref<1x128x128xf32, #tpu.memory_space<hbm>> -> memref<128x128xf32, #tpu.memory_space<hbm>>
    %dma_start3A_212 = arith.constant 0 : i32
    %dma_start3A_213 = tpu.memref_slice %arg5[%arg0, %add3A_208, %dma_start3A_212] : memref<2x10240x128xf32, #tpu.memory_space<hbm>> -> memref<1x128x128xf32, #tpu.memory_space<hbm>>
    %dma_start3A_214 = tpu.memref_squeeze %dma_start3A_213 : memref<1x128x128xf32, #tpu.memory_space<hbm>> -> memref<128x128xf32, #tpu.memory_space<hbm>>
    tpu.enqueue_dma source(%arg9 : memref<128x128xf32, #tpu.memory_space<vmem>>) target(%dma_start3A_214 : memref<128x128xf32, #tpu.memory_space<hbm>>) target_semaphore(%arg12 : memref<!tpu.dma_semaphore, #tpu.memory_space<semaphore_mem>>)
    %mul3A_215 = arith.constant 640 : i32
    %mul3A_216 = arith.muli %arg1, %mul3A_215 : i32
    %add3A_217 = arith.constant 0 : i32
    %add3A_218 = arith.addi %mul3A_216, %add3A_217 : i32
    %dma_wait3A_219 = arith.constant 0 : i32
    %dma_wait3A_220 = tpu.memref_slice %arg5[%arg0, %add3A_218, %dma_wait3A_219] : memref<2x10240x128xf32, #tpu.memory_space<hbm>> -> memref<1x128x128xf32, #tpu.memory_space<hbm>>
    %dma_wait3A_221 = tpu.memref_squeeze %dma_wait3A_220 : memref<1x128x128xf32, #tpu.memory_space<hbm>> -> memref<128x128xf32, #tpu.memory_space<hbm>>
    %dma_wait3A_222 = arith.constant 0 : i32
    %dma_wait3A_223 = tpu.memref_slice %arg5[%arg0, %add3A_218, %dma_wait3A_222] : memref<2x10240x128xf32, #tpu.memory_space<hbm>> -> memref<1x128x128xf32, #tpu.memory_space<hbm>>
    %dma_wait3A_224 = tpu.memref_squeeze %dma_wait3A_223 : memref<1x128x128xf32, #tpu.memory_space<hbm>> -> memref<128x128xf32, #tpu.memory_space<hbm>>
    tpu.wait_dma2 semaphore(%arg11 : memref<!tpu.dma_semaphore, #tpu.memory_space<semaphore_mem>>) src(%arg8 : memref<128x128xf32, #tpu.memory_space<vmem>>) dst(%dma_wait3A_224 : memref<128x128xf32, #tpu.memory_space<hbm>>)
    %mul3A_225 = arith.constant 640 : i32
    %mul3A_226 = arith.muli %arg1, %mul3A_225 : i32
    %add3A_227 = arith.constant 256 : i32
    %add3A_228 = arith.addi %mul3A_226, %add3A_227 : i32
    "tpu.region"() ({
      %run_scoped3A = tpu.sem_alloc : memref<!tpu.dma_semaphore, #tpu.memory_space<semaphore_mem>>
      %dma_start3A_307 = arith.constant 0 : i32
      %dma_start3A_308 = tpu.memref_slice %arg10[%add3A_228, %dma_start3A_307] : memref<10240x128xf32, #tpu.memory_space<vmem_shared>> -> memref<128x128xf32, #tpu.memory_space<vmem_shared>>
      %dma_start3A_309 = arith.constant 0 : i32
      %dma_start3A_310 = tpu.memref_slice %arg10[%add3A_228, %dma_start3A_309] : memref<10240x128xf32, #tpu.memory_space<vmem_shared>> -> memref<128x128xf32, #tpu.memory_space<vmem_shared>>
      tpu.enqueue_dma source(%dma_start3A_310 : memref<128x128xf32, #tpu.memory_space<vmem_shared>>) target(%arg8 : memref<128x128xf32, #tpu.memory_space<vmem>>) target_semaphore(%run_scoped3A : memref<!tpu.dma_semaphore, #tpu.memory_space<semaphore_mem>>)
      %dma_wait3A_311 = arith.constant 0 : i32
      %dma_wait3A_312 = tpu.memref_slice %arg10[%add3A_228, %dma_wait3A_311] : memref<10240x128xf32, #tpu.memory_space<vmem_shared>> -> memref<128x128xf32, #tpu.memory_space<vmem_shared>>
      %dma_wait3A_313 = arith.constant 0 : i32
      %dma_wait3A_314 = tpu.memref_slice %arg10[%add3A_228, %dma_wait3A_313] : memref<10240x128xf32, #tpu.memory_space<vmem_shared>> -> memref<128x128xf32, #tpu.memory_space<vmem_shared>>
      tpu.wait_dma2 semaphore(%run_scoped3A : memref<!tpu.dma_semaphore, #tpu.memory_space<semaphore_mem>>) src(%dma_wait3A_314 : memref<128x128xf32, #tpu.memory_space<vmem_shared>>) dst(%arg8 : memref<128x128xf32, #tpu.memory_space<vmem>>)
      tpu.yield
    }) : () -> ()
    %mul3A_229 = arith.constant 640 : i32
    %mul3A_230 = arith.muli %arg1, %mul3A_229 : i32
    %add3A_231 = arith.constant 256 : i32
    %add3A_232 = arith.addi %mul3A_230, %add3A_231 : i32
    %dma_start3A_233 = arith.constant 0 : i32
    %dma_start3A_234 = tpu.memref_slice %arg5[%arg0, %add3A_232, %dma_start3A_233] : memref<2x10240x128xf32, #tpu.memory_space<hbm>> -> memref<1x128x128xf32, #tpu.memory_space<hbm>>
    %dma_start3A_235 = tpu.memref_squeeze %dma_start3A_234 : memref<1x128x128xf32, #tpu.memory_space<hbm>> -> memref<128x128xf32, #tpu.memory_space<hbm>>
    %dma_start3A_236 = arith.constant 0 : i32
    %dma_start3A_237 = tpu.memref_slice %arg5[%arg0, %add3A_232, %dma_start3A_236] : memref<2x10240x128xf32, #tpu.memory_space<hbm>> -> memref<1x128x128xf32, #tpu.memory_space<hbm>>
    %dma_start3A_238 = tpu.memref_squeeze %dma_start3A_237 : memref<1x128x128xf32, #tpu.memory_space<hbm>> -> memref<128x128xf32, #tpu.memory_space<hbm>>
    tpu.enqueue_dma source(%arg8 : memref<128x128xf32, #tpu.memory_space<vmem>>) target(%dma_start3A_238 : memref<128x128xf32, #tpu.memory_space<hbm>>) target_semaphore(%arg11 : memref<!tpu.dma_semaphore, #tpu.memory_space<semaphore_mem>>)
    %mul3A_239 = arith.constant 640 : i32
    %mul3A_240 = arith.muli %arg1, %mul3A_239 : i32
    %add3A_241 = arith.constant 128 : i32
    %add3A_242 = arith.addi %mul3A_240, %add3A_241 : i32
    %dma_wait3A_243 = arith.constant 0 : i32
    %dma_wait3A_244 = tpu.memref_slice %arg5[%arg0, %add3A_242, %dma_wait3A_243] : memref<2x10240x128xf32, #tpu.memory_space<hbm>> -> memref<1x128x128xf32, #tpu.memory_space<hbm>>
    %dma_wait3A_245 = tpu.memref_squeeze %dma_wait3A_244 : memref<1x128x128xf32, #tpu.memory_space<hbm>> -> memref<128x128xf32, #tpu.memory_space<hbm>>
    %dma_wait3A_246 = arith.constant 0 : i32
    %dma_wait3A_247 = tpu.memref_slice %arg5[%arg0, %add3A_242, %dma_wait3A_246] : memref<2x10240x128xf32, #tpu.memory_space<hbm>> -> memref<1x128x128xf32, #tpu.memory_space<hbm>>
    %dma_wait3A_248 = tpu.memref_squeeze %dma_wait3A_247 : memref<1x128x128xf32, #tpu.memory_space<hbm>> -> memref<128x128xf32, #tpu.memory_space<hbm>>
    tpu.wait_dma2 semaphore(%arg12 : memref<!tpu.dma_semaphore, #tpu.memory_space<semaphore_mem>>) src(%arg9 : memref<128x128xf32, #tpu.memory_space<vmem>>) dst(%dma_wait3A_248 : memref<128x128xf32, #tpu.memory_space<hbm>>)
    %mul3A_249 = arith.constant 640 : i32
    %mul3A_250 = arith.muli %arg1, %mul3A_249 : i32
    %add3A_251 = arith.constant 384 : i32
    %add3A_252 = arith.addi %mul3A_250, %add3A_251 : i32
    "tpu.region"() ({
      %run_scoped3A = tpu.sem_alloc : memref<!tpu.dma_semaphore, #tpu.memory_space<semaphore_mem>>
      %dma_start3A_307 = arith.constant 0 : i32
      %dma_start3A_308 = tpu.memref_slice %arg10[%add3A_252, %dma_start3A_307] : memref<10240x128xf32, #tpu.memory_space<vmem_shared>> -> memref<128x128xf32, #tpu.memory_space<vmem_shared>>
      %dma_start3A_309 = arith.constant 0 : i32
      %dma_start3A_310 = tpu.memref_slice %arg10[%add3A_252, %dma_start3A_309] : memref<10240x128xf32, #tpu.memory_space<vmem_shared>> -> memref<128x128xf32, #tpu.memory_space<vmem_shared>>
      tpu.enqueue_dma source(%dma_start3A_310 : memref<128x128xf32, #tpu.memory_space<vmem_shared>>) target(%arg9 : memref<128x128xf32, #tpu.memory_space<vmem>>) target_semaphore(%run_scoped3A : memref<!tpu.dma_semaphore, #tpu.memory_space<semaphore_mem>>)
      %dma_wait3A_311 = arith.constant 0 : i32
      %dma_wait3A_312 = tpu.memref_slice %arg10[%add3A_252, %dma_wait3A_311] : memref<10240x128xf32, #tpu.memory_space<vmem_shared>> -> memref<128x128xf32, #tpu.memory_space<vmem_shared>>
      %dma_wait3A_313 = arith.constant 0 : i32
      %dma_wait3A_314 = tpu.memref_slice %arg10[%add3A_252, %dma_wait3A_313] : memref<10240x128xf32, #tpu.memory_space<vmem_shared>> -> memref<128x128xf32, #tpu.memory_space<vmem_shared>>
      tpu.wait_dma2 semaphore(%run_scoped3A : memref<!tpu.dma_semaphore, #tpu.memory_space<semaphore_mem>>) src(%dma_wait3A_314 : memref<128x128xf32, #tpu.memory_space<vmem_shared>>) dst(%arg9 : memref<128x128xf32, #tpu.memory_space<vmem>>)
      tpu.yield
    }) : () -> ()
    %mul3A_253 = arith.constant 640 : i32
    %mul3A_254 = arith.muli %arg1, %mul3A_253 : i32
    %add3A_255 = arith.constant 384 : i32
    %add3A_256 = arith.addi %mul3A_254, %add3A_255 : i32
    %dma_start3A_257 = arith.constant 0 : i32
    %dma_start3A_258 = tpu.memref_slice %arg5[%arg0, %add3A_256, %dma_start3A_257] : memref<2x10240x128xf32, #tpu.memory_space<hbm>> -> memref<1x128x128xf32, #tpu.memory_space<hbm>>
    %dma_start3A_259 = tpu.memref_squeeze %dma_start3A_258 : memref<1x128x128xf32, #tpu.memory_space<hbm>> -> memref<128x128xf32, #tpu.memory_space<hbm>>
    %dma_start3A_260 = arith.constant 0 : i32
    %dma_start3A_261 = tpu.memref_slice %arg5[%arg0, %add3A_256, %dma_start3A_260] : memref<2x10240x128xf32, #tpu.memory_space<hbm>> -> memref<1x128x128xf32, #tpu.memory_space<hbm>>
    %dma_start3A_262 = tpu.memref_squeeze %dma_start3A_261 : memref<1x128x128xf32, #tpu.memory_space<hbm>> -> memref<128x128xf32, #tpu.memory_space<hbm>>
    tpu.enqueue_dma source(%arg9 : memref<128x128xf32, #tpu.memory_space<vmem>>) target(%dma_start3A_262 : memref<128x128xf32, #tpu.memory_space<hbm>>) target_semaphore(%arg12 : memref<!tpu.dma_semaphore, #tpu.memory_space<semaphore_mem>>)
    %mul3A_263 = arith.constant 640 : i32
    %mul3A_264 = arith.muli %arg1, %mul3A_263 : i32
    %add3A_265 = arith.constant 256 : i32
    %add3A_266 = arith.addi %mul3A_264, %add3A_265 : i32
    %dma_wait3A_267 = arith.constant 0 : i32
    %dma_wait3A_268 = tpu.memref_slice %arg5[%arg0, %add3A_266, %dma_wait3A_267] : memref<2x10240x128xf32, #tpu.memory_space<hbm>> -> memref<1x128x128xf32, #tpu.memory_space<hbm>>
    %dma_wait3A_269 = tpu.memref_squeeze %dma_wait3A_268 : memref<1x128x128xf32, #tpu.memory_space<hbm>> -> memref<128x128xf32, #tpu.memory_space<hbm>>
    %dma_wait3A_270 = arith.constant 0 : i32
    %dma_wait3A_271 = tpu.memref_slice %arg5[%arg0, %add3A_266, %dma_wait3A_270] : memref<2x10240x128xf32, #tpu.memory_space<hbm>> -> memref<1x128x128xf32, #tpu.memory_space<hbm>>
    %dma_wait3A_272 = tpu.memref_squeeze %dma_wait3A_271 : memref<1x128x128xf32, #tpu.memory_space<hbm>> -> memref<128x128xf32, #tpu.memory_space<hbm>>
    tpu.wait_dma2 semaphore(%arg11 : memref<!tpu.dma_semaphore, #tpu.memory_space<semaphore_mem>>) src(%arg8 : memref<128x128xf32, #tpu.memory_space<vmem>>) dst(%dma_wait3A_272 : memref<128x128xf32, #tpu.memory_space<hbm>>)
    %mul3A_273 = arith.constant 640 : i32
    %mul3A_274 = arith.muli %arg1, %mul3A_273 : i32
    %add3A_275 = arith.constant 512 : i32
    %add3A_276 = arith.addi %mul3A_274, %add3A_275 : i32
    "tpu.region"() ({
      %run_scoped3A = tpu.sem_alloc : memref<!tpu.dma_semaphore, #tpu.memory_space<semaphore_mem>>
      %dma_start3A_307 = arith.constant 0 : i32
      %dma_start3A_308 = tpu.memref_slice %arg10[%add3A_276, %dma_start3A_307] : memref<10240x128xf32, #tpu.memory_space<vmem_shared>> -> memref<128x128xf32, #tpu.memory_space<vmem_shared>>
      %dma_start3A_309 = arith.constant 0 : i32
      %dma_start3A_310 = tpu.memref_slice %arg10[%add3A_276, %dma_start3A_309] : memref<10240x128xf32, #tpu.memory_space<vmem_shared>> -> memref<128x128xf32, #tpu.memory_space<vmem_shared>>
      tpu.enqueue_dma source(%dma_start3A_310 : memref<128x128xf32, #tpu.memory_space<vmem_shared>>) target(%arg8 : memref<128x128xf32, #tpu.memory_space<vmem>>) target_semaphore(%run_scoped3A : memref<!tpu.dma_semaphore, #tpu.memory_space<semaphore_mem>>)
      %dma_wait3A_311 = arith.constant 0 : i32
      %dma_wait3A_312 = tpu.memref_slice %arg10[%add3A_276, %dma_wait3A_311] : memref<10240x128xf32, #tpu.memory_space<vmem_shared>> -> memref<128x128xf32, #tpu.memory_space<vmem_shared>>
      %dma_wait3A_313 = arith.constant 0 : i32
      %dma_wait3A_314 = tpu.memref_slice %arg10[%add3A_276, %dma_wait3A_313] : memref<10240x128xf32, #tpu.memory_space<vmem_shared>> -> memref<128x128xf32, #tpu.memory_space<vmem_shared>>
      tpu.wait_dma2 semaphore(%run_scoped3A : memref<!tpu.dma_semaphore, #tpu.memory_space<semaphore_mem>>) src(%dma_wait3A_314 : memref<128x128xf32, #tpu.memory_space<vmem_shared>>) dst(%arg8 : memref<128x128xf32, #tpu.memory_space<vmem>>)
      tpu.yield
    }) : () -> ()
    %mul3A_277 = arith.constant 640 : i32
    %mul3A_278 = arith.muli %arg1, %mul3A_277 : i32
    %add3A_279 = arith.constant 512 : i32
    %add3A_280 = arith.addi %mul3A_278, %add3A_279 : i32
    %dma_start3A_281 = arith.constant 0 : i32
    %dma_start3A_282 = tpu.memref_slice %arg5[%arg0, %add3A_280, %dma_start3A_281] : memref<2x10240x128xf32, #tpu.memory_space<hbm>> -> memref<1x128x128xf32, #tpu.memory_space<hbm>>
    %dma_start3A_283 = tpu.memref_squeeze %dma_start3A_282 : memref<1x128x128xf32, #tpu.memory_space<hbm>> -> memref<128x128xf32, #tpu.memory_space<hbm>>
    %dma_start3A_284 = arith.constant 0 : i32
    %dma_start3A_285 = tpu.memref_slice %arg5[%arg0, %add3A_280, %dma_start3A_284] : memref<2x10240x128xf32, #tpu.memory_space<hbm>> -> memref<1x128x128xf32, #tpu.memory_space<hbm>>
    %dma_start3A_286 = tpu.memref_squeeze %dma_start3A_285 : memref<1x128x128xf32, #tpu.memory_space<hbm>> -> memref<128x128xf32, #tpu.memory_space<hbm>>
    tpu.enqueue_dma source(%arg8 : memref<128x128xf32, #tpu.memory_space<vmem>>) target(%dma_start3A_286 : memref<128x128xf32, #tpu.memory_space<hbm>>) target_semaphore(%arg11 : memref<!tpu.dma_semaphore, #tpu.memory_space<semaphore_mem>>)
    %mul3A_287 = arith.constant 640 : i32
    %mul3A_288 = arith.muli %arg1, %mul3A_287 : i32
    %add3A_289 = arith.constant 384 : i32
    %add3A_290 = arith.addi %mul3A_288, %add3A_289 : i32
    %dma_wait3A_291 = arith.constant 0 : i32
    %dma_wait3A_292 = tpu.memref_slice %arg5[%arg0, %add3A_290, %dma_wait3A_291] : memref<2x10240x128xf32, #tpu.memory_space<hbm>> -> memref<1x128x128xf32, #tpu.memory_space<hbm>>
    %dma_wait3A_293 = tpu.memref_squeeze %dma_wait3A_292 : memref<1x128x128xf32, #tpu.memory_space<hbm>> -> memref<128x128xf32, #tpu.memory_space<hbm>>
    %dma_wait3A_294 = arith.constant 0 : i32
    %dma_wait3A_295 = tpu.memref_slice %arg5[%arg0, %add3A_290, %dma_wait3A_294] : memref<2x10240x128xf32, #tpu.memory_space<hbm>> -> memref<1x128x128xf32, #tpu.memory_space<hbm>>
    %dma_wait3A_296 = tpu.memref_squeeze %dma_wait3A_295 : memref<1x128x128xf32, #tpu.memory_space<hbm>> -> memref<128x128xf32, #tpu.memory_space<hbm>>
    tpu.wait_dma2 semaphore(%arg12 : memref<!tpu.dma_semaphore, #tpu.memory_space<semaphore_mem>>) src(%arg9 : memref<128x128xf32, #tpu.memory_space<vmem>>) dst(%dma_wait3A_296 : memref<128x128xf32, #tpu.memory_space<hbm>>)
    %mul3A_297 = arith.constant 640 : i32
    %mul3A_298 = arith.muli %arg1, %mul3A_297 : i32
    %add3A_299 = arith.constant 512 : i32
    %add3A_300 = arith.addi %mul3A_298, %add3A_299 : i32
    %dma_wait3A_301 = arith.constant 0 : i32
    %dma_wait3A_302 = tpu.memref_slice %arg5[%arg0, %add3A_300, %dma_wait3A_301] : memref<2x10240x128xf32, #tpu.memory_space<hbm>> -> memref<1x128x128xf32, #tpu.memory_space<hbm>>
    %dma_wait3A_303 = tpu.memref_squeeze %dma_wait3A_302 : memref<1x128x128xf32, #tpu.memory_space<hbm>> -> memref<128x128xf32, #tpu.memory_space<hbm>>
    %dma_wait3A_304 = arith.constant 0 : i32
    %dma_wait3A_305 = tpu.memref_slice %arg5[%arg0, %add3A_300, %dma_wait3A_304] : memref<2x10240x128xf32, #tpu.memory_space<hbm>> -> memref<1x128x128xf32, #tpu.memory_space<hbm>>
    %dma_wait3A_306 = tpu.memref_squeeze %dma_wait3A_305 : memref<1x128x128xf32, #tpu.memory_space<hbm>> -> memref<128x128xf32, #tpu.memory_space<hbm>>
    tpu.wait_dma2 semaphore(%arg11 : memref<!tpu.dma_semaphore, #tpu.memory_space<semaphore_mem>>) src(%arg8 : memref<128x128xf32, #tpu.memory_space<vmem>>) dst(%dma_wait3A_306 : memref<128x128xf32, #tpu.memory_space<hbm>>)
    return
  }
}

#map = affine_map<(d0, d1) -> (0, 0)>
module attributes {stable_mosaic.version = 14 : i64} {
  func.func @_deg_body(%arg0: i32, %arg1: i32, %arg2: memref<32x10240xi32, #tpu.memory_space<hbm>>, %arg3: memref<2x10240xf32, #tpu.memory_space<hbm>>, %arg4: memref<10240xi32, #tpu.memory_space<vmem>>, %arg5: memref<10240xf32, #tpu.memory_space<vmem>>, %arg6: memref<640xf32, #tpu.memory_space<vmem>>, %arg7: memref<640xf32, #tpu.memory_space<vmem>>, %arg8: memref<16x10240xf32, #tpu.memory_space<vmem_shared>>, %arg9: memref<!tpu.dma_semaphore, #tpu.memory_space<semaphore_mem>>) attributes {dimension_semantics = [#tpu.dimension_semantics<core_parallel>, #tpu.dimension_semantics<subcore_parallel>], iteration_bounds = array<i64: 2, 16>, scalar_prefetch = 0 : i64, scratch_operands = 6 : i64, tpu.core_type = #tpu.core_type<sc_vector_subcore>, window_params = [{transform_indices = #map}, {transform_indices = #map}]} {
    %mul3A = arith.constant 16 : i32
    %mul3A_0 = arith.muli %arg0, %mul3A : i32
    %add3A = arith.addi %mul3A_0, %arg1 : i32
    %dma_start3A = arith.constant 0 : i32
    %dma_start3A_1 = tpu.memref_slice %arg2[%add3A, %dma_start3A] : memref<32x10240xi32, #tpu.memory_space<hbm>> -> memref<1x10240xi32, #tpu.memory_space<hbm>>
    %dma_start3A_2 = tpu.memref_squeeze %dma_start3A_1 : memref<1x10240xi32, #tpu.memory_space<hbm>> -> memref<10240xi32, #tpu.memory_space<hbm>>
    %dma_start3A_3 = arith.constant 0 : i32
    %dma_start3A_4 = tpu.memref_slice %arg2[%add3A, %dma_start3A_3] : memref<32x10240xi32, #tpu.memory_space<hbm>> -> memref<1x10240xi32, #tpu.memory_space<hbm>>
    %dma_start3A_5 = tpu.memref_squeeze %dma_start3A_4 : memref<1x10240xi32, #tpu.memory_space<hbm>> -> memref<10240xi32, #tpu.memory_space<hbm>>
    tpu.enqueue_dma source(%dma_start3A_5 : memref<10240xi32, #tpu.memory_space<hbm>>) target(%arg4 : memref<10240xi32, #tpu.memory_space<vmem>>) target_semaphore(%arg9 : memref<!tpu.dma_semaphore, #tpu.memory_space<semaphore_mem>>)
    %dma_wait3A = arith.constant 0 : i32
    %dma_wait3A_6 = tpu.memref_slice %arg2[%add3A, %dma_wait3A] : memref<32x10240xi32, #tpu.memory_space<hbm>> -> memref<1x10240xi32, #tpu.memory_space<hbm>>
    %dma_wait3A_7 = tpu.memref_squeeze %dma_wait3A_6 : memref<1x10240xi32, #tpu.memory_space<hbm>> -> memref<10240xi32, #tpu.memory_space<hbm>>
    %dma_wait3A_8 = arith.constant 0 : i32
    %dma_wait3A_9 = tpu.memref_slice %arg2[%add3A, %dma_wait3A_8] : memref<32x10240xi32, #tpu.memory_space<hbm>> -> memref<1x10240xi32, #tpu.memory_space<hbm>>
    %dma_wait3A_10 = tpu.memref_squeeze %dma_wait3A_9 : memref<1x10240xi32, #tpu.memory_space<hbm>> -> memref<10240xi32, #tpu.memory_space<hbm>>
    tpu.wait_dma2 semaphore(%arg9 : memref<!tpu.dma_semaphore, #tpu.memory_space<semaphore_mem>>) src(%dma_wait3A_10 : memref<10240xi32, #tpu.memory_space<hbm>>) dst(%arg4 : memref<10240xi32, #tpu.memory_space<vmem>>)
    %broadcast_in_dim3A = arith.constant 0.000000e+00 : f32
    %broadcast_in_dim3A_11 = vector.broadcast %broadcast_in_dim3A : f32 to vector<16xf32>
    %scan3A = arith.constant 0 : i32
    %scan3A_12 = arith.constant 640 : i32
    %scan3A_13 = arith.addi %scan3A, %scan3A_12 : i32
    %scan3A_14 = arith.constant 1 : i32
    scf.for %scan3A_157 = %scan3A to %scan3A_13 step %scan3A_14  : i32 {
      %mul3A_158 = arith.constant 16 : i32
      %mul3A_159 = arith.muli %scan3A_157, %mul3A_158 : i32
      %add3A_160 = arith.constant 0 : i32
      %add3A_161 = arith.addi %add3A_160, %mul3A_159 : i32
      %swap3A = arith.index_cast %add3A_161 : i32 to index
      %swap3A_162 = tpu.vector_load %arg5[%swap3A] {strides = array<i32>} : memref<10240xf32, #tpu.memory_space<vmem>>, vector<16xf32>,
      tpu.vector_store %arg5[%swap3A], %broadcast_in_dim3A_11 {strides = array<i32>} : memref<10240xf32, #tpu.memory_space<vmem>>, vector<16xf32>,
    }
    %scan3A_15 = arith.constant 640 : i32
    %broadcast_in_dim3A_16 = arith.constant 1.000000e+00 : f32
    %broadcast_in_dim3A_17 = vector.broadcast %broadcast_in_dim3A_16 : f32 to vector<16xf32>
    %scan3A_18 = arith.constant 0 : i32
    %scan3A_19 = arith.constant 640 : i32
    %scan3A_20 = arith.addi %scan3A_18, %scan3A_19 : i32
    %scan3A_21 = arith.constant 1 : i32
    scf.for %scan3A_157 = %scan3A_18 to %scan3A_20 step %scan3A_21  : i32 {
      %mul3A_158 = arith.constant 16 : i32
      %mul3A_159 = arith.muli %scan3A_157, %mul3A_158 : i32
      %add3A_160 = arith.constant 0 : i32
      %add3A_161 = arith.addi %add3A_160, %mul3A_159 : i32
      %get3A = arith.index_cast %add3A_161 : i32 to index
      %get3A_162 = tpu.vector_load %arg4[%get3A] {strides = array<i32>} : memref<10240xi32, #tpu.memory_space<vmem>>, vector<16xi32>,
      tpu.vector_store_idx %arg5[%get3A_162], %broadcast_in_dim3A_17 {add = true} : memref<10240xf32, #tpu.memory_space<vmem>>[vector<16xi32>], vector<16xf32>,
    }
    %scan3A_22 = arith.constant 640 : i32
    "tpu.region"() ({
      %run_scoped3A_157 = tpu.sem_alloc : memref<!tpu.dma_semaphore, #tpu.memory_space<semaphore_mem>>
      %dma_start3A_158 = arith.constant 0 : i32
      %dma_start3A_159 = tpu.memref_slice %arg8[%arg1, %dma_start3A_158] : memref<16x10240xf32, #tpu.memory_space<vmem_shared>> -> memref<1x10240xf32, #tpu.memory_space<vmem_shared>>
      %dma_start3A_160 = tpu.memref_squeeze %dma_start3A_159 : memref<1x10240xf32, #tpu.memory_space<vmem_shared>> -> memref<10240xf32, #tpu.memory_space<vmem_shared>>
      %dma_start3A_161 = arith.constant 0 : i32
      %dma_start3A_162 = tpu.memref_slice %arg8[%arg1, %dma_start3A_161] : memref<16x10240xf32, #tpu.memory_space<vmem_shared>> -> memref<1x10240xf32, #tpu.memory_space<vmem_shared>>
      %dma_start3A_163 = tpu.memref_squeeze %dma_start3A_162 : memref<1x10240xf32, #tpu.memory_space<vmem_shared>> -> memref<10240xf32, #tpu.memory_space<vmem_shared>>
      tpu.enqueue_dma source(%arg5 : memref<10240xf32, #tpu.memory_space<vmem>>) target(%dma_start3A_163 : memref<10240xf32, #tpu.memory_space<vmem_shared>>) target_semaphore(%run_scoped3A_157 : memref<!tpu.dma_semaphore, #tpu.memory_space<semaphore_mem>>)
      %dma_wait3A_164 = arith.constant 0 : i32
      %dma_wait3A_165 = tpu.memref_slice %arg8[%arg1, %dma_wait3A_164] : memref<16x10240xf32, #tpu.memory_space<vmem_shared>> -> memref<1x10240xf32, #tpu.memory_space<vmem_shared>>
      %dma_wait3A_166 = tpu.memref_squeeze %dma_wait3A_165 : memref<1x10240xf32, #tpu.memory_space<vmem_shared>> -> memref<10240xf32, #tpu.memory_space<vmem_shared>>
      %dma_wait3A_167 = arith.constant 0 : i32
      %dma_wait3A_168 = tpu.memref_slice %arg8[%arg1, %dma_wait3A_167] : memref<16x10240xf32, #tpu.memory_space<vmem_shared>> -> memref<1x10240xf32, #tpu.memory_space<vmem_shared>>
      %dma_wait3A_169 = tpu.memref_squeeze %dma_wait3A_168 : memref<1x10240xf32, #tpu.memory_space<vmem_shared>> -> memref<10240xf32, #tpu.memory_space<vmem_shared>>
      tpu.wait_dma2 semaphore(%run_scoped3A_157 : memref<!tpu.dma_semaphore, #tpu.memory_space<semaphore_mem>>) src(%arg5 : memref<10240xf32, #tpu.memory_space<vmem>>) dst(%dma_wait3A_169 : memref<10240xf32, #tpu.memory_space<vmem_shared>>)
      tpu.yield
    }) : () -> ()
    %barrier3A = arith.constant 0 : index
    tpu.barrier barrier_id(%barrier3A)
    %scan3A_23 = arith.constant 0 : i32
    %scan3A_24 = arith.constant 40 : i32
    %scan3A_25 = arith.addi %scan3A_23, %scan3A_24 : i32
    %scan3A_26 = arith.constant 1 : i32
    scf.for %scan3A_157 = %scan3A_23 to %scan3A_25 step %scan3A_26  : i32 {
      %mul3A_158 = arith.constant 16 : i32
      %mul3A_159 = arith.muli %scan3A_157, %mul3A_158 : i32
      %add3A_160 = arith.constant 0 : i32
      %add3A_161 = arith.addi %add3A_160, %mul3A_159 : i32
      %swap3A = arith.index_cast %add3A_161 : i32 to index
      %swap3A_162 = tpu.vector_load %arg7[%swap3A] {strides = array<i32>} : memref<640xf32, #tpu.memory_space<vmem>>, vector<16xf32>,
      tpu.vector_store %arg7[%swap3A], %broadcast_in_dim3A_11 {strides = array<i32>} : memref<640xf32, #tpu.memory_space<vmem>>, vector<16xf32>,
    }
    %scan3A_27 = arith.constant 40 : i32
    %mul3A_28 = arith.constant 640 : i32
    %mul3A_29 = arith.muli %arg1, %mul3A_28 : i32
    %run_scoped3A = arith.constant 0 : i32
    "tpu.region"() ({
      %run_scoped3A_157 = tpu.sem_alloc : memref<!tpu.dma_semaphore, #tpu.memory_space<semaphore_mem>>
      %dma_start3A_158 = tpu.memref_slice %arg8[%run_scoped3A, %mul3A_29] : memref<16x10240xf32, #tpu.memory_space<vmem_shared>> -> memref<1x640xf32, #tpu.memory_space<vmem_shared>>
      %dma_start3A_159 = tpu.memref_squeeze %dma_start3A_158 : memref<1x640xf32, #tpu.memory_space<vmem_shared>> -> memref<640xf32, #tpu.memory_space<vmem_shared>>
      %dma_start3A_160 = tpu.memref_slice %arg8[%run_scoped3A, %mul3A_29] : memref<16x10240xf32, #tpu.memory_space<vmem_shared>> -> memref<1x640xf32, #tpu.memory_space<vmem_shared>>
      %dma_start3A_161 = tpu.memref_squeeze %dma_start3A_160 : memref<1x640xf32, #tpu.memory_space<vmem_shared>> -> memref<640xf32, #tpu.memory_space<vmem_shared>>
      tpu.enqueue_dma source(%dma_start3A_161 : memref<640xf32, #tpu.memory_space<vmem_shared>>) target(%arg6 : memref<640xf32, #tpu.memory_space<vmem>>) target_semaphore(%run_scoped3A_157 : memref<!tpu.dma_semaphore, #tpu.memory_space<semaphore_mem>>)
      %dma_wait3A_162 = tpu.memref_slice %arg8[%run_scoped3A, %mul3A_29] : memref<16x10240xf32, #tpu.memory_space<vmem_shared>> -> memref<1x640xf32, #tpu.memory_space<vmem_shared>>
      %dma_wait3A_163 = tpu.memref_squeeze %dma_wait3A_162 : memref<1x640xf32, #tpu.memory_space<vmem_shared>> -> memref<640xf32, #tpu.memory_space<vmem_shared>>
      %dma_wait3A_164 = tpu.memref_slice %arg8[%run_scoped3A, %mul3A_29] : memref<16x10240xf32, #tpu.memory_space<vmem_shared>> -> memref<1x640xf32, #tpu.memory_space<vmem_shared>>
      %dma_wait3A_165 = tpu.memref_squeeze %dma_wait3A_164 : memref<1x640xf32, #tpu.memory_space<vmem_shared>> -> memref<640xf32, #tpu.memory_space<vmem_shared>>
      tpu.wait_dma2 semaphore(%run_scoped3A_157 : memref<!tpu.dma_semaphore, #tpu.memory_space<semaphore_mem>>) src(%dma_wait3A_165 : memref<640xf32, #tpu.memory_space<vmem_shared>>) dst(%arg6 : memref<640xf32, #tpu.memory_space<vmem>>)
      tpu.yield
    }) : () -> ()
    %scan3A_30 = arith.constant 0 : i32
    %scan3A_31 = arith.constant 40 : i32
    %scan3A_32 = arith.addi %scan3A_30, %scan3A_31 : i32
    %scan3A_33 = arith.constant 1 : i32
    scf.for %scan3A_157 = %scan3A_30 to %scan3A_32 step %scan3A_33  : i32 {
      %mul3A_158 = arith.constant 16 : i32
      %mul3A_159 = arith.muli %scan3A_157, %mul3A_158 : i32
      %add3A_160 = arith.constant 0 : i32
      %add3A_161 = arith.addi %add3A_160, %mul3A_159 : i32
      %get3A = arith.index_cast %add3A_161 : i32 to index
      %get3A_162 = tpu.vector_load %arg7[%get3A] {strides = array<i32>} : memref<640xf32, #tpu.memory_space<vmem>>, vector<16xf32>,
      %get3A_163 = arith.index_cast %add3A_161 : i32 to index
      %get3A_164 = tpu.vector_load %arg6[%get3A_163] {strides = array<i32>} : memref<640xf32, #tpu.memory_space<vmem>>, vector<16xf32>,
      %add3A_165 = arith.addf %get3A_162, %get3A_164 : vector<16xf32>
      %swap3A = arith.index_cast %add3A_161 : i32 to index
      %swap3A_166 = tpu.vector_load %arg7[%swap3A] {strides = array<i32>} : memref<640xf32, #tpu.memory_space<vmem>>, vector<16xf32>,
      tpu.vector_store %arg7[%swap3A], %add3A_165 {strides = array<i32>} : memref<640xf32, #tpu.memory_space<vmem>>, vector<16xf32>,
    }
    %scan3A_34 = arith.constant 40 : i32
    %mul3A_35 = arith.constant 640 : i32
    %mul3A_36 = arith.muli %arg1, %mul3A_35 : i32
    %run_scoped3A_37 = arith.constant 1 : i32
    "tpu.region"() ({
      %run_scoped3A_157 = tpu.sem_alloc : memref<!tpu.dma_semaphore, #tpu.memory_space<semaphore_mem>>
      %dma_start3A_158 = tpu.memref_slice %arg8[%run_scoped3A_37, %mul3A_36] : memref<16x10240xf32, #tpu.memory_space<vmem_shared>> -> memref<1x640xf32, #tpu.memory_space<vmem_shared>>
      %dma_start3A_159 = tpu.memref_squeeze %dma_start3A_158 : memref<1x640xf32, #tpu.memory_space<vmem_shared>> -> memref<640xf32, #tpu.memory_space<vmem_shared>>
      %dma_start3A_160 = tpu.memref_slice %arg8[%run_scoped3A_37, %mul3A_36] : memref<16x10240xf32, #tpu.memory_space<vmem_shared>> -> memref<1x640xf32, #tpu.memory_space<vmem_shared>>
      %dma_start3A_161 = tpu.memref_squeeze %dma_start3A_160 : memref<1x640xf32, #tpu.memory_space<vmem_shared>> -> memref<640xf32, #tpu.memory_space<vmem_shared>>
      tpu.enqueue_dma source(%dma_start3A_161 : memref<640xf32, #tpu.memory_space<vmem_shared>>) target(%arg6 : memref<640xf32, #tpu.memory_space<vmem>>) target_semaphore(%run_scoped3A_157 : memref<!tpu.dma_semaphore, #tpu.memory_space<semaphore_mem>>)
      %dma_wait3A_162 = tpu.memref_slice %arg8[%run_scoped3A_37, %mul3A_36] : memref<16x10240xf32, #tpu.memory_space<vmem_shared>> -> memref<1x640xf32, #tpu.memory_space<vmem_shared>>
      %dma_wait3A_163 = tpu.memref_squeeze %dma_wait3A_162 : memref<1x640xf32, #tpu.memory_space<vmem_shared>> -> memref<640xf32, #tpu.memory_space<vmem_shared>>
      %dma_wait3A_164 = tpu.memref_slice %arg8[%run_scoped3A_37, %mul3A_36] : memref<16x10240xf32, #tpu.memory_space<vmem_shared>> -> memref<1x640xf32, #tpu.memory_space<vmem_shared>>
      %dma_wait3A_165 = tpu.memref_squeeze %dma_wait3A_164 : memref<1x640xf32, #tpu.memory_space<vmem_shared>> -> memref<640xf32, #tpu.memory_space<vmem_shared>>
      tpu.wait_dma2 semaphore(%run_scoped3A_157 : memref<!tpu.dma_semaphore, #tpu.memory_space<semaphore_mem>>) src(%dma_wait3A_165 : memref<640xf32, #tpu.memory_space<vmem_shared>>) dst(%arg6 : memref<640xf32, #tpu.memory_space<vmem>>)
      tpu.yield
    }) : () -> ()
    %scan3A_38 = arith.constant 0 : i32
    %scan3A_39 = arith.constant 40 : i32
    %scan3A_40 = arith.addi %scan3A_38, %scan3A_39 : i32
    %scan3A_41 = arith.constant 1 : i32
    scf.for %scan3A_157 = %scan3A_38 to %scan3A_40 step %scan3A_41  : i32 {
      %mul3A_158 = arith.constant 16 : i32
      %mul3A_159 = arith.muli %scan3A_157, %mul3A_158 : i32
      %add3A_160 = arith.constant 0 : i32
      %add3A_161 = arith.addi %add3A_160, %mul3A_159 : i32
      %get3A = arith.index_cast %add3A_161 : i32 to index
      %get3A_162 = tpu.vector_load %arg7[%get3A] {strides = array<i32>} : memref<640xf32, #tpu.memory_space<vmem>>, vector<16xf32>,
      %get3A_163 = arith.index_cast %add3A_161 : i32 to index
      %get3A_164 = tpu.vector_load %arg6[%get3A_163] {strides = array<i32>} : memref<640xf32, #tpu.memory_space<vmem>>, vector<16xf32>,
      %add3A_165 = arith.addf %get3A_162, %get3A_164 : vector<16xf32>
      %swap3A = arith.index_cast %add3A_161 : i32 to index
      %swap3A_166 = tpu.vector_load %arg7[%swap3A] {strides = array<i32>} : memref<640xf32, #tpu.memory_space<vmem>>, vector<16xf32>,
      tpu.vector_store %arg7[%swap3A], %add3A_165 {strides = array<i32>} : memref<640xf32, #tpu.memory_space<vmem>>, vector<16xf32>,
    }
    %scan3A_42 = arith.constant 40 : i32
    %mul3A_43 = arith.constant 640 : i32
    %mul3A_44 = arith.muli %arg1, %mul3A_43 : i32
    %run_scoped3A_45 = arith.constant 2 : i32
    "tpu.region"() ({
      %run_scoped3A_157 = tpu.sem_alloc : memref<!tpu.dma_semaphore, #tpu.memory_space<semaphore_mem>>
      %dma_start3A_158 = tpu.memref_slice %arg8[%run_scoped3A_45, %mul3A_44] : memref<16x10240xf32, #tpu.memory_space<vmem_shared>> -> memref<1x640xf32, #tpu.memory_space<vmem_shared>>
      %dma_start3A_159 = tpu.memref_squeeze %dma_start3A_158 : memref<1x640xf32, #tpu.memory_space<vmem_shared>> -> memref<640xf32, #tpu.memory_space<vmem_shared>>
      %dma_start3A_160 = tpu.memref_slice %arg8[%run_scoped3A_45, %mul3A_44] : memref<16x10240xf32, #tpu.memory_space<vmem_shared>> -> memref<1x640xf32, #tpu.memory_space<vmem_shared>>
      %dma_start3A_161 = tpu.memref_squeeze %dma_start3A_160 : memref<1x640xf32, #tpu.memory_space<vmem_shared>> -> memref<640xf32, #tpu.memory_space<vmem_shared>>
      tpu.enqueue_dma source(%dma_start3A_161 : memref<640xf32, #tpu.memory_space<vmem_shared>>) target(%arg6 : memref<640xf32, #tpu.memory_space<vmem>>) target_semaphore(%run_scoped3A_157 : memref<!tpu.dma_semaphore, #tpu.memory_space<semaphore_mem>>)
      %dma_wait3A_162 = tpu.memref_slice %arg8[%run_scoped3A_45, %mul3A_44] : memref<16x10240xf32, #tpu.memory_space<vmem_shared>> -> memref<1x640xf32, #tpu.memory_space<vmem_shared>>
      %dma_wait3A_163 = tpu.memref_squeeze %dma_wait3A_162 : memref<1x640xf32, #tpu.memory_space<vmem_shared>> -> memref<640xf32, #tpu.memory_space<vmem_shared>>
      %dma_wait3A_164 = tpu.memref_slice %arg8[%run_scoped3A_45, %mul3A_44] : memref<16x10240xf32, #tpu.memory_space<vmem_shared>> -> memref<1x640xf32, #tpu.memory_space<vmem_shared>>
      %dma_wait3A_165 = tpu.memref_squeeze %dma_wait3A_164 : memref<1x640xf32, #tpu.memory_space<vmem_shared>> -> memref<640xf32, #tpu.memory_space<vmem_shared>>
      tpu.wait_dma2 semaphore(%run_scoped3A_157 : memref<!tpu.dma_semaphore, #tpu.memory_space<semaphore_mem>>) src(%dma_wait3A_165 : memref<640xf32, #tpu.memory_space<vmem_shared>>) dst(%arg6 : memref<640xf32, #tpu.memory_space<vmem>>)
      tpu.yield
    }) : () -> ()
    %scan3A_46 = arith.constant 0 : i32
    %scan3A_47 = arith.constant 40 : i32
    %scan3A_48 = arith.addi %scan3A_46, %scan3A_47 : i32
    %scan3A_49 = arith.constant 1 : i32
    scf.for %scan3A_157 = %scan3A_46 to %scan3A_48 step %scan3A_49  : i32 {
      %mul3A_158 = arith.constant 16 : i32
      %mul3A_159 = arith.muli %scan3A_157, %mul3A_158 : i32
      %add3A_160 = arith.constant 0 : i32
      %add3A_161 = arith.addi %add3A_160, %mul3A_159 : i32
      %get3A = arith.index_cast %add3A_161 : i32 to index
      %get3A_162 = tpu.vector_load %arg7[%get3A] {strides = array<i32>} : memref<640xf32, #tpu.memory_space<vmem>>, vector<16xf32>,
      %get3A_163 = arith.index_cast %add3A_161 : i32 to index
      %get3A_164 = tpu.vector_load %arg6[%get3A_163] {strides = array<i32>} : memref<640xf32, #tpu.memory_space<vmem>>, vector<16xf32>,
      %add3A_165 = arith.addf %get3A_162, %get3A_164 : vector<16xf32>
      %swap3A = arith.index_cast %add3A_161 : i32 to index
      %swap3A_166 = tpu.vector_load %arg7[%swap3A] {strides = array<i32>} : memref<640xf32, #tpu.memory_space<vmem>>, vector<16xf32>,
      tpu.vector_store %arg7[%swap3A], %add3A_165 {strides = array<i32>} : memref<640xf32, #tpu.memory_space<vmem>>, vector<16xf32>,
    }
    %scan3A_50 = arith.constant 40 : i32
    %mul3A_51 = arith.constant 640 : i32
    %mul3A_52 = arith.muli %arg1, %mul3A_51 : i32
    %run_scoped3A_53 = arith.constant 3 : i32
    "tpu.region"() ({
      %run_scoped3A_157 = tpu.sem_alloc : memref<!tpu.dma_semaphore, #tpu.memory_space<semaphore_mem>>
      %dma_start3A_158 = tpu.memref_slice %arg8[%run_scoped3A_53, %mul3A_52] : memref<16x10240xf32, #tpu.memory_space<vmem_shared>> -> memref<1x640xf32, #tpu.memory_space<vmem_shared>>
      %dma_start3A_159 = tpu.memref_squeeze %dma_start3A_158 : memref<1x640xf32, #tpu.memory_space<vmem_shared>> -> memref<640xf32, #tpu.memory_space<vmem_shared>>
      %dma_start3A_160 = tpu.memref_slice %arg8[%run_scoped3A_53, %mul3A_52] : memref<16x10240xf32, #tpu.memory_space<vmem_shared>> -> memref<1x640xf32, #tpu.memory_space<vmem_shared>>
      %dma_start3A_161 = tpu.memref_squeeze %dma_start3A_160 : memref<1x640xf32, #tpu.memory_space<vmem_shared>> -> memref<640xf32, #tpu.memory_space<vmem_shared>>
      tpu.enqueue_dma source(%dma_start3A_161 : memref<640xf32, #tpu.memory_space<vmem_shared>>) target(%arg6 : memref<640xf32, #tpu.memory_space<vmem>>) target_semaphore(%run_scoped3A_157 : memref<!tpu.dma_semaphore, #tpu.memory_space<semaphore_mem>>)
      %dma_wait3A_162 = tpu.memref_slice %arg8[%run_scoped3A_53, %mul3A_52] : memref<16x10240xf32, #tpu.memory_space<vmem_shared>> -> memref<1x640xf32, #tpu.memory_space<vmem_shared>>
      %dma_wait3A_163 = tpu.memref_squeeze %dma_wait3A_162 : memref<1x640xf32, #tpu.memory_space<vmem_shared>> -> memref<640xf32, #tpu.memory_space<vmem_shared>>
      %dma_wait3A_164 = tpu.memref_slice %arg8[%run_scoped3A_53, %mul3A_52] : memref<16x10240xf32, #tpu.memory_space<vmem_shared>> -> memref<1x640xf32, #tpu.memory_space<vmem_shared>>
      %dma_wait3A_165 = tpu.memref_squeeze %dma_wait3A_164 : memref<1x640xf32, #tpu.memory_space<vmem_shared>> -> memref<640xf32, #tpu.memory_space<vmem_shared>>
      tpu.wait_dma2 semaphore(%run_scoped3A_157 : memref<!tpu.dma_semaphore, #tpu.memory_space<semaphore_mem>>) src(%dma_wait3A_165 : memref<640xf32, #tpu.memory_space<vmem_shared>>) dst(%arg6 : memref<640xf32, #tpu.memory_space<vmem>>)
      tpu.yield
    }) : () -> ()
    %scan3A_54 = arith.constant 0 : i32
    %scan3A_55 = arith.constant 40 : i32
    %scan3A_56 = arith.addi %scan3A_54, %scan3A_55 : i32
    %scan3A_57 = arith.constant 1 : i32
    scf.for %scan3A_157 = %scan3A_54 to %scan3A_56 step %scan3A_57  : i32 {
      %mul3A_158 = arith.constant 16 : i32
      %mul3A_159 = arith.muli %scan3A_157, %mul3A_158 : i32
      %add3A_160 = arith.constant 0 : i32
      %add3A_161 = arith.addi %add3A_160, %mul3A_159 : i32
      %get3A = arith.index_cast %add3A_161 : i32 to index
      %get3A_162 = tpu.vector_load %arg7[%get3A] {strides = array<i32>} : memref<640xf32, #tpu.memory_space<vmem>>, vector<16xf32>,
      %get3A_163 = arith.index_cast %add3A_161 : i32 to index
      %get3A_164 = tpu.vector_load %arg6[%get3A_163] {strides = array<i32>} : memref<640xf32, #tpu.memory_space<vmem>>, vector<16xf32>,
      %add3A_165 = arith.addf %get3A_162, %get3A_164 : vector<16xf32>
      %swap3A = arith.index_cast %add3A_161 : i32 to index
      %swap3A_166 = tpu.vector_load %arg7[%swap3A] {strides = array<i32>} : memref<640xf32, #tpu.memory_space<vmem>>, vector<16xf32>,
      tpu.vector_store %arg7[%swap3A], %add3A_165 {strides = array<i32>} : memref<640xf32, #tpu.memory_space<vmem>>, vector<16xf32>,
    }
    %scan3A_58 = arith.constant 40 : i32
    %mul3A_59 = arith.constant 640 : i32
    %mul3A_60 = arith.muli %arg1, %mul3A_59 : i32
    %run_scoped3A_61 = arith.constant 4 : i32
    "tpu.region"() ({
      %run_scoped3A_157 = tpu.sem_alloc : memref<!tpu.dma_semaphore, #tpu.memory_space<semaphore_mem>>
      %dma_start3A_158 = tpu.memref_slice %arg8[%run_scoped3A_61, %mul3A_60] : memref<16x10240xf32, #tpu.memory_space<vmem_shared>> -> memref<1x640xf32, #tpu.memory_space<vmem_shared>>
      %dma_start3A_159 = tpu.memref_squeeze %dma_start3A_158 : memref<1x640xf32, #tpu.memory_space<vmem_shared>> -> memref<640xf32, #tpu.memory_space<vmem_shared>>
      %dma_start3A_160 = tpu.memref_slice %arg8[%run_scoped3A_61, %mul3A_60] : memref<16x10240xf32, #tpu.memory_space<vmem_shared>> -> memref<1x640xf32, #tpu.memory_space<vmem_shared>>
      %dma_start3A_161 = tpu.memref_squeeze %dma_start3A_160 : memref<1x640xf32, #tpu.memory_space<vmem_shared>> -> memref<640xf32, #tpu.memory_space<vmem_shared>>
      tpu.enqueue_dma source(%dma_start3A_161 : memref<640xf32, #tpu.memory_space<vmem_shared>>) target(%arg6 : memref<640xf32, #tpu.memory_space<vmem>>) target_semaphore(%run_scoped3A_157 : memref<!tpu.dma_semaphore, #tpu.memory_space<semaphore_mem>>)
      %dma_wait3A_162 = tpu.memref_slice %arg8[%run_scoped3A_61, %mul3A_60] : memref<16x10240xf32, #tpu.memory_space<vmem_shared>> -> memref<1x640xf32, #tpu.memory_space<vmem_shared>>
      %dma_wait3A_163 = tpu.memref_squeeze %dma_wait3A_162 : memref<1x640xf32, #tpu.memory_space<vmem_shared>> -> memref<640xf32, #tpu.memory_space<vmem_shared>>
      %dma_wait3A_164 = tpu.memref_slice %arg8[%run_scoped3A_61, %mul3A_60] : memref<16x10240xf32, #tpu.memory_space<vmem_shared>> -> memref<1x640xf32, #tpu.memory_space<vmem_shared>>
      %dma_wait3A_165 = tpu.memref_squeeze %dma_wait3A_164 : memref<1x640xf32, #tpu.memory_space<vmem_shared>> -> memref<640xf32, #tpu.memory_space<vmem_shared>>
      tpu.wait_dma2 semaphore(%run_scoped3A_157 : memref<!tpu.dma_semaphore, #tpu.memory_space<semaphore_mem>>) src(%dma_wait3A_165 : memref<640xf32, #tpu.memory_space<vmem_shared>>) dst(%arg6 : memref<640xf32, #tpu.memory_space<vmem>>)
      tpu.yield
    }) : () -> ()
    %scan3A_62 = arith.constant 0 : i32
    %scan3A_63 = arith.constant 40 : i32
    %scan3A_64 = arith.addi %scan3A_62, %scan3A_63 : i32
    %scan3A_65 = arith.constant 1 : i32
    scf.for %scan3A_157 = %scan3A_62 to %scan3A_64 step %scan3A_65  : i32 {
      %mul3A_158 = arith.constant 16 : i32
      %mul3A_159 = arith.muli %scan3A_157, %mul3A_158 : i32
      %add3A_160 = arith.constant 0 : i32
      %add3A_161 = arith.addi %add3A_160, %mul3A_159 : i32
      %get3A = arith.index_cast %add3A_161 : i32 to index
      %get3A_162 = tpu.vector_load %arg7[%get3A] {strides = array<i32>} : memref<640xf32, #tpu.memory_space<vmem>>, vector<16xf32>,
      %get3A_163 = arith.index_cast %add3A_161 : i32 to index
      %get3A_164 = tpu.vector_load %arg6[%get3A_163] {strides = array<i32>} : memref<640xf32, #tpu.memory_space<vmem>>, vector<16xf32>,
      %add3A_165 = arith.addf %get3A_162, %get3A_164 : vector<16xf32>
      %swap3A = arith.index_cast %add3A_161 : i32 to index
      %swap3A_166 = tpu.vector_load %arg7[%swap3A] {strides = array<i32>} : memref<640xf32, #tpu.memory_space<vmem>>, vector<16xf32>,
      tpu.vector_store %arg7[%swap3A], %add3A_165 {strides = array<i32>} : memref<640xf32, #tpu.memory_space<vmem>>, vector<16xf32>,
    }
    %scan3A_66 = arith.constant 40 : i32
    %mul3A_67 = arith.constant 640 : i32
    %mul3A_68 = arith.muli %arg1, %mul3A_67 : i32
    %run_scoped3A_69 = arith.constant 5 : i32
    "tpu.region"() ({
      %run_scoped3A_157 = tpu.sem_alloc : memref<!tpu.dma_semaphore, #tpu.memory_space<semaphore_mem>>
      %dma_start3A_158 = tpu.memref_slice %arg8[%run_scoped3A_69, %mul3A_68] : memref<16x10240xf32, #tpu.memory_space<vmem_shared>> -> memref<1x640xf32, #tpu.memory_space<vmem_shared>>
      %dma_start3A_159 = tpu.memref_squeeze %dma_start3A_158 : memref<1x640xf32, #tpu.memory_space<vmem_shared>> -> memref<640xf32, #tpu.memory_space<vmem_shared>>
      %dma_start3A_160 = tpu.memref_slice %arg8[%run_scoped3A_69, %mul3A_68] : memref<16x10240xf32, #tpu.memory_space<vmem_shared>> -> memref<1x640xf32, #tpu.memory_space<vmem_shared>>
      %dma_start3A_161 = tpu.memref_squeeze %dma_start3A_160 : memref<1x640xf32, #tpu.memory_space<vmem_shared>> -> memref<640xf32, #tpu.memory_space<vmem_shared>>
      tpu.enqueue_dma source(%dma_start3A_161 : memref<640xf32, #tpu.memory_space<vmem_shared>>) target(%arg6 : memref<640xf32, #tpu.memory_space<vmem>>) target_semaphore(%run_scoped3A_157 : memref<!tpu.dma_semaphore, #tpu.memory_space<semaphore_mem>>)
      %dma_wait3A_162 = tpu.memref_slice %arg8[%run_scoped3A_69, %mul3A_68] : memref<16x10240xf32, #tpu.memory_space<vmem_shared>> -> memref<1x640xf32, #tpu.memory_space<vmem_shared>>
      %dma_wait3A_163 = tpu.memref_squeeze %dma_wait3A_162 : memref<1x640xf32, #tpu.memory_space<vmem_shared>> -> memref<640xf32, #tpu.memory_space<vmem_shared>>
      %dma_wait3A_164 = tpu.memref_slice %arg8[%run_scoped3A_69, %mul3A_68] : memref<16x10240xf32, #tpu.memory_space<vmem_shared>> -> memref<1x640xf32, #tpu.memory_space<vmem_shared>>
      %dma_wait3A_165 = tpu.memref_squeeze %dma_wait3A_164 : memref<1x640xf32, #tpu.memory_space<vmem_shared>> -> memref<640xf32, #tpu.memory_space<vmem_shared>>
      tpu.wait_dma2 semaphore(%run_scoped3A_157 : memref<!tpu.dma_semaphore, #tpu.memory_space<semaphore_mem>>) src(%dma_wait3A_165 : memref<640xf32, #tpu.memory_space<vmem_shared>>) dst(%arg6 : memref<640xf32, #tpu.memory_space<vmem>>)
      tpu.yield
    }) : () -> ()
    %scan3A_70 = arith.constant 0 : i32
    %scan3A_71 = arith.constant 40 : i32
    %scan3A_72 = arith.addi %scan3A_70, %scan3A_71 : i32
    %scan3A_73 = arith.constant 1 : i32
    scf.for %scan3A_157 = %scan3A_70 to %scan3A_72 step %scan3A_73  : i32 {
      %mul3A_158 = arith.constant 16 : i32
      %mul3A_159 = arith.muli %scan3A_157, %mul3A_158 : i32
      %add3A_160 = arith.constant 0 : i32
      %add3A_161 = arith.addi %add3A_160, %mul3A_159 : i32
      %get3A = arith.index_cast %add3A_161 : i32 to index
      %get3A_162 = tpu.vector_load %arg7[%get3A] {strides = array<i32>} : memref<640xf32, #tpu.memory_space<vmem>>, vector<16xf32>,
      %get3A_163 = arith.index_cast %add3A_161 : i32 to index
      %get3A_164 = tpu.vector_load %arg6[%get3A_163] {strides = array<i32>} : memref<640xf32, #tpu.memory_space<vmem>>, vector<16xf32>,
      %add3A_165 = arith.addf %get3A_162, %get3A_164 : vector<16xf32>
      %swap3A = arith.index_cast %add3A_161 : i32 to index
      %swap3A_166 = tpu.vector_load %arg7[%swap3A] {strides = array<i32>} : memref<640xf32, #tpu.memory_space<vmem>>, vector<16xf32>,
      tpu.vector_store %arg7[%swap3A], %add3A_165 {strides = array<i32>} : memref<640xf32, #tpu.memory_space<vmem>>, vector<16xf32>,
    }
    %scan3A_74 = arith.constant 40 : i32
    %mul3A_75 = arith.constant 640 : i32
    %mul3A_76 = arith.muli %arg1, %mul3A_75 : i32
    %run_scoped3A_77 = arith.constant 6 : i32
    "tpu.region"() ({
      %run_scoped3A_157 = tpu.sem_alloc : memref<!tpu.dma_semaphore, #tpu.memory_space<semaphore_mem>>
      %dma_start3A_158 = tpu.memref_slice %arg8[%run_scoped3A_77, %mul3A_76] : memref<16x10240xf32, #tpu.memory_space<vmem_shared>> -> memref<1x640xf32, #tpu.memory_space<vmem_shared>>
      %dma_start3A_159 = tpu.memref_squeeze %dma_start3A_158 : memref<1x640xf32, #tpu.memory_space<vmem_shared>> -> memref<640xf32, #tpu.memory_space<vmem_shared>>
      %dma_start3A_160 = tpu.memref_slice %arg8[%run_scoped3A_77, %mul3A_76] : memref<16x10240xf32, #tpu.memory_space<vmem_shared>> -> memref<1x640xf32, #tpu.memory_space<vmem_shared>>
      %dma_start3A_161 = tpu.memref_squeeze %dma_start3A_160 : memref<1x640xf32, #tpu.memory_space<vmem_shared>> -> memref<640xf32, #tpu.memory_space<vmem_shared>>
      tpu.enqueue_dma source(%dma_start3A_161 : memref<640xf32, #tpu.memory_space<vmem_shared>>) target(%arg6 : memref<640xf32, #tpu.memory_space<vmem>>) target_semaphore(%run_scoped3A_157 : memref<!tpu.dma_semaphore, #tpu.memory_space<semaphore_mem>>)
      %dma_wait3A_162 = tpu.memref_slice %arg8[%run_scoped3A_77, %mul3A_76] : memref<16x10240xf32, #tpu.memory_space<vmem_shared>> -> memref<1x640xf32, #tpu.memory_space<vmem_shared>>
      %dma_wait3A_163 = tpu.memref_squeeze %dma_wait3A_162 : memref<1x640xf32, #tpu.memory_space<vmem_shared>> -> memref<640xf32, #tpu.memory_space<vmem_shared>>
      %dma_wait3A_164 = tpu.memref_slice %arg8[%run_scoped3A_77, %mul3A_76] : memref<16x10240xf32, #tpu.memory_space<vmem_shared>> -> memref<1x640xf32, #tpu.memory_space<vmem_shared>>
      %dma_wait3A_165 = tpu.memref_squeeze %dma_wait3A_164 : memref<1x640xf32, #tpu.memory_space<vmem_shared>> -> memref<640xf32, #tpu.memory_space<vmem_shared>>
      tpu.wait_dma2 semaphore(%run_scoped3A_157 : memref<!tpu.dma_semaphore, #tpu.memory_space<semaphore_mem>>) src(%dma_wait3A_165 : memref<640xf32, #tpu.memory_space<vmem_shared>>) dst(%arg6 : memref<640xf32, #tpu.memory_space<vmem>>)
      tpu.yield
    }) : () -> ()
    %scan3A_78 = arith.constant 0 : i32
    %scan3A_79 = arith.constant 40 : i32
    %scan3A_80 = arith.addi %scan3A_78, %scan3A_79 : i32
    %scan3A_81 = arith.constant 1 : i32
    scf.for %scan3A_157 = %scan3A_78 to %scan3A_80 step %scan3A_81  : i32 {
      %mul3A_158 = arith.constant 16 : i32
      %mul3A_159 = arith.muli %scan3A_157, %mul3A_158 : i32
      %add3A_160 = arith.constant 0 : i32
      %add3A_161 = arith.addi %add3A_160, %mul3A_159 : i32
      %get3A = arith.index_cast %add3A_161 : i32 to index
      %get3A_162 = tpu.vector_load %arg7[%get3A] {strides = array<i32>} : memref<640xf32, #tpu.memory_space<vmem>>, vector<16xf32>,
      %get3A_163 = arith.index_cast %add3A_161 : i32 to index
      %get3A_164 = tpu.vector_load %arg6[%get3A_163] {strides = array<i32>} : memref<640xf32, #tpu.memory_space<vmem>>, vector<16xf32>,
      %add3A_165 = arith.addf %get3A_162, %get3A_164 : vector<16xf32>
      %swap3A = arith.index_cast %add3A_161 : i32 to index
      %swap3A_166 = tpu.vector_load %arg7[%swap3A] {strides = array<i32>} : memref<640xf32, #tpu.memory_space<vmem>>, vector<16xf32>,
      tpu.vector_store %arg7[%swap3A], %add3A_165 {strides = array<i32>} : memref<640xf32, #tpu.memory_space<vmem>>, vector<16xf32>,
    }
    %scan3A_82 = arith.constant 40 : i32
    %mul3A_83 = arith.constant 640 : i32
    %mul3A_84 = arith.muli %arg1, %mul3A_83 : i32
    %run_scoped3A_85 = arith.constant 7 : i32
    "tpu.region"() ({
      %run_scoped3A_157 = tpu.sem_alloc : memref<!tpu.dma_semaphore, #tpu.memory_space<semaphore_mem>>
      %dma_start3A_158 = tpu.memref_slice %arg8[%run_scoped3A_85, %mul3A_84] : memref<16x10240xf32, #tpu.memory_space<vmem_shared>> -> memref<1x640xf32, #tpu.memory_space<vmem_shared>>
      %dma_start3A_159 = tpu.memref_squeeze %dma_start3A_158 : memref<1x640xf32, #tpu.memory_space<vmem_shared>> -> memref<640xf32, #tpu.memory_space<vmem_shared>>
      %dma_start3A_160 = tpu.memref_slice %arg8[%run_scoped3A_85, %mul3A_84] : memref<16x10240xf32, #tpu.memory_space<vmem_shared>> -> memref<1x640xf32, #tpu.memory_space<vmem_shared>>
      %dma_start3A_161 = tpu.memref_squeeze %dma_start3A_160 : memref<1x640xf32, #tpu.memory_space<vmem_shared>> -> memref<640xf32, #tpu.memory_space<vmem_shared>>
      tpu.enqueue_dma source(%dma_start3A_161 : memref<640xf32, #tpu.memory_space<vmem_shared>>) target(%arg6 : memref<640xf32, #tpu.memory_space<vmem>>) target_semaphore(%run_scoped3A_157 : memref<!tpu.dma_semaphore, #tpu.memory_space<semaphore_mem>>)
      %dma_wait3A_162 = tpu.memref_slice %arg8[%run_scoped3A_85, %mul3A_84] : memref<16x10240xf32, #tpu.memory_space<vmem_shared>> -> memref<1x640xf32, #tpu.memory_space<vmem_shared>>
      %dma_wait3A_163 = tpu.memref_squeeze %dma_wait3A_162 : memref<1x640xf32, #tpu.memory_space<vmem_shared>> -> memref<640xf32, #tpu.memory_space<vmem_shared>>
      %dma_wait3A_164 = tpu.memref_slice %arg8[%run_scoped3A_85, %mul3A_84] : memref<16x10240xf32, #tpu.memory_space<vmem_shared>> -> memref<1x640xf32, #tpu.memory_space<vmem_shared>>
      %dma_wait3A_165 = tpu.memref_squeeze %dma_wait3A_164 : memref<1x640xf32, #tpu.memory_space<vmem_shared>> -> memref<640xf32, #tpu.memory_space<vmem_shared>>
      tpu.wait_dma2 semaphore(%run_scoped3A_157 : memref<!tpu.dma_semaphore, #tpu.memory_space<semaphore_mem>>) src(%dma_wait3A_165 : memref<640xf32, #tpu.memory_space<vmem_shared>>) dst(%arg6 : memref<640xf32, #tpu.memory_space<vmem>>)
      tpu.yield
    }) : () -> ()
    %scan3A_86 = arith.constant 0 : i32
    %scan3A_87 = arith.constant 40 : i32
    %scan3A_88 = arith.addi %scan3A_86, %scan3A_87 : i32
    %scan3A_89 = arith.constant 1 : i32
    scf.for %scan3A_157 = %scan3A_86 to %scan3A_88 step %scan3A_89  : i32 {
      %mul3A_158 = arith.constant 16 : i32
      %mul3A_159 = arith.muli %scan3A_157, %mul3A_158 : i32
      %add3A_160 = arith.constant 0 : i32
      %add3A_161 = arith.addi %add3A_160, %mul3A_159 : i32
      %get3A = arith.index_cast %add3A_161 : i32 to index
      %get3A_162 = tpu.vector_load %arg7[%get3A] {strides = array<i32>} : memref<640xf32, #tpu.memory_space<vmem>>, vector<16xf32>,
      %get3A_163 = arith.index_cast %add3A_161 : i32 to index
      %get3A_164 = tpu.vector_load %arg6[%get3A_163] {strides = array<i32>} : memref<640xf32, #tpu.memory_space<vmem>>, vector<16xf32>,
      %add3A_165 = arith.addf %get3A_162, %get3A_164 : vector<16xf32>
      %swap3A = arith.index_cast %add3A_161 : i32 to index
      %swap3A_166 = tpu.vector_load %arg7[%swap3A] {strides = array<i32>} : memref<640xf32, #tpu.memory_space<vmem>>, vector<16xf32>,
      tpu.vector_store %arg7[%swap3A], %add3A_165 {strides = array<i32>} : memref<640xf32, #tpu.memory_space<vmem>>, vector<16xf32>,
    }
    %scan3A_90 = arith.constant 40 : i32
    %mul3A_91 = arith.constant 640 : i32
    %mul3A_92 = arith.muli %arg1, %mul3A_91 : i32
    %run_scoped3A_93 = arith.constant 8 : i32
    "tpu.region"() ({
      %run_scoped3A_157 = tpu.sem_alloc : memref<!tpu.dma_semaphore, #tpu.memory_space<semaphore_mem>>
      %dma_start3A_158 = tpu.memref_slice %arg8[%run_scoped3A_93, %mul3A_92] : memref<16x10240xf32, #tpu.memory_space<vmem_shared>> -> memref<1x640xf32, #tpu.memory_space<vmem_shared>>
      %dma_start3A_159 = tpu.memref_squeeze %dma_start3A_158 : memref<1x640xf32, #tpu.memory_space<vmem_shared>> -> memref<640xf32, #tpu.memory_space<vmem_shared>>
      %dma_start3A_160 = tpu.memref_slice %arg8[%run_scoped3A_93, %mul3A_92] : memref<16x10240xf32, #tpu.memory_space<vmem_shared>> -> memref<1x640xf32, #tpu.memory_space<vmem_shared>>
      %dma_start3A_161 = tpu.memref_squeeze %dma_start3A_160 : memref<1x640xf32, #tpu.memory_space<vmem_shared>> -> memref<640xf32, #tpu.memory_space<vmem_shared>>
      tpu.enqueue_dma source(%dma_start3A_161 : memref<640xf32, #tpu.memory_space<vmem_shared>>) target(%arg6 : memref<640xf32, #tpu.memory_space<vmem>>) target_semaphore(%run_scoped3A_157 : memref<!tpu.dma_semaphore, #tpu.memory_space<semaphore_mem>>)
      %dma_wait3A_162 = tpu.memref_slice %arg8[%run_scoped3A_93, %mul3A_92] : memref<16x10240xf32, #tpu.memory_space<vmem_shared>> -> memref<1x640xf32, #tpu.memory_space<vmem_shared>>
      %dma_wait3A_163 = tpu.memref_squeeze %dma_wait3A_162 : memref<1x640xf32, #tpu.memory_space<vmem_shared>> -> memref<640xf32, #tpu.memory_space<vmem_shared>>
      %dma_wait3A_164 = tpu.memref_slice %arg8[%run_scoped3A_93, %mul3A_92] : memref<16x10240xf32, #tpu.memory_space<vmem_shared>> -> memref<1x640xf32, #tpu.memory_space<vmem_shared>>
      %dma_wait3A_165 = tpu.memref_squeeze %dma_wait3A_164 : memref<1x640xf32, #tpu.memory_space<vmem_shared>> -> memref<640xf32, #tpu.memory_space<vmem_shared>>
      tpu.wait_dma2 semaphore(%run_scoped3A_157 : memref<!tpu.dma_semaphore, #tpu.memory_space<semaphore_mem>>) src(%dma_wait3A_165 : memref<640xf32, #tpu.memory_space<vmem_shared>>) dst(%arg6 : memref<640xf32, #tpu.memory_space<vmem>>)
      tpu.yield
    }) : () -> ()
    %scan3A_94 = arith.constant 0 : i32
    %scan3A_95 = arith.constant 40 : i32
    %scan3A_96 = arith.addi %scan3A_94, %scan3A_95 : i32
    %scan3A_97 = arith.constant 1 : i32
    scf.for %scan3A_157 = %scan3A_94 to %scan3A_96 step %scan3A_97  : i32 {
      %mul3A_158 = arith.constant 16 : i32
      %mul3A_159 = arith.muli %scan3A_157, %mul3A_158 : i32
      %add3A_160 = arith.constant 0 : i32
      %add3A_161 = arith.addi %add3A_160, %mul3A_159 : i32
      %get3A = arith.index_cast %add3A_161 : i32 to index
      %get3A_162 = tpu.vector_load %arg7[%get3A] {strides = array<i32>} : memref<640xf32, #tpu.memory_space<vmem>>, vector<16xf32>,
      %get3A_163 = arith.index_cast %add3A_161 : i32 to index
      %get3A_164 = tpu.vector_load %arg6[%get3A_163] {strides = array<i32>} : memref<640xf32, #tpu.memory_space<vmem>>, vector<16xf32>,
      %add3A_165 = arith.addf %get3A_162, %get3A_164 : vector<16xf32>
      %swap3A = arith.index_cast %add3A_161 : i32 to index
      %swap3A_166 = tpu.vector_load %arg7[%swap3A] {strides = array<i32>} : memref<640xf32, #tpu.memory_space<vmem>>, vector<16xf32>,
      tpu.vector_store %arg7[%swap3A], %add3A_165 {strides = array<i32>} : memref<640xf32, #tpu.memory_space<vmem>>, vector<16xf32>,
    }
    %scan3A_98 = arith.constant 40 : i32
    %mul3A_99 = arith.constant 640 : i32
    %mul3A_100 = arith.muli %arg1, %mul3A_99 : i32
    %run_scoped3A_101 = arith.constant 9 : i32
    "tpu.region"() ({
      %run_scoped3A_157 = tpu.sem_alloc : memref<!tpu.dma_semaphore, #tpu.memory_space<semaphore_mem>>
      %dma_start3A_158 = tpu.memref_slice %arg8[%run_scoped3A_101, %mul3A_100] : memref<16x10240xf32, #tpu.memory_space<vmem_shared>> -> memref<1x640xf32, #tpu.memory_space<vmem_shared>>
      %dma_start3A_159 = tpu.memref_squeeze %dma_start3A_158 : memref<1x640xf32, #tpu.memory_space<vmem_shared>> -> memref<640xf32, #tpu.memory_space<vmem_shared>>
      %dma_start3A_160 = tpu.memref_slice %arg8[%run_scoped3A_101, %mul3A_100] : memref<16x10240xf32, #tpu.memory_space<vmem_shared>> -> memref<1x640xf32, #tpu.memory_space<vmem_shared>>
      %dma_start3A_161 = tpu.memref_squeeze %dma_start3A_160 : memref<1x640xf32, #tpu.memory_space<vmem_shared>> -> memref<640xf32, #tpu.memory_space<vmem_shared>>
      tpu.enqueue_dma source(%dma_start3A_161 : memref<640xf32, #tpu.memory_space<vmem_shared>>) target(%arg6 : memref<640xf32, #tpu.memory_space<vmem>>) target_semaphore(%run_scoped3A_157 : memref<!tpu.dma_semaphore, #tpu.memory_space<semaphore_mem>>)
      %dma_wait3A_162 = tpu.memref_slice %arg8[%run_scoped3A_101, %mul3A_100] : memref<16x10240xf32, #tpu.memory_space<vmem_shared>> -> memref<1x640xf32, #tpu.memory_space<vmem_shared>>
      %dma_wait3A_163 = tpu.memref_squeeze %dma_wait3A_162 : memref<1x640xf32, #tpu.memory_space<vmem_shared>> -> memref<640xf32, #tpu.memory_space<vmem_shared>>
      %dma_wait3A_164 = tpu.memref_slice %arg8[%run_scoped3A_101, %mul3A_100] : memref<16x10240xf32, #tpu.memory_space<vmem_shared>> -> memref<1x640xf32, #tpu.memory_space<vmem_shared>>
      %dma_wait3A_165 = tpu.memref_squeeze %dma_wait3A_164 : memref<1x640xf32, #tpu.memory_space<vmem_shared>> -> memref<640xf32, #tpu.memory_space<vmem_shared>>
      tpu.wait_dma2 semaphore(%run_scoped3A_157 : memref<!tpu.dma_semaphore, #tpu.memory_space<semaphore_mem>>) src(%dma_wait3A_165 : memref<640xf32, #tpu.memory_space<vmem_shared>>) dst(%arg6 : memref<640xf32, #tpu.memory_space<vmem>>)
      tpu.yield
    }) : () -> ()
    %scan3A_102 = arith.constant 0 : i32
    %scan3A_103 = arith.constant 40 : i32
    %scan3A_104 = arith.addi %scan3A_102, %scan3A_103 : i32
    %scan3A_105 = arith.constant 1 : i32
    scf.for %scan3A_157 = %scan3A_102 to %scan3A_104 step %scan3A_105  : i32 {
      %mul3A_158 = arith.constant 16 : i32
      %mul3A_159 = arith.muli %scan3A_157, %mul3A_158 : i32
      %add3A_160 = arith.constant 0 : i32
      %add3A_161 = arith.addi %add3A_160, %mul3A_159 : i32
      %get3A = arith.index_cast %add3A_161 : i32 to index
      %get3A_162 = tpu.vector_load %arg7[%get3A] {strides = array<i32>} : memref<640xf32, #tpu.memory_space<vmem>>, vector<16xf32>,
      %get3A_163 = arith.index_cast %add3A_161 : i32 to index
      %get3A_164 = tpu.vector_load %arg6[%get3A_163] {strides = array<i32>} : memref<640xf32, #tpu.memory_space<vmem>>, vector<16xf32>,
      %add3A_165 = arith.addf %get3A_162, %get3A_164 : vector<16xf32>
      %swap3A = arith.index_cast %add3A_161 : i32 to index
      %swap3A_166 = tpu.vector_load %arg7[%swap3A] {strides = array<i32>} : memref<640xf32, #tpu.memory_space<vmem>>, vector<16xf32>,
      tpu.vector_store %arg7[%swap3A], %add3A_165 {strides = array<i32>} : memref<640xf32, #tpu.memory_space<vmem>>, vector<16xf32>,
    }
    %scan3A_106 = arith.constant 40 : i32
    %mul3A_107 = arith.constant 640 : i32
    %mul3A_108 = arith.muli %arg1, %mul3A_107 : i32
    %run_scoped3A_109 = arith.constant 10 : i32
    "tpu.region"() ({
      %run_scoped3A_157 = tpu.sem_alloc : memref<!tpu.dma_semaphore, #tpu.memory_space<semaphore_mem>>
      %dma_start3A_158 = tpu.memref_slice %arg8[%run_scoped3A_109, %mul3A_108] : memref<16x10240xf32, #tpu.memory_space<vmem_shared>> -> memref<1x640xf32, #tpu.memory_space<vmem_shared>>
      %dma_start3A_159 = tpu.memref_squeeze %dma_start3A_158 : memref<1x640xf32, #tpu.memory_space<vmem_shared>> -> memref<640xf32, #tpu.memory_space<vmem_shared>>
      %dma_start3A_160 = tpu.memref_slice %arg8[%run_scoped3A_109, %mul3A_108] : memref<16x10240xf32, #tpu.memory_space<vmem_shared>> -> memref<1x640xf32, #tpu.memory_space<vmem_shared>>
      %dma_start3A_161 = tpu.memref_squeeze %dma_start3A_160 : memref<1x640xf32, #tpu.memory_space<vmem_shared>> -> memref<640xf32, #tpu.memory_space<vmem_shared>>
      tpu.enqueue_dma source(%dma_start3A_161 : memref<640xf32, #tpu.memory_space<vmem_shared>>) target(%arg6 : memref<640xf32, #tpu.memory_space<vmem>>) target_semaphore(%run_scoped3A_157 : memref<!tpu.dma_semaphore, #tpu.memory_space<semaphore_mem>>)
      %dma_wait3A_162 = tpu.memref_slice %arg8[%run_scoped3A_109, %mul3A_108] : memref<16x10240xf32, #tpu.memory_space<vmem_shared>> -> memref<1x640xf32, #tpu.memory_space<vmem_shared>>
      %dma_wait3A_163 = tpu.memref_squeeze %dma_wait3A_162 : memref<1x640xf32, #tpu.memory_space<vmem_shared>> -> memref<640xf32, #tpu.memory_space<vmem_shared>>
      %dma_wait3A_164 = tpu.memref_slice %arg8[%run_scoped3A_109, %mul3A_108] : memref<16x10240xf32, #tpu.memory_space<vmem_shared>> -> memref<1x640xf32, #tpu.memory_space<vmem_shared>>
      %dma_wait3A_165 = tpu.memref_squeeze %dma_wait3A_164 : memref<1x640xf32, #tpu.memory_space<vmem_shared>> -> memref<640xf32, #tpu.memory_space<vmem_shared>>
      tpu.wait_dma2 semaphore(%run_scoped3A_157 : memref<!tpu.dma_semaphore, #tpu.memory_space<semaphore_mem>>) src(%dma_wait3A_165 : memref<640xf32, #tpu.memory_space<vmem_shared>>) dst(%arg6 : memref<640xf32, #tpu.memory_space<vmem>>)
      tpu.yield
    }) : () -> ()
    %scan3A_110 = arith.constant 0 : i32
    %scan3A_111 = arith.constant 40 : i32
    %scan3A_112 = arith.addi %scan3A_110, %scan3A_111 : i32
    %scan3A_113 = arith.constant 1 : i32
    scf.for %scan3A_157 = %scan3A_110 to %scan3A_112 step %scan3A_113  : i32 {
      %mul3A_158 = arith.constant 16 : i32
      %mul3A_159 = arith.muli %scan3A_157, %mul3A_158 : i32
      %add3A_160 = arith.constant 0 : i32
      %add3A_161 = arith.addi %add3A_160, %mul3A_159 : i32
      %get3A = arith.index_cast %add3A_161 : i32 to index
      %get3A_162 = tpu.vector_load %arg7[%get3A] {strides = array<i32>} : memref<640xf32, #tpu.memory_space<vmem>>, vector<16xf32>,
      %get3A_163 = arith.index_cast %add3A_161 : i32 to index
      %get3A_164 = tpu.vector_load %arg6[%get3A_163] {strides = array<i32>} : memref<640xf32, #tpu.memory_space<vmem>>, vector<16xf32>,
      %add3A_165 = arith.addf %get3A_162, %get3A_164 : vector<16xf32>
      %swap3A = arith.index_cast %add3A_161 : i32 to index
      %swap3A_166 = tpu.vector_load %arg7[%swap3A] {strides = array<i32>} : memref<640xf32, #tpu.memory_space<vmem>>, vector<16xf32>,
      tpu.vector_store %arg7[%swap3A], %add3A_165 {strides = array<i32>} : memref<640xf32, #tpu.memory_space<vmem>>, vector<16xf32>,
    }
    %scan3A_114 = arith.constant 40 : i32
    %mul3A_115 = arith.constant 640 : i32
    %mul3A_116 = arith.muli %arg1, %mul3A_115 : i32
    %run_scoped3A_117 = arith.constant 11 : i32
    "tpu.region"() ({
      %run_scoped3A_157 = tpu.sem_alloc : memref<!tpu.dma_semaphore, #tpu.memory_space<semaphore_mem>>
      %dma_start3A_158 = tpu.memref_slice %arg8[%run_scoped3A_117, %mul3A_116] : memref<16x10240xf32, #tpu.memory_space<vmem_shared>> -> memref<1x640xf32, #tpu.memory_space<vmem_shared>>
      %dma_start3A_159 = tpu.memref_squeeze %dma_start3A_158 : memref<1x640xf32, #tpu.memory_space<vmem_shared>> -> memref<640xf32, #tpu.memory_space<vmem_shared>>
      %dma_start3A_160 = tpu.memref_slice %arg8[%run_scoped3A_117, %mul3A_116] : memref<16x10240xf32, #tpu.memory_space<vmem_shared>> -> memref<1x640xf32, #tpu.memory_space<vmem_shared>>
      %dma_start3A_161 = tpu.memref_squeeze %dma_start3A_160 : memref<1x640xf32, #tpu.memory_space<vmem_shared>> -> memref<640xf32, #tpu.memory_space<vmem_shared>>
      tpu.enqueue_dma source(%dma_start3A_161 : memref<640xf32, #tpu.memory_space<vmem_shared>>) target(%arg6 : memref<640xf32, #tpu.memory_space<vmem>>) target_semaphore(%run_scoped3A_157 : memref<!tpu.dma_semaphore, #tpu.memory_space<semaphore_mem>>)
      %dma_wait3A_162 = tpu.memref_slice %arg8[%run_scoped3A_117, %mul3A_116] : memref<16x10240xf32, #tpu.memory_space<vmem_shared>> -> memref<1x640xf32, #tpu.memory_space<vmem_shared>>
      %dma_wait3A_163 = tpu.memref_squeeze %dma_wait3A_162 : memref<1x640xf32, #tpu.memory_space<vmem_shared>> -> memref<640xf32, #tpu.memory_space<vmem_shared>>
      %dma_wait3A_164 = tpu.memref_slice %arg8[%run_scoped3A_117, %mul3A_116] : memref<16x10240xf32, #tpu.memory_space<vmem_shared>> -> memref<1x640xf32, #tpu.memory_space<vmem_shared>>
      %dma_wait3A_165 = tpu.memref_squeeze %dma_wait3A_164 : memref<1x640xf32, #tpu.memory_space<vmem_shared>> -> memref<640xf32, #tpu.memory_space<vmem_shared>>
      tpu.wait_dma2 semaphore(%run_scoped3A_157 : memref<!tpu.dma_semaphore, #tpu.memory_space<semaphore_mem>>) src(%dma_wait3A_165 : memref<640xf32, #tpu.memory_space<vmem_shared>>) dst(%arg6 : memref<640xf32, #tpu.memory_space<vmem>>)
      tpu.yield
    }) : () -> ()
    %scan3A_118 = arith.constant 0 : i32
    %scan3A_119 = arith.constant 40 : i32
    %scan3A_120 = arith.addi %scan3A_118, %scan3A_119 : i32
    %scan3A_121 = arith.constant 1 : i32
    scf.for %scan3A_157 = %scan3A_118 to %scan3A_120 step %scan3A_121  : i32 {
      %mul3A_158 = arith.constant 16 : i32
      %mul3A_159 = arith.muli %scan3A_157, %mul3A_158 : i32
      %add3A_160 = arith.constant 0 : i32
      %add3A_161 = arith.addi %add3A_160, %mul3A_159 : i32
      %get3A = arith.index_cast %add3A_161 : i32 to index
      %get3A_162 = tpu.vector_load %arg7[%get3A] {strides = array<i32>} : memref<640xf32, #tpu.memory_space<vmem>>, vector<16xf32>,
      %get3A_163 = arith.index_cast %add3A_161 : i32 to index
      %get3A_164 = tpu.vector_load %arg6[%get3A_163] {strides = array<i32>} : memref<640xf32, #tpu.memory_space<vmem>>, vector<16xf32>,
      %add3A_165 = arith.addf %get3A_162, %get3A_164 : vector<16xf32>
      %swap3A = arith.index_cast %add3A_161 : i32 to index
      %swap3A_166 = tpu.vector_load %arg7[%swap3A] {strides = array<i32>} : memref<640xf32, #tpu.memory_space<vmem>>, vector<16xf32>,
      tpu.vector_store %arg7[%swap3A], %add3A_165 {strides = array<i32>} : memref<640xf32, #tpu.memory_space<vmem>>, vector<16xf32>,
    }
    %scan3A_122 = arith.constant 40 : i32
    %mul3A_123 = arith.constant 640 : i32
    %mul3A_124 = arith.muli %arg1, %mul3A_123 : i32
    %run_scoped3A_125 = arith.constant 12 : i32
    "tpu.region"() ({
      %run_scoped3A_157 = tpu.sem_alloc : memref<!tpu.dma_semaphore, #tpu.memory_space<semaphore_mem>>
      %dma_start3A_158 = tpu.memref_slice %arg8[%run_scoped3A_125, %mul3A_124] : memref<16x10240xf32, #tpu.memory_space<vmem_shared>> -> memref<1x640xf32, #tpu.memory_space<vmem_shared>>
      %dma_start3A_159 = tpu.memref_squeeze %dma_start3A_158 : memref<1x640xf32, #tpu.memory_space<vmem_shared>> -> memref<640xf32, #tpu.memory_space<vmem_shared>>
      %dma_start3A_160 = tpu.memref_slice %arg8[%run_scoped3A_125, %mul3A_124] : memref<16x10240xf32, #tpu.memory_space<vmem_shared>> -> memref<1x640xf32, #tpu.memory_space<vmem_shared>>
      %dma_start3A_161 = tpu.memref_squeeze %dma_start3A_160 : memref<1x640xf32, #tpu.memory_space<vmem_shared>> -> memref<640xf32, #tpu.memory_space<vmem_shared>>
      tpu.enqueue_dma source(%dma_start3A_161 : memref<640xf32, #tpu.memory_space<vmem_shared>>) target(%arg6 : memref<640xf32, #tpu.memory_space<vmem>>) target_semaphore(%run_scoped3A_157 : memref<!tpu.dma_semaphore, #tpu.memory_space<semaphore_mem>>)
      %dma_wait3A_162 = tpu.memref_slice %arg8[%run_scoped3A_125, %mul3A_124] : memref<16x10240xf32, #tpu.memory_space<vmem_shared>> -> memref<1x640xf32, #tpu.memory_space<vmem_shared>>
      %dma_wait3A_163 = tpu.memref_squeeze %dma_wait3A_162 : memref<1x640xf32, #tpu.memory_space<vmem_shared>> -> memref<640xf32, #tpu.memory_space<vmem_shared>>
      %dma_wait3A_164 = tpu.memref_slice %arg8[%run_scoped3A_125, %mul3A_124] : memref<16x10240xf32, #tpu.memory_space<vmem_shared>> -> memref<1x640xf32, #tpu.memory_space<vmem_shared>>
      %dma_wait3A_165 = tpu.memref_squeeze %dma_wait3A_164 : memref<1x640xf32, #tpu.memory_space<vmem_shared>> -> memref<640xf32, #tpu.memory_space<vmem_shared>>
      tpu.wait_dma2 semaphore(%run_scoped3A_157 : memref<!tpu.dma_semaphore, #tpu.memory_space<semaphore_mem>>) src(%dma_wait3A_165 : memref<640xf32, #tpu.memory_space<vmem_shared>>) dst(%arg6 : memref<640xf32, #tpu.memory_space<vmem>>)
      tpu.yield
    }) : () -> ()
    %scan3A_126 = arith.constant 0 : i32
    %scan3A_127 = arith.constant 40 : i32
    %scan3A_128 = arith.addi %scan3A_126, %scan3A_127 : i32
    %scan3A_129 = arith.constant 1 : i32
    scf.for %scan3A_157 = %scan3A_126 to %scan3A_128 step %scan3A_129  : i32 {
      %mul3A_158 = arith.constant 16 : i32
      %mul3A_159 = arith.muli %scan3A_157, %mul3A_158 : i32
      %add3A_160 = arith.constant 0 : i32
      %add3A_161 = arith.addi %add3A_160, %mul3A_159 : i32
      %get3A = arith.index_cast %add3A_161 : i32 to index
      %get3A_162 = tpu.vector_load %arg7[%get3A] {strides = array<i32>} : memref<640xf32, #tpu.memory_space<vmem>>, vector<16xf32>,
      %get3A_163 = arith.index_cast %add3A_161 : i32 to index
      %get3A_164 = tpu.vector_load %arg6[%get3A_163] {strides = array<i32>} : memref<640xf32, #tpu.memory_space<vmem>>, vector<16xf32>,
      %add3A_165 = arith.addf %get3A_162, %get3A_164 : vector<16xf32>
      %swap3A = arith.index_cast %add3A_161 : i32 to index
      %swap3A_166 = tpu.vector_load %arg7[%swap3A] {strides = array<i32>} : memref<640xf32, #tpu.memory_space<vmem>>, vector<16xf32>,
      tpu.vector_store %arg7[%swap3A], %add3A_165 {strides = array<i32>} : memref<640xf32, #tpu.memory_space<vmem>>, vector<16xf32>,
    }
    %scan3A_130 = arith.constant 40 : i32
    %mul3A_131 = arith.constant 640 : i32
    %mul3A_132 = arith.muli %arg1, %mul3A_131 : i32
    %run_scoped3A_133 = arith.constant 13 : i32
    "tpu.region"() ({
      %run_scoped3A_157 = tpu.sem_alloc : memref<!tpu.dma_semaphore, #tpu.memory_space<semaphore_mem>>
      %dma_start3A_158 = tpu.memref_slice %arg8[%run_scoped3A_133, %mul3A_132] : memref<16x10240xf32, #tpu.memory_space<vmem_shared>> -> memref<1x640xf32, #tpu.memory_space<vmem_shared>>
      %dma_start3A_159 = tpu.memref_squeeze %dma_start3A_158 : memref<1x640xf32, #tpu.memory_space<vmem_shared>> -> memref<640xf32, #tpu.memory_space<vmem_shared>>
      %dma_start3A_160 = tpu.memref_slice %arg8[%run_scoped3A_133, %mul3A_132] : memref<16x10240xf32, #tpu.memory_space<vmem_shared>> -> memref<1x640xf32, #tpu.memory_space<vmem_shared>>
      %dma_start3A_161 = tpu.memref_squeeze %dma_start3A_160 : memref<1x640xf32, #tpu.memory_space<vmem_shared>> -> memref<640xf32, #tpu.memory_space<vmem_shared>>
      tpu.enqueue_dma source(%dma_start3A_161 : memref<640xf32, #tpu.memory_space<vmem_shared>>) target(%arg6 : memref<640xf32, #tpu.memory_space<vmem>>) target_semaphore(%run_scoped3A_157 : memref<!tpu.dma_semaphore, #tpu.memory_space<semaphore_mem>>)
      %dma_wait3A_162 = tpu.memref_slice %arg8[%run_scoped3A_133, %mul3A_132] : memref<16x10240xf32, #tpu.memory_space<vmem_shared>> -> memref<1x640xf32, #tpu.memory_space<vmem_shared>>
      %dma_wait3A_163 = tpu.memref_squeeze %dma_wait3A_162 : memref<1x640xf32, #tpu.memory_space<vmem_shared>> -> memref<640xf32, #tpu.memory_space<vmem_shared>>
      %dma_wait3A_164 = tpu.memref_slice %arg8[%run_scoped3A_133, %mul3A_132] : memref<16x10240xf32, #tpu.memory_space<vmem_shared>> -> memref<1x640xf32, #tpu.memory_space<vmem_shared>>
      %dma_wait3A_165 = tpu.memref_squeeze %dma_wait3A_164 : memref<1x640xf32, #tpu.memory_space<vmem_shared>> -> memref<640xf32, #tpu.memory_space<vmem_shared>>
      tpu.wait_dma2 semaphore(%run_scoped3A_157 : memref<!tpu.dma_semaphore, #tpu.memory_space<semaphore_mem>>) src(%dma_wait3A_165 : memref<640xf32, #tpu.memory_space<vmem_shared>>) dst(%arg6 : memref<640xf32, #tpu.memory_space<vmem>>)
      tpu.yield
    }) : () -> ()
    %scan3A_134 = arith.constant 0 : i32
    %scan3A_135 = arith.constant 40 : i32
    %scan3A_136 = arith.addi %scan3A_134, %scan3A_135 : i32
    %scan3A_137 = arith.constant 1 : i32
    scf.for %scan3A_157 = %scan3A_134 to %scan3A_136 step %scan3A_137  : i32 {
      %mul3A_158 = arith.constant 16 : i32
      %mul3A_159 = arith.muli %scan3A_157, %mul3A_158 : i32
      %add3A_160 = arith.constant 0 : i32
      %add3A_161 = arith.addi %add3A_160, %mul3A_159 : i32
      %get3A = arith.index_cast %add3A_161 : i32 to index
      %get3A_162 = tpu.vector_load %arg7[%get3A] {strides = array<i32>} : memref<640xf32, #tpu.memory_space<vmem>>, vector<16xf32>,
      %get3A_163 = arith.index_cast %add3A_161 : i32 to index
      %get3A_164 = tpu.vector_load %arg6[%get3A_163] {strides = array<i32>} : memref<640xf32, #tpu.memory_space<vmem>>, vector<16xf32>,
      %add3A_165 = arith.addf %get3A_162, %get3A_164 : vector<16xf32>
      %swap3A = arith.index_cast %add3A_161 : i32 to index
      %swap3A_166 = tpu.vector_load %arg7[%swap3A] {strides = array<i32>} : memref<640xf32, #tpu.memory_space<vmem>>, vector<16xf32>,
      tpu.vector_store %arg7[%swap3A], %add3A_165 {strides = array<i32>} : memref<640xf32, #tpu.memory_space<vmem>>, vector<16xf32>,
    }
    %scan3A_138 = arith.constant 40 : i32
    %mul3A_139 = arith.constant 640 : i32
    %mul3A_140 = arith.muli %arg1, %mul3A_139 : i32
    %run_scoped3A_141 = arith.constant 14 : i32
    "tpu.region"() ({
      %run_scoped3A_157 = tpu.sem_alloc : memref<!tpu.dma_semaphore, #tpu.memory_space<semaphore_mem>>
      %dma_start3A_158 = tpu.memref_slice %arg8[%run_scoped3A_141, %mul3A_140] : memref<16x10240xf32, #tpu.memory_space<vmem_shared>> -> memref<1x640xf32, #tpu.memory_space<vmem_shared>>
      %dma_start3A_159 = tpu.memref_squeeze %dma_start3A_158 : memref<1x640xf32, #tpu.memory_space<vmem_shared>> -> memref<640xf32, #tpu.memory_space<vmem_shared>>
      %dma_start3A_160 = tpu.memref_slice %arg8[%run_scoped3A_141, %mul3A_140] : memref<16x10240xf32, #tpu.memory_space<vmem_shared>> -> memref<1x640xf32, #tpu.memory_space<vmem_shared>>
      %dma_start3A_161 = tpu.memref_squeeze %dma_start3A_160 : memref<1x640xf32, #tpu.memory_space<vmem_shared>> -> memref<640xf32, #tpu.memory_space<vmem_shared>>
      tpu.enqueue_dma source(%dma_start3A_161 : memref<640xf32, #tpu.memory_space<vmem_shared>>) target(%arg6 : memref<640xf32, #tpu.memory_space<vmem>>) target_semaphore(%run_scoped3A_157 : memref<!tpu.dma_semaphore, #tpu.memory_space<semaphore_mem>>)
      %dma_wait3A_162 = tpu.memref_slice %arg8[%run_scoped3A_141, %mul3A_140] : memref<16x10240xf32, #tpu.memory_space<vmem_shared>> -> memref<1x640xf32, #tpu.memory_space<vmem_shared>>
      %dma_wait3A_163 = tpu.memref_squeeze %dma_wait3A_162 : memref<1x640xf32, #tpu.memory_space<vmem_shared>> -> memref<640xf32, #tpu.memory_space<vmem_shared>>
      %dma_wait3A_164 = tpu.memref_slice %arg8[%run_scoped3A_141, %mul3A_140] : memref<16x10240xf32, #tpu.memory_space<vmem_shared>> -> memref<1x640xf32, #tpu.memory_space<vmem_shared>>
      %dma_wait3A_165 = tpu.memref_squeeze %dma_wait3A_164 : memref<1x640xf32, #tpu.memory_space<vmem_shared>> -> memref<640xf32, #tpu.memory_space<vmem_shared>>
      tpu.wait_dma2 semaphore(%run_scoped3A_157 : memref<!tpu.dma_semaphore, #tpu.memory_space<semaphore_mem>>) src(%dma_wait3A_165 : memref<640xf32, #tpu.memory_space<vmem_shared>>) dst(%arg6 : memref<640xf32, #tpu.memory_space<vmem>>)
      tpu.yield
    }) : () -> ()
    %scan3A_142 = arith.constant 0 : i32
    %scan3A_143 = arith.constant 40 : i32
    %scan3A_144 = arith.addi %scan3A_142, %scan3A_143 : i32
    %scan3A_145 = arith.constant 1 : i32
    scf.for %scan3A_157 = %scan3A_142 to %scan3A_144 step %scan3A_145  : i32 {
      %mul3A_158 = arith.constant 16 : i32
      %mul3A_159 = arith.muli %scan3A_157, %mul3A_158 : i32
      %add3A_160 = arith.constant 0 : i32
      %add3A_161 = arith.addi %add3A_160, %mul3A_159 : i32
      %get3A = arith.index_cast %add3A_161 : i32 to index
      %get3A_162 = tpu.vector_load %arg7[%get3A] {strides = array<i32>} : memref<640xf32, #tpu.memory_space<vmem>>, vector<16xf32>,
      %get3A_163 = arith.index_cast %add3A_161 : i32 to index
      %get3A_164 = tpu.vector_load %arg6[%get3A_163] {strides = array<i32>} : memref<640xf32, #tpu.memory_space<vmem>>, vector<16xf32>,
      %add3A_165 = arith.addf %get3A_162, %get3A_164 : vector<16xf32>
      %swap3A = arith.index_cast %add3A_161 : i32 to index
      %swap3A_166 = tpu.vector_load %arg7[%swap3A] {strides = array<i32>} : memref<640xf32, #tpu.memory_space<vmem>>, vector<16xf32>,
      tpu.vector_store %arg7[%swap3A], %add3A_165 {strides = array<i32>} : memref<640xf32, #tpu.memory_space<vmem>>, vector<16xf32>,
    }
    %scan3A_146 = arith.constant 40 : i32
    %mul3A_147 = arith.constant 640 : i32
    %mul3A_148 = arith.muli %arg1, %mul3A_147 : i32
    %run_scoped3A_149 = arith.constant 15 : i32
    "tpu.region"() ({
      %run_scoped3A_157 = tpu.sem_alloc : memref<!tpu.dma_semaphore, #tpu.memory_space<semaphore_mem>>
      %dma_start3A_158 = tpu.memref_slice %arg8[%run_scoped3A_149, %mul3A_148] : memref<16x10240xf32, #tpu.memory_space<vmem_shared>> -> memref<1x640xf32, #tpu.memory_space<vmem_shared>>
      %dma_start3A_159 = tpu.memref_squeeze %dma_start3A_158 : memref<1x640xf32, #tpu.memory_space<vmem_shared>> -> memref<640xf32, #tpu.memory_space<vmem_shared>>
      %dma_start3A_160 = tpu.memref_slice %arg8[%run_scoped3A_149, %mul3A_148] : memref<16x10240xf32, #tpu.memory_space<vmem_shared>> -> memref<1x640xf32, #tpu.memory_space<vmem_shared>>
      %dma_start3A_161 = tpu.memref_squeeze %dma_start3A_160 : memref<1x640xf32, #tpu.memory_space<vmem_shared>> -> memref<640xf32, #tpu.memory_space<vmem_shared>>
      tpu.enqueue_dma source(%dma_start3A_161 : memref<640xf32, #tpu.memory_space<vmem_shared>>) target(%arg6 : memref<640xf32, #tpu.memory_space<vmem>>) target_semaphore(%run_scoped3A_157 : memref<!tpu.dma_semaphore, #tpu.memory_space<semaphore_mem>>)
      %dma_wait3A_162 = tpu.memref_slice %arg8[%run_scoped3A_149, %mul3A_148] : memref<16x10240xf32, #tpu.memory_space<vmem_shared>> -> memref<1x640xf32, #tpu.memory_space<vmem_shared>>
      %dma_wait3A_163 = tpu.memref_squeeze %dma_wait3A_162 : memref<1x640xf32, #tpu.memory_space<vmem_shared>> -> memref<640xf32, #tpu.memory_space<vmem_shared>>
      %dma_wait3A_164 = tpu.memref_slice %arg8[%run_scoped3A_149, %mul3A_148] : memref<16x10240xf32, #tpu.memory_space<vmem_shared>> -> memref<1x640xf32, #tpu.memory_space<vmem_shared>>
      %dma_wait3A_165 = tpu.memref_squeeze %dma_wait3A_164 : memref<1x640xf32, #tpu.memory_space<vmem_shared>> -> memref<640xf32, #tpu.memory_space<vmem_shared>>
      tpu.wait_dma2 semaphore(%run_scoped3A_157 : memref<!tpu.dma_semaphore, #tpu.memory_space<semaphore_mem>>) src(%dma_wait3A_165 : memref<640xf32, #tpu.memory_space<vmem_shared>>) dst(%arg6 : memref<640xf32, #tpu.memory_space<vmem>>)
      tpu.yield
    }) : () -> ()
    %scan3A_150 = arith.constant 0 : i32
    %scan3A_151 = arith.constant 40 : i32
    %scan3A_152 = arith.addi %scan3A_150, %scan3A_151 : i32
    %scan3A_153 = arith.constant 1 : i32
    scf.for %scan3A_157 = %scan3A_150 to %scan3A_152 step %scan3A_153  : i32 {
      %mul3A_158 = arith.constant 16 : i32
      %mul3A_159 = arith.muli %scan3A_157, %mul3A_158 : i32
      %add3A_160 = arith.constant 0 : i32
      %add3A_161 = arith.addi %add3A_160, %mul3A_159 : i32
      %get3A = arith.index_cast %add3A_161 : i32 to index
      %get3A_162 = tpu.vector_load %arg7[%get3A] {strides = array<i32>} : memref<640xf32, #tpu.memory_space<vmem>>, vector<16xf32>,
      %get3A_163 = arith.index_cast %add3A_161 : i32 to index
      %get3A_164 = tpu.vector_load %arg6[%get3A_163] {strides = array<i32>} : memref<640xf32, #tpu.memory_space<vmem>>, vector<16xf32>,
      %add3A_165 = arith.addf %get3A_162, %get3A_164 : vector<16xf32>
      %swap3A = arith.index_cast %add3A_161 : i32 to index
      %swap3A_166 = tpu.vector_load %arg7[%swap3A] {strides = array<i32>} : memref<640xf32, #tpu.memory_space<vmem>>, vector<16xf32>,
      tpu.vector_store %arg7[%swap3A], %add3A_165 {strides = array<i32>} : memref<640xf32, #tpu.memory_space<vmem>>, vector<16xf32>,
    }
    %scan3A_154 = arith.constant 40 : i32
    %mul3A_155 = arith.constant 640 : i32
    %mul3A_156 = arith.muli %arg1, %mul3A_155 : i32
    "tpu.region"() ({
      %run_scoped3A_157 = tpu.sem_alloc : memref<!tpu.dma_semaphore, #tpu.memory_space<semaphore_mem>>
      %dma_start3A_158 = tpu.memref_slice %arg3[%arg0, %mul3A_156] : memref<2x10240xf32, #tpu.memory_space<hbm>> -> memref<1x640xf32, #tpu.memory_space<hbm>>
      %dma_start3A_159 = tpu.memref_squeeze %dma_start3A_158 : memref<1x640xf32, #tpu.memory_space<hbm>> -> memref<640xf32, #tpu.memory_space<hbm>>
      %dma_start3A_160 = tpu.memref_slice %arg3[%arg0, %mul3A_156] : memref<2x10240xf32, #tpu.memory_space<hbm>> -> memref<1x640xf32, #tpu.memory_space<hbm>>
      %dma_start3A_161 = tpu.memref_squeeze %dma_start3A_160 : memref<1x640xf32, #tpu.memory_space<hbm>> -> memref<640xf32, #tpu.memory_space<hbm>>
      tpu.enqueue_dma source(%arg7 : memref<640xf32, #tpu.memory_space<vmem>>) target(%dma_start3A_161 : memref<640xf32, #tpu.memory_space<hbm>>) target_semaphore(%run_scoped3A_157 : memref<!tpu.dma_semaphore, #tpu.memory_space<semaphore_mem>>)
      %dma_wait3A_162 = tpu.memref_slice %arg3[%arg0, %mul3A_156] : memref<2x10240xf32, #tpu.memory_space<hbm>> -> memref<1x640xf32, #tpu.memory_space<hbm>>
      %dma_wait3A_163 = tpu.memref_squeeze %dma_wait3A_162 : memref<1x640xf32, #tpu.memory_space<hbm>> -> memref<640xf32, #tpu.memory_space<hbm>>
      %dma_wait3A_164 = tpu.memref_slice %arg3[%arg0, %mul3A_156] : memref<2x10240xf32, #tpu.memory_space<hbm>> -> memref<1x640xf32, #tpu.memory_space<hbm>>
      %dma_wait3A_165 = tpu.memref_squeeze %dma_wait3A_164 : memref<1x640xf32, #tpu.memory_space<hbm>> -> memref<640xf32, #tpu.memory_space<hbm>>
      tpu.wait_dma2 semaphore(%run_scoped3A_157 : memref<!tpu.dma_semaphore, #tpu.memory_space<semaphore_mem>>) src(%arg7 : memref<640xf32, #tpu.memory_space<vmem>>) dst(%dma_wait3A_165 : memref<640xf32, #tpu.memory_space<hbm>>)
      tpu.yield
    }) : () -> ()
    return
  }
}

#map = affine_map<(d0, d1) -> (0, 0)>
#map1 = affine_map<(d0, d1) -> (0, 0, 0, 0)>
#map2 = affine_map<(d0, d1) -> (0, 0, 0)>
module attributes {stable_mosaic.version = 14 : i64} {
  func.func @_agg_body(%arg0: i32, %arg1: i32, %arg2: memref<10240x128xf32, #tpu.memory_space<hbm>>, %arg3: memref<32x10240xi32, #tpu.memory_space<hbm>>, %arg4: memref<32x2x40x128xi32, #tpu.memory_space<hbm>>, %arg5: memref<2x10240x128xf32, #tpu.memory_space<hbm>>, %arg6: memref<5120xi32, #tpu.memory_space<vmem>>, %arg7: memref<40x128xi32, #tpu.memory_space<vmem>>, %arg8: memref<128x128xf32, #tpu.memory_space<vmem>>, %arg9: memref<128x128xf32, #tpu.memory_space<vmem>>, %arg10: memref<10240x128xf32, #tpu.memory_space<vmem_shared>>, %arg11: memref<!tpu.dma_semaphore, #tpu.memory_space<semaphore_mem>>, %arg12: memref<!tpu.dma_semaphore, #tpu.memory_space<semaphore_mem>>, %arg13: memref<!tpu.dma_semaphore, #tpu.memory_space<semaphore_mem>>, %arg14: memref<!tpu.dma_semaphore, #tpu.memory_space<semaphore_mem>>) attributes {dimension_semantics = [#tpu.dimension_semantics<core_parallel>, #tpu.dimension_semantics<subcore_parallel>], iteration_bounds = array<i64: 2, 16>, scalar_prefetch = 0 : i64, scratch_operands = 9 : i64, tpu.core_type = #tpu.core_type<sc_vector_subcore>, window_params = [{transform_indices = #map}, {transform_indices = #map}, {transform_indices = #map1}, {transform_indices = #map2}]} {
    %mul3A = arith.constant 16 : i32
    %mul3A_0 = arith.muli %arg0, %mul3A : i32
    %add3A = arith.addi %mul3A_0, %arg1 : i32
    %broadcast_in_dim3A = arith.constant 0.000000e+00 : f32
    %broadcast_in_dim3A_1 = vector.broadcast %broadcast_in_dim3A : f32 to vector<16xf32>
    %scan3A = arith.constant 0 : i32
    %scan3A_2 = arith.constant 128 : i32
    %scan3A_3 = arith.addi %scan3A, %scan3A_2 : i32
    %scan3A_4 = arith.constant 1 : i32
    scf.for %scan3A_307 = %scan3A to %scan3A_3 step %scan3A_4  : i32 {
      %mul3A_308 = arith.constant 1 : i32
      %mul3A_309 = arith.muli %scan3A_307, %mul3A_308 : i32
      %add3A_310 = arith.constant 0 : i32
      %add3A_311 = arith.addi %add3A_310, %mul3A_309 : i32
      %swap3A = arith.index_cast %add3A_311 : i32 to index
      %swap3A_312 = arith.constant 0 : index
      %swap3A_313 = tpu.vector_load %arg8[%swap3A, %swap3A_312] {strides = array<i32>} : memref<128x128xf32, #tpu.memory_space<vmem>>, vector<16xf32>,
      tpu.vector_store %arg8[%swap3A, %swap3A_312], %broadcast_in_dim3A_1 {strides = array<i32>} : memref<128x128xf32, #tpu.memory_space<vmem>>, vector<16xf32>,
      %swap3A_314 = arith.index_cast %add3A_311 : i32 to index
      %swap3A_315 = arith.constant 16 : index
      %swap3A_316 = tpu.vector_load %arg8[%swap3A_314, %swap3A_315] {strides = array<i32>} : memref<128x128xf32, #tpu.memory_space<vmem>>, vector<16xf32>,
      tpu.vector_store %arg8[%swap3A_314, %swap3A_315], %broadcast_in_dim3A_1 {strides = array<i32>} : memref<128x128xf32, #tpu.memory_space<vmem>>, vector<16xf32>,
      %swap3A_317 = arith.index_cast %add3A_311 : i32 to index
      %swap3A_318 = arith.constant 32 : index
      %swap3A_319 = tpu.vector_load %arg8[%swap3A_317, %swap3A_318] {strides = array<i32>} : memref<128x128xf32, #tpu.memory_space<vmem>>, vector<16xf32>,
      tpu.vector_store %arg8[%swap3A_317, %swap3A_318], %broadcast_in_dim3A_1 {strides = array<i32>} : memref<128x128xf32, #tpu.memory_space<vmem>>, vector<16xf32>,
      %swap3A_320 = arith.index_cast %add3A_311 : i32 to index
      %swap3A_321 = arith.constant 48 : index
      %swap3A_322 = tpu.vector_load %arg8[%swap3A_320, %swap3A_321] {strides = array<i32>} : memref<128x128xf32, #tpu.memory_space<vmem>>, vector<16xf32>,
      tpu.vector_store %arg8[%swap3A_320, %swap3A_321], %broadcast_in_dim3A_1 {strides = array<i32>} : memref<128x128xf32, #tpu.memory_space<vmem>>, vector<16xf32>,
      %swap3A_323 = arith.index_cast %add3A_311 : i32 to index
      %swap3A_324 = arith.constant 64 : index
      %swap3A_325 = tpu.vector_load %arg8[%swap3A_323, %swap3A_324] {strides = array<i32>} : memref<128x128xf32, #tpu.memory_space<vmem>>, vector<16xf32>,
      tpu.vector_store %arg8[%swap3A_323, %swap3A_324], %broadcast_in_dim3A_1 {strides = array<i32>} : memref<128x128xf32, #tpu.memory_space<vmem>>, vector<16xf32>,
      %swap3A_326 = arith.index_cast %add3A_311 : i32 to index
      %swap3A_327 = arith.constant 80 : index
      %swap3A_328 = tpu.vector_load %arg8[%swap3A_326, %swap3A_327] {strides = array<i32>} : memref<128x128xf32, #tpu.memory_space<vmem>>, vector<16xf32>,
      tpu.vector_store %arg8[%swap3A_326, %swap3A_327], %broadcast_in_dim3A_1 {strides = array<i32>} : memref<128x128xf32, #tpu.memory_space<vmem>>, vector<16xf32>,
      %swap3A_329 = arith.index_cast %add3A_311 : i32 to index
      %swap3A_330 = arith.constant 96 : index
      %swap3A_331 = tpu.vector_load %arg8[%swap3A_329, %swap3A_330] {strides = array<i32>} : memref<128x128xf32, #tpu.memory_space<vmem>>, vector<16xf32>,
      tpu.vector_store %arg8[%swap3A_329, %swap3A_330], %broadcast_in_dim3A_1 {strides = array<i32>} : memref<128x128xf32, #tpu.memory_space<vmem>>, vector<16xf32>,
      %swap3A_332 = arith.index_cast %add3A_311 : i32 to index
      %swap3A_333 = arith.constant 112 : index
      %swap3A_334 = tpu.vector_load %arg8[%swap3A_332, %swap3A_333] {strides = array<i32>} : memref<128x128xf32, #tpu.memory_space<vmem>>, vector<16xf32>,
      tpu.vector_store %arg8[%swap3A_332, %swap3A_333], %broadcast_in_dim3A_1 {strides = array<i32>} : memref<128x128xf32, #tpu.memory_space<vmem>>, vector<16xf32>,
    }
    %scan3A_5 = arith.constant 128 : i32
    %mul3A_6 = arith.constant 640 : i32
    %mul3A_7 = arith.muli %arg1, %mul3A_6 : i32
    %add3A_8 = arith.constant 0 : i32
    %add3A_9 = arith.addi %mul3A_7, %add3A_8 : i32
    "tpu.region"() ({
      %run_scoped3A = tpu.sem_alloc : memref<!tpu.dma_semaphore, #tpu.memory_space<semaphore_mem>>
      %dma_start3A_307 = arith.constant 0 : i32
      %dma_start3A_308 = tpu.memref_slice %arg10[%add3A_9, %dma_start3A_307] : memref<10240x128xf32, #tpu.memory_space<vmem_shared>> -> memref<128x128xf32, #tpu.memory_space<vmem_shared>>
      %dma_start3A_309 = arith.constant 0 : i32
      %dma_start3A_310 = tpu.memref_slice %arg10[%add3A_9, %dma_start3A_309] : memref<10240x128xf32, #tpu.memory_space<vmem_shared>> -> memref<128x128xf32, #tpu.memory_space<vmem_shared>>
      tpu.enqueue_dma source(%arg8 : memref<128x128xf32, #tpu.memory_space<vmem>>) target(%dma_start3A_310 : memref<128x128xf32, #tpu.memory_space<vmem_shared>>) target_semaphore(%run_scoped3A : memref<!tpu.dma_semaphore, #tpu.memory_space<semaphore_mem>>)
      %dma_wait3A_311 = arith.constant 0 : i32
      %dma_wait3A_312 = tpu.memref_slice %arg10[%add3A_9, %dma_wait3A_311] : memref<10240x128xf32, #tpu.memory_space<vmem_shared>> -> memref<128x128xf32, #tpu.memory_space<vmem_shared>>
      %dma_wait3A_313 = arith.constant 0 : i32
      %dma_wait3A_314 = tpu.memref_slice %arg10[%add3A_9, %dma_wait3A_313] : memref<10240x128xf32, #tpu.memory_space<vmem_shared>> -> memref<128x128xf32, #tpu.memory_space<vmem_shared>>
      tpu.wait_dma2 semaphore(%run_scoped3A : memref<!tpu.dma_semaphore, #tpu.memory_space<semaphore_mem>>) src(%arg8 : memref<128x128xf32, #tpu.memory_space<vmem>>) dst(%dma_wait3A_314 : memref<128x128xf32, #tpu.memory_space<vmem_shared>>)
      tpu.yield
    }) : () -> ()
    %mul3A_10 = arith.constant 640 : i32
    %mul3A_11 = arith.muli %arg1, %mul3A_10 : i32
    %add3A_12 = arith.constant 128 : i32
    %add3A_13 = arith.addi %mul3A_11, %add3A_12 : i32
    "tpu.region"() ({
      %run_scoped3A = tpu.sem_alloc : memref<!tpu.dma_semaphore, #tpu.memory_space<semaphore_mem>>
      %dma_start3A_307 = arith.constant 0 : i32
      %dma_start3A_308 = tpu.memref_slice %arg10[%add3A_13, %dma_start3A_307] : memref<10240x128xf32, #tpu.memory_space<vmem_shared>> -> memref<128x128xf32, #tpu.memory_space<vmem_shared>>
      %dma_start3A_309 = arith.constant 0 : i32
      %dma_start3A_310 = tpu.memref_slice %arg10[%add3A_13, %dma_start3A_309] : memref<10240x128xf32, #tpu.memory_space<vmem_shared>> -> memref<128x128xf32, #tpu.memory_space<vmem_shared>>
      tpu.enqueue_dma source(%arg8 : memref<128x128xf32, #tpu.memory_space<vmem>>) target(%dma_start3A_310 : memref<128x128xf32, #tpu.memory_space<vmem_shared>>) target_semaphore(%run_scoped3A : memref<!tpu.dma_semaphore, #tpu.memory_space<semaphore_mem>>)
      %dma_wait3A_311 = arith.constant 0 : i32
      %dma_wait3A_312 = tpu.memref_slice %arg10[%add3A_13, %dma_wait3A_311] : memref<10240x128xf32, #tpu.memory_space<vmem_shared>> -> memref<128x128xf32, #tpu.memory_space<vmem_shared>>
      %dma_wait3A_313 = arith.constant 0 : i32
      %dma_wait3A_314 = tpu.memref_slice %arg10[%add3A_13, %dma_wait3A_313] : memref<10240x128xf32, #tpu.memory_space<vmem_shared>> -> memref<128x128xf32, #tpu.memory_space<vmem_shared>>
      tpu.wait_dma2 semaphore(%run_scoped3A : memref<!tpu.dma_semaphore, #tpu.memory_space<semaphore_mem>>) src(%arg8 : memref<128x128xf32, #tpu.memory_space<vmem>>) dst(%dma_wait3A_314 : memref<128x128xf32, #tpu.memory_space<vmem_shared>>)
      tpu.yield
    }) : () -> ()
    %mul3A_14 = arith.constant 640 : i32
    %mul3A_15 = arith.muli %arg1, %mul3A_14 : i32
    %add3A_16 = arith.constant 256 : i32
    %add3A_17 = arith.addi %mul3A_15, %add3A_16 : i32
    "tpu.region"() ({
      %run_scoped3A = tpu.sem_alloc : memref<!tpu.dma_semaphore, #tpu.memory_space<semaphore_mem>>
      %dma_start3A_307 = arith.constant 0 : i32
      %dma_start3A_308 = tpu.memref_slice %arg10[%add3A_17, %dma_start3A_307] : memref<10240x128xf32, #tpu.memory_space<vmem_shared>> -> memref<128x128xf32, #tpu.memory_space<vmem_shared>>
      %dma_start3A_309 = arith.constant 0 : i32
      %dma_start3A_310 = tpu.memref_slice %arg10[%add3A_17, %dma_start3A_309] : memref<10240x128xf32, #tpu.memory_space<vmem_shared>> -> memref<128x128xf32, #tpu.memory_space<vmem_shared>>
      tpu.enqueue_dma source(%arg8 : memref<128x128xf32, #tpu.memory_space<vmem>>) target(%dma_start3A_310 : memref<128x128xf32, #tpu.memory_space<vmem_shared>>) target_semaphore(%run_scoped3A : memref<!tpu.dma_semaphore, #tpu.memory_space<semaphore_mem>>)
      %dma_wait3A_311 = arith.constant 0 : i32
      %dma_wait3A_312 = tpu.memref_slice %arg10[%add3A_17, %dma_wait3A_311] : memref<10240x128xf32, #tpu.memory_space<vmem_shared>> -> memref<128x128xf32, #tpu.memory_space<vmem_shared>>
      %dma_wait3A_313 = arith.constant 0 : i32
      %dma_wait3A_314 = tpu.memref_slice %arg10[%add3A_17, %dma_wait3A_313] : memref<10240x128xf32, #tpu.memory_space<vmem_shared>> -> memref<128x128xf32, #tpu.memory_space<vmem_shared>>
      tpu.wait_dma2 semaphore(%run_scoped3A : memref<!tpu.dma_semaphore, #tpu.memory_space<semaphore_mem>>) src(%arg8 : memref<128x128xf32, #tpu.memory_space<vmem>>) dst(%dma_wait3A_314 : memref<128x128xf32, #tpu.memory_space<vmem_shared>>)
      tpu.yield
    }) : () -> ()
    %mul3A_18 = arith.constant 640 : i32
    %mul3A_19 = arith.muli %arg1, %mul3A_18 : i32
    %add3A_20 = arith.constant 384 : i32
    %add3A_21 = arith.addi %mul3A_19, %add3A_20 : i32
    "tpu.region"() ({
      %run_scoped3A = tpu.sem_alloc : memref<!tpu.dma_semaphore, #tpu.memory_space<semaphore_mem>>
      %dma_start3A_307 = arith.constant 0 : i32
      %dma_start3A_308 = tpu.memref_slice %arg10[%add3A_21, %dma_start3A_307] : memref<10240x128xf32, #tpu.memory_space<vmem_shared>> -> memref<128x128xf32, #tpu.memory_space<vmem_shared>>
      %dma_start3A_309 = arith.constant 0 : i32
      %dma_start3A_310 = tpu.memref_slice %arg10[%add3A_21, %dma_start3A_309] : memref<10240x128xf32, #tpu.memory_space<vmem_shared>> -> memref<128x128xf32, #tpu.memory_space<vmem_shared>>
      tpu.enqueue_dma source(%arg8 : memref<128x128xf32, #tpu.memory_space<vmem>>) target(%dma_start3A_310 : memref<128x128xf32, #tpu.memory_space<vmem_shared>>) target_semaphore(%run_scoped3A : memref<!tpu.dma_semaphore, #tpu.memory_space<semaphore_mem>>)
      %dma_wait3A_311 = arith.constant 0 : i32
      %dma_wait3A_312 = tpu.memref_slice %arg10[%add3A_21, %dma_wait3A_311] : memref<10240x128xf32, #tpu.memory_space<vmem_shared>> -> memref<128x128xf32, #tpu.memory_space<vmem_shared>>
      %dma_wait3A_313 = arith.constant 0 : i32
      %dma_wait3A_314 = tpu.memref_slice %arg10[%add3A_21, %dma_wait3A_313] : memref<10240x128xf32, #tpu.memory_space<vmem_shared>> -> memref<128x128xf32, #tpu.memory_space<vmem_shared>>
      tpu.wait_dma2 semaphore(%run_scoped3A : memref<!tpu.dma_semaphore, #tpu.memory_space<semaphore_mem>>) src(%arg8 : memref<128x128xf32, #tpu.memory_space<vmem>>) dst(%dma_wait3A_314 : memref<128x128xf32, #tpu.memory_space<vmem_shared>>)
      tpu.yield
    }) : () -> ()
    %mul3A_22 = arith.constant 640 : i32
    %mul3A_23 = arith.muli %arg1, %mul3A_22 : i32
    %add3A_24 = arith.constant 512 : i32
    %add3A_25 = arith.addi %mul3A_23, %add3A_24 : i32
    "tpu.region"() ({
      %run_scoped3A = tpu.sem_alloc : memref<!tpu.dma_semaphore, #tpu.memory_space<semaphore_mem>>
      %dma_start3A_307 = arith.constant 0 : i32
      %dma_start3A_308 = tpu.memref_slice %arg10[%add3A_25, %dma_start3A_307] : memref<10240x128xf32, #tpu.memory_space<vmem_shared>> -> memref<128x128xf32, #tpu.memory_space<vmem_shared>>
      %dma_start3A_309 = arith.constant 0 : i32
      %dma_start3A_310 = tpu.memref_slice %arg10[%add3A_25, %dma_start3A_309] : memref<10240x128xf32, #tpu.memory_space<vmem_shared>> -> memref<128x128xf32, #tpu.memory_space<vmem_shared>>
      tpu.enqueue_dma source(%arg8 : memref<128x128xf32, #tpu.memory_space<vmem>>) target(%dma_start3A_310 : memref<128x128xf32, #tpu.memory_space<vmem_shared>>) target_semaphore(%run_scoped3A : memref<!tpu.dma_semaphore, #tpu.memory_space<semaphore_mem>>)
      %dma_wait3A_311 = arith.constant 0 : i32
      %dma_wait3A_312 = tpu.memref_slice %arg10[%add3A_25, %dma_wait3A_311] : memref<10240x128xf32, #tpu.memory_space<vmem_shared>> -> memref<128x128xf32, #tpu.memory_space<vmem_shared>>
      %dma_wait3A_313 = arith.constant 0 : i32
      %dma_wait3A_314 = tpu.memref_slice %arg10[%add3A_25, %dma_wait3A_313] : memref<10240x128xf32, #tpu.memory_space<vmem_shared>> -> memref<128x128xf32, #tpu.memory_space<vmem_shared>>
      tpu.wait_dma2 semaphore(%run_scoped3A : memref<!tpu.dma_semaphore, #tpu.memory_space<semaphore_mem>>) src(%arg8 : memref<128x128xf32, #tpu.memory_space<vmem>>) dst(%dma_wait3A_314 : memref<128x128xf32, #tpu.memory_space<vmem_shared>>)
      tpu.yield
    }) : () -> ()
    %barrier3A = arith.constant 0 : index
    tpu.barrier barrier_id(%barrier3A)
    %dma_start3A = arith.constant 0 : i32
    %dma_start3A_26 = tpu.memref_slice %arg3[%add3A, %dma_start3A] : memref<32x10240xi32, #tpu.memory_space<hbm>> -> memref<1x5120xi32, #tpu.memory_space<hbm>>
    %dma_start3A_27 = tpu.memref_squeeze %dma_start3A_26 : memref<1x5120xi32, #tpu.memory_space<hbm>> -> memref<5120xi32, #tpu.memory_space<hbm>>
    %dma_start3A_28 = arith.constant 0 : i32
    %dma_start3A_29 = tpu.memref_slice %arg3[%add3A, %dma_start3A_28] : memref<32x10240xi32, #tpu.memory_space<hbm>> -> memref<1x5120xi32, #tpu.memory_space<hbm>>
    %dma_start3A_30 = tpu.memref_squeeze %dma_start3A_29 : memref<1x5120xi32, #tpu.memory_space<hbm>> -> memref<5120xi32, #tpu.memory_space<hbm>>
    tpu.enqueue_dma source(%dma_start3A_30 : memref<5120xi32, #tpu.memory_space<hbm>>) target(%arg6 : memref<5120xi32, #tpu.memory_space<vmem>>) target_semaphore(%arg11 : memref<!tpu.dma_semaphore, #tpu.memory_space<semaphore_mem>>)
    %dma_wait3A = arith.constant 0 : i32
    %dma_wait3A_31 = tpu.memref_slice %arg3[%add3A, %dma_wait3A] : memref<32x10240xi32, #tpu.memory_space<hbm>> -> memref<1x5120xi32, #tpu.memory_space<hbm>>
    %dma_wait3A_32 = tpu.memref_squeeze %dma_wait3A_31 : memref<1x5120xi32, #tpu.memory_space<hbm>> -> memref<5120xi32, #tpu.memory_space<hbm>>
    %dma_wait3A_33 = arith.constant 0 : i32
    %dma_wait3A_34 = tpu.memref_slice %arg3[%add3A, %dma_wait3A_33] : memref<32x10240xi32, #tpu.memory_space<hbm>> -> memref<1x5120xi32, #tpu.memory_space<hbm>>
    %dma_wait3A_35 = tpu.memref_squeeze %dma_wait3A_34 : memref<1x5120xi32, #tpu.memory_space<hbm>> -> memref<5120xi32, #tpu.memory_space<hbm>>
    tpu.wait_dma2 semaphore(%arg11 : memref<!tpu.dma_semaphore, #tpu.memory_space<semaphore_mem>>) src(%dma_wait3A_35 : memref<5120xi32, #tpu.memory_space<hbm>>) dst(%arg6 : memref<5120xi32, #tpu.memory_space<vmem>>)
    %dma_start3A_36 = arith.constant 0 : i32
    %dma_start3A_37 = arith.constant 0 : i32
    %dma_start3A_38 = arith.constant 0 : i32
    %dma_start3A_39 = tpu.memref_slice %arg4[%add3A, %dma_start3A_36, %dma_start3A_37, %dma_start3A_38] : memref<32x2x40x128xi32, #tpu.memory_space<hbm>> -> memref<1x1x40x128xi32, #tpu.memory_space<hbm>>
    %dma_start3A_40 = tpu.memref_squeeze %dma_start3A_39 : memref<1x1x40x128xi32, #tpu.memory_space<hbm>> -> memref<40x128xi32, #tpu.memory_space<hbm>>
    %dma_start3A_41 = arith.constant 0 : i32
    %dma_start3A_42 = arith.constant 0 : i32
    %dma_start3A_43 = tpu.memref_slice %arg4[%add3A, %dma_start3A_36, %dma_start3A_41, %dma_start3A_42] : memref<32x2x40x128xi32, #tpu.memory_space<hbm>> -> memref<1x1x40x128xi32, #tpu.memory_space<hbm>>
    %dma_start3A_44 = tpu.memref_squeeze %dma_start3A_43 : memref<1x1x40x128xi32, #tpu.memory_space<hbm>> -> memref<40x128xi32, #tpu.memory_space<hbm>>
    tpu.enqueue_dma source(%dma_start3A_44 : memref<40x128xi32, #tpu.memory_space<hbm>>) target(%arg7 : memref<40x128xi32, #tpu.memory_space<vmem>>) target_semaphore(%arg12 : memref<!tpu.dma_semaphore, #tpu.memory_space<semaphore_mem>>)
    %dma_wait3A_45 = arith.constant 0 : i32
    %dma_wait3A_46 = arith.constant 0 : i32
    %dma_wait3A_47 = arith.constant 0 : i32
    %dma_wait3A_48 = tpu.memref_slice %arg4[%add3A, %dma_wait3A_45, %dma_wait3A_46, %dma_wait3A_47] : memref<32x2x40x128xi32, #tpu.memory_space<hbm>> -> memref<1x1x40x128xi32, #tpu.memory_space<hbm>>
    %dma_wait3A_49 = tpu.memref_squeeze %dma_wait3A_48 : memref<1x1x40x128xi32, #tpu.memory_space<hbm>> -> memref<40x128xi32, #tpu.memory_space<hbm>>
    %dma_wait3A_50 = arith.constant 0 : i32
    %dma_wait3A_51 = arith.constant 0 : i32
    %dma_wait3A_52 = tpu.memref_slice %arg4[%add3A, %dma_wait3A_45, %dma_wait3A_50, %dma_wait3A_51] : memref<32x2x40x128xi32, #tpu.memory_space<hbm>> -> memref<1x1x40x128xi32, #tpu.memory_space<hbm>>
    %dma_wait3A_53 = tpu.memref_squeeze %dma_wait3A_52 : memref<1x1x40x128xi32, #tpu.memory_space<hbm>> -> memref<40x128xi32, #tpu.memory_space<hbm>>
    tpu.wait_dma2 semaphore(%arg12 : memref<!tpu.dma_semaphore, #tpu.memory_space<semaphore_mem>>) src(%dma_wait3A_53 : memref<40x128xi32, #tpu.memory_space<hbm>>) dst(%arg7 : memref<40x128xi32, #tpu.memory_space<vmem>>)
    %dma_start3A_54 = arith.constant 0 : i32
    %dma_start3A_55 = arith.constant 0 : i32
    %dma_start3A_56 = tpu.memref_slice %arg8[%dma_start3A_54, %dma_start3A_55] : memref<128x128xf32, #tpu.memory_space<vmem>> -> memref<64x128xf32, #tpu.memory_space<vmem>>
    %dma_start3A_57 = arith.constant 0 : i32
    %dma_start3A_58 = tpu.memref_slice %arg6[%dma_start3A_57] : memref<5120xi32, #tpu.memory_space<vmem>> -> memref<64xi32, #tpu.memory_space<vmem>>
    %dma_start3A_59 = arith.constant 0 : i32
    %dma_start3A_60 = arith.constant 0 : i32
    %dma_start3A_61 = tpu.memref_slice %arg2[%dma_start3A_59, %dma_start3A_60] : memref<10240x128xf32, #tpu.memory_space<hbm>> -> memref<10240x128xf32, #tpu.memory_space<hbm>>
    tpu.enqueue_indirect_dma source(%dma_start3A_61 : memref<10240x128xf32, #tpu.memory_space<hbm>>) target(%dma_start3A_56 : memref<64x128xf32, #tpu.memory_space<vmem>>) offsets(%dma_start3A_58 : memref<64xi32, #tpu.memory_space<vmem>>) semaphore(%arg11 : memref<!tpu.dma_semaphore, #tpu.memory_space<semaphore_mem>>)
    %dma_start3A_62 = arith.constant 64 : i32
    %dma_start3A_63 = arith.constant 0 : i32
    %dma_start3A_64 = tpu.memref_slice %arg8[%dma_start3A_62, %dma_start3A_63] : memref<128x128xf32, #tpu.memory_space<vmem>> -> memref<64x128xf32, #tpu.memory_space<vmem>>
    %dma_start3A_65 = arith.constant 64 : i32
    %dma_start3A_66 = tpu.memref_slice %arg6[%dma_start3A_65] : memref<5120xi32, #tpu.memory_space<vmem>> -> memref<64xi32, #tpu.memory_space<vmem>>
    %dma_start3A_67 = arith.constant 0 : i32
    %dma_start3A_68 = arith.constant 0 : i32
    %dma_start3A_69 = tpu.memref_slice %arg2[%dma_start3A_67, %dma_start3A_68] : memref<10240x128xf32, #tpu.memory_space<hbm>> -> memref<10240x128xf32, #tpu.memory_space<hbm>>
    tpu.enqueue_indirect_dma source(%dma_start3A_69 : memref<10240x128xf32, #tpu.memory_space<hbm>>) target(%dma_start3A_64 : memref<64x128xf32, #tpu.memory_space<vmem>>) offsets(%dma_start3A_66 : memref<64xi32, #tpu.memory_space<vmem>>) semaphore(%arg11 : memref<!tpu.dma_semaphore, #tpu.memory_space<semaphore_mem>>)
    %dma_start3A_70 = arith.constant 0 : i32
    %dma_start3A_71 = arith.constant 0 : i32
    %dma_start3A_72 = tpu.memref_slice %arg9[%dma_start3A_70, %dma_start3A_71] : memref<128x128xf32, #tpu.memory_space<vmem>> -> memref<64x128xf32, #tpu.memory_space<vmem>>
    %dma_start3A_73 = arith.constant 128 : i32
    %dma_start3A_74 = tpu.memref_slice %arg6[%dma_start3A_73] : memref<5120xi32, #tpu.memory_space<vmem>> -> memref<64xi32, #tpu.memory_space<vmem>>
    %dma_start3A_75 = arith.constant 0 : i32
    %dma_start3A_76 = arith.constant 0 : i32
    %dma_start3A_77 = tpu.memref_slice %arg2[%dma_start3A_75, %dma_start3A_76] : memref<10240x128xf32, #tpu.memory_space<hbm>> -> memref<10240x128xf32, #tpu.memory_space<hbm>>
    tpu.enqueue_indirect_dma source(%dma_start3A_77 : memref<10240x128xf32, #tpu.memory_space<hbm>>) target(%dma_start3A_72 : memref<64x128xf32, #tpu.memory_space<vmem>>) offsets(%dma_start3A_74 : memref<64xi32, #tpu.memory_space<vmem>>) semaphore(%arg12 : memref<!tpu.dma_semaphore, #tpu.memory_space<semaphore_mem>>)
    %dma_start3A_78 = arith.constant 64 : i32
    %dma_start3A_79 = arith.constant 0 : i32
    %dma_start3A_80 = tpu.memref_slice %arg9[%dma_start3A_78, %dma_start3A_79] : memref<128x128xf32, #tpu.memory_space<vmem>> -> memref<64x128xf32, #tpu.memory_space<vmem>>
    %dma_start3A_81 = arith.constant 192 : i32
    %dma_start3A_82 = tpu.memref_slice %arg6[%dma_start3A_81] : memref<5120xi32, #tpu.memory_space<vmem>> -> memref<64xi32, #tpu.memory_space<vmem>>
    %dma_start3A_83 = arith.constant 0 : i32
    %dma_start3A_84 = arith.constant 0 : i32
    %dma_start3A_85 = tpu.memref_slice %arg2[%dma_start3A_83, %dma_start3A_84] : memref<10240x128xf32, #tpu.memory_space<hbm>> -> memref<10240x128xf32, #tpu.memory_space<hbm>>
    tpu.enqueue_indirect_dma source(%dma_start3A_85 : memref<10240x128xf32, #tpu.memory_space<hbm>>) target(%dma_start3A_80 : memref<64x128xf32, #tpu.memory_space<vmem>>) offsets(%dma_start3A_82 : memref<64xi32, #tpu.memory_space<vmem>>) semaphore(%arg12 : memref<!tpu.dma_semaphore, #tpu.memory_space<semaphore_mem>>)
    %scan3A_86 = arith.constant 0 : i32
    %scan3A_87 = arith.constant 20 : i32
    %scan3A_88 = arith.addi %scan3A_86, %scan3A_87 : i32
    %scan3A_89 = arith.constant 1 : i32
    scf.for %scan3A_307 = %scan3A_86 to %scan3A_88 step %scan3A_89  : i32 {
      %mul3A_308 = arith.constant 2 : i32
      %mul3A_309 = arith.muli %scan3A_307, %mul3A_308 : i32
      %add3A_310 = arith.constant 0 : i32
      %add3A_311 = arith.addi %add3A_310, %mul3A_309 : i32
      %mul3A_312 = arith.constant 128 : i32
      %mul3A_313 = arith.muli %add3A_311, %mul3A_312 : i32
      %dma_wait3A_314 = arith.constant 0 : i32
      %dma_wait3A_315 = arith.constant 0 : i32
      %dma_wait3A_316 = tpu.memref_slice %arg8[%dma_wait3A_314, %dma_wait3A_315] : memref<128x128xf32, #tpu.memory_space<vmem>> -> memref<64x128xf32, #tpu.memory_space<vmem>>
      %dma_wait3A_317 = tpu.memref_slice %arg6[%mul3A_313] : memref<5120xi32, #tpu.memory_space<vmem>> -> memref<64xi32, #tpu.memory_space<vmem>>
      %dma_wait3A_318 = arith.constant 0 : i32
      %dma_wait3A_319 = arith.constant 0 : i32
      %dma_wait3A_320 = tpu.memref_slice %arg2[%dma_wait3A_318, %dma_wait3A_319] : memref<10240x128xf32, #tpu.memory_space<hbm>> -> memref<10240x128xf32, #tpu.memory_space<hbm>>
      tpu.wait_indirect_dma semaphore(%arg11 : memref<!tpu.dma_semaphore, #tpu.memory_space<semaphore_mem>>) src(%dma_wait3A_320 : memref<10240x128xf32, #tpu.memory_space<hbm>>) dst(%dma_wait3A_316 : memref<64x128xf32, #tpu.memory_space<vmem>>)
      %mul3A_321 = arith.constant 128 : i32
      %mul3A_322 = arith.muli %add3A_311, %mul3A_321 : i32
      %add3A_323 = arith.constant 64 : i32
      %add3A_324 = arith.addi %mul3A_322, %add3A_323 : i32
      %dma_wait3A_325 = arith.constant 64 : i32
      %dma_wait3A_326 = arith.constant 0 : i32
      %dma_wait3A_327 = tpu.memref_slice %arg8[%dma_wait3A_325, %dma_wait3A_326] : memref<128x128xf32, #tpu.memory_space<vmem>> -> memref<64x128xf32, #tpu.memory_space<vmem>>
      %dma_wait3A_328 = tpu.memref_slice %arg6[%add3A_324] : memref<5120xi32, #tpu.memory_space<vmem>> -> memref<64xi32, #tpu.memory_space<vmem>>
      %dma_wait3A_329 = arith.constant 0 : i32
      %dma_wait3A_330 = arith.constant 0 : i32
      %dma_wait3A_331 = tpu.memref_slice %arg2[%dma_wait3A_329, %dma_wait3A_330] : memref<10240x128xf32, #tpu.memory_space<hbm>> -> memref<10240x128xf32, #tpu.memory_space<hbm>>
      tpu.wait_indirect_dma semaphore(%arg11 : memref<!tpu.dma_semaphore, #tpu.memory_space<semaphore_mem>>) src(%dma_wait3A_331 : memref<10240x128xf32, #tpu.memory_space<hbm>>) dst(%dma_wait3A_327 : memref<64x128xf32, #tpu.memory_space<vmem>>)
      %dma_start3A_332 = arith.constant 0 : i32
      %dma_start3A_333 = tpu.memref_slice %arg7[%add3A_311, %dma_start3A_332] : memref<40x128xi32, #tpu.memory_space<vmem>> -> memref<1x128xi32, #tpu.memory_space<vmem>>
      %dma_start3A_334 = tpu.memref_squeeze %dma_start3A_333 : memref<1x128xi32, #tpu.memory_space<vmem>> -> memref<128xi32, #tpu.memory_space<vmem>>
      %dma_start3A_335 = arith.constant 0 : i32
      %dma_start3A_336 = arith.constant 0 : i32
      %dma_start3A_337 = tpu.memref_slice %arg10[%dma_start3A_335, %dma_start3A_336] : memref<10240x128xf32, #tpu.memory_space<vmem_shared>> -> memref<10240x128xf32, #tpu.memory_space<vmem_shared>>
      tpu.enqueue_indirect_dma source(%arg8 : memref<128x128xf32, #tpu.memory_space<vmem>>) target(%dma_start3A_337 : memref<10240x128xf32, #tpu.memory_space<vmem_shared>>) offsets(%dma_start3A_334 : memref<128xi32, #tpu.memory_space<vmem>>) semaphore(%arg13 : memref<!tpu.dma_semaphore, #tpu.memory_space<semaphore_mem>>) {add = true}
      %add3A_338 = arith.constant 1 : i32
      %add3A_339 = arith.addi %add3A_311, %add3A_338 : i32
      %mul3A_340 = arith.constant 128 : i32
      %mul3A_341 = arith.muli %add3A_339, %mul3A_340 : i32
      %dma_wait3A_342 = arith.constant 0 : i32
      %dma_wait3A_343 = arith.constant 0 : i32
      %dma_wait3A_344 = tpu.memref_slice %arg9[%dma_wait3A_342, %dma_wait3A_343] : memref<128x128xf32, #tpu.memory_space<vmem>> -> memref<64x128xf32, #tpu.memory_space<vmem>>
      %dma_wait3A_345 = tpu.memref_slice %arg6[%mul3A_341] : memref<5120xi32, #tpu.memory_space<vmem>> -> memref<64xi32, #tpu.memory_space<vmem>>
      %dma_wait3A_346 = arith.constant 0 : i32
      %dma_wait3A_347 = arith.constant 0 : i32
      %dma_wait3A_348 = tpu.memref_slice %arg2[%dma_wait3A_346, %dma_wait3A_347] : memref<10240x128xf32, #tpu.memory_space<hbm>> -> memref<10240x128xf32, #tpu.memory_space<hbm>>
      tpu.wait_indirect_dma semaphore(%arg12 : memref<!tpu.dma_semaphore, #tpu.memory_space<semaphore_mem>>) src(%dma_wait3A_348 : memref<10240x128xf32, #tpu.memory_space<hbm>>) dst(%dma_wait3A_344 : memref<64x128xf32, #tpu.memory_space<vmem>>)
      %mul3A_349 = arith.constant 128 : i32
      %mul3A_350 = arith.muli %add3A_339, %mul3A_349 : i32
      %add3A_351 = arith.constant 64 : i32
      %add3A_352 = arith.addi %mul3A_350, %add3A_351 : i32
      %dma_wait3A_353 = arith.constant 64 : i32
      %dma_wait3A_354 = arith.constant 0 : i32
      %dma_wait3A_355 = tpu.memref_slice %arg9[%dma_wait3A_353, %dma_wait3A_354] : memref<128x128xf32, #tpu.memory_space<vmem>> -> memref<64x128xf32, #tpu.memory_space<vmem>>
      %dma_wait3A_356 = tpu.memref_slice %arg6[%add3A_352] : memref<5120xi32, #tpu.memory_space<vmem>> -> memref<64xi32, #tpu.memory_space<vmem>>
      %dma_wait3A_357 = arith.constant 0 : i32
      %dma_wait3A_358 = arith.constant 0 : i32
      %dma_wait3A_359 = tpu.memref_slice %arg2[%dma_wait3A_357, %dma_wait3A_358] : memref<10240x128xf32, #tpu.memory_space<hbm>> -> memref<10240x128xf32, #tpu.memory_space<hbm>>
      tpu.wait_indirect_dma semaphore(%arg12 : memref<!tpu.dma_semaphore, #tpu.memory_space<semaphore_mem>>) src(%dma_wait3A_359 : memref<10240x128xf32, #tpu.memory_space<hbm>>) dst(%dma_wait3A_355 : memref<64x128xf32, #tpu.memory_space<vmem>>)
      %add3A_360 = arith.constant 1 : i32
      %add3A_361 = arith.addi %add3A_311, %add3A_360 : i32
      %dma_start3A_362 = arith.constant 0 : i32
      %dma_start3A_363 = tpu.memref_slice %arg7[%add3A_361, %dma_start3A_362] : memref<40x128xi32, #tpu.memory_space<vmem>> -> memref<1x128xi32, #tpu.memory_space<vmem>>
      %dma_start3A_364 = tpu.memref_squeeze %dma_start3A_363 : memref<1x128xi32, #tpu.memory_space<vmem>> -> memref<128xi32, #tpu.memory_space<vmem>>
      %dma_start3A_365 = arith.constant 0 : i32
      %dma_start3A_366 = arith.constant 0 : i32
      %dma_start3A_367 = tpu.memref_slice %arg10[%dma_start3A_365, %dma_start3A_366] : memref<10240x128xf32, #tpu.memory_space<vmem_shared>> -> memref<10240x128xf32, #tpu.memory_space<vmem_shared>>
      tpu.enqueue_indirect_dma source(%arg9 : memref<128x128xf32, #tpu.memory_space<vmem>>) target(%dma_start3A_367 : memref<10240x128xf32, #tpu.memory_space<vmem_shared>>) offsets(%dma_start3A_364 : memref<128xi32, #tpu.memory_space<vmem>>) semaphore(%arg14 : memref<!tpu.dma_semaphore, #tpu.memory_space<semaphore_mem>>) {add = true}
      %add3A_368 = arith.constant 2 : i32
      %add3A_369 = arith.addi %add3A_311, %add3A_368 : i32
      %lt3A = arith.constant 40 : i32
      %lt3A_370 = arith.cmpi slt, %add3A_369, %lt3A : i32
      %convert_element_type3A = arith.extui %lt3A_370 : i1 to i32
      %cond3A = arith.constant 0 : i32
      %cond3A_371 = arith.cmpi ne, %convert_element_type3A, %cond3A : i32
      scf.if %cond3A_371 {
        %dma_wait3A_372 = arith.constant 0 : i32
        %dma_wait3A_373 = tpu.memref_slice %arg7[%add3A_311, %dma_wait3A_372] : memref<40x128xi32, #tpu.memory_space<vmem>> -> memref<1x128xi32, #tpu.memory_space<vmem>>
        %dma_wait3A_374 = tpu.memref_squeeze %dma_wait3A_373 : memref<1x128xi32, #tpu.memory_space<vmem>> -> memref<128xi32, #tpu.memory_space<vmem>>
        %dma_wait3A_375 = arith.constant 0 : i32
        %dma_wait3A_376 = arith.constant 0 : i32
        %dma_wait3A_377 = tpu.memref_slice %arg10[%dma_wait3A_375, %dma_wait3A_376] : memref<10240x128xf32, #tpu.memory_space<vmem_shared>> -> memref<10240x128xf32, #tpu.memory_space<vmem_shared>>
        tpu.wait_indirect_dma semaphore(%arg13 : memref<!tpu.dma_semaphore, #tpu.memory_space<semaphore_mem>>) src(%arg8 : memref<128x128xf32, #tpu.memory_space<vmem>>) dst(%dma_wait3A_377 : memref<10240x128xf32, #tpu.memory_space<vmem_shared>>)
        %add3A_378 = arith.constant 2 : i32
        %add3A_379 = arith.addi %add3A_311, %add3A_378 : i32
        %mul3A_380 = arith.constant 128 : i32
        %mul3A_381 = arith.muli %add3A_379, %mul3A_380 : i32
        %dma_start3A_382 = arith.constant 0 : i32
        %dma_start3A_383 = arith.constant 0 : i32
        %dma_start3A_384 = tpu.memref_slice %arg8[%dma_start3A_382, %dma_start3A_383] : memref<128x128xf32, #tpu.memory_space<vmem>> -> memref<64x128xf32, #tpu.memory_space<vmem>>
        %dma_start3A_385 = tpu.memref_slice %arg6[%mul3A_381] : memref<5120xi32, #tpu.memory_space<vmem>> -> memref<64xi32, #tpu.memory_space<vmem>>
        %dma_start3A_386 = arith.constant 0 : i32
        %dma_start3A_387 = arith.constant 0 : i32
        %dma_start3A_388 = tpu.memref_slice %arg2[%dma_start3A_386, %dma_start3A_387] : memref<10240x128xf32, #tpu.memory_space<hbm>> -> memref<10240x128xf32, #tpu.memory_space<hbm>>
        tpu.enqueue_indirect_dma source(%dma_start3A_388 : memref<10240x128xf32, #tpu.memory_space<hbm>>) target(%dma_start3A_384 : memref<64x128xf32, #tpu.memory_space<vmem>>) offsets(%dma_start3A_385 : memref<64xi32, #tpu.memory_space<vmem>>) semaphore(%arg11 : memref<!tpu.dma_semaphore, #tpu.memory_space<semaphore_mem>>)
        %mul3A_389 = arith.constant 128 : i32
        %mul3A_390 = arith.muli %add3A_379, %mul3A_389 : i32
        %add3A_391 = arith.constant 64 : i32
        %add3A_392 = arith.addi %mul3A_390, %add3A_391 : i32
        %dma_start3A_393 = arith.constant 64 : i32
        %dma_start3A_394 = arith.constant 0 : i32
        %dma_start3A_395 = tpu.memref_slice %arg8[%dma_start3A_393, %dma_start3A_394] : memref<128x128xf32, #tpu.memory_space<vmem>> -> memref<64x128xf32, #tpu.memory_space<vmem>>
        %dma_start3A_396 = tpu.memref_slice %arg6[%add3A_392] : memref<5120xi32, #tpu.memory_space<vmem>> -> memref<64xi32, #tpu.memory_space<vmem>>
        %dma_start3A_397 = arith.constant 0 : i32
        %dma_start3A_398 = arith.constant 0 : i32
        %dma_start3A_399 = tpu.memref_slice %arg2[%dma_start3A_397, %dma_start3A_398] : memref<10240x128xf32, #tpu.memory_space<hbm>> -> memref<10240x128xf32, #tpu.memory_space<hbm>>
        tpu.enqueue_indirect_dma source(%dma_start3A_399 : memref<10240x128xf32, #tpu.memory_space<hbm>>) target(%dma_start3A_395 : memref<64x128xf32, #tpu.memory_space<vmem>>) offsets(%dma_start3A_396 : memref<64xi32, #tpu.memory_space<vmem>>) semaphore(%arg11 : memref<!tpu.dma_semaphore, #tpu.memory_space<semaphore_mem>>)
        %add3A_400 = arith.constant 1 : i32
        %add3A_401 = arith.addi %add3A_311, %add3A_400 : i32
        %dma_wait3A_402 = arith.constant 0 : i32
        %dma_wait3A_403 = tpu.memref_slice %arg7[%add3A_401, %dma_wait3A_402] : memref<40x128xi32, #tpu.memory_space<vmem>> -> memref<1x128xi32, #tpu.memory_space<vmem>>
        %dma_wait3A_404 = tpu.memref_squeeze %dma_wait3A_403 : memref<1x128xi32, #tpu.memory_space<vmem>> -> memref<128xi32, #tpu.memory_space<vmem>>
        %dma_wait3A_405 = arith.constant 0 : i32
        %dma_wait3A_406 = arith.constant 0 : i32
        %dma_wait3A_407 = tpu.memref_slice %arg10[%dma_wait3A_405, %dma_wait3A_406] : memref<10240x128xf32, #tpu.memory_space<vmem_shared>> -> memref<10240x128xf32, #tpu.memory_space<vmem_shared>>
        tpu.wait_indirect_dma semaphore(%arg14 : memref<!tpu.dma_semaphore, #tpu.memory_space<semaphore_mem>>) src(%arg9 : memref<128x128xf32, #tpu.memory_space<vmem>>) dst(%dma_wait3A_407 : memref<10240x128xf32, #tpu.memory_space<vmem_shared>>)
        %add3A_408 = arith.constant 3 : i32
        %add3A_409 = arith.addi %add3A_311, %add3A_408 : i32
        %mul3A_410 = arith.constant 128 : i32
        %mul3A_411 = arith.muli %add3A_409, %mul3A_410 : i32
        %dma_start3A_412 = arith.constant 0 : i32
        %dma_start3A_413 = arith.constant 0 : i32
        %dma_start3A_414 = tpu.memref_slice %arg9[%dma_start3A_412, %dma_start3A_413] : memref<128x128xf32, #tpu.memory_space<vmem>> -> memref<64x128xf32, #tpu.memory_space<vmem>>
        %dma_start3A_415 = tpu.memref_slice %arg6[%mul3A_411] : memref<5120xi32, #tpu.memory_space<vmem>> -> memref<64xi32, #tpu.memory_space<vmem>>
        %dma_start3A_416 = arith.constant 0 : i32
        %dma_start3A_417 = arith.constant 0 : i32
        %dma_start3A_418 = tpu.memref_slice %arg2[%dma_start3A_416, %dma_start3A_417] : memref<10240x128xf32, #tpu.memory_space<hbm>> -> memref<10240x128xf32, #tpu.memory_space<hbm>>
        tpu.enqueue_indirect_dma source(%dma_start3A_418 : memref<10240x128xf32, #tpu.memory_space<hbm>>) target(%dma_start3A_414 : memref<64x128xf32, #tpu.memory_space<vmem>>) offsets(%dma_start3A_415 : memref<64xi32, #tpu.memory_space<vmem>>) semaphore(%arg12 : memref<!tpu.dma_semaphore, #tpu.memory_space<semaphore_mem>>)
        %mul3A_419 = arith.constant 128 : i32
        %mul3A_420 = arith.muli %add3A_409, %mul3A_419 : i32
        %add3A_421 = arith.constant 64 : i32
        %add3A_422 = arith.addi %mul3A_420, %add3A_421 : i32
        %dma_start3A_423 = arith.constant 64 : i32
        %dma_start3A_424 = arith.constant 0 : i32
        %dma_start3A_425 = tpu.memref_slice %arg9[%dma_start3A_423, %dma_start3A_424] : memref<128x128xf32, #tpu.memory_space<vmem>> -> memref<64x128xf32, #tpu.memory_space<vmem>>
        %dma_start3A_426 = tpu.memref_slice %arg6[%add3A_422] : memref<5120xi32, #tpu.memory_space<vmem>> -> memref<64xi32, #tpu.memory_space<vmem>>
        %dma_start3A_427 = arith.constant 0 : i32
        %dma_start3A_428 = arith.constant 0 : i32
        %dma_start3A_429 = tpu.memref_slice %arg2[%dma_start3A_427, %dma_start3A_428] : memref<10240x128xf32, #tpu.memory_space<hbm>> -> memref<10240x128xf32, #tpu.memory_space<hbm>>
        tpu.enqueue_indirect_dma source(%dma_start3A_429 : memref<10240x128xf32, #tpu.memory_space<hbm>>) target(%dma_start3A_425 : memref<64x128xf32, #tpu.memory_space<vmem>>) offsets(%dma_start3A_426 : memref<64xi32, #tpu.memory_space<vmem>>) semaphore(%arg12 : memref<!tpu.dma_semaphore, #tpu.memory_space<semaphore_mem>>)
      } else {
      }
    }
    %scan3A_90 = arith.constant 20 : i32
    %dma_wait3A_91 = arith.constant 38 : i32
    %dma_wait3A_92 = arith.constant 0 : i32
    %dma_wait3A_93 = tpu.memref_slice %arg7[%dma_wait3A_91, %dma_wait3A_92] : memref<40x128xi32, #tpu.memory_space<vmem>> -> memref<1x128xi32, #tpu.memory_space<vmem>>
    %dma_wait3A_94 = tpu.memref_squeeze %dma_wait3A_93 : memref<1x128xi32, #tpu.memory_space<vmem>> -> memref<128xi32, #tpu.memory_space<vmem>>
    %dma_wait3A_95 = arith.constant 0 : i32
    %dma_wait3A_96 = arith.constant 0 : i32
    %dma_wait3A_97 = tpu.memref_slice %arg10[%dma_wait3A_95, %dma_wait3A_96] : memref<10240x128xf32, #tpu.memory_space<vmem_shared>> -> memref<10240x128xf32, #tpu.memory_space<vmem_shared>>
    tpu.wait_indirect_dma semaphore(%arg13 : memref<!tpu.dma_semaphore, #tpu.memory_space<semaphore_mem>>) src(%arg8 : memref<128x128xf32, #tpu.memory_space<vmem>>) dst(%dma_wait3A_97 : memref<10240x128xf32, #tpu.memory_space<vmem_shared>>)
    %dma_wait3A_98 = arith.constant 39 : i32
    %dma_wait3A_99 = arith.constant 0 : i32
    %dma_wait3A_100 = tpu.memref_slice %arg7[%dma_wait3A_98, %dma_wait3A_99] : memref<40x128xi32, #tpu.memory_space<vmem>> -> memref<1x128xi32, #tpu.memory_space<vmem>>
    %dma_wait3A_101 = tpu.memref_squeeze %dma_wait3A_100 : memref<1x128xi32, #tpu.memory_space<vmem>> -> memref<128xi32, #tpu.memory_space<vmem>>
    %dma_wait3A_102 = arith.constant 0 : i32
    %dma_wait3A_103 = arith.constant 0 : i32
    %dma_wait3A_104 = tpu.memref_slice %arg10[%dma_wait3A_102, %dma_wait3A_103] : memref<10240x128xf32, #tpu.memory_space<vmem_shared>> -> memref<10240x128xf32, #tpu.memory_space<vmem_shared>>
    tpu.wait_indirect_dma semaphore(%arg14 : memref<!tpu.dma_semaphore, #tpu.memory_space<semaphore_mem>>) src(%arg9 : memref<128x128xf32, #tpu.memory_space<vmem>>) dst(%dma_wait3A_104 : memref<10240x128xf32, #tpu.memory_space<vmem_shared>>)
    %dma_start3A_105 = arith.constant 5120 : i32
    %dma_start3A_106 = tpu.memref_slice %arg3[%add3A, %dma_start3A_105] : memref<32x10240xi32, #tpu.memory_space<hbm>> -> memref<1x5120xi32, #tpu.memory_space<hbm>>
    %dma_start3A_107 = tpu.memref_squeeze %dma_start3A_106 : memref<1x5120xi32, #tpu.memory_space<hbm>> -> memref<5120xi32, #tpu.memory_space<hbm>>
    %dma_start3A_108 = arith.constant 5120 : i32
    %dma_start3A_109 = tpu.memref_slice %arg3[%add3A, %dma_start3A_108] : memref<32x10240xi32, #tpu.memory_space<hbm>> -> memref<1x5120xi32, #tpu.memory_space<hbm>>
    %dma_start3A_110 = tpu.memref_squeeze %dma_start3A_109 : memref<1x5120xi32, #tpu.memory_space<hbm>> -> memref<5120xi32, #tpu.memory_space<hbm>>
    tpu.enqueue_dma source(%dma_start3A_110 : memref<5120xi32, #tpu.memory_space<hbm>>) target(%arg6 : memref<5120xi32, #tpu.memory_space<vmem>>) target_semaphore(%arg11 : memref<!tpu.dma_semaphore, #tpu.memory_space<semaphore_mem>>)
    %dma_wait3A_111 = arith.constant 5120 : i32
    %dma_wait3A_112 = tpu.memref_slice %arg3[%add3A, %dma_wait3A_111] : memref<32x10240xi32, #tpu.memory_space<hbm>> -> memref<1x5120xi32, #tpu.memory_space<hbm>>
    %dma_wait3A_113 = tpu.memref_squeeze %dma_wait3A_112 : memref<1x5120xi32, #tpu.memory_space<hbm>> -> memref<5120xi32, #tpu.memory_space<hbm>>
    %dma_wait3A_114 = arith.constant 5120 : i32
    %dma_wait3A_115 = tpu.memref_slice %arg3[%add3A, %dma_wait3A_114] : memref<32x10240xi32, #tpu.memory_space<hbm>> -> memref<1x5120xi32, #tpu.memory_space<hbm>>
    %dma_wait3A_116 = tpu.memref_squeeze %dma_wait3A_115 : memref<1x5120xi32, #tpu.memory_space<hbm>> -> memref<5120xi32, #tpu.memory_space<hbm>>
    tpu.wait_dma2 semaphore(%arg11 : memref<!tpu.dma_semaphore, #tpu.memory_space<semaphore_mem>>) src(%dma_wait3A_116 : memref<5120xi32, #tpu.memory_space<hbm>>) dst(%arg6 : memref<5120xi32, #tpu.memory_space<vmem>>)
    %dma_start3A_117 = arith.constant 1 : i32
    %dma_start3A_118 = arith.constant 0 : i32
    %dma_start3A_119 = arith.constant 0 : i32
    %dma_start3A_120 = tpu.memref_slice %arg4[%add3A, %dma_start3A_117, %dma_start3A_118, %dma_start3A_119] : memref<32x2x40x128xi32, #tpu.memory_space<hbm>> -> memref<1x1x40x128xi32, #tpu.memory_space<hbm>>
    %dma_start3A_121 = tpu.memref_squeeze %dma_start3A_120 : memref<1x1x40x128xi32, #tpu.memory_space<hbm>> -> memref<40x128xi32, #tpu.memory_space<hbm>>
    %dma_start3A_122 = arith.constant 0 : i32
    %dma_start3A_123 = arith.constant 0 : i32
    %dma_start3A_124 = tpu.memref_slice %arg4[%add3A, %dma_start3A_117, %dma_start3A_122, %dma_start3A_123] : memref<32x2x40x128xi32, #tpu.memory_space<hbm>> -> memref<1x1x40x128xi32, #tpu.memory_space<hbm>>
    %dma_start3A_125 = tpu.memref_squeeze %dma_start3A_124 : memref<1x1x40x128xi32, #tpu.memory_space<hbm>> -> memref<40x128xi32, #tpu.memory_space<hbm>>
    tpu.enqueue_dma source(%dma_start3A_125 : memref<40x128xi32, #tpu.memory_space<hbm>>) target(%arg7 : memref<40x128xi32, #tpu.memory_space<vmem>>) target_semaphore(%arg12 : memref<!tpu.dma_semaphore, #tpu.memory_space<semaphore_mem>>)
    %dma_wait3A_126 = arith.constant 1 : i32
    %dma_wait3A_127 = arith.constant 0 : i32
    %dma_wait3A_128 = arith.constant 0 : i32
    %dma_wait3A_129 = tpu.memref_slice %arg4[%add3A, %dma_wait3A_126, %dma_wait3A_127, %dma_wait3A_128] : memref<32x2x40x128xi32, #tpu.memory_space<hbm>> -> memref<1x1x40x128xi32, #tpu.memory_space<hbm>>
    %dma_wait3A_130 = tpu.memref_squeeze %dma_wait3A_129 : memref<1x1x40x128xi32, #tpu.memory_space<hbm>> -> memref<40x128xi32, #tpu.memory_space<hbm>>
    %dma_wait3A_131 = arith.constant 0 : i32
    %dma_wait3A_132 = arith.constant 0 : i32
    %dma_wait3A_133 = tpu.memref_slice %arg4[%add3A, %dma_wait3A_126, %dma_wait3A_131, %dma_wait3A_132] : memref<32x2x40x128xi32, #tpu.memory_space<hbm>> -> memref<1x1x40x128xi32, #tpu.memory_space<hbm>>
    %dma_wait3A_134 = tpu.memref_squeeze %dma_wait3A_133 : memref<1x1x40x128xi32, #tpu.memory_space<hbm>> -> memref<40x128xi32, #tpu.memory_space<hbm>>
    tpu.wait_dma2 semaphore(%arg12 : memref<!tpu.dma_semaphore, #tpu.memory_space<semaphore_mem>>) src(%dma_wait3A_134 : memref<40x128xi32, #tpu.memory_space<hbm>>) dst(%arg7 : memref<40x128xi32, #tpu.memory_space<vmem>>)
    %dma_start3A_135 = arith.constant 0 : i32
    %dma_start3A_136 = arith.constant 0 : i32
    %dma_start3A_137 = tpu.memref_slice %arg8[%dma_start3A_135, %dma_start3A_136] : memref<128x128xf32, #tpu.memory_space<vmem>> -> memref<64x128xf32, #tpu.memory_space<vmem>>
    %dma_start3A_138 = arith.constant 0 : i32
    %dma_start3A_139 = tpu.memref_slice %arg6[%dma_start3A_138] : memref<5120xi32, #tpu.memory_space<vmem>> -> memref<64xi32, #tpu.memory_space<vmem>>
    %dma_start3A_140 = arith.constant 0 : i32
    %dma_start3A_141 = arith.constant 0 : i32
    %dma_start3A_142 = tpu.memref_slice %arg2[%dma_start3A_140, %dma_start3A_141] : memref<10240x128xf32, #tpu.memory_space<hbm>> -> memref<10240x128xf32, #tpu.memory_space<hbm>>
    tpu.enqueue_indirect_dma source(%dma_start3A_142 : memref<10240x128xf32, #tpu.memory_space<hbm>>) target(%dma_start3A_137 : memref<64x128xf32, #tpu.memory_space<vmem>>) offsets(%dma_start3A_139 : memref<64xi32, #tpu.memory_space<vmem>>) semaphore(%arg11 : memref<!tpu.dma_semaphore, #tpu.memory_space<semaphore_mem>>)
    %dma_start3A_143 = arith.constant 64 : i32
    %dma_start3A_144 = arith.constant 0 : i32
    %dma_start3A_145 = tpu.memref_slice %arg8[%dma_start3A_143, %dma_start3A_144] : memref<128x128xf32, #tpu.memory_space<vmem>> -> memref<64x128xf32, #tpu.memory_space<vmem>>
    %dma_start3A_146 = arith.constant 64 : i32
    %dma_start3A_147 = tpu.memref_slice %arg6[%dma_start3A_146] : memref<5120xi32, #tpu.memory_space<vmem>> -> memref<64xi32, #tpu.memory_space<vmem>>
    %dma_start3A_148 = arith.constant 0 : i32
    %dma_start3A_149 = arith.constant 0 : i32
    %dma_start3A_150 = tpu.memref_slice %arg2[%dma_start3A_148, %dma_start3A_149] : memref<10240x128xf32, #tpu.memory_space<hbm>> -> memref<10240x128xf32, #tpu.memory_space<hbm>>
    tpu.enqueue_indirect_dma source(%dma_start3A_150 : memref<10240x128xf32, #tpu.memory_space<hbm>>) target(%dma_start3A_145 : memref<64x128xf32, #tpu.memory_space<vmem>>) offsets(%dma_start3A_147 : memref<64xi32, #tpu.memory_space<vmem>>) semaphore(%arg11 : memref<!tpu.dma_semaphore, #tpu.memory_space<semaphore_mem>>)
    %dma_start3A_151 = arith.constant 0 : i32
    %dma_start3A_152 = arith.constant 0 : i32
    %dma_start3A_153 = tpu.memref_slice %arg9[%dma_start3A_151, %dma_start3A_152] : memref<128x128xf32, #tpu.memory_space<vmem>> -> memref<64x128xf32, #tpu.memory_space<vmem>>
    %dma_start3A_154 = arith.constant 128 : i32
    %dma_start3A_155 = tpu.memref_slice %arg6[%dma_start3A_154] : memref<5120xi32, #tpu.memory_space<vmem>> -> memref<64xi32, #tpu.memory_space<vmem>>
    %dma_start3A_156 = arith.constant 0 : i32
    %dma_start3A_157 = arith.constant 0 : i32
    %dma_start3A_158 = tpu.memref_slice %arg2[%dma_start3A_156, %dma_start3A_157] : memref<10240x128xf32, #tpu.memory_space<hbm>> -> memref<10240x128xf32, #tpu.memory_space<hbm>>
    tpu.enqueue_indirect_dma source(%dma_start3A_158 : memref<10240x128xf32, #tpu.memory_space<hbm>>) target(%dma_start3A_153 : memref<64x128xf32, #tpu.memory_space<vmem>>) offsets(%dma_start3A_155 : memref<64xi32, #tpu.memory_space<vmem>>) semaphore(%arg12 : memref<!tpu.dma_semaphore, #tpu.memory_space<semaphore_mem>>)
    %dma_start3A_159 = arith.constant 64 : i32
    %dma_start3A_160 = arith.constant 0 : i32
    %dma_start3A_161 = tpu.memref_slice %arg9[%dma_start3A_159, %dma_start3A_160] : memref<128x128xf32, #tpu.memory_space<vmem>> -> memref<64x128xf32, #tpu.memory_space<vmem>>
    %dma_start3A_162 = arith.constant 192 : i32
    %dma_start3A_163 = tpu.memref_slice %arg6[%dma_start3A_162] : memref<5120xi32, #tpu.memory_space<vmem>> -> memref<64xi32, #tpu.memory_space<vmem>>
    %dma_start3A_164 = arith.constant 0 : i32
    %dma_start3A_165 = arith.constant 0 : i32
    %dma_start3A_166 = tpu.memref_slice %arg2[%dma_start3A_164, %dma_start3A_165] : memref<10240x128xf32, #tpu.memory_space<hbm>> -> memref<10240x128xf32, #tpu.memory_space<hbm>>
    tpu.enqueue_indirect_dma source(%dma_start3A_166 : memref<10240x128xf32, #tpu.memory_space<hbm>>) target(%dma_start3A_161 : memref<64x128xf32, #tpu.memory_space<vmem>>) offsets(%dma_start3A_163 : memref<64xi32, #tpu.memory_space<vmem>>) semaphore(%arg12 : memref<!tpu.dma_semaphore, #tpu.memory_space<semaphore_mem>>)
    %scan3A_167 = arith.constant 0 : i32
    %scan3A_168 = arith.constant 20 : i32
    %scan3A_169 = arith.addi %scan3A_167, %scan3A_168 : i32
    %scan3A_170 = arith.constant 1 : i32
    scf.for %scan3A_307 = %scan3A_167 to %scan3A_169 step %scan3A_170  : i32 {
      %mul3A_308 = arith.constant 2 : i32
      %mul3A_309 = arith.muli %scan3A_307, %mul3A_308 : i32
      %add3A_310 = arith.constant 0 : i32
      %add3A_311 = arith.addi %add3A_310, %mul3A_309 : i32
      %mul3A_312 = arith.constant 128 : i32
      %mul3A_313 = arith.muli %add3A_311, %mul3A_312 : i32
      %dma_wait3A_314 = arith.constant 0 : i32
      %dma_wait3A_315 = arith.constant 0 : i32
      %dma_wait3A_316 = tpu.memref_slice %arg8[%dma_wait3A_314, %dma_wait3A_315] : memref<128x128xf32, #tpu.memory_space<vmem>> -> memref<64x128xf32, #tpu.memory_space<vmem>>
      %dma_wait3A_317 = tpu.memref_slice %arg6[%mul3A_313] : memref<5120xi32, #tpu.memory_space<vmem>> -> memref<64xi32, #tpu.memory_space<vmem>>
      %dma_wait3A_318 = arith.constant 0 : i32
      %dma_wait3A_319 = arith.constant 0 : i32
      %dma_wait3A_320 = tpu.memref_slice %arg2[%dma_wait3A_318, %dma_wait3A_319] : memref<10240x128xf32, #tpu.memory_space<hbm>> -> memref<10240x128xf32, #tpu.memory_space<hbm>>
      tpu.wait_indirect_dma semaphore(%arg11 : memref<!tpu.dma_semaphore, #tpu.memory_space<semaphore_mem>>) src(%dma_wait3A_320 : memref<10240x128xf32, #tpu.memory_space<hbm>>) dst(%dma_wait3A_316 : memref<64x128xf32, #tpu.memory_space<vmem>>)
      %mul3A_321 = arith.constant 128 : i32
      %mul3A_322 = arith.muli %add3A_311, %mul3A_321 : i32
      %add3A_323 = arith.constant 64 : i32
      %add3A_324 = arith.addi %mul3A_322, %add3A_323 : i32
      %dma_wait3A_325 = arith.constant 64 : i32
      %dma_wait3A_326 = arith.constant 0 : i32
      %dma_wait3A_327 = tpu.memref_slice %arg8[%dma_wait3A_325, %dma_wait3A_326] : memref<128x128xf32, #tpu.memory_space<vmem>> -> memref<64x128xf32, #tpu.memory_space<vmem>>
      %dma_wait3A_328 = tpu.memref_slice %arg6[%add3A_324] : memref<5120xi32, #tpu.memory_space<vmem>> -> memref<64xi32, #tpu.memory_space<vmem>>
      %dma_wait3A_329 = arith.constant 0 : i32
      %dma_wait3A_330 = arith.constant 0 : i32
      %dma_wait3A_331 = tpu.memref_slice %arg2[%dma_wait3A_329, %dma_wait3A_330] : memref<10240x128xf32, #tpu.memory_space<hbm>> -> memref<10240x128xf32, #tpu.memory_space<hbm>>
      tpu.wait_indirect_dma semaphore(%arg11 : memref<!tpu.dma_semaphore, #tpu.memory_space<semaphore_mem>>) src(%dma_wait3A_331 : memref<10240x128xf32, #tpu.memory_space<hbm>>) dst(%dma_wait3A_327 : memref<64x128xf32, #tpu.memory_space<vmem>>)
      %dma_start3A_332 = arith.constant 0 : i32
      %dma_start3A_333 = tpu.memref_slice %arg7[%add3A_311, %dma_start3A_332] : memref<40x128xi32, #tpu.memory_space<vmem>> -> memref<1x128xi32, #tpu.memory_space<vmem>>
      %dma_start3A_334 = tpu.memref_squeeze %dma_start3A_333 : memref<1x128xi32, #tpu.memory_space<vmem>> -> memref<128xi32, #tpu.memory_space<vmem>>
      %dma_start3A_335 = arith.constant 0 : i32
      %dma_start3A_336 = arith.constant 0 : i32
      %dma_start3A_337 = tpu.memref_slice %arg10[%dma_start3A_335, %dma_start3A_336] : memref<10240x128xf32, #tpu.memory_space<vmem_shared>> -> memref<10240x128xf32, #tpu.memory_space<vmem_shared>>
      tpu.enqueue_indirect_dma source(%arg8 : memref<128x128xf32, #tpu.memory_space<vmem>>) target(%dma_start3A_337 : memref<10240x128xf32, #tpu.memory_space<vmem_shared>>) offsets(%dma_start3A_334 : memref<128xi32, #tpu.memory_space<vmem>>) semaphore(%arg13 : memref<!tpu.dma_semaphore, #tpu.memory_space<semaphore_mem>>) {add = true}
      %add3A_338 = arith.constant 1 : i32
      %add3A_339 = arith.addi %add3A_311, %add3A_338 : i32
      %mul3A_340 = arith.constant 128 : i32
      %mul3A_341 = arith.muli %add3A_339, %mul3A_340 : i32
      %dma_wait3A_342 = arith.constant 0 : i32
      %dma_wait3A_343 = arith.constant 0 : i32
      %dma_wait3A_344 = tpu.memref_slice %arg9[%dma_wait3A_342, %dma_wait3A_343] : memref<128x128xf32, #tpu.memory_space<vmem>> -> memref<64x128xf32, #tpu.memory_space<vmem>>
      %dma_wait3A_345 = tpu.memref_slice %arg6[%mul3A_341] : memref<5120xi32, #tpu.memory_space<vmem>> -> memref<64xi32, #tpu.memory_space<vmem>>
      %dma_wait3A_346 = arith.constant 0 : i32
      %dma_wait3A_347 = arith.constant 0 : i32
      %dma_wait3A_348 = tpu.memref_slice %arg2[%dma_wait3A_346, %dma_wait3A_347] : memref<10240x128xf32, #tpu.memory_space<hbm>> -> memref<10240x128xf32, #tpu.memory_space<hbm>>
      tpu.wait_indirect_dma semaphore(%arg12 : memref<!tpu.dma_semaphore, #tpu.memory_space<semaphore_mem>>) src(%dma_wait3A_348 : memref<10240x128xf32, #tpu.memory_space<hbm>>) dst(%dma_wait3A_344 : memref<64x128xf32, #tpu.memory_space<vmem>>)
      %mul3A_349 = arith.constant 128 : i32
      %mul3A_350 = arith.muli %add3A_339, %mul3A_349 : i32
      %add3A_351 = arith.constant 64 : i32
      %add3A_352 = arith.addi %mul3A_350, %add3A_351 : i32
      %dma_wait3A_353 = arith.constant 64 : i32
      %dma_wait3A_354 = arith.constant 0 : i32
      %dma_wait3A_355 = tpu.memref_slice %arg9[%dma_wait3A_353, %dma_wait3A_354] : memref<128x128xf32, #tpu.memory_space<vmem>> -> memref<64x128xf32, #tpu.memory_space<vmem>>
      %dma_wait3A_356 = tpu.memref_slice %arg6[%add3A_352] : memref<5120xi32, #tpu.memory_space<vmem>> -> memref<64xi32, #tpu.memory_space<vmem>>
      %dma_wait3A_357 = arith.constant 0 : i32
      %dma_wait3A_358 = arith.constant 0 : i32
      %dma_wait3A_359 = tpu.memref_slice %arg2[%dma_wait3A_357, %dma_wait3A_358] : memref<10240x128xf32, #tpu.memory_space<hbm>> -> memref<10240x128xf32, #tpu.memory_space<hbm>>
      tpu.wait_indirect_dma semaphore(%arg12 : memref<!tpu.dma_semaphore, #tpu.memory_space<semaphore_mem>>) src(%dma_wait3A_359 : memref<10240x128xf32, #tpu.memory_space<hbm>>) dst(%dma_wait3A_355 : memref<64x128xf32, #tpu.memory_space<vmem>>)
      %add3A_360 = arith.constant 1 : i32
      %add3A_361 = arith.addi %add3A_311, %add3A_360 : i32
      %dma_start3A_362 = arith.constant 0 : i32
      %dma_start3A_363 = tpu.memref_slice %arg7[%add3A_361, %dma_start3A_362] : memref<40x128xi32, #tpu.memory_space<vmem>> -> memref<1x128xi32, #tpu.memory_space<vmem>>
      %dma_start3A_364 = tpu.memref_squeeze %dma_start3A_363 : memref<1x128xi32, #tpu.memory_space<vmem>> -> memref<128xi32, #tpu.memory_space<vmem>>
      %dma_start3A_365 = arith.constant 0 : i32
      %dma_start3A_366 = arith.constant 0 : i32
      %dma_start3A_367 = tpu.memref_slice %arg10[%dma_start3A_365, %dma_start3A_366] : memref<10240x128xf32, #tpu.memory_space<vmem_shared>> -> memref<10240x128xf32, #tpu.memory_space<vmem_shared>>
      tpu.enqueue_indirect_dma source(%arg9 : memref<128x128xf32, #tpu.memory_space<vmem>>) target(%dma_start3A_367 : memref<10240x128xf32, #tpu.memory_space<vmem_shared>>) offsets(%dma_start3A_364 : memref<128xi32, #tpu.memory_space<vmem>>) semaphore(%arg14 : memref<!tpu.dma_semaphore, #tpu.memory_space<semaphore_mem>>) {add = true}
      %add3A_368 = arith.constant 2 : i32
      %add3A_369 = arith.addi %add3A_311, %add3A_368 : i32
      %lt3A = arith.constant 40 : i32
      %lt3A_370 = arith.cmpi slt, %add3A_369, %lt3A : i32
      %convert_element_type3A = arith.extui %lt3A_370 : i1 to i32
      %cond3A = arith.constant 0 : i32
      %cond3A_371 = arith.cmpi ne, %convert_element_type3A, %cond3A : i32
      scf.if %cond3A_371 {
        %dma_wait3A_372 = arith.constant 0 : i32
        %dma_wait3A_373 = tpu.memref_slice %arg7[%add3A_311, %dma_wait3A_372] : memref<40x128xi32, #tpu.memory_space<vmem>> -> memref<1x128xi32, #tpu.memory_space<vmem>>
        %dma_wait3A_374 = tpu.memref_squeeze %dma_wait3A_373 : memref<1x128xi32, #tpu.memory_space<vmem>> -> memref<128xi32, #tpu.memory_space<vmem>>
        %dma_wait3A_375 = arith.constant 0 : i32
        %dma_wait3A_376 = arith.constant 0 : i32
        %dma_wait3A_377 = tpu.memref_slice %arg10[%dma_wait3A_375, %dma_wait3A_376] : memref<10240x128xf32, #tpu.memory_space<vmem_shared>> -> memref<10240x128xf32, #tpu.memory_space<vmem_shared>>
        tpu.wait_indirect_dma semaphore(%arg13 : memref<!tpu.dma_semaphore, #tpu.memory_space<semaphore_mem>>) src(%arg8 : memref<128x128xf32, #tpu.memory_space<vmem>>) dst(%dma_wait3A_377 : memref<10240x128xf32, #tpu.memory_space<vmem_shared>>)
        %add3A_378 = arith.constant 2 : i32
        %add3A_379 = arith.addi %add3A_311, %add3A_378 : i32
        %mul3A_380 = arith.constant 128 : i32
        %mul3A_381 = arith.muli %add3A_379, %mul3A_380 : i32
        %dma_start3A_382 = arith.constant 0 : i32
        %dma_start3A_383 = arith.constant 0 : i32
        %dma_start3A_384 = tpu.memref_slice %arg8[%dma_start3A_382, %dma_start3A_383] : memref<128x128xf32, #tpu.memory_space<vmem>> -> memref<64x128xf32, #tpu.memory_space<vmem>>
        %dma_start3A_385 = tpu.memref_slice %arg6[%mul3A_381] : memref<5120xi32, #tpu.memory_space<vmem>> -> memref<64xi32, #tpu.memory_space<vmem>>
        %dma_start3A_386 = arith.constant 0 : i32
        %dma_start3A_387 = arith.constant 0 : i32
        %dma_start3A_388 = tpu.memref_slice %arg2[%dma_start3A_386, %dma_start3A_387] : memref<10240x128xf32, #tpu.memory_space<hbm>> -> memref<10240x128xf32, #tpu.memory_space<hbm>>
        tpu.enqueue_indirect_dma source(%dma_start3A_388 : memref<10240x128xf32, #tpu.memory_space<hbm>>) target(%dma_start3A_384 : memref<64x128xf32, #tpu.memory_space<vmem>>) offsets(%dma_start3A_385 : memref<64xi32, #tpu.memory_space<vmem>>) semaphore(%arg11 : memref<!tpu.dma_semaphore, #tpu.memory_space<semaphore_mem>>)
        %mul3A_389 = arith.constant 128 : i32
        %mul3A_390 = arith.muli %add3A_379, %mul3A_389 : i32
        %add3A_391 = arith.constant 64 : i32
        %add3A_392 = arith.addi %mul3A_390, %add3A_391 : i32
        %dma_start3A_393 = arith.constant 64 : i32
        %dma_start3A_394 = arith.constant 0 : i32
        %dma_start3A_395 = tpu.memref_slice %arg8[%dma_start3A_393, %dma_start3A_394] : memref<128x128xf32, #tpu.memory_space<vmem>> -> memref<64x128xf32, #tpu.memory_space<vmem>>
        %dma_start3A_396 = tpu.memref_slice %arg6[%add3A_392] : memref<5120xi32, #tpu.memory_space<vmem>> -> memref<64xi32, #tpu.memory_space<vmem>>
        %dma_start3A_397 = arith.constant 0 : i32
        %dma_start3A_398 = arith.constant 0 : i32
        %dma_start3A_399 = tpu.memref_slice %arg2[%dma_start3A_397, %dma_start3A_398] : memref<10240x128xf32, #tpu.memory_space<hbm>> -> memref<10240x128xf32, #tpu.memory_space<hbm>>
        tpu.enqueue_indirect_dma source(%dma_start3A_399 : memref<10240x128xf32, #tpu.memory_space<hbm>>) target(%dma_start3A_395 : memref<64x128xf32, #tpu.memory_space<vmem>>) offsets(%dma_start3A_396 : memref<64xi32, #tpu.memory_space<vmem>>) semaphore(%arg11 : memref<!tpu.dma_semaphore, #tpu.memory_space<semaphore_mem>>)
        %add3A_400 = arith.constant 1 : i32
        %add3A_401 = arith.addi %add3A_311, %add3A_400 : i32
        %dma_wait3A_402 = arith.constant 0 : i32
        %dma_wait3A_403 = tpu.memref_slice %arg7[%add3A_401, %dma_wait3A_402] : memref<40x128xi32, #tpu.memory_space<vmem>> -> memref<1x128xi32, #tpu.memory_space<vmem>>
        %dma_wait3A_404 = tpu.memref_squeeze %dma_wait3A_403 : memref<1x128xi32, #tpu.memory_space<vmem>> -> memref<128xi32, #tpu.memory_space<vmem>>
        %dma_wait3A_405 = arith.constant 0 : i32
        %dma_wait3A_406 = arith.constant 0 : i32
        %dma_wait3A_407 = tpu.memref_slice %arg10[%dma_wait3A_405, %dma_wait3A_406] : memref<10240x128xf32, #tpu.memory_space<vmem_shared>> -> memref<10240x128xf32, #tpu.memory_space<vmem_shared>>
        tpu.wait_indirect_dma semaphore(%arg14 : memref<!tpu.dma_semaphore, #tpu.memory_space<semaphore_mem>>) src(%arg9 : memref<128x128xf32, #tpu.memory_space<vmem>>) dst(%dma_wait3A_407 : memref<10240x128xf32, #tpu.memory_space<vmem_shared>>)
        %add3A_408 = arith.constant 3 : i32
        %add3A_409 = arith.addi %add3A_311, %add3A_408 : i32
        %mul3A_410 = arith.constant 128 : i32
        %mul3A_411 = arith.muli %add3A_409, %mul3A_410 : i32
        %dma_start3A_412 = arith.constant 0 : i32
        %dma_start3A_413 = arith.constant 0 : i32
        %dma_start3A_414 = tpu.memref_slice %arg9[%dma_start3A_412, %dma_start3A_413] : memref<128x128xf32, #tpu.memory_space<vmem>> -> memref<64x128xf32, #tpu.memory_space<vmem>>
        %dma_start3A_415 = tpu.memref_slice %arg6[%mul3A_411] : memref<5120xi32, #tpu.memory_space<vmem>> -> memref<64xi32, #tpu.memory_space<vmem>>
        %dma_start3A_416 = arith.constant 0 : i32
        %dma_start3A_417 = arith.constant 0 : i32
        %dma_start3A_418 = tpu.memref_slice %arg2[%dma_start3A_416, %dma_start3A_417] : memref<10240x128xf32, #tpu.memory_space<hbm>> -> memref<10240x128xf32, #tpu.memory_space<hbm>>
        tpu.enqueue_indirect_dma source(%dma_start3A_418 : memref<10240x128xf32, #tpu.memory_space<hbm>>) target(%dma_start3A_414 : memref<64x128xf32, #tpu.memory_space<vmem>>) offsets(%dma_start3A_415 : memref<64xi32, #tpu.memory_space<vmem>>) semaphore(%arg12 : memref<!tpu.dma_semaphore, #tpu.memory_space<semaphore_mem>>)
        %mul3A_419 = arith.constant 128 : i32
        %mul3A_420 = arith.muli %add3A_409, %mul3A_419 : i32
        %add3A_421 = arith.constant 64 : i32
        %add3A_422 = arith.addi %mul3A_420, %add3A_421 : i32
        %dma_start3A_423 = arith.constant 64 : i32
        %dma_start3A_424 = arith.constant 0 : i32
        %dma_start3A_425 = tpu.memref_slice %arg9[%dma_start3A_423, %dma_start3A_424] : memref<128x128xf32, #tpu.memory_space<vmem>> -> memref<64x128xf32, #tpu.memory_space<vmem>>
        %dma_start3A_426 = tpu.memref_slice %arg6[%add3A_422] : memref<5120xi32, #tpu.memory_space<vmem>> -> memref<64xi32, #tpu.memory_space<vmem>>
        %dma_start3A_427 = arith.constant 0 : i32
        %dma_start3A_428 = arith.constant 0 : i32
        %dma_start3A_429 = tpu.memref_slice %arg2[%dma_start3A_427, %dma_start3A_428] : memref<10240x128xf32, #tpu.memory_space<hbm>> -> memref<10240x128xf32, #tpu.memory_space<hbm>>
        tpu.enqueue_indirect_dma source(%dma_start3A_429 : memref<10240x128xf32, #tpu.memory_space<hbm>>) target(%dma_start3A_425 : memref<64x128xf32, #tpu.memory_space<vmem>>) offsets(%dma_start3A_426 : memref<64xi32, #tpu.memory_space<vmem>>) semaphore(%arg12 : memref<!tpu.dma_semaphore, #tpu.memory_space<semaphore_mem>>)
      } else {
      }
    }
    %scan3A_171 = arith.constant 20 : i32
    %dma_wait3A_172 = arith.constant 38 : i32
    %dma_wait3A_173 = arith.constant 0 : i32
    %dma_wait3A_174 = tpu.memref_slice %arg7[%dma_wait3A_172, %dma_wait3A_173] : memref<40x128xi32, #tpu.memory_space<vmem>> -> memref<1x128xi32, #tpu.memory_space<vmem>>
    %dma_wait3A_175 = tpu.memref_squeeze %dma_wait3A_174 : memref<1x128xi32, #tpu.memory_space<vmem>> -> memref<128xi32, #tpu.memory_space<vmem>>
    %dma_wait3A_176 = arith.constant 0 : i32
    %dma_wait3A_177 = arith.constant 0 : i32
    %dma_wait3A_178 = tpu.memref_slice %arg10[%dma_wait3A_176, %dma_wait3A_177] : memref<10240x128xf32, #tpu.memory_space<vmem_shared>> -> memref<10240x128xf32, #tpu.memory_space<vmem_shared>>
    tpu.wait_indirect_dma semaphore(%arg13 : memref<!tpu.dma_semaphore, #tpu.memory_space<semaphore_mem>>) src(%arg8 : memref<128x128xf32, #tpu.memory_space<vmem>>) dst(%dma_wait3A_178 : memref<10240x128xf32, #tpu.memory_space<vmem_shared>>)
    %dma_wait3A_179 = arith.constant 39 : i32
    %dma_wait3A_180 = arith.constant 0 : i32
    %dma_wait3A_181 = tpu.memref_slice %arg7[%dma_wait3A_179, %dma_wait3A_180] : memref<40x128xi32, #tpu.memory_space<vmem>> -> memref<1x128xi32, #tpu.memory_space<vmem>>
    %dma_wait3A_182 = tpu.memref_squeeze %dma_wait3A_181 : memref<1x128xi32, #tpu.memory_space<vmem>> -> memref<128xi32, #tpu.memory_space<vmem>>
    %dma_wait3A_183 = arith.constant 0 : i32
    %dma_wait3A_184 = arith.constant 0 : i32
    %dma_wait3A_185 = tpu.memref_slice %arg10[%dma_wait3A_183, %dma_wait3A_184] : memref<10240x128xf32, #tpu.memory_space<vmem_shared>> -> memref<10240x128xf32, #tpu.memory_space<vmem_shared>>
    tpu.wait_indirect_dma semaphore(%arg14 : memref<!tpu.dma_semaphore, #tpu.memory_space<semaphore_mem>>) src(%arg9 : memref<128x128xf32, #tpu.memory_space<vmem>>) dst(%dma_wait3A_185 : memref<10240x128xf32, #tpu.memory_space<vmem_shared>>)
    %barrier3A_186 = arith.constant 0 : index
    tpu.barrier barrier_id(%barrier3A_186)
    %mul3A_187 = arith.constant 640 : i32
    %mul3A_188 = arith.muli %arg1, %mul3A_187 : i32
    %add3A_189 = arith.constant 0 : i32
    %add3A_190 = arith.addi %mul3A_188, %add3A_189 : i32
    "tpu.region"() ({
      %run_scoped3A = tpu.sem_alloc : memref<!tpu.dma_semaphore, #tpu.memory_space<semaphore_mem>>
      %dma_start3A_307 = arith.constant 0 : i32
      %dma_start3A_308 = tpu.memref_slice %arg10[%add3A_190, %dma_start3A_307] : memref<10240x128xf32, #tpu.memory_space<vmem_shared>> -> memref<128x128xf32, #tpu.memory_space<vmem_shared>>
      %dma_start3A_309 = arith.constant 0 : i32
      %dma_start3A_310 = tpu.memref_slice %arg10[%add3A_190, %dma_start3A_309] : memref<10240x128xf32, #tpu.memory_space<vmem_shared>> -> memref<128x128xf32, #tpu.memory_space<vmem_shared>>
      tpu.enqueue_dma source(%dma_start3A_310 : memref<128x128xf32, #tpu.memory_space<vmem_shared>>) target(%arg8 : memref<128x128xf32, #tpu.memory_space<vmem>>) target_semaphore(%run_scoped3A : memref<!tpu.dma_semaphore, #tpu.memory_space<semaphore_mem>>)
      %dma_wait3A_311 = arith.constant 0 : i32
      %dma_wait3A_312 = tpu.memref_slice %arg10[%add3A_190, %dma_wait3A_311] : memref<10240x128xf32, #tpu.memory_space<vmem_shared>> -> memref<128x128xf32, #tpu.memory_space<vmem_shared>>
      %dma_wait3A_313 = arith.constant 0 : i32
      %dma_wait3A_314 = tpu.memref_slice %arg10[%add3A_190, %dma_wait3A_313] : memref<10240x128xf32, #tpu.memory_space<vmem_shared>> -> memref<128x128xf32, #tpu.memory_space<vmem_shared>>
      tpu.wait_dma2 semaphore(%run_scoped3A : memref<!tpu.dma_semaphore, #tpu.memory_space<semaphore_mem>>) src(%dma_wait3A_314 : memref<128x128xf32, #tpu.memory_space<vmem_shared>>) dst(%arg8 : memref<128x128xf32, #tpu.memory_space<vmem>>)
      tpu.yield
    }) : () -> ()
    %mul3A_191 = arith.constant 640 : i32
    %mul3A_192 = arith.muli %arg1, %mul3A_191 : i32
    %add3A_193 = arith.constant 0 : i32
    %add3A_194 = arith.addi %mul3A_192, %add3A_193 : i32
    %dma_start3A_195 = arith.constant 0 : i32
    %dma_start3A_196 = tpu.memref_slice %arg5[%arg0, %add3A_194, %dma_start3A_195] : memref<2x10240x128xf32, #tpu.memory_space<hbm>> -> memref<1x128x128xf32, #tpu.memory_space<hbm>>
    %dma_start3A_197 = tpu.memref_squeeze %dma_start3A_196 : memref<1x128x128xf32, #tpu.memory_space<hbm>> -> memref<128x128xf32, #tpu.memory_space<hbm>>
    %dma_start3A_198 = arith.constant 0 : i32
    %dma_start3A_199 = tpu.memref_slice %arg5[%arg0, %add3A_194, %dma_start3A_198] : memref<2x10240x128xf32, #tpu.memory_space<hbm>> -> memref<1x128x128xf32, #tpu.memory_space<hbm>>
    %dma_start3A_200 = tpu.memref_squeeze %dma_start3A_199 : memref<1x128x128xf32, #tpu.memory_space<hbm>> -> memref<128x128xf32, #tpu.memory_space<hbm>>
    tpu.enqueue_dma source(%arg8 : memref<128x128xf32, #tpu.memory_space<vmem>>) target(%dma_start3A_200 : memref<128x128xf32, #tpu.memory_space<hbm>>) target_semaphore(%arg11 : memref<!tpu.dma_semaphore, #tpu.memory_space<semaphore_mem>>)
    %mul3A_201 = arith.constant 640 : i32
    %mul3A_202 = arith.muli %arg1, %mul3A_201 : i32
    %add3A_203 = arith.constant 128 : i32
    %add3A_204 = arith.addi %mul3A_202, %add3A_203 : i32
    "tpu.region"() ({
      %run_scoped3A = tpu.sem_alloc : memref<!tpu.dma_semaphore, #tpu.memory_space<semaphore_mem>>
      %dma_start3A_307 = arith.constant 0 : i32
      %dma_start3A_308 = tpu.memref_slice %arg10[%add3A_204, %dma_start3A_307] : memref<10240x128xf32, #tpu.memory_space<vmem_shared>> -> memref<128x128xf32, #tpu.memory_space<vmem_shared>>
      %dma_start3A_309 = arith.constant 0 : i32
      %dma_start3A_310 = tpu.memref_slice %arg10[%add3A_204, %dma_start3A_309] : memref<10240x128xf32, #tpu.memory_space<vmem_shared>> -> memref<128x128xf32, #tpu.memory_space<vmem_shared>>
      tpu.enqueue_dma source(%dma_start3A_310 : memref<128x128xf32, #tpu.memory_space<vmem_shared>>) target(%arg9 : memref<128x128xf32, #tpu.memory_space<vmem>>) target_semaphore(%run_scoped3A : memref<!tpu.dma_semaphore, #tpu.memory_space<semaphore_mem>>)
      %dma_wait3A_311 = arith.constant 0 : i32
      %dma_wait3A_312 = tpu.memref_slice %arg10[%add3A_204, %dma_wait3A_311] : memref<10240x128xf32, #tpu.memory_space<vmem_shared>> -> memref<128x128xf32, #tpu.memory_space<vmem_shared>>
      %dma_wait3A_313 = arith.constant 0 : i32
      %dma_wait3A_314 = tpu.memref_slice %arg10[%add3A_204, %dma_wait3A_313] : memref<10240x128xf32, #tpu.memory_space<vmem_shared>> -> memref<128x128xf32, #tpu.memory_space<vmem_shared>>
      tpu.wait_dma2 semaphore(%run_scoped3A : memref<!tpu.dma_semaphore, #tpu.memory_space<semaphore_mem>>) src(%dma_wait3A_314 : memref<128x128xf32, #tpu.memory_space<vmem_shared>>) dst(%arg9 : memref<128x128xf32, #tpu.memory_space<vmem>>)
      tpu.yield
    }) : () -> ()
    %mul3A_205 = arith.constant 640 : i32
    %mul3A_206 = arith.muli %arg1, %mul3A_205 : i32
    %add3A_207 = arith.constant 128 : i32
    %add3A_208 = arith.addi %mul3A_206, %add3A_207 : i32
    %dma_start3A_209 = arith.constant 0 : i32
    %dma_start3A_210 = tpu.memref_slice %arg5[%arg0, %add3A_208, %dma_start3A_209] : memref<2x10240x128xf32, #tpu.memory_space<hbm>> -> memref<1x128x128xf32, #tpu.memory_space<hbm>>
    %dma_start3A_211 = tpu.memref_squeeze %dma_start3A_210 : memref<1x128x128xf32, #tpu.memory_space<hbm>> -> memref<128x128xf32, #tpu.memory_space<hbm>>
    %dma_start3A_212 = arith.constant 0 : i32
    %dma_start3A_213 = tpu.memref_slice %arg5[%arg0, %add3A_208, %dma_start3A_212] : memref<2x10240x128xf32, #tpu.memory_space<hbm>> -> memref<1x128x128xf32, #tpu.memory_space<hbm>>
    %dma_start3A_214 = tpu.memref_squeeze %dma_start3A_213 : memref<1x128x128xf32, #tpu.memory_space<hbm>> -> memref<128x128xf32, #tpu.memory_space<hbm>>
    tpu.enqueue_dma source(%arg9 : memref<128x128xf32, #tpu.memory_space<vmem>>) target(%dma_start3A_214 : memref<128x128xf32, #tpu.memory_space<hbm>>) target_semaphore(%arg12 : memref<!tpu.dma_semaphore, #tpu.memory_space<semaphore_mem>>)
    %mul3A_215 = arith.constant 640 : i32
    %mul3A_216 = arith.muli %arg1, %mul3A_215 : i32
    %add3A_217 = arith.constant 0 : i32
    %add3A_218 = arith.addi %mul3A_216, %add3A_217 : i32
    %dma_wait3A_219 = arith.constant 0 : i32
    %dma_wait3A_220 = tpu.memref_slice %arg5[%arg0, %add3A_218, %dma_wait3A_219] : memref<2x10240x128xf32, #tpu.memory_space<hbm>> -> memref<1x128x128xf32, #tpu.memory_space<hbm>>
    %dma_wait3A_221 = tpu.memref_squeeze %dma_wait3A_220 : memref<1x128x128xf32, #tpu.memory_space<hbm>> -> memref<128x128xf32, #tpu.memory_space<hbm>>
    %dma_wait3A_222 = arith.constant 0 : i32
    %dma_wait3A_223 = tpu.memref_slice %arg5[%arg0, %add3A_218, %dma_wait3A_222] : memref<2x10240x128xf32, #tpu.memory_space<hbm>> -> memref<1x128x128xf32, #tpu.memory_space<hbm>>
    %dma_wait3A_224 = tpu.memref_squeeze %dma_wait3A_223 : memref<1x128x128xf32, #tpu.memory_space<hbm>> -> memref<128x128xf32, #tpu.memory_space<hbm>>
    tpu.wait_dma2 semaphore(%arg11 : memref<!tpu.dma_semaphore, #tpu.memory_space<semaphore_mem>>) src(%arg8 : memref<128x128xf32, #tpu.memory_space<vmem>>) dst(%dma_wait3A_224 : memref<128x128xf32, #tpu.memory_space<hbm>>)
    %mul3A_225 = arith.constant 640 : i32
    %mul3A_226 = arith.muli %arg1, %mul3A_225 : i32
    %add3A_227 = arith.constant 256 : i32
    %add3A_228 = arith.addi %mul3A_226, %add3A_227 : i32
    "tpu.region"() ({
      %run_scoped3A = tpu.sem_alloc : memref<!tpu.dma_semaphore, #tpu.memory_space<semaphore_mem>>
      %dma_start3A_307 = arith.constant 0 : i32
      %dma_start3A_308 = tpu.memref_slice %arg10[%add3A_228, %dma_start3A_307] : memref<10240x128xf32, #tpu.memory_space<vmem_shared>> -> memref<128x128xf32, #tpu.memory_space<vmem_shared>>
      %dma_start3A_309 = arith.constant 0 : i32
      %dma_start3A_310 = tpu.memref_slice %arg10[%add3A_228, %dma_start3A_309] : memref<10240x128xf32, #tpu.memory_space<vmem_shared>> -> memref<128x128xf32, #tpu.memory_space<vmem_shared>>
      tpu.enqueue_dma source(%dma_start3A_310 : memref<128x128xf32, #tpu.memory_space<vmem_shared>>) target(%arg8 : memref<128x128xf32, #tpu.memory_space<vmem>>) target_semaphore(%run_scoped3A : memref<!tpu.dma_semaphore, #tpu.memory_space<semaphore_mem>>)
      %dma_wait3A_311 = arith.constant 0 : i32
      %dma_wait3A_312 = tpu.memref_slice %arg10[%add3A_228, %dma_wait3A_311] : memref<10240x128xf32, #tpu.memory_space<vmem_shared>> -> memref<128x128xf32, #tpu.memory_space<vmem_shared>>
      %dma_wait3A_313 = arith.constant 0 : i32
      %dma_wait3A_314 = tpu.memref_slice %arg10[%add3A_228, %dma_wait3A_313] : memref<10240x128xf32, #tpu.memory_space<vmem_shared>> -> memref<128x128xf32, #tpu.memory_space<vmem_shared>>
      tpu.wait_dma2 semaphore(%run_scoped3A : memref<!tpu.dma_semaphore, #tpu.memory_space<semaphore_mem>>) src(%dma_wait3A_314 : memref<128x128xf32, #tpu.memory_space<vmem_shared>>) dst(%arg8 : memref<128x128xf32, #tpu.memory_space<vmem>>)
      tpu.yield
    }) : () -> ()
    %mul3A_229 = arith.constant 640 : i32
    %mul3A_230 = arith.muli %arg1, %mul3A_229 : i32
    %add3A_231 = arith.constant 256 : i32
    %add3A_232 = arith.addi %mul3A_230, %add3A_231 : i32
    %dma_start3A_233 = arith.constant 0 : i32
    %dma_start3A_234 = tpu.memref_slice %arg5[%arg0, %add3A_232, %dma_start3A_233] : memref<2x10240x128xf32, #tpu.memory_space<hbm>> -> memref<1x128x128xf32, #tpu.memory_space<hbm>>
    %dma_start3A_235 = tpu.memref_squeeze %dma_start3A_234 : memref<1x128x128xf32, #tpu.memory_space<hbm>> -> memref<128x128xf32, #tpu.memory_space<hbm>>
    %dma_start3A_236 = arith.constant 0 : i32
    %dma_start3A_237 = tpu.memref_slice %arg5[%arg0, %add3A_232, %dma_start3A_236] : memref<2x10240x128xf32, #tpu.memory_space<hbm>> -> memref<1x128x128xf32, #tpu.memory_space<hbm>>
    %dma_start3A_238 = tpu.memref_squeeze %dma_start3A_237 : memref<1x128x128xf32, #tpu.memory_space<hbm>> -> memref<128x128xf32, #tpu.memory_space<hbm>>
    tpu.enqueue_dma source(%arg8 : memref<128x128xf32, #tpu.memory_space<vmem>>) target(%dma_start3A_238 : memref<128x128xf32, #tpu.memory_space<hbm>>) target_semaphore(%arg11 : memref<!tpu.dma_semaphore, #tpu.memory_space<semaphore_mem>>)
    %mul3A_239 = arith.constant 640 : i32
    %mul3A_240 = arith.muli %arg1, %mul3A_239 : i32
    %add3A_241 = arith.constant 128 : i32
    %add3A_242 = arith.addi %mul3A_240, %add3A_241 : i32
    %dma_wait3A_243 = arith.constant 0 : i32
    %dma_wait3A_244 = tpu.memref_slice %arg5[%arg0, %add3A_242, %dma_wait3A_243] : memref<2x10240x128xf32, #tpu.memory_space<hbm>> -> memref<1x128x128xf32, #tpu.memory_space<hbm>>
    %dma_wait3A_245 = tpu.memref_squeeze %dma_wait3A_244 : memref<1x128x128xf32, #tpu.memory_space<hbm>> -> memref<128x128xf32, #tpu.memory_space<hbm>>
    %dma_wait3A_246 = arith.constant 0 : i32
    %dma_wait3A_247 = tpu.memref_slice %arg5[%arg0, %add3A_242, %dma_wait3A_246] : memref<2x10240x128xf32, #tpu.memory_space<hbm>> -> memref<1x128x128xf32, #tpu.memory_space<hbm>>
    %dma_wait3A_248 = tpu.memref_squeeze %dma_wait3A_247 : memref<1x128x128xf32, #tpu.memory_space<hbm>> -> memref<128x128xf32, #tpu.memory_space<hbm>>
    tpu.wait_dma2 semaphore(%arg12 : memref<!tpu.dma_semaphore, #tpu.memory_space<semaphore_mem>>) src(%arg9 : memref<128x128xf32, #tpu.memory_space<vmem>>) dst(%dma_wait3A_248 : memref<128x128xf32, #tpu.memory_space<hbm>>)
    %mul3A_249 = arith.constant 640 : i32
    %mul3A_250 = arith.muli %arg1, %mul3A_249 : i32
    %add3A_251 = arith.constant 384 : i32
    %add3A_252 = arith.addi %mul3A_250, %add3A_251 : i32
    "tpu.region"() ({
      %run_scoped3A = tpu.sem_alloc : memref<!tpu.dma_semaphore, #tpu.memory_space<semaphore_mem>>
      %dma_start3A_307 = arith.constant 0 : i32
      %dma_start3A_308 = tpu.memref_slice %arg10[%add3A_252, %dma_start3A_307] : memref<10240x128xf32, #tpu.memory_space<vmem_shared>> -> memref<128x128xf32, #tpu.memory_space<vmem_shared>>
      %dma_start3A_309 = arith.constant 0 : i32
      %dma_start3A_310 = tpu.memref_slice %arg10[%add3A_252, %dma_start3A_309] : memref<10240x128xf32, #tpu.memory_space<vmem_shared>> -> memref<128x128xf32, #tpu.memory_space<vmem_shared>>
      tpu.enqueue_dma source(%dma_start3A_310 : memref<128x128xf32, #tpu.memory_space<vmem_shared>>) target(%arg9 : memref<128x128xf32, #tpu.memory_space<vmem>>) target_semaphore(%run_scoped3A : memref<!tpu.dma_semaphore, #tpu.memory_space<semaphore_mem>>)
      %dma_wait3A_311 = arith.constant 0 : i32
      %dma_wait3A_312 = tpu.memref_slice %arg10[%add3A_252, %dma_wait3A_311] : memref<10240x128xf32, #tpu.memory_space<vmem_shared>> -> memref<128x128xf32, #tpu.memory_space<vmem_shared>>
      %dma_wait3A_313 = arith.constant 0 : i32
      %dma_wait3A_314 = tpu.memref_slice %arg10[%add3A_252, %dma_wait3A_313] : memref<10240x128xf32, #tpu.memory_space<vmem_shared>> -> memref<128x128xf32, #tpu.memory_space<vmem_shared>>
      tpu.wait_dma2 semaphore(%run_scoped3A : memref<!tpu.dma_semaphore, #tpu.memory_space<semaphore_mem>>) src(%dma_wait3A_314 : memref<128x128xf32, #tpu.memory_space<vmem_shared>>) dst(%arg9 : memref<128x128xf32, #tpu.memory_space<vmem>>)
      tpu.yield
    }) : () -> ()
    %mul3A_253 = arith.constant 640 : i32
    %mul3A_254 = arith.muli %arg1, %mul3A_253 : i32
    %add3A_255 = arith.constant 384 : i32
    %add3A_256 = arith.addi %mul3A_254, %add3A_255 : i32
    %dma_start3A_257 = arith.constant 0 : i32
    %dma_start3A_258 = tpu.memref_slice %arg5[%arg0, %add3A_256, %dma_start3A_257] : memref<2x10240x128xf32, #tpu.memory_space<hbm>> -> memref<1x128x128xf32, #tpu.memory_space<hbm>>
    %dma_start3A_259 = tpu.memref_squeeze %dma_start3A_258 : memref<1x128x128xf32, #tpu.memory_space<hbm>> -> memref<128x128xf32, #tpu.memory_space<hbm>>
    %dma_start3A_260 = arith.constant 0 : i32
    %dma_start3A_261 = tpu.memref_slice %arg5[%arg0, %add3A_256, %dma_start3A_260] : memref<2x10240x128xf32, #tpu.memory_space<hbm>> -> memref<1x128x128xf32, #tpu.memory_space<hbm>>
    %dma_start3A_262 = tpu.memref_squeeze %dma_start3A_261 : memref<1x128x128xf32, #tpu.memory_space<hbm>> -> memref<128x128xf32, #tpu.memory_space<hbm>>
    tpu.enqueue_dma source(%arg9 : memref<128x128xf32, #tpu.memory_space<vmem>>) target(%dma_start3A_262 : memref<128x128xf32, #tpu.memory_space<hbm>>) target_semaphore(%arg12 : memref<!tpu.dma_semaphore, #tpu.memory_space<semaphore_mem>>)
    %mul3A_263 = arith.constant 640 : i32
    %mul3A_264 = arith.muli %arg1, %mul3A_263 : i32
    %add3A_265 = arith.constant 256 : i32
    %add3A_266 = arith.addi %mul3A_264, %add3A_265 : i32
    %dma_wait3A_267 = arith.constant 0 : i32
    %dma_wait3A_268 = tpu.memref_slice %arg5[%arg0, %add3A_266, %dma_wait3A_267] : memref<2x10240x128xf32, #tpu.memory_space<hbm>> -> memref<1x128x128xf32, #tpu.memory_space<hbm>>
    %dma_wait3A_269 = tpu.memref_squeeze %dma_wait3A_268 : memref<1x128x128xf32, #tpu.memory_space<hbm>> -> memref<128x128xf32, #tpu.memory_space<hbm>>
    %dma_wait3A_270 = arith.constant 0 : i32
    %dma_wait3A_271 = tpu.memref_slice %arg5[%arg0, %add3A_266, %dma_wait3A_270] : memref<2x10240x128xf32, #tpu.memory_space<hbm>> -> memref<1x128x128xf32, #tpu.memory_space<hbm>>
    %dma_wait3A_272 = tpu.memref_squeeze %dma_wait3A_271 : memref<1x128x128xf32, #tpu.memory_space<hbm>> -> memref<128x128xf32, #tpu.memory_space<hbm>>
    tpu.wait_dma2 semaphore(%arg11 : memref<!tpu.dma_semaphore, #tpu.memory_space<semaphore_mem>>) src(%arg8 : memref<128x128xf32, #tpu.memory_space<vmem>>) dst(%dma_wait3A_272 : memref<128x128xf32, #tpu.memory_space<hbm>>)
    %mul3A_273 = arith.constant 640 : i32
    %mul3A_274 = arith.muli %arg1, %mul3A_273 : i32
    %add3A_275 = arith.constant 512 : i32
    %add3A_276 = arith.addi %mul3A_274, %add3A_275 : i32
    "tpu.region"() ({
      %run_scoped3A = tpu.sem_alloc : memref<!tpu.dma_semaphore, #tpu.memory_space<semaphore_mem>>
      %dma_start3A_307 = arith.constant 0 : i32
      %dma_start3A_308 = tpu.memref_slice %arg10[%add3A_276, %dma_start3A_307] : memref<10240x128xf32, #tpu.memory_space<vmem_shared>> -> memref<128x128xf32, #tpu.memory_space<vmem_shared>>
      %dma_start3A_309 = arith.constant 0 : i32
      %dma_start3A_310 = tpu.memref_slice %arg10[%add3A_276, %dma_start3A_309] : memref<10240x128xf32, #tpu.memory_space<vmem_shared>> -> memref<128x128xf32, #tpu.memory_space<vmem_shared>>
      tpu.enqueue_dma source(%dma_start3A_310 : memref<128x128xf32, #tpu.memory_space<vmem_shared>>) target(%arg8 : memref<128x128xf32, #tpu.memory_space<vmem>>) target_semaphore(%run_scoped3A : memref<!tpu.dma_semaphore, #tpu.memory_space<semaphore_mem>>)
      %dma_wait3A_311 = arith.constant 0 : i32
      %dma_wait3A_312 = tpu.memref_slice %arg10[%add3A_276, %dma_wait3A_311] : memref<10240x128xf32, #tpu.memory_space<vmem_shared>> -> memref<128x128xf32, #tpu.memory_space<vmem_shared>>
      %dma_wait3A_313 = arith.constant 0 : i32
      %dma_wait3A_314 = tpu.memref_slice %arg10[%add3A_276, %dma_wait3A_313] : memref<10240x128xf32, #tpu.memory_space<vmem_shared>> -> memref<128x128xf32, #tpu.memory_space<vmem_shared>>
      tpu.wait_dma2 semaphore(%run_scoped3A : memref<!tpu.dma_semaphore, #tpu.memory_space<semaphore_mem>>) src(%dma_wait3A_314 : memref<128x128xf32, #tpu.memory_space<vmem_shared>>) dst(%arg8 : memref<128x128xf32, #tpu.memory_space<vmem>>)
      tpu.yield
    }) : () -> ()
    %mul3A_277 = arith.constant 640 : i32
    %mul3A_278 = arith.muli %arg1, %mul3A_277 : i32
    %add3A_279 = arith.constant 512 : i32
    %add3A_280 = arith.addi %mul3A_278, %add3A_279 : i32
    %dma_start3A_281 = arith.constant 0 : i32
    %dma_start3A_282 = tpu.memref_slice %arg5[%arg0, %add3A_280, %dma_start3A_281] : memref<2x10240x128xf32, #tpu.memory_space<hbm>> -> memref<1x128x128xf32, #tpu.memory_space<hbm>>
    %dma_start3A_283 = tpu.memref_squeeze %dma_start3A_282 : memref<1x128x128xf32, #tpu.memory_space<hbm>> -> memref<128x128xf32, #tpu.memory_space<hbm>>
    %dma_start3A_284 = arith.constant 0 : i32
    %dma_start3A_285 = tpu.memref_slice %arg5[%arg0, %add3A_280, %dma_start3A_284] : memref<2x10240x128xf32, #tpu.memory_space<hbm>> -> memref<1x128x128xf32, #tpu.memory_space<hbm>>
    %dma_start3A_286 = tpu.memref_squeeze %dma_start3A_285 : memref<1x128x128xf32, #tpu.memory_space<hbm>> -> memref<128x128xf32, #tpu.memory_space<hbm>>
    tpu.enqueue_dma source(%arg8 : memref<128x128xf32, #tpu.memory_space<vmem>>) target(%dma_start3A_286 : memref<128x128xf32, #tpu.memory_space<hbm>>) target_semaphore(%arg11 : memref<!tpu.dma_semaphore, #tpu.memory_space<semaphore_mem>>)
    %mul3A_287 = arith.constant 640 : i32
    %mul3A_288 = arith.muli %arg1, %mul3A_287 : i32
    %add3A_289 = arith.constant 384 : i32
    %add3A_290 = arith.addi %mul3A_288, %add3A_289 : i32
    %dma_wait3A_291 = arith.constant 0 : i32
    %dma_wait3A_292 = tpu.memref_slice %arg5[%arg0, %add3A_290, %dma_wait3A_291] : memref<2x10240x128xf32, #tpu.memory_space<hbm>> -> memref<1x128x128xf32, #tpu.memory_space<hbm>>
    %dma_wait3A_293 = tpu.memref_squeeze %dma_wait3A_292 : memref<1x128x128xf32, #tpu.memory_space<hbm>> -> memref<128x128xf32, #tpu.memory_space<hbm>>
    %dma_wait3A_294 = arith.constant 0 : i32
    %dma_wait3A_295 = tpu.memref_slice %arg5[%arg0, %add3A_290, %dma_wait3A_294] : memref<2x10240x128xf32, #tpu.memory_space<hbm>> -> memref<1x128x128xf32, #tpu.memory_space<hbm>>
    %dma_wait3A_296 = tpu.memref_squeeze %dma_wait3A_295 : memref<1x128x128xf32, #tpu.memory_space<hbm>> -> memref<128x128xf32, #tpu.memory_space<hbm>>
    tpu.wait_dma2 semaphore(%arg12 : memref<!tpu.dma_semaphore, #tpu.memory_space<semaphore_mem>>) src(%arg9 : memref<128x128xf32, #tpu.memory_space<vmem>>) dst(%dma_wait3A_296 : memref<128x128xf32, #tpu.memory_space<hbm>>)
    %mul3A_297 = arith.constant 640 : i32
    %mul3A_298 = arith.muli %arg1, %mul3A_297 : i32
    %add3A_299 = arith.constant 512 : i32
    %add3A_300 = arith.addi %mul3A_298, %add3A_299 : i32
    %dma_wait3A_301 = arith.constant 0 : i32
    %dma_wait3A_302 = tpu.memref_slice %arg5[%arg0, %add3A_300, %dma_wait3A_301] : memref<2x10240x128xf32, #tpu.memory_space<hbm>> -> memref<1x128x128xf32, #tpu.memory_space<hbm>>
    %dma_wait3A_303 = tpu.memref_squeeze %dma_wait3A_302 : memref<1x128x128xf32, #tpu.memory_space<hbm>> -> memref<128x128xf32, #tpu.memory_space<hbm>>
    %dma_wait3A_304 = arith.constant 0 : i32
    %dma_wait3A_305 = tpu.memref_slice %arg5[%arg0, %add3A_300, %dma_wait3A_304] : memref<2x10240x128xf32, #tpu.memory_space<hbm>> -> memref<1x128x128xf32, #tpu.memory_space<hbm>>
    %dma_wait3A_306 = tpu.memref_squeeze %dma_wait3A_305 : memref<1x128x128xf32, #tpu.memory_space<hbm>> -> memref<128x128xf32, #tpu.memory_space<hbm>>
    tpu.wait_dma2 semaphore(%arg11 : memref<!tpu.dma_semaphore, #tpu.memory_space<semaphore_mem>>) src(%arg8 : memref<128x128xf32, #tpu.memory_space<vmem>>) dst(%dma_wait3A_306 : memref<128x128xf32, #tpu.memory_space<hbm>>)
    return
  }
}

module attributes {stable_mosaic.version = 14 : i64} {
  func.func @_tc0_body(%arg0: i32, %arg1: memref<640x128xf32, #tpu.memory_space<vmem>>, %arg2: memref<128x128xf32, #tpu.memory_space<vmem>>, %arg3: memref<640x128xf32, #tpu.memory_space<vmem>>) attributes {dimension_semantics = [#tpu.dimension_semantics<arbitrary>], iteration_bounds = array<i64: 16>, scalar_prefetch = 0 : i64, scratch_operands = 0 : i64, tpu.core_type = #tpu.core_type<tc>, window_params = [{transform_indices = @transform_0, window_bounds = array<i64: 640, 128>}, {pipeline_mode = #tpu.pipeline_mode<synchronous>, transform_indices = @transform_1, window_bounds = array<i64: 128, 128>}, {transform_indices = @transform_2, window_bounds = array<i64: 640, 128>}]} {
    %get3A = arith.constant 0 : index
    %get3A_0 = arith.constant 0 : index
    %get3A_1 = vector.load %arg1[%get3A, %get3A_0] : memref<640x128xf32, #tpu.memory_space<vmem>>, vector<640x128xf32>
    %get3A_2 = arith.constant 0 : index
    %get3A_3 = arith.constant 0 : index
    %get3A_4 = vector.load %arg2[%get3A_2, %get3A_3] : memref<128x128xf32, #tpu.memory_space<vmem>>, vector<128x128xf32>
    %dot_general3A = arith.constant dense<0.000000e+00> : vector<640x128xf32>
    %dot_general3A_5 = tpu.matmul %get3A_1, %get3A_4, %dot_general3A {dimension_numbers = #tpu.dot_dimension_numbers<[1], [0], [0], [1], [0, 0, 1, 1], [], []>, precision = #tpu.contract_precision<fp32>, transpose_lhs_hint = false} : vector<640x128xf32>, vector<128x128xf32>, vector<640x128xf32> -> vector<640x128xf32>
    %swap3A = arith.constant 0 : index
    %swap3A_6 = arith.constant 0 : index
    %swap3A_7 = vector.load %arg3[%swap3A, %swap3A_6] : memref<640x128xf32, #tpu.memory_space<vmem>>, vector<640x128xf32>
    tpu.vector_store %arg3[%swap3A, %swap3A_6], %dot_general3A_5 {strides = array<i32>} : memref<640x128xf32, #tpu.memory_space<vmem>>, vector<640x128xf32>,
    return
  }
  func.func @transform_0(%arg0: i32) -> (i32, i32) {
    %c0_i32 = arith.constant 0 : i32
    %c0_i32_0 = arith.constant 0 : i32
    return %arg0, %c0_i32 : i32, i32
  }
  func.func @transform_1(%arg0: i32) -> (i32, i32) {
    %c0_i32 = arith.constant 0 : i32
    %c0_i32_0 = arith.constant 0 : i32
    %c0_i32_1 = arith.constant 0 : i32
    return %c0_i32, %c0_i32_0 : i32, i32
  }
  func.func @transform_2(%arg0: i32) -> (i32, i32) {
    %c0_i32 = arith.constant 0 : i32
    %c0_i32_0 = arith.constant 0 : i32
    return %arg0, %c0_i32 : i32, i32
  }
}

module attributes {stable_mosaic.version = 14 : i64} {
  func.func @_tc1_body(%arg0: i32, %arg1: memref<640x1xf32, #tpu.memory_space<vmem>>, %arg2: memref<640x1xf32, #tpu.memory_space<vmem>>, %arg3: memref<640x128xf32, #tpu.memory_space<vmem>>, %arg4: memref<640x128xf32, #tpu.memory_space<vmem>>, %arg5: memref<640x1xf32, #tpu.memory_space<vmem>>) attributes {dimension_semantics = [#tpu.dimension_semantics<arbitrary>], iteration_bounds = array<i64: 16>, scalar_prefetch = 0 : i64, scratch_operands = 0 : i64, tpu.core_type = #tpu.core_type<tc>, window_params = [{transform_indices = @transform_0, window_bounds = array<i64: 640, 1>}, {transform_indices = @transform_1, window_bounds = array<i64: 640, 1>}, {transform_indices = @transform_2, window_bounds = array<i64: 640, 128>}, {transform_indices = @transform_3, window_bounds = array<i64: 640, 128>}, {transform_indices = @transform_4, window_bounds = array<i64: 640, 1>}]} {
    %mul3A = arith.constant 640 : i32
    %mul3A_0 = arith.muli %arg0, %mul3A : i32
    %iota3A = tpu.iota {dimensions = array<i32: 0>} : vector<640x1xi32>
    %add3A = vector.broadcast %mul3A_0 : i32 to vector<640x1xi32>
    %add3A_1 = arith.addi %add3A, %iota3A : vector<640x1xi32>
    %lt3A = arith.constant 7680 : i32
    %lt3A_2 = vector.broadcast %lt3A : i32 to vector<640x1xi32>
    %lt3A_3 = arith.cmpi slt, %add3A_1, %lt3A_2 : vector<640x1xi32>
    %jit3A = arith.constant 1.000000e+00 : f32
    %jit3A_4 = arith.constant 0.000000e+00 : f32
    %broadcast_in_dim3A = vector.broadcast %jit3A : f32 to vector<640x1xf32>
    %broadcast_in_dim3A_5 = vector.broadcast %jit3A_4 : f32 to vector<640x1xf32>
    %select_n3A = arith.select %lt3A_3, %broadcast_in_dim3A, %broadcast_in_dim3A_5 : vector<640x1xi1>, vector<640x1xf32>
    %get3A = arith.constant 0 : index
    %get3A_6 = arith.constant 0 : index
    %get3A_7 = vector.load %arg1[%get3A, %get3A_6] : memref<640x1xf32, #tpu.memory_space<vmem>>, vector<640x1xf32>
    %add3A_8 = arith.constant 1.000000e+00 : f32
    %add3A_9 = vector.broadcast %add3A_8 : f32 to vector<640x1xf32>
    %add3A_10 = arith.addf %add3A_9, %get3A_7 : vector<640x1xf32>
    %get3A_11 = arith.constant 0 : index
    %get3A_12 = arith.constant 0 : index
    %get3A_13 = vector.load %arg2[%get3A_11, %get3A_12] : memref<640x1xf32, #tpu.memory_space<vmem>>, vector<640x1xf32>
    %add3A_14 = arith.addf %add3A_10, %get3A_13 : vector<640x1xf32>
    %sub3A = arith.subf %add3A_14, %select_n3A : vector<640x1xf32>
    %rsqrt3A = math.rsqrt %sub3A : vector<640x1xf32>
    %lt3A_15 = arith.constant 10000 : i32
    %lt3A_16 = vector.broadcast %lt3A_15 : i32 to vector<640x1xi32>
    %lt3A_17 = arith.cmpi slt, %add3A_1, %lt3A_16 : vector<640x1xi32>
    %get3A_18 = arith.constant 0 : index
    %get3A_19 = arith.constant 0 : index
    %get3A_20 = vector.load %arg3[%get3A_18, %get3A_19] : memref<640x128xf32, #tpu.memory_space<vmem>>, vector<640x128xf32>
    %mul3A_21 = vector.broadcast %rsqrt3A : vector<640x1xf32> to vector<640x128xf32>
    %mul3A_22 = arith.mulf %get3A_20, %mul3A_21 : vector<640x128xf32>
    %jit3A_23 = arith.constant 0.000000e+00 : f32
    %broadcast_in_dim3A_24 = vector.shape_cast %lt3A_17 : vector<640x1xi1> to vector<640x1xi1>
    %broadcast_in_dim3A_25 = vector.broadcast %broadcast_in_dim3A_24 : vector<640x1xi1> to vector<640x128xi1>
    %broadcast_in_dim3A_26 = vector.broadcast %jit3A_23 : f32 to vector<640x128xf32>
    %select_n3A_27 = arith.select %broadcast_in_dim3A_25, %mul3A_22, %broadcast_in_dim3A_26 : vector<640x128xi1>, vector<640x128xf32>
    %swap3A = arith.constant 0 : index
    %swap3A_28 = arith.constant 0 : index
    %swap3A_29 = vector.load %arg4[%swap3A, %swap3A_28] : memref<640x128xf32, #tpu.memory_space<vmem>>, vector<640x128xf32>
    tpu.vector_store %arg4[%swap3A, %swap3A_28], %select_n3A_27 {strides = array<i32>} : memref<640x128xf32, #tpu.memory_space<vmem>>, vector<640x128xf32>,
    %swap3A_30 = arith.constant 0 : index
    %swap3A_31 = arith.constant 0 : index
    %swap3A_32 = vector.load %arg5[%swap3A_30, %swap3A_31] : memref<640x1xf32, #tpu.memory_space<vmem>>, vector<640x1xf32>
    tpu.vector_store %arg5[%swap3A_30, %swap3A_31], %rsqrt3A {strides = array<i32>} : memref<640x1xf32, #tpu.memory_space<vmem>>, vector<640x1xf32>,
    return
  }
  func.func @transform_0(%arg0: i32) -> (i32, i32) {
    %c0_i32 = arith.constant 0 : i32
    %c0_i32_0 = arith.constant 0 : i32
    return %arg0, %c0_i32 : i32, i32
  }
  func.func @transform_1(%arg0: i32) -> (i32, i32) {
    %c0_i32 = arith.constant 0 : i32
    %c0_i32_0 = arith.constant 0 : i32
    return %arg0, %c0_i32 : i32, i32
  }
  func.func @transform_2(%arg0: i32) -> (i32, i32) {
    %c0_i32 = arith.constant 0 : i32
    %c0_i32_0 = arith.constant 0 : i32
    return %arg0, %c0_i32 : i32, i32
  }
  func.func @transform_3(%arg0: i32) -> (i32, i32) {
    %c0_i32 = arith.constant 0 : i32
    %c0_i32_0 = arith.constant 0 : i32
    return %arg0, %c0_i32 : i32, i32
  }
  func.func @transform_4(%arg0: i32) -> (i32, i32) {
    %c0_i32 = arith.constant 0 : i32
    %c0_i32_0 = arith.constant 0 : i32
    return %arg0, %c0_i32 : i32, i32
  }
}

module attributes {stable_mosaic.version = 14 : i64} {
  func.func @_tc2_body(%arg0: i32, %arg1: memref<2x640x128xf32, #tpu.memory_space<vmem>>, %arg2: memref<640x128xf32, #tpu.memory_space<vmem>>, %arg3: memref<640x1xf32, #tpu.memory_space<vmem>>, %arg4: memref<1x128xf32, #tpu.memory_space<vmem>>, %arg5: memref<128x128xf32, #tpu.memory_space<vmem>>, %arg6: memref<640x128xf32, #tpu.memory_space<vmem>>) attributes {dimension_semantics = [#tpu.dimension_semantics<arbitrary>], iteration_bounds = array<i64: 16>, scalar_prefetch = 0 : i64, scratch_operands = 0 : i64, tpu.core_type = #tpu.core_type<tc>, window_params = [{transform_indices = @transform_0, window_bounds = array<i64: 2, 640, 128>}, {transform_indices = @transform_1, window_bounds = array<i64: 640, 128>}, {transform_indices = @transform_2, window_bounds = array<i64: 640, 1>}, {pipeline_mode = #tpu.pipeline_mode<synchronous>, transform_indices = @transform_3, window_bounds = array<i64: 1, 128>}, {pipeline_mode = #tpu.pipeline_mode<synchronous>, transform_indices = @transform_4, window_bounds = array<i64: 128, 128>}, {transform_indices = @transform_5, window_bounds = array<i64: 640, 128>}]} {
    %get3A = arith.constant 0 : index
    %get3A_0 = arith.constant 0 : index
    %get3A_1 = vector.load %arg3[%get3A, %get3A_0] : memref<640x1xf32, #tpu.memory_space<vmem>>, vector<640x1xf32>
    %get3A_2 = arith.constant 0 : index
    %get3A_3 = arith.constant 0 : index
    %get3A_4 = arith.constant 0 : index
    %get3A_5 = vector.load %arg1[%get3A_2, %get3A_3, %get3A_4] : memref<2x640x128xf32, #tpu.memory_space<vmem>>, vector<1x640x128xf32>
    %get3A_6 = vector.shape_cast %get3A_5 : vector<1x640x128xf32> to vector<640x128xf32>
    %get3A_7 = arith.constant 1 : index
    %get3A_8 = arith.constant 0 : index
    %get3A_9 = arith.constant 0 : index
    %get3A_10 = vector.load %arg1[%get3A_7, %get3A_8, %get3A_9] : memref<2x640x128xf32, #tpu.memory_space<vmem>>, vector<1x640x128xf32>
    %get3A_11 = vector.shape_cast %get3A_10 : vector<1x640x128xf32> to vector<640x128xf32>
    %add3A = arith.addf %get3A_6, %get3A_11 : vector<640x128xf32>
    %get3A_12 = arith.constant 0 : index
    %get3A_13 = arith.constant 0 : index
    %get3A_14 = vector.load %arg2[%get3A_12, %get3A_13] : memref<640x128xf32, #tpu.memory_space<vmem>>, vector<640x128xf32>
    %add3A_15 = arith.addf %add3A, %get3A_14 : vector<640x128xf32>
    %mul3A = vector.broadcast %get3A_1 : vector<640x1xf32> to vector<640x128xf32>
    %mul3A_16 = arith.mulf %mul3A, %add3A_15 : vector<640x128xf32>
    %get3A_17 = arith.constant 0 : index
    %get3A_18 = arith.constant 0 : index
    %get3A_19 = vector.load %arg4[%get3A_17, %get3A_18] : memref<1x128xf32, #tpu.memory_space<vmem>>, vector<1x128xf32>
    %add3A_20 = vector.broadcast %get3A_19 : vector<1x128xf32> to vector<640x128xf32>
    %add3A_21 = arith.addf %mul3A_16, %add3A_20 : vector<640x128xf32>
    %max3A = arith.constant 0.000000e+00 : f32
    %max3A_22 = vector.broadcast %max3A : f32 to vector<640x128xf32>
    %max3A_23 = arith.maximumf %add3A_21, %max3A_22 : vector<640x128xf32>
    %get3A_24 = arith.constant 0 : index
    %get3A_25 = arith.constant 0 : index
    %get3A_26 = vector.load %arg5[%get3A_24, %get3A_25] : memref<128x128xf32, #tpu.memory_space<vmem>>, vector<128x128xf32>
    %dot_general3A = arith.constant dense<0.000000e+00> : vector<640x128xf32>
    %dot_general3A_27 = tpu.matmul %max3A_23, %get3A_26, %dot_general3A {dimension_numbers = #tpu.dot_dimension_numbers<[1], [0], [0], [1], [0, 0, 1, 1], [], []>, precision = #tpu.contract_precision<fp32>, transpose_lhs_hint = false} : vector<640x128xf32>, vector<128x128xf32>, vector<640x128xf32> -> vector<640x128xf32>
    %mul3A_28 = vector.broadcast %get3A_1 : vector<640x1xf32> to vector<640x128xf32>
    %mul3A_29 = arith.mulf %mul3A_28, %dot_general3A_27 : vector<640x128xf32>
    %mul3A_30 = arith.constant 640 : i32
    %mul3A_31 = arith.muli %arg0, %mul3A_30 : i32
    %iota3A = tpu.iota {dimensions = array<i32: 0>} : vector<640x1xi32>
    %add3A_32 = vector.broadcast %mul3A_31 : i32 to vector<640x1xi32>
    %add3A_33 = arith.addi %add3A_32, %iota3A : vector<640x1xi32>
    %lt3A = arith.constant 10000 : i32
    %lt3A_34 = vector.broadcast %lt3A : i32 to vector<640x1xi32>
    %lt3A_35 = arith.cmpi slt, %add3A_33, %lt3A_34 : vector<640x1xi32>
    %jit3A = arith.constant 0.000000e+00 : f32
    %broadcast_in_dim3A = vector.shape_cast %lt3A_35 : vector<640x1xi1> to vector<640x1xi1>
    %broadcast_in_dim3A_36 = vector.broadcast %broadcast_in_dim3A : vector<640x1xi1> to vector<640x128xi1>
    %broadcast_in_dim3A_37 = vector.broadcast %jit3A : f32 to vector<640x128xf32>
    %select_n3A = arith.select %broadcast_in_dim3A_36, %mul3A_29, %broadcast_in_dim3A_37 : vector<640x128xi1>, vector<640x128xf32>
    %swap3A = arith.constant 0 : index
    %swap3A_38 = arith.constant 0 : index
    %swap3A_39 = vector.load %arg6[%swap3A, %swap3A_38] : memref<640x128xf32, #tpu.memory_space<vmem>>, vector<640x128xf32>
    tpu.vector_store %arg6[%swap3A, %swap3A_38], %select_n3A {strides = array<i32>} : memref<640x128xf32, #tpu.memory_space<vmem>>, vector<640x128xf32>,
    return
  }
  func.func @transform_0(%arg0: i32) -> (i32, i32, i32) {
    %c0_i32 = arith.constant 0 : i32
    %c0_i32_0 = arith.constant 0 : i32
    %c0_i32_1 = arith.constant 0 : i32
    return %c0_i32, %arg0, %c0_i32_0 : i32, i32, i32
  }
  func.func @transform_1(%arg0: i32) -> (i32, i32) {
    %c0_i32 = arith.constant 0 : i32
    %c0_i32_0 = arith.constant 0 : i32
    return %arg0, %c0_i32 : i32, i32
  }
  func.func @transform_2(%arg0: i32) -> (i32, i32) {
    %c0_i32 = arith.constant 0 : i32
    %c0_i32_0 = arith.constant 0 : i32
    return %arg0, %c0_i32 : i32, i32
  }
  func.func @transform_3(%arg0: i32) -> (i32, i32) {
    %c0_i32 = arith.constant 0 : i32
    %c0_i32_0 = arith.constant 0 : i32
    %c0_i32_1 = arith.constant 0 : i32
    return %c0_i32, %c0_i32_0 : i32, i32
  }
  func.func @transform_4(%arg0: i32) -> (i32, i32) {
    %c0_i32 = arith.constant 0 : i32
    %c0_i32_0 = arith.constant 0 : i32
    %c0_i32_1 = arith.constant 0 : i32
    return %c0_i32, %c0_i32_0 : i32, i32
  }
  func.func @transform_5(%arg0: i32) -> (i32, i32) {
    %c0_i32 = arith.constant 0 : i32
    %c0_i32_0 = arith.constant 0 : i32
    return %arg0, %c0_i32 : i32, i32
  }
}

module attributes {stable_mosaic.version = 14 : i64} {
  func.func @_tc3_body(%arg0: i32, %arg1: memref<2x1000x128xf32, #tpu.memory_space<vmem>>, %arg2: memref<1000x128xf32, #tpu.memory_space<vmem>>, %arg3: memref<1000x1xf32, #tpu.memory_space<vmem>>, %arg4: memref<1x128xf32, #tpu.memory_space<vmem>>, %arg5: memref<1000x128xf32, #tpu.memory_space<vmem>>) attributes {dimension_semantics = [#tpu.dimension_semantics<arbitrary>], iteration_bounds = array<i64: 10>, scalar_prefetch = 0 : i64, scratch_operands = 0 : i64, tpu.core_type = #tpu.core_type<tc>, window_params = [{transform_indices = @transform_0, window_bounds = array<i64: 2, 1000, 128>}, {transform_indices = @transform_1, window_bounds = array<i64: 1000, 128>}, {transform_indices = @transform_2, window_bounds = array<i64: 1000, 1>}, {pipeline_mode = #tpu.pipeline_mode<synchronous>, transform_indices = @transform_3, window_bounds = array<i64: 1, 128>}, {transform_indices = @transform_4, window_bounds = array<i64: 1000, 128>}]} {
    %get3A = arith.constant 0 : index
    %get3A_0 = arith.constant 0 : index
    %get3A_1 = vector.load %arg3[%get3A, %get3A_0] : memref<1000x1xf32, #tpu.memory_space<vmem>>, vector<1000x1xf32>
    %get3A_2 = arith.constant 0 : index
    %get3A_3 = arith.constant 0 : index
    %get3A_4 = arith.constant 0 : index
    %get3A_5 = vector.load %arg1[%get3A_2, %get3A_3, %get3A_4] : memref<2x1000x128xf32, #tpu.memory_space<vmem>>, vector<1x1000x128xf32>
    %get3A_6 = vector.shape_cast %get3A_5 : vector<1x1000x128xf32> to vector<1000x128xf32>
    %get3A_7 = arith.constant 1 : index
    %get3A_8 = arith.constant 0 : index
    %get3A_9 = arith.constant 0 : index
    %get3A_10 = vector.load %arg1[%get3A_7, %get3A_8, %get3A_9] : memref<2x1000x128xf32, #tpu.memory_space<vmem>>, vector<1x1000x128xf32>
    %get3A_11 = vector.shape_cast %get3A_10 : vector<1x1000x128xf32> to vector<1000x128xf32>
    %add3A = arith.addf %get3A_6, %get3A_11 : vector<1000x128xf32>
    %get3A_12 = arith.constant 0 : index
    %get3A_13 = arith.constant 0 : index
    %get3A_14 = vector.load %arg2[%get3A_12, %get3A_13] : memref<1000x128xf32, #tpu.memory_space<vmem>>, vector<1000x128xf32>
    %add3A_15 = arith.addf %add3A, %get3A_14 : vector<1000x128xf32>
    %mul3A = vector.broadcast %get3A_1 : vector<1000x1xf32> to vector<1000x128xf32>
    %mul3A_16 = arith.mulf %mul3A, %add3A_15 : vector<1000x128xf32>
    %get3A_17 = arith.constant 0 : index
    %get3A_18 = arith.constant 0 : index
    %get3A_19 = vector.load %arg4[%get3A_17, %get3A_18] : memref<1x128xf32, #tpu.memory_space<vmem>>, vector<1x128xf32>
    %add3A_20 = vector.broadcast %get3A_19 : vector<1x128xf32> to vector<1000x128xf32>
    %add3A_21 = arith.addf %mul3A_16, %add3A_20 : vector<1000x128xf32>
    %swap3A = arith.constant 0 : index
    %swap3A_22 = arith.constant 0 : index
    %swap3A_23 = vector.load %arg5[%swap3A, %swap3A_22] : memref<1000x128xf32, #tpu.memory_space<vmem>>, vector<1000x128xf32>
    tpu.vector_store %arg5[%swap3A, %swap3A_22], %add3A_21 {strides = array<i32>} : memref<1000x128xf32, #tpu.memory_space<vmem>>, vector<1000x128xf32>,
    return
  }
  func.func @transform_0(%arg0: i32) -> (i32, i32, i32) {
    %c0_i32 = arith.constant 0 : i32
    %c0_i32_0 = arith.constant 0 : i32
    %c0_i32_1 = arith.constant 0 : i32
    return %c0_i32, %arg0, %c0_i32_0 : i32, i32, i32
  }
  func.func @transform_1(%arg0: i32) -> (i32, i32) {
    %c0_i32 = arith.constant 0 : i32
    %c0_i32_0 = arith.constant 0 : i32
    return %arg0, %c0_i32 : i32, i32
  }
  func.func @transform_2(%arg0: i32) -> (i32, i32) {
    %c0_i32 = arith.constant 0 : i32
    %c0_i32_0 = arith.constant 0 : i32
    return %arg0, %c0_i32 : i32, i32
  }
  func.func @transform_3(%arg0: i32) -> (i32, i32) {
    %c0_i32 = arith.constant 0 : i32
    %c0_i32_0 = arith.constant 0 : i32
    %c0_i32_1 = arith.constant 0 : i32
    return %c0_i32, %c0_i32_0 : i32, i32
  }
  func.func @transform_4(%arg0: i32) -> (i32, i32) {
    %c0_i32 = arith.constant 0 : i32
    %c0_i32_0 = arith.constant 0 : i32
    return %arg0, %c0_i32 : i32, i32
  }
}

</mosaic_0001>

<sc_bundles>
// kernel: kernel.12.cloned.1.call-start
scs
__scs_entry_jumppad:
0x0: {  	(pc) =	sbr.rel $0x88, $3  }
0x1: {  	(tag) =	ssettag $0x0;
	lr =	simm.s32 $0x1  }
0x2: {  	[smem:$0x3F9B] =	sst lr;
	_ =	strace $0xD0000000  }
0x3: {  	_ = 	snop  }
0x4: {  	_ = 	snop  }
0x5: {  	_ = 	snop  }
0x6: {  	_ = 	snop  }
0x7: {  	_ = 	snop  }
__scs_overlays_trampoline_lowered:
0x8: {  	[smem:$0x3FAA] =	sst s0  }
0x9: {  	[smem:$0x3FAB] =	sst s1  }
0xa: {  	[smem:$0x3FAC] =	sst s2  }
0xb: {  	[smem:$0x3FAD] =	sst s3  }
0xc: {  	[smem:$0x3FAE] =	sst s4  }
0xd: {  	[smem:$0x3FAF] =	sst s5  }
0xe: {  	[smem:$0x3FB0] =	sst s6  }
0xf: {  	[smem:$0x3FB1] =	sst s7  }
0x10: {  	[smem:$0x3FB2] =	sst s8  }
0x11: {  	[smem:$0x3FB3] =	sst s9;
	s0 =	simm.s32 @!p0 $0x0  }
0x12: {  	s1 =	sld [smem:$0x3F99];
	s0 =	simm.s32 @p0 $0x1  }
0x13: {  	[smem:$0x3FB4] =	sst s0;
	s0 =	simm.s32 @!p1 $0x0  }
0x14: {  	s2 =	sld [smem:$0x3F98];
	s0 =	simm.s32 @p1 $0x1  }
0x15: {  	[smem:$0x3FB5] =	sst s0;
	s0 =	simm.s32 @!p2 $0x0  }
0x16: {  	s3 =	sld [smem:$0x3FDB];
	s0 =	simm.s32 @p2 $0x1  }
0x17: {  	s4 =	simm.s32 $0x1BF5;
	[smem:$0x3FB7] =	sst s0  }
0x18: {  	s0 =	sld [smem:$0x3F9A];
	_ =	swait.ge [sflag:s4], $0x0  }
0x19: {  	s7 =	sld [smem:$0x3F9B]  }
0x1a: {  	s8 =	sadd.s32 $0xFFFFE003, lr  }
0x1b: {  	s9 =	sadd.s32 $0xFFFFFEF7, lr;
	s5 =	simm.s32 $0xFFFFFFFF;
	p2 =	slt.u32 s8, $0xFFFFF086  }
0x1c: {  	p1 =	slt.u32 s9, $0xF7A;
	s5 =	simm.s32 @!p2 $0x0  }
0x1d: {  	s5 =	simm.s32 @p1 $0x1;
	p0 =	seq.s32 s7, s2  }
0x1e: {  	s7 =	smul.u32 @!p0 $0xF7A, s2;
	p2 =	seq.s32 @!p0 s5, $0x0  }
0x1f: {  	s9 =	smul.u32 $0xF7A, s1;
	s8 =	simm.s32 @!p0 $0x1BF5;
	p2 =	por !p2, p0  }
0x20: {  	[sflag:s8] =	ssyncset.s32 @!p0 $0xFFFFF086;
	s6 =	sadd.s32 @!p0 s3, s7;
	s7 =	simm.s32 @!p0 $0x108  }
0x21: {  	s3 =	sadd.s32 s3, s9;
	s6 =	sadd.s32 @!p0 $0x88, s6;
	s7 =	simm.s32 @p2 $0x1082  }
0x22: {  	[simem:s7], [sflag:s8] =	dma.local @!p0 [hbm:s6], $0xF7A  }
0x23: {  	s9 =	sor.u32 $0xD0000000, s2;
	s6 =	simm.s32 $0x108;
	_ =	swait.ge @!p0 [sflag:s8], $0x0  }
0x24: {  	s3 =	sadd.s32 $0x88, s3;
	s6 =	simm.s32 @!p1 $0x1082;
	[sflag:s4] =	ssyncset.s32 $0xFFFFF086  }
0x25: {  	[simem:s6], [sflag:s4] =	dma.local [hbm:s3], $0xF7A  }
0x26: {  	[smem:$0x3F9B] =	sst s1;
	(tag) =	ssettag s2;
	_ =	strace s9  }
0x27: {  	s1 =	sld [smem:$0x3FAB]  }
0x28: {  	s2 =	sld [smem:$0x3FAC]  }
0x29: {  	s4 =	sld [smem:$0x3FAE]  }
0x2a: {  	p0 =	seq.s32 s5, $0x0;
	s5 =	sld [smem:$0x3FAF]  }
0x2b: {  	s6 =	sld [smem:$0x3FB0]  }
0x2c: {  	s7 =	sld [smem:$0x3FB1]  }
0x2d: {  	s3 =	simm.s32 $0x108;
	s8 =	sld [smem:$0x3FB2]  }
0x2e: {  	s3 =	simm.s32 @!p0 $0x1082;
	s9 =	sld [smem:$0x3FB3]  }
0x2f: {  	lr =	sadd.s32 s0, s3;
	s0 =	sld [smem:$0x3FAA]  }
0x30: {  	s3 =	sld [smem:$0x3FAD]  }
0x31: {  	[smem:$0x3FB6] =	sst s10  }
0x32: {  	s10 =	sld [smem:$0x3FB4];
	_ =	sdelay $0x3  }
0x33: {  	p0 =	seq.s32 s10, $0x1;
	s10 =	sld [smem:$0x3FB6];
	_ =	sdelay $0x3  }
0x34: {  	[smem:$0x3FB6] =	sst s10  }
0x35: {  	s10 =	sld [smem:$0x3FB5];
	_ =	sdelay $0x3  }
0x36: {  	p1 =	seq.s32 s10, $0x1;
	s10 =	sld [smem:$0x3FB6];
	_ =	sdelay $0x3  }
0x37: {  	[smem:$0x3FB6] =	sst s10  }
0x38: {  	s10 =	sld [smem:$0x3FB7]  }
0x39: {  	_ = 	snop;
	(pc) =	sbr.ind lr, $3  }
0x3a: {  	_ = 	snop  }
0x3b: {  	_ = 	snop  }
0x3c: {  	p2 =	seq.s32 s10, $0x1;
	s10 =	sld [smem:$0x3FB6]  }
0x3d: {  	_ =	shalt  }
0x3e: {  	_ =	shalt  }
0x3f: {  	_ =	shalt  }
0x40: {  	_ =	shalt  }
0x41: {  	_ =	shalt  }
0x42: {  	_ =	shalt  }
0x43: {  	_ =	shalt  }
0x44: {  	_ =	shalt  }
0x45: {  	_ =	shalt  }
0x46: {  	_ =	shalt  }
0x47: {  	_ =	shalt  }
0x48: {  	_ =	shalt  }
0x49: {  	_ =	shalt  }
0x4a: {  	_ =	shalt  }
0x4b: {  	_ =	shalt  }
0x4c: {  	_ =	shalt  }
0x4d: {  	_ =	shalt  }
0x4e: {  	_ =	shalt  }
0x4f: {  	_ =	shalt  }
0x50: {  	_ =	shalt  }
0x51: {  	_ =	shalt  }
0x52: {  	_ =	shalt  }
0x53: {  	_ =	shalt  }
0x54: {  	_ =	shalt  }
0x55: {  	_ =	shalt  }
0x56: {  	_ =	shalt  }
0x57: {  	_ =	shalt  }
0x58: {  	_ =	shalt  }
0x59: {  	_ =	shalt  }
0x5a: {  	_ =	shalt  }
0x5b: {  	_ =	shalt  }
0x5c: {  	_ =	shalt  }
0x5d: {  	_ =	shalt  }
0x5e: {  	_ =	shalt  }
0x5f: {  	_ =	shalt  }
0x60: {  	_ =	shalt  }
0x61: {  	_ =	shalt  }
0x62: {  	_ =	shalt  }
0x63: {  	_ =	shalt  }
0x64: {  	_ =	shalt  }
0x65: {  	_ =	shalt  }
0x66: {  	_ =	shalt  }
0x67: {  	_ =	shalt  }
0x68: {  	_ =	shalt  }
0x69: {  	_ =	shalt  }
0x6a: {  	_ =	shalt  }
0x6b: {  	_ =	shalt  }
0x6c: {  	_ =	shalt  }
0x6d: {  	_ =	shalt  }
0x6e: {  	_ =	shalt  }
0x6f: {  	_ =	shalt  }
0x70: {  	_ =	shalt  }
0x71: {  	_ =	shalt  }
0x72: {  	_ =	shalt  }
0x73: {  	_ =	shalt  }
0x74: {  	_ =	shalt  }
0x75: {  	_ =	shalt  }
0x76: {  	_ =	shalt  }
0x77: {  	_ =	shalt  }
0x78: {  	_ =	shalt  }
0x79: {  	_ =	shalt  }
0x7a: {  	_ =	shalt  }
0x7b: {  	_ =	shalt  }
0x7c: {  	_ =	shalt  }
0x7d: {  	_ =	shalt  }
0x7e: {  	_ =	shalt  }
0x7f: {  	_ =	shalt  }
0x80: {  	_ =	shalt  }
0x81: {  	_ =	shalt  }
0x82: {  	_ =	shalt  }
0x83: {  	_ =	shalt  }
0x84: {  	_ =	shalt  }
0x85: {  	_ =	shalt  }
0x86: {  	_ =	shalt  }
0x87: {  	_ =	shalt  }
.Lfunc_end0:
.L_simem_size_0:
called_computation.1_lowered:
.L_overlay_start_0:
0x88: {  	s2 =	sld [smem:$0x3FD9]  }
0x89: {  	s3 =	sld [smem:$0x3FFE];
	_ =	sdelay $0x1  }
0x8a: {  	s1 =	srdreg.scid  }
0x8b: {  	s0 =	sand.u32 $0x1, s1  }
0x8c: {  	s16 =	sshll.u32 s0, $0xA;
	s2 =	sadd.s32 s3, s2  }
0x8d: {  	s2 =	sadd.s32 s2, s16  }
0x8e: {  	[smem:$0x3FC2] =	sst s2  }
0x8f: {  	_ = 	snop  }
0x90: {  	(tm) =	ssettm $0x1  }
0x91: {  	s17 =	sld [smem:$0x3FFB];
	_ =	sdelay $0x3  }
0x92: {  	_ =	strace s17  }
0x93: {  	s2 =	sld [smem:$0x3FFC];
	_ =	sdelay $0x3  }
0x94: {  	_ =	strace s2  }
0x95: {  	s2 =	sld [smem:$0x3FFD];
	_ =	sdelay $0x3  }
0x96: {  	_ =	strace s2  }
0x97: {  	_ =	strace $0x8FFFFFFF  }
0x98: {  	s18 =	sld [smem:$0x3FDB];
	_ =	sdelay $0x1  }
0x99: {  	s19 =	simm.s32 $_scs_section_size  }
0x9a: {  	s4 =	simm.s32 $_size__tile_overlayer_lowered;
	s5 =	simm.s32 $_tile_overlayer_lowered  }
0x9b: {  	s22 =	simm.s32 $0x1BFF;
	s21 =	sshll.u32 s5, $0x1;
	s2 =	sadd.s32 s19, s18  }
0x9c: {  	s6 =	simm.s32 $0x0;
	s20 =	sshll.u32 s4, $0x1;
	s4 =	sadd.s32 s21, s2  }
0x9d: {  	[timem:s6], [sflag:s22] =	dma.local [hbm:s4], s20  }
0x9e: {  	_ =	swait.ge [sflag:s22], s20  }
0x9f: {  	s3 =	ssub.s32 $0x0, s20;
	[sflag:s22] =	ssyncset.done $0x0  }
0xa0: {  	[sflag:s22] =	ssyncadd.s32 s3;
	_ =	sdelay $0x1  }
0xa1: {  	s23 =	simm.s32 $0x1B8B  }
0xa2: {  	_ =	swait.ge [sflag:s23], $0x1  }
0xa3: {  	[sflag:s23] =	ssyncset.done $0x0  }
0xa4: {  	s25 =	simm.s32 $0x1B8E;
	s24 =	sld [smem:$0x3FFE];
	[sflag:s23] =	ssyncadd.s32 $0xFFFFFFFF  }
0xa5: {  	s26 =	simm.s32 $execute0_lowered;
	[smem:$0x3FD2] =	sst s25  }
0xa6: {  	s4 =	sshll.u32 s26, $0x1;
	_ =	strace $0x80000049;
	[dreg:$0x1] =	wrdreg $0xFFFFFFFF  }
0xa7: {  	s28 =	simm.s32 $_size_execute0_lowered;
	s2 =	sadd.s32 s2, s4;
	[dreg:$0x0] =	wrdreg $0x0  }
0xa8: {  	s4 =	sshll.u32 s28, $0x1;
	[dreg:$0x2] =	wrdreg s2  }
0xa9: {  	[dreg:$0x3] =	wrdreg s4  }
0xaa: {  	[dreg:$0x4] =	wrdreg $0xC0  }
0xab: {  	_ =	task [dreg:s6], $0x5FFFF  }
0xac: {  	[dreg:$0x1] =	wrdreg $0xFFFFFFFF  }
0xad: {  	[dreg:$0x0] =	wrdreg $0x60  }
0xae: {  	[dreg:$0x2] =	wrdreg s24  }
0xaf: {  	[dreg:$0x3] =	wrdreg $0xA8000  }
0xb0: {  	[dreg:$0x4] =	wrdreg $0x9  }
0xb1: {  	_ =	task.clear_ibuf [dreg:s6], $0x5FFFF;
	_ =	strace $0x90000049  }
0xb2: {  	s29 =	simm.s32 $0x9;
	_ =	strace $0x8000004B  }
0xb3: {  	_ =	swait.ge [sflag:s29], $0x1  }
0xb4: {  	[sflag:s29] =	ssyncadd.s32 $0xFFFFFFFF  }
0xb5: {  	_ =	strace $0x9000004B  }
0xb6: {  	_ =	sfence  }
0xb7: {  	s30 =	sld [smem:$0x0];
	_ =	sdelay $0x2  }
0xb8: {  	s31 =	sshll.u32 s1, $0xD;
	s1 =	sshrl.u32 s1, $0x2  }
0xb9: {  	s3 =	sand.u32 $0x4000, s31;
	s1 =	sadd.s32 s1, s30  }
0xba: {  	s0 =	sor.u32 s3, s0;
	s1 =	sshll.u32 s1, $0x11  }
0xbb: {  	s0 =	sor.u32 s1, s0  }
0xbc: {  	s0 =	sadd.s32 $0x8F2B, s0  }
0xbd: {  	[sflag:s0] =	ssyncadd.remote.s32 $0x1  }
0xbe: {  	_ =	sfence.sel $0xFFFF  }
0xbf: {  	[dreg:$0x0] =	wrdreg $0xFFFFFFFF;
	(pc) =	sbr.abs _section_cstart, $3  }
0xc0: {  	[dreg:$0x1] =	wrdreg $0xFFFFFFFF  }
0xc1: {  	_ =	task.clear_ibuf [dreg:s6], $0x2FFFF;
	_ =	strace $0x9FFFFFFF  }
0xc2: {  	(tm) =	ssettm $0x7FFFFFFF  }
0xc3: {  	_ =	shalt  }
tec
execute0_lowered:
.L_overlay_start_1:
0x0: {  	(tag) =	ssettag $0x1  }
0x1: {  	s0 =	rddreg [dreg:$0x0]  }
0x2: {  	s1 =	rddreg [dreg:$0x1];
	s2 =	srdreg.scid  }
0x3: {  	s3 =	simm.s32 $0x0;
	s16 =	stileid.u32;
	s28 =	simm.s32 $0x40  }
0x4: {  	s29 =	simm.s32 $0x4800;
	s30 =	simm.s32 $0x6800;
	s31 =	simm.s32 $0xC0  }
0x5: {  	s2 =	sand.u32 $0x1, s2;
	[smem:$0x7FF] =	sst s3;
	s6 =	smul.u32 $0x50000, s16  }
0x6: {  	s10 =	sadd.s32 $0xD800, s0;
	s11 =	smul.u32 $0x14000, s16;
	s19 =	sshll.u32 s16, $0x7  }
0x7: {  	s4 =	sshll.u32 s2, $0x4;
	_ =	strace $0x8000004A;
	s8 =	ssub.s32 $0x2, s2  }
0x8: {  	s2 =	smul.u32 $0x140000, s2;
	s7 =	sor.u32 s16, s4;
	s4 =	sadd.s32 $0x17800, s0  }
0x9: {  	s17 =	sshrl.u32 s8, $0x1;
	s18 =	sshrl.u32 s6, $0x2;
	s14 =	sadd.s32 $0x4000, s11  }
0xa: {  	s15 =	sadd.s32 $0x8000, s11;
	s20 =	sadd.s32 $0xC000, s11;
	s5 =	smul.u32 $0x2800, s7  }
0xb: {  	s13 =	ssub.s32 s8, s17;
	s6 =	sadd.s32 s14, s1;
	s7 =	sshrl.u32 s7, $0x3  }
0xc: {  	s17 =	sand.u32 $0x380, s19;
	s8 =	sadd.s32 s20, s1;
	s14 =	sadd.s32 s2, s14  }
0xd: {  	s25 =	sadd.s32 s2, s15;
	s26 =	sadd.s32 s2, s20;
	s20 =	simm.s32 $0x2800  }
0xe: {  	s9 =	smul.u32 $0x14000, s7;
	s7 =	sadd.s32 s15, s1;
	s5 =	sshrl.u32 s5, $0x3  }
0xf: {  	s23 =	sshrl.u32 s14, $0x3;
	s12 =	sadd.s32 s5, s0;
	s0 =	sadd.s32 $0x3F800, s0  }
0x10: {  	s5 =	sadd.s32 s18, s1;
	s18 =	sadd.s32 $0x10000, s11;
	s17 =	sor.u32 s17, s9  }
0x11: {  	s11 =	sadd.s32 s11, s2;
	s9 =	sadd.s32 s18, s1;
	s19 =	sshrl.u32 s17, $0x3  }
0x12: {  	s21 =	sadd.s32 $0x2E00, s12;
	s17 =	sadd.s32 $0xA000, s17;
	s22 =	sshrl.u32 s11, $0x3  }
0x13: {  	s12 =	sadd.s32 $0x3080, s12;
	s24 =	sadd.s32 s0, s23;
	s2 =	sadd.s32 s2, s18  }
0x14: {  	s11 =	sshrl.u32 s26, $0x3;
	s23 =	simm.s32 $0x400;
	[dreg:$0x4] =	wrdreg s21  }
0x15: {  	s26 =	simm.s32 $0x2;
	s19 =	sadd.s32 s10, s19;
	[dreg:$0x6] =	wrdreg s12  }
0x16: {  	s17 =	sshrl.u32 s17, $0x3;
	[dreg:$0x8] =	wrdreg s24;
	s2 =	sshrl.u32 s2, $0x3  }
0x17: {  	s21 =	simm.s32 $0x5;
	s24 =	simm.s32 $0x1;
	s12 =	simm.s32 $0x2780  }
0x18: {  	[dreg:$0x3] =	wrdreg s19;
	s10 =	sadd.s32 s10, s17;
	s17 =	sadd.s32 s0, s11  }
0x19: {  	s18 =	sadd.s32 s0, s2;
	s19 =	smax.u32 s13, $0x1;
	s2 =	simm.s32 $0x3  }
0x1a: {  	s11 =	simm.s32 $0x2700;
	[dreg:$0x5] =	wrdreg s10;
	s10 =	sadd.s32 s0, s22  }
0x1b: {  	s13 =	simm.s32 $0x0;
	[dreg:$0x7] =	wrdreg s10;
	s10 =	sshrl.u32 s25, $0x3  }
0x1c: {  	s22 =	simm.s32 $0x80;
	s25 =	simm.s32 $0x1400;
	s10 =	sadd.s32 s0, s10  }
0x1d: {  	v0 =	vimm.f32 $0.0e+00;
	s0 =	simm.s32 $0x8800;
	[dreg:$0x9] =	wrdreg s10;
	s10 =	simm.s32 $0x4  }
.LBB2_1:
0x1e: {  	s14 =	simm.s32 $0x0;
	s15 =	simm.s32 $0x200  }
.LBB2_2:
0x1f: {  	p0 =	sne.s32 s15, $0xFE00;
	[tilespmem:s14+$0x2870] =	vst v0  }
0x20: {  	[tilespmem:s14+$0x2800] =	vst v0  }
0x21: {  	[tilespmem:s14+$0x2810] =	vst v0  }
.Ltmp0:
0x22: {  	[tilespmem:s14+$0x2820] =	vst v0;
	(pc) =	sbr.rel @p0 .LBB2_2-.Ltmp0, $4  }
0x23: {  	[tilespmem:s14+$0x2830] =	vst v0  }
0x24: {  	[tilespmem:s14+$0x2840] =	vst v0  }
0x25: {  	[tilespmem:s14+$0x2850] =	vst v0  }
0x26: {  	[tilespmem:s14+$0x2860] =	vst v0;
	s14 =	sshra.s32 s15, $0x2;
	s15 =	sadd.s32 $0x200, s15  }
0x27: {  	[tilespmem:s14+$0x2870] =	vst v0  }
0x28: {  	[tilespmem:s14+$0x2800] =	vst v0  }
0x29: {  	[tilespmem:s14+$0x2810] =	vst v0  }
0x2a: {  	[tilespmem:s14+$0x2820] =	vst v0  }
0x2b: {  	[tilespmem:s14+$0x2830] =	vst v0  }
0x2c: {  	[tilespmem:s14+$0x2840] =	vst v0  }
0x2d: {  	[tilespmem:s14+$0x2850] =	vst v0  }
0x2e: {  	[tilespmem:s14+$0x2860] =	vst v0  }
0x2f: {  	[spmem:s5] =	stream.linear.scatter [tilespmem:s20], [sflag:$0x5], $0x4000, $0x38;
	[tilespmem:$0x1E800] =	vst v63  }
0x30: {  	_ =	swait.ge [sflag:s21], $0x4000  }
0x31: {  	[sflag:s21] =	ssyncset.done $0x0  }
0x32: {  	[sflag:s21] =	ssyncadd.s32 $0xFFFFC000  }
0x33: {  	[spmem:s6] =	stream.linear.scatter [tilespmem:s20], [sflag:$0x5], $0x4000, $0x38;
	[tilespmem:$0x1E800] =	vst v63  }
0x34: {  	_ =	swait.ge [sflag:s21], $0x4000  }
0x35: {  	[sflag:s21] =	ssyncset.done $0x0  }
0x36: {  	[sflag:s21] =	ssyncadd.s32 $0xFFFFC000  }
0x37: {  	[spmem:s7] =	stream.linear.scatter [tilespmem:s20], [sflag:$0x5], $0x4000, $0x38;
	[tilespmem:$0x1E800] =	vst v63  }
0x38: {  	_ =	swait.ge [sflag:s21], $0x4000  }
0x39: {  	[sflag:s21] =	ssyncset.done $0x0  }
0x3a: {  	[sflag:s21] =	ssyncadd.s32 $0xFFFFC000  }
0x3b: {  	[spmem:s8] =	stream.linear.scatter [tilespmem:s20], [sflag:$0x5], $0x4000, $0x38;
	[tilespmem:$0x1E800] =	vst v63  }
0x3c: {  	_ =	swait.ge [sflag:s21], $0x4000  }
0x3d: {  	[sflag:s21] =	ssyncset.done $0x0  }
0x3e: {  	[sflag:s21] =	ssyncadd.s32 $0xFFFFC000  }
0x3f: {  	[spmem:s9] =	stream.linear.scatter [tilespmem:s20], [sflag:$0x5], $0x4000, $0x38;
	[tilespmem:$0x1E800] =	vst v63  }
0x40: {  	_ =	swait.ge [sflag:s21], $0x4000  }
0x41: {  	[sflag:s21] =	ssyncset.done $0x0  }
0x42: {  	[sflag:s21] =	ssyncadd.s32 $0xFFFFC000  }
0x43: {  	[bflag:$0x0] =	sbarrier.arrive $0xFFFF  }
0x44: {  	s14 =	simm.s32 $0x0;
	s15 =	rddreg [dreg:$0x3]  }
0x45: {  	[tilespmem:s14], [sflag:$0x1] =	stream.strided.gather [hbm4b:s15+s22], $0x1400, s23, s22, $0x38;
	[tilespmem:$0x1E800] =	vst v63  }
0x46: {  	_ =	swait.ge [sflag:s24], $0x1400  }
0x47: {  	[sflag:s24] =	ssyncset.done $0x0  }
0x48: {  	s16 =	rddreg [dreg:$0x4];
	[sflag:s24] =	ssyncadd.s32 $0xFFFFEC00  }
0x49: {  	[tilespmem:s25], [sflag:$0x2] =	stream.linear.gather [hbm4b:s16+s14], $0x1400, $0x38;
	[tilespmem:$0x1E800] =	vst v63  }
0x4a: {  	_ =	swait.ge [sflag:s26], $0x1400  }
0x4b: {  	[sflag:s26] =	ssyncset.done $0x0  }
0x4c: {  	[sflag:s26] =	ssyncadd.s32 $0xFFFFEC00  }
0x4d: {  	[tilespmem:s20], [sflag:$0x1] =	stream.indirect.gather [hbm4b:s4+s28], $0x80, s14, s28, $0xb8;
	[tilespmem:$0x1E800] =	vst v63  }
0x4e: {  	_ = 	snop  }
0x4f: {  	[tilespmem:s29], [sflag:$0x1] =	stream.indirect.gather [hbm4b:s4+s28], $0x80, s28, s28, $0xb8;
	[tilespmem:$0x1E800] =	vst v63  }
0x50: {  	_ = 	snop  }
0x51: {  	[tilespmem:s30], [sflag:$0x2] =	stream.indirect.gather [hbm4b:s4+s28], $0x80, s22, s28, $0xb8;
	[tilespmem:$0x1E800] =	vst v63  }
0x52: {  	_ = 	snop  }
0x53: {  	[tilespmem:s0], [sflag:$0x2] =	stream.indirect.gather [hbm4b:s4+s28], $0x80, s31, s28, $0xb8;
	[tilespmem:$0x1E800] =	vst v63  }
0x54: {  	_ =	swait.ge [sflag:s24], $0x2000  }
0x55: {  	[sflag:s24] =	ssyncset.done $0x0  }
0x56: {  	[sflag:s24] =	ssyncadd.s32 $0xFFFFE000  }
0x57: {  	_ =	swait.ge [sflag:s24], $0x2000  }
0x58: {  	[sflag:s24] =	ssyncset.done $0x0  }
0x59: {  	s16 =	simm.s32 $0x1400;
	[sflag:s24] =	ssyncadd.s32 $0xFFFFE000  }
0x5a: {  	[spmem:s1] =	stream.indirect.scatter.add.f32 [tilespmem:s20], [sflag:$0x3], $0x80, s16, s22, $0xb8;
	[tilespmem:$0x1E800] =	vst v63  }
0x5b: {  	_ =	swait.ge [sflag:s26], $0x2000  }
0x5c: {  	[sflag:s26] =	ssyncset.done $0x0  }
0x5d: {  	[sflag:s26] =	ssyncadd.s32 $0xFFFFE000  }
0x5e: {  	_ =	swait.ge [sflag:s26], $0x2000  }
0x5f: {  	[sflag:s26] =	ssyncset.done $0x0  }
0x60: {  	s15 =	simm.s32 $0x1480;
	[sflag:s26] =	ssyncadd.s32 $0xFFFFE000  }
0x61: {  	[spmem:s1] =	stream.indirect.scatter.add.f32 [tilespmem:s30], [sflag:$0x4], $0x80, s15, s22, $0xb8;
	[tilespmem:$0x1E800] =	vst v63  }
0x62: {  	_ =	swait.ge [sflag:s2], $0x4000  }
0x63: {  	[sflag:s2] =	ssyncset.done $0x0  }
0x64: {  	s16 =	simm.s32 $0x100;
	[sflag:s2] =	ssyncadd.s32 $0xFFFFC000  }
0x65: {  	[tilespmem:s20], [sflag:$0x1] =	stream.indirect.gather [hbm4b:s4+s28], $0x80, s16, s28, $0xb8;
	[tilespmem:$0x1E800] =	vst v63  }
0x66: {  	s15 =	simm.s32 $0x140  }
0x67: {  	[tilespmem:s29], [sflag:$0x1] =	stream.indirect.gather [hbm4b:s4+s28], $0x80, s15, s28, $0xb8;
	[tilespmem:$0x1E800] =	vst v63  }
0x68: {  	_ =	swait.ge [sflag:s10], $0x4000  }
0x69: {  	s14 =	simm.s32 $0x400;
	[sflag:s10] =	ssyncset.done $0x0  }
0x6a: {  	s16 =	simm.s32 $0x180;
	s15 =	simm.s32 $0x1C0;
	[sflag:s10] =	ssyncadd.s32 $0xFFFFC000  }
0x6b: {  	[tilespmem:s30], [sflag:$0x2] =	stream.indirect.gather [hbm4b:s4+s28], $0x80, s16, s28, $0xb8;
	[tilespmem:$0x1E800] =	vst v63  }
.LBB2_4:
0x6c: {  	[tilespmem:s0], [sflag:$0x2] =	stream.indirect.gather [hbm4b:s4+s28], $0x80, s15, s28, $0xb8;
	[tilespmem:$0x1E800] =	vst v63  }
0x6d: {  	s15 =	smov.u32 s14  }
0x6e: {  	p0 =	sne.s32 s14, $0x4800;
	s14 =	sadd.s32 $0x400, s14;
	_ =	swait.ge [sflag:s24], $0x2000  }
0x6f: {  	[sflag:s24] =	ssyncset.done $0x0  }
0x70: {  	[sflag:s24] =	ssyncadd.s32 $0xFFFFE000  }
0x71: {  	_ =	swait.ge [sflag:s24], $0x2000  }
0x72: {  	s15 =	sshra.s32 s15, $0x2;
	[sflag:s24] =	ssyncset.done $0x0  }
0x73: {  	s16 =	sadd.s32 $0x1400, s15;
	[sflag:s24] =	ssyncadd.s32 $0xFFFFE000  }
0x74: {  	[spmem:s1] =	stream.indirect.scatter.add.f32 [tilespmem:s20], [sflag:$0x3], $0x80, s16, s22, $0xb8;
	[tilespmem:$0x1E800] =	vst v63  }
0x75: {  	_ =	swait.ge [sflag:s26], $0x2000  }
0x76: {  	[sflag:s26] =	ssyncset.done $0x0  }
0x77: {  	[sflag:s26] =	ssyncadd.s32 $0xFFFFE000  }
0x78: {  	_ =	swait.ge [sflag:s26], $0x2000  }
0x79: {  	[sflag:s26] =	ssyncset.done $0x0  }
0x7a: {  	s16 =	sadd.s32 $0x1480, s15;
	[sflag:s26] =	ssyncadd.s32 $0xFFFFE000  }
0x7b: {  	[spmem:s1] =	stream.indirect.scatter.add.f32 [tilespmem:s30], [sflag:$0x4], $0x80, s16, s22, $0xb8;
	[tilespmem:$0x1E800] =	vst v63  }
0x7c: {  	_ =	swait.ge [sflag:s2], $0x4000  }
0x7d: {  	[sflag:s2] =	ssyncset.done $0x0  }
0x7e: {  	s16 =	sadd.s32 $0x100, s15;
	[sflag:s2] =	ssyncadd.s32 $0xFFFFC000  }
0x7f: {  	[tilespmem:s20], [sflag:$0x1] =	stream.indirect.gather [hbm4b:s4+s28], $0x80, s16, s28, $0xb8;
	[tilespmem:$0x1E800] =	vst v63  }
0x80: {  	s16 =	sadd.s32 $0x140, s15  }
0x81: {  	[tilespmem:s29], [sflag:$0x1] =	stream.indirect.gather [hbm4b:s4+s28], $0x80, s16, s28, $0xb8;
	[tilespmem:$0x1E800] =	vst v63  }
.Ltmp1:
0x82: {  	_ =	swait.ge [sflag:s10], $0x4000;
	(pc) =	sbr.rel @p0 .LBB2_4-.Ltmp1, $4  }
0x83: {  	[sflag:s10] =	ssyncset.done $0x0  }
0x84: {  	s16 =	sadd.s32 $0x180, s15;
	[sflag:s10] =	ssyncadd.s32 $0xFFFFC000  }
0x85: {  	[tilespmem:s30], [sflag:$0x2] =	stream.indirect.gather [hbm4b:s4+s28], $0x80, s16, s28, $0xb8;
	[tilespmem:$0x1E800] =	vst v63  }
0x86: {  	s15 =	sadd.s32 $0x1C0, s15  }
0x87: {  	[tilespmem:s0], [sflag:$0x2] =	stream.indirect.gather [hbm4b:s4+s28], $0x80, s15, s28, $0xb8;
	[tilespmem:$0x1E800] =	vst v63  }
0x88: {  	_ =	swait.ge [sflag:s24], $0x2000  }
0x89: {  	[sflag:s24] =	ssyncset.done $0x0  }
0x8a: {  	[sflag:s24] =	ssyncadd.s32 $0xFFFFE000  }
0x8b: {  	_ =	swait.ge [sflag:s24], $0x2000  }
0x8c: {  	[sflag:s24] =	ssyncset.done $0x0  }
0x8d: {  	[sflag:s24] =	ssyncadd.s32 $0xFFFFE000  }
0x8e: {  	[spmem:s1] =	stream.indirect.scatter.add.f32 [tilespmem:s20], [sflag:$0x3], $0x80, s11, s22, $0xb8;
	[tilespmem:$0x1E800] =	vst v63  }
0x8f: {  	_ =	swait.ge [sflag:s26], $0x2000  }
0x90: {  	[sflag:s26] =	ssyncset.done $0x0  }
0x91: {  	[sflag:s26] =	ssyncadd.s32 $0xFFFFE000  }
0x92: {  	_ =	swait.ge [sflag:s26], $0x2000  }
0x93: {  	[sflag:s26] =	ssyncset.done $0x0  }
0x94: {  	[sflag:s26] =	ssyncadd.s32 $0xFFFFE000  }
0x95: {  	[spmem:s1] =	stream.indirect.scatter.add.f32 [tilespmem:s30], [sflag:$0x4], $0x80, s12, s22, $0xb8;
	[tilespmem:$0x1E800] =	vst v63  }
0x96: {  	_ =	swait.ge [sflag:s2], $0x4000  }
0x97: {  	[sflag:s2] =	ssyncset.done $0x0  }
0x98: {  	[sflag:s2] =	ssyncadd.s32 $0xFFFFC000  }
0x99: {  	_ =	swait.ge [sflag:s10], $0x4000  }
0x9a: {  	[sflag:s10] =	ssyncset.done $0x0  }
0x9b: {  	s14 =	simm.s32 $0x0;
	s16 =	rddreg [dreg:$0x5];
	[sflag:s10] =	ssyncadd.s32 $0xFFFFC000  }
0x9c: {  	[tilespmem:s14], [sflag:$0x1] =	stream.strided.gather [hbm4b:s16+s22], $0x1400, s23, s22, $0x38;
	[tilespmem:$0x1E800] =	vst v63  }
0x9d: {  	_ =	swait.ge [sflag:s24], $0x1400  }
0x9e: {  	[sflag:s24] =	ssyncset.done $0x0  }
0x9f: {  	s16 =	rddreg [dreg:$0x6];
	[sflag:s24] =	ssyncadd.s32 $0xFFFFEC00  }
0xa0: {  	[tilespmem:s25], [sflag:$0x2] =	stream.linear.gather [hbm4b:s16+s14], $0x1400, $0x38;
	[tilespmem:$0x1E800] =	vst v63  }
0xa1: {  	_ =	swait.ge [sflag:s26], $0x1400  }
0xa2: {  	[sflag:s26] =	ssyncset.done $0x0  }
0xa3: {  	[sflag:s26] =	ssyncadd.s32 $0xFFFFEC00  }
0xa4: {  	[tilespmem:s20], [sflag:$0x1] =	stream.indirect.gather [hbm4b:s4+s28], $0x80, s14, s28, $0xb8;
	[tilespmem:$0x1E800] =	vst v63  }
0xa5: {  	_ = 	snop  }
0xa6: {  	[tilespmem:s29], [sflag:$0x1] =	stream.indirect.gather [hbm4b:s4+s28], $0x80, s28, s28, $0xb8;
	[tilespmem:$0x1E800] =	vst v63  }
0xa7: {  	_ = 	snop  }
0xa8: {  	[tilespmem:s30], [sflag:$0x2] =	stream.indirect.gather [hbm4b:s4+s28], $0x80, s22, s28, $0xb8;
	[tilespmem:$0x1E800] =	vst v63  }
0xa9: {  	_ = 	snop  }
0xaa: {  	[tilespmem:s0], [sflag:$0x2] =	stream.indirect.gather [hbm4b:s4+s28], $0x80, s31, s28, $0xb8;
	[tilespmem:$0x1E800] =	vst v63  }
0xab: {  	_ =	swait.ge [sflag:s24], $0x2000  }
0xac: {  	[sflag:s24] =	ssyncset.done $0x0  }
0xad: {  	[sflag:s24] =	ssyncadd.s32 $0xFFFFE000  }
0xae: {  	_ =	swait.ge [sflag:s24], $0x2000  }
0xaf: {  	[sflag:s24] =	ssyncset.done $0x0  }
0xb0: {  	s16 =	simm.s32 $0x1400;
	[sflag:s24] =	ssyncadd.s32 $0xFFFFE000  }
0xb1: {  	[spmem:s1] =	stream.indirect.scatter.add.f32 [tilespmem:s20], [sflag:$0x3], $0x80, s16, s22, $0xb8;
	[tilespmem:$0x1E800] =	vst v63  }
0xb2: {  	_ =	swait.ge [sflag:s26], $0x2000  }
0xb3: {  	[sflag:s26] =	ssyncset.done $0x0  }
0xb4: {  	[sflag:s26] =	ssyncadd.s32 $0xFFFFE000  }
0xb5: {  	_ =	swait.ge [sflag:s26], $0x2000  }
0xb6: {  	[sflag:s26] =	ssyncset.done $0x0  }
0xb7: {  	s15 =	simm.s32 $0x1480;
	[sflag:s26] =	ssyncadd.s32 $0xFFFFE000  }
0xb8: {  	[spmem:s1] =	stream.indirect.scatter.add.f32 [tilespmem:s30], [sflag:$0x4], $0x80, s15, s22, $0xb8;
	[tilespmem:$0x1E800] =	vst v63  }
0xb9: {  	_ =	swait.ge [sflag:s2], $0x4000  }
0xba: {  	[sflag:s2] =	ssyncset.done $0x0  }
0xbb: {  	s16 =	simm.s32 $0x100;
	[sflag:s2] =	ssyncadd.s32 $0xFFFFC000  }
0xbc: {  	[tilespmem:s20], [sflag:$0x1] =	stream.indirect.gather [hbm4b:s4+s28], $0x80, s16, s28, $0xb8;
	[tilespmem:$0x1E800] =	vst v63  }
0xbd: {  	s15 =	simm.s32 $0x140  }
0xbe: {  	[tilespmem:s29], [sflag:$0x1] =	stream.indirect.gather [hbm4b:s4+s28], $0x80, s15, s28, $0xb8;
	[tilespmem:$0x1E800] =	vst v63  }
0xbf: {  	_ =	swait.ge [sflag:s10], $0x4000  }
0xc0: {  	s14 =	simm.s32 $0x400;
	[sflag:s10] =	ssyncset.done $0x0  }
0xc1: {  	s16 =	simm.s32 $0x180;
	s15 =	simm.s32 $0x1C0;
	[sflag:s10] =	ssyncadd.s32 $0xFFFFC000  }
0xc2: {  	[tilespmem:s30], [sflag:$0x2] =	stream.indirect.gather [hbm4b:s4+s28], $0x80, s16, s28, $0xb8;
	[tilespmem:$0x1E800] =	vst v63  }
.LBB2_6:
0xc3: {  	[tilespmem:s0], [sflag:$0x2] =	stream.indirect.gather [hbm4b:s4+s28], $0x80, s15, s28, $0xb8;
	[tilespmem:$0x1E800] =	vst v63  }
0xc4: {  	s15 =	smov.u32 s14  }
0xc5: {  	p0 =	sne.s32 s14, $0x4800;
	s14 =	sadd.s32 $0x400, s14;
	_ =	swait.ge [sflag:s24], $0x2000  }
0xc6: {  	[sflag:s24] =	ssyncset.done $0x0  }
0xc7: {  	[sflag:s24] =	ssyncadd.s32 $0xFFFFE000  }
0xc8: {  	_ =	swait.ge [sflag:s24], $0x2000  }
0xc9: {  	s15 =	sshra.s32 s15, $0x2;
	[sflag:s24] =	ssyncset.done $0x0  }
0xca: {  	s16 =	sadd.s32 $0x1400, s15;
	[sflag:s24] =	ssyncadd.s32 $0xFFFFE000  }
0xcb: {  	[spmem:s1] =	stream.indirect.scatter.add.f32 [tilespmem:s20], [sflag:$0x3], $0x80, s16, s22, $0xb8;
	[tilespmem:$0x1E800] =	vst v63  }
0xcc: {  	_ =	swait.ge [sflag:s26], $0x2000  }
0xcd: {  	[sflag:s26] =	ssyncset.done $0x0  }
0xce: {  	[sflag:s26] =	ssyncadd.s32 $0xFFFFE000  }
0xcf: {  	_ =	swait.ge [sflag:s26], $0x2000  }
0xd0: {  	[sflag:s26] =	ssyncset.done $0x0  }
0xd1: {  	s16 =	sadd.s32 $0x1480, s15;
	[sflag:s26] =	ssyncadd.s32 $0xFFFFE000  }
0xd2: {  	[spmem:s1] =	stream.indirect.scatter.add.f32 [tilespmem:s30], [sflag:$0x4], $0x80, s16, s22, $0xb8;
	[tilespmem:$0x1E800] =	vst v63  }
0xd3: {  	_ =	swait.ge [sflag:s2], $0x4000  }
0xd4: {  	[sflag:s2] =	ssyncset.done $0x0  }
0xd5: {  	s16 =	sadd.s32 $0x100, s15;
	[sflag:s2] =	ssyncadd.s32 $0xFFFFC000  }
0xd6: {  	[tilespmem:s20], [sflag:$0x1] =	stream.indirect.gather [hbm4b:s4+s28], $0x80, s16, s28, $0xb8;
	[tilespmem:$0x1E800] =	vst v63  }
0xd7: {  	s16 =	sadd.s32 $0x140, s15  }
0xd8: {  	[tilespmem:s29], [sflag:$0x1] =	stream.indirect.gather [hbm4b:s4+s28], $0x80, s16, s28, $0xb8;
	[tilespmem:$0x1E800] =	vst v63  }
.Ltmp2:
0xd9: {  	_ =	swait.ge [sflag:s10], $0x4000;
	(pc) =	sbr.rel @p0 .LBB2_6-.Ltmp2, $4  }
0xda: {  	[sflag:s10] =	ssyncset.done $0x0  }
0xdb: {  	s16 =	sadd.s32 $0x180, s15;
	[sflag:s10] =	ssyncadd.s32 $0xFFFFC000  }
0xdc: {  	[tilespmem:s30], [sflag:$0x2] =	stream.indirect.gather [hbm4b:s4+s28], $0x80, s16, s28, $0xb8;
	[tilespmem:$0x1E800] =	vst v63  }
0xdd: {  	s15 =	sadd.s32 $0x1C0, s15  }
0xde: {  	[tilespmem:s0], [sflag:$0x2] =	stream.indirect.gather [hbm4b:s4+s28], $0x80, s15, s28, $0xb8;
	[tilespmem:$0x1E800] =	vst v63  }
0xdf: {  	_ =	swait.ge [sflag:s24], $0x2000  }
0xe0: {  	[sflag:s24] =	ssyncset.done $0x0  }
0xe1: {  	[sflag:s24] =	ssyncadd.s32 $0xFFFFE000  }
0xe2: {  	_ =	swait.ge [sflag:s24], $0x2000  }
0xe3: {  	[sflag:s24] =	ssyncset.done $0x0  }
0xe4: {  	[sflag:s24] =	ssyncadd.s32 $0xFFFFE000  }
0xe5: {  	[spmem:s1] =	stream.indirect.scatter.add.f32 [tilespmem:s20], [sflag:$0x3], $0x80, s11, s22, $0xb8;
	[tilespmem:$0x1E800] =	vst v63  }
0xe6: {  	_ =	swait.ge [sflag:s26], $0x2000  }
0xe7: {  	[sflag:s26] =	ssyncset.done $0x0  }
0xe8: {  	[sflag:s26] =	ssyncadd.s32 $0xFFFFE000  }
0xe9: {  	_ =	swait.ge [sflag:s26], $0x2000  }
0xea: {  	[sflag:s26] =	ssyncset.done $0x0  }
0xeb: {  	[sflag:s26] =	ssyncadd.s32 $0xFFFFE000  }
0xec: {  	[spmem:s1] =	stream.indirect.scatter.add.f32 [tilespmem:s30], [sflag:$0x4], $0x80, s12, s22, $0xb8;
	[tilespmem:$0x1E800] =	vst v63  }
0xed: {  	_ =	swait.ge [sflag:s2], $0x4000  }
0xee: {  	[sflag:s2] =	ssyncset.done $0x0  }
0xef: {  	[sflag:s2] =	ssyncadd.s32 $0xFFFFC000  }
0xf0: {  	_ =	swait.ge [sflag:s10], $0x4000  }
0xf1: {  	[sflag:s10] =	ssyncset.done $0x0  }
0xf2: {  	[sflag:s10] =	ssyncadd.s32 $0xFFFFC000  }
0xf3: {  	[bflag:$0x0] =	sbarrier.arrive $0xFFFF  }
0xf4: {  	[tilespmem:s20], [sflag:$0x5] =	stream.linear.gather [spmem:s5], $0x4000, $0x38;
	[tilespmem:$0x1E800] =	vst v63  }
0xf5: {  	_ =	swait.ge [sflag:s21], $0x4000  }
0xf6: {  	[sflag:s21] =	ssyncset.done $0x0  }
0xf7: {  	s14 =	rddreg [dreg:$0x7];
	[sflag:s21] =	ssyncadd.s32 $0xFFFFC000  }
0xf8: {  	[hbm4b:s14+s3] =	stream.linear.scatter [tilespmem:s20], [sflag:$0x1], $0x4000, $0x38;
	[tilespmem:$0x1E800] =	vst v63  }
0xf9: {  	_ = 	snop  }
0xfa: {  	[tilespmem:s30], [sflag:$0x5] =	stream.linear.gather [spmem:s6], $0x4000, $0x38;
	[tilespmem:$0x1E800] =	vst v63  }
0xfb: {  	_ =	swait.ge [sflag:s21], $0x4000  }
0xfc: {  	[sflag:s21] =	ssyncset.done $0x0  }
0xfd: {  	s15 =	rddreg [dreg:$0x8];
	[sflag:s21] =	ssyncadd.s32 $0xFFFFC000  }
0xfe: {  	[hbm4b:s15+s3] =	stream.linear.scatter [tilespmem:s30], [sflag:$0x2], $0x4000, $0x38;
	[tilespmem:$0x1E800] =	vst v63  }
0xff: {  	_ =	swait.ge [sflag:s24], $0x4000  }
0x100: {  	[sflag:s24] =	ssyncset.done $0x0  }
0x101: {  	[sflag:s24] =	ssyncadd.s32 $0xFFFFC000  }
0x102: {  	[tilespmem:s20], [sflag:$0x5] =	stream.linear.gather [spmem:s7], $0x4000, $0x38;
	[tilespmem:$0x1E800] =	vst v63  }
0x103: {  	_ =	swait.ge [sflag:s21], $0x4000  }
0x104: {  	[sflag:s21] =	ssyncset.done $0x0  }
0x105: {  	s16 =	rddreg [dreg:$0x9];
	[sflag:s21] =	ssyncadd.s32 $0xFFFFC000  }
0x106: {  	[hbm4b:s16+s3] =	stream.linear.scatter [tilespmem:s20], [sflag:$0x1], $0x4000, $0x38;
	[tilespmem:$0x1E800] =	vst v63  }
0x107: {  	_ =	swait.ge [sflag:s26], $0x4000  }
0x108: {  	[sflag:s26] =	ssyncset.done $0x0  }
0x109: {  	[sflag:s26] =	ssyncadd.s32 $0xFFFFC000  }
0x10a: {  	[tilespmem:s30], [sflag:$0x5] =	stream.linear.gather [spmem:s8], $0x4000, $0x38;
	[tilespmem:$0x1E800] =	vst v63  }
0x10b: {  	_ =	swait.ge [sflag:s21], $0x4000  }
0x10c: {  	[sflag:s21] =	ssyncset.done $0x0  }
0x10d: {  	[sflag:s21] =	ssyncadd.s32 $0xFFFFC000  }
0x10e: {  	[hbm4b:s17+s3] =	stream.linear.scatter [tilespmem:s30], [sflag:$0x2], $0x4000, $0x38;
	[tilespmem:$0x1E800] =	vst v63  }
0x10f: {  	_ =	swait.ge [sflag:s24], $0x4000  }
0x110: {  	[sflag:s24] =	ssyncset.done $0x0  }
0x111: {  	[sflag:s24] =	ssyncadd.s32 $0xFFFFC000  }
0x112: {  	[tilespmem:s20], [sflag:$0x5] =	stream.linear.gather [spmem:s9], $0x4000, $0x38;
	[tilespmem:$0x1E800] =	vst v63  }
0x113: {  	_ =	swait.ge [sflag:s21], $0x4000  }
0x114: {  	[sflag:s21] =	ssyncset.done $0x0  }
0x115: {  	s13 =	sadd.s32 $0x1, s13;
	[sflag:s21] =	ssyncadd.s32 $0xFFFFC000  }
0x116: {  	[hbm4b:s18+s3] =	stream.linear.scatter [tilespmem:s20], [sflag:$0x1], $0x4000, $0x38;
	[tilespmem:$0x1E800] =	vst v63  }
0x117: {  	p0 =	sne.s32 s13, s19;
	_ =	swait.ge [sflag:s26], $0x4000  }
.Ltmp3:
0x118: {  	[sflag:s26] =	ssyncset.done $0x0;
	(pc) =	sbr.rel @p0 .LBB2_1-.Ltmp3, $4  }
0x119: {  	[sflag:s26] =	ssyncadd.s32 $0xFFFFC000  }
0x11a: {  	_ =	swait.ge [sflag:s24], $0x4000  }
0x11b: {  	[sflag:s24] =	ssyncset.done $0x0  }
0x11c: {  	[sflag:s24] =	ssyncadd.s32 $0xFFFFC000  }
0x11d: {  	_ =	sfence.sel $0x180000  }
0x11e: {  	[bflag:$0x0] =	sbarrier.arrive $0xFFFF  }
0x11f: {  	_ =	strace $0x9000004A  }
0x120: {  	s0 =	stileid.u32;
	[bflag:$0x2] =	sbarrier.arrive $0xFFFF  }
0x121: {  	p0 =	sne.s32 s0, $0x0;
	s0 =	rddreg [dreg:$0x2]  }
0x122: {  	s0 =	sadd.s32 @!p0 $0x100000, s0  }
0x123: {  	[sflag:s0] =	ssyncadd.tile.s32 @!p0 $0x1;
	_ =	shalt  }
.Lfunc_end2:
_tile_overlayer_lowered:
.L_overlay_start_2:
0x124: {  	(tag) =	ssettag $0x2  }
0x125: {  	s0 =	rddreg [dreg:$0x0];
	s2 =	stileid.u32  }
0x126: {  	s1 =	rddreg [dreg:$0x1];
	p0 =	sne.s32 s2, $0x0  }
0x127: {  	s3 =	rddreg [dreg:$0x2];
	[bflag:$0x3] =	sbarrier.arrive $0xFFFF;
	s2 =	simm.s32 @!p0 $0x1C05  }
0x128: {  	[timem:s3], [sflag:s2] =	dma.local @!p0 [hbm:s0], s1  }
0x129: {  	s0 =	simm.s32 @!p0 $0x5  }
0x12a: {  	_ =	swait.ge @!p0 [sflag:s0], s1  }
0x12b: {  	s1 =	ssub.s32 @!p0 $0x0, s1;
	[sflag:s0] =	ssyncset.done @!p0 $0x0  }
0x12c: {  	[sflag:s0] =	ssyncadd.s32 @!p0 s1  }
0x12d: {  	[bflag:$0x3] =	sbarrier.arrive $0xFFFF  }
0x12e: {  	_ =	shalt  }

// kernel: kernel.15.cloned.1.call-start
scs
__scs_entry_jumppad:
0x0: {  	(pc) =	sbr.rel $0x88, $3  }
0x1: {  	(tag) =	ssettag $0x0;
	lr =	simm.s32 $0x1  }
0x2: {  	[smem:$0x3F9B] =	sst lr;
	_ =	strace $0xD0000000  }
0x3: {  	_ = 	snop  }
0x4: {  	_ = 	snop  }
0x5: {  	_ = 	snop  }
0x6: {  	_ = 	snop  }
0x7: {  	_ = 	snop  }
__scs_overlays_trampoline_lowered:
0x8: {  	[smem:$0x3FAA] =	sst s0  }
0x9: {  	[smem:$0x3FAB] =	sst s1  }
0xa: {  	[smem:$0x3FAC] =	sst s2  }
0xb: {  	[smem:$0x3FAD] =	sst s3  }
0xc: {  	[smem:$0x3FAE] =	sst s4  }
0xd: {  	[smem:$0x3FAF] =	sst s5  }
0xe: {  	[smem:$0x3FB0] =	sst s6  }
0xf: {  	[smem:$0x3FB1] =	sst s7  }
0x10: {  	[smem:$0x3FB2] =	sst s8  }
0x11: {  	[smem:$0x3FB3] =	sst s9;
	s0 =	simm.s32 @!p0 $0x0  }
0x12: {  	s1 =	sld [smem:$0x3F99];
	s0 =	simm.s32 @p0 $0x1  }
0x13: {  	[smem:$0x3FB4] =	sst s0;
	s0 =	simm.s32 @!p1 $0x0  }
0x14: {  	s2 =	sld [smem:$0x3F98];
	s0 =	simm.s32 @p1 $0x1  }
0x15: {  	[smem:$0x3FB5] =	sst s0;
	s0 =	simm.s32 @!p2 $0x0  }
0x16: {  	s3 =	sld [smem:$0x3FDB];
	s0 =	simm.s32 @p2 $0x1  }
0x17: {  	s4 =	simm.s32 $0x1BF5;
	[smem:$0x3FB7] =	sst s0  }
0x18: {  	s0 =	sld [smem:$0x3F9A];
	_ =	swait.ge [sflag:s4], $0x0  }
0x19: {  	s7 =	sld [smem:$0x3F9B]  }
0x1a: {  	s8 =	sadd.s32 $0xFFFFE003, lr  }
0x1b: {  	s9 =	sadd.s32 $0xFFFFFEF7, lr;
	s5 =	simm.s32 $0xFFFFFFFF;
	p2 =	slt.u32 s8, $0xFFFFF086  }
0x1c: {  	p1 =	slt.u32 s9, $0xF7A;
	s5 =	simm.s32 @!p2 $0x0  }
0x1d: {  	s5 =	simm.s32 @p1 $0x1;
	p0 =	seq.s32 s7, s2  }
0x1e: {  	s7 =	smul.u32 @!p0 $0xF7A, s2;
	p2 =	seq.s32 @!p0 s5, $0x0  }
0x1f: {  	s9 =	smul.u32 $0xF7A, s1;
	s8 =	simm.s32 @!p0 $0x1BF5;
	p2 =	por !p2, p0  }
0x20: {  	[sflag:s8] =	ssyncset.s32 @!p0 $0xFFFFF086;
	s6 =	sadd.s32 @!p0 s3, s7;
	s7 =	simm.s32 @!p0 $0x108  }
0x21: {  	s3 =	sadd.s32 s3, s9;
	s6 =	sadd.s32 @!p0 $0x88, s6;
	s7 =	simm.s32 @p2 $0x1082  }
0x22: {  	[simem:s7], [sflag:s8] =	dma.local @!p0 [hbm:s6], $0xF7A  }
0x23: {  	s9 =	sor.u32 $0xD0000000, s2;
	s6 =	simm.s32 $0x108;
	_ =	swait.ge @!p0 [sflag:s8], $0x0  }
0x24: {  	s3 =	sadd.s32 $0x88, s3;
	s6 =	simm.s32 @!p1 $0x1082;
	[sflag:s4] =	ssyncset.s32 $0xFFFFF086  }
0x25: {  	[simem:s6], [sflag:s4] =	dma.local [hbm:s3], $0xF7A  }
0x26: {  	[smem:$0x3F9B] =	sst s1;
	(tag) =	ssettag s2;
	_ =	strace s9  }
0x27: {  	s1 =	sld [smem:$0x3FAB]  }
0x28: {  	s2 =	sld [smem:$0x3FAC]  }
0x29: {  	s4 =	sld [smem:$0x3FAE]  }
0x2a: {  	p0 =	seq.s32 s5, $0x0;
	s5 =	sld [smem:$0x3FAF]  }
0x2b: {  	s6 =	sld [smem:$0x3FB0]  }
0x2c: {  	s7 =	sld [smem:$0x3FB1]  }
0x2d: {  	s3 =	simm.s32 $0x108;
	s8 =	sld [smem:$0x3FB2]  }
0x2e: {  	s3 =	simm.s32 @!p0 $0x1082;
	s9 =	sld [smem:$0x3FB3]  }
0x2f: {  	lr =	sadd.s32 s0, s3;
	s0 =	sld [smem:$0x3FAA]  }
0x30: {  	s3 =	sld [smem:$0x3FAD]  }
0x31: {  	[smem:$0x3FB6] =	sst s10  }
0x32: {  	s10 =	sld [smem:$0x3FB4];
	_ =	sdelay $0x3  }
0x33: {  	p0 =	seq.s32 s10, $0x1;
	s10 =	sld [smem:$0x3FB6];
	_ =	sdelay $0x3  }
0x34: {  	[smem:$0x3FB6] =	sst s10  }
0x35: {  	s10 =	sld [smem:$0x3FB5];
	_ =	sdelay $0x3  }
0x36: {  	p1 =	seq.s32 s10, $0x1;
	s10 =	sld [smem:$0x3FB6];
	_ =	sdelay $0x3  }
0x37: {  	[smem:$0x3FB6] =	sst s10  }
0x38: {  	s10 =	sld [smem:$0x3FB7]  }
0x39: {  	_ = 	snop;
	(pc) =	sbr.ind lr, $3  }
0x3a: {  	_ = 	snop  }
0x3b: {  	_ = 	snop  }
0x3c: {  	p2 =	seq.s32 s10, $0x1;
	s10 =	sld [smem:$0x3FB6]  }
0x3d: {  	_ =	shalt  }
0x3e: {  	_ =	shalt  }
0x3f: {  	_ =	shalt  }
0x40: {  	_ =	shalt  }
0x41: {  	_ =	shalt  }
0x42: {  	_ =	shalt  }
0x43: {  	_ =	shalt  }
0x44: {  	_ =	shalt  }
0x45: {  	_ =	shalt  }
0x46: {  	_ =	shalt  }
0x47: {  	_ =	shalt  }
0x48: {  	_ =	shalt  }
0x49: {  	_ =	shalt  }
0x4a: {  	_ =	shalt  }
0x4b: {  	_ =	shalt  }
0x4c: {  	_ =	shalt  }
0x4d: {  	_ =	shalt  }
0x4e: {  	_ =	shalt  }
0x4f: {  	_ =	shalt  }
0x50: {  	_ =	shalt  }
0x51: {  	_ =	shalt  }
0x52: {  	_ =	shalt  }
0x53: {  	_ =	shalt  }
0x54: {  	_ =	shalt  }
0x55: {  	_ =	shalt  }
0x56: {  	_ =	shalt  }
0x57: {  	_ =	shalt  }
0x58: {  	_ =	shalt  }
0x59: {  	_ =	shalt  }
0x5a: {  	_ =	shalt  }
0x5b: {  	_ =	shalt  }
0x5c: {  	_ =	shalt  }
0x5d: {  	_ =	shalt  }
0x5e: {  	_ =	shalt  }
0x5f: {  	_ =	shalt  }
0x60: {  	_ =	shalt  }
0x61: {  	_ =	shalt  }
0x62: {  	_ =	shalt  }
0x63: {  	_ =	shalt  }
0x64: {  	_ =	shalt  }
0x65: {  	_ =	shalt  }
0x66: {  	_ =	shalt  }
0x67: {  	_ =	shalt  }
0x68: {  	_ =	shalt  }
0x69: {  	_ =	shalt  }
0x6a: {  	_ =	shalt  }
0x6b: {  	_ =	shalt  }
0x6c: {  	_ =	shalt  }
0x6d: {  	_ =	shalt  }
0x6e: {  	_ =	shalt  }
0x6f: {  	_ =	shalt  }
0x70: {  	_ =	shalt  }
0x71: {  	_ =	shalt  }
0x72: {  	_ =	shalt  }
0x73: {  	_ =	shalt  }
0x74: {  	_ =	shalt  }
0x75: {  	_ =	shalt  }
0x76: {  	_ =	shalt  }
0x77: {  	_ =	shalt  }
0x78: {  	_ =	shalt  }
0x79: {  	_ =	shalt  }
0x7a: {  	_ =	shalt  }
0x7b: {  	_ =	shalt  }
0x7c: {  	_ =	shalt  }
0x7d: {  	_ =	shalt  }
0x7e: {  	_ =	shalt  }
0x7f: {  	_ =	shalt  }
0x80: {  	_ =	shalt  }
0x81: {  	_ =	shalt  }
0x82: {  	_ =	shalt  }
0x83: {  	_ =	shalt  }
0x84: {  	_ =	shalt  }
0x85: {  	_ =	shalt  }
0x86: {  	_ =	shalt  }
0x87: {  	_ =	shalt  }
.Lfunc_end0:
.L_simem_size_0:
called_computation.2_lowered:
.L_overlay_start_0:
0x88: {  	s2 =	sld [smem:$0x3FD9]  }
0x89: {  	s3 =	sld [smem:$0x3FFE];
	_ =	sdelay $0x1  }
0x8a: {  	s1 =	srdreg.scid  }
0x8b: {  	s0 =	sand.u32 $0x1, s1  }
0x8c: {  	s16 =	sshll.u32 s0, $0xA;
	s2 =	sadd.s32 s3, s2  }
0x8d: {  	s2 =	sadd.s32 s2, s16  }
0x8e: {  	[smem:$0x3FC2] =	sst s2  }
0x8f: {  	_ = 	snop  }
0x90: {  	(tm) =	ssettm $0x1  }
0x91: {  	s17 =	sld [smem:$0x3FFB];
	_ =	sdelay $0x3  }
0x92: {  	_ =	strace s17  }
0x93: {  	s2 =	sld [smem:$0x3FFC];
	_ =	sdelay $0x3  }
0x94: {  	_ =	strace s2  }
0x95: {  	s2 =	sld [smem:$0x3FFD];
	_ =	sdelay $0x3  }
0x96: {  	_ =	strace s2  }
0x97: {  	_ =	strace $0x8FFFFFFF  }
0x98: {  	s18 =	sld [smem:$0x3FDB];
	_ =	sdelay $0x1  }
0x99: {  	s19 =	simm.s32 $_scs_section_size  }
0x9a: {  	s4 =	simm.s32 $_size__tile_overlayer_lowered;
	s5 =	simm.s32 $_tile_overlayer_lowered  }
0x9b: {  	s22 =	simm.s32 $0x1BFF;
	s21 =	sshll.u32 s5, $0x1;
	s2 =	sadd.s32 s19, s18  }
0x9c: {  	s6 =	simm.s32 $0x0;
	s20 =	sshll.u32 s4, $0x1;
	s4 =	sadd.s32 s21, s2  }
0x9d: {  	[timem:s6], [sflag:s22] =	dma.local [hbm:s4], s20  }
0x9e: {  	_ =	swait.ge [sflag:s22], s20  }
0x9f: {  	s3 =	ssub.s32 $0x0, s20;
	[sflag:s22] =	ssyncset.done $0x0  }
0xa0: {  	[sflag:s22] =	ssyncadd.s32 s3;
	_ =	sdelay $0x1  }
0xa1: {  	s23 =	simm.s32 $0x1B8B  }
0xa2: {  	_ =	swait.ge [sflag:s23], $0x1  }
0xa3: {  	[sflag:s23] =	ssyncset.done $0x0  }
0xa4: {  	s25 =	simm.s32 $0x1B8E;
	s24 =	sld [smem:$0x3FFE];
	[sflag:s23] =	ssyncadd.s32 $0xFFFFFFFF  }
0xa5: {  	s26 =	simm.s32 $execute0_lowered;
	[smem:$0x3FD2] =	sst s25  }
0xa6: {  	s4 =	sshll.u32 s26, $0x1;
	_ =	strace $0x8000004C;
	[dreg:$0x1] =	wrdreg $0xFFFFFFFF  }
0xa7: {  	s28 =	simm.s32 $_size_execute0_lowered;
	s2 =	sadd.s32 s2, s4;
	[dreg:$0x0] =	wrdreg $0x0  }
0xa8: {  	s4 =	sshll.u32 s28, $0x1;
	[dreg:$0x2] =	wrdreg s2  }
0xa9: {  	[dreg:$0x3] =	wrdreg s4  }
0xaa: {  	[dreg:$0x4] =	wrdreg $0xC0  }
0xab: {  	_ =	task [dreg:s6], $0x5FFFF  }
0xac: {  	[dreg:$0x1] =	wrdreg $0xFFFFFFFF  }
0xad: {  	[dreg:$0x0] =	wrdreg $0x60  }
0xae: {  	[dreg:$0x2] =	wrdreg s24  }
0xaf: {  	[dreg:$0x3] =	wrdreg $0xA8000  }
0xb0: {  	[dreg:$0x4] =	wrdreg $0x9  }
0xb1: {  	_ =	task.clear_ibuf [dreg:s6], $0x5FFFF;
	_ =	strace $0x9000004C  }
0xb2: {  	s29 =	simm.s32 $0x9;
	_ =	strace $0x8000004E  }
0xb3: {  	_ =	swait.ge [sflag:s29], $0x1  }
0xb4: {  	[sflag:s29] =	ssyncadd.s32 $0xFFFFFFFF  }
0xb5: {  	_ =	strace $0x9000004E  }
0xb6: {  	_ =	sfence  }
0xb7: {  	s30 =	sld [smem:$0x0];
	_ =	sdelay $0x2  }
0xb8: {  	s31 =	sshll.u32 s1, $0xD;
	s1 =	sshrl.u32 s1, $0x2  }
0xb9: {  	s3 =	sand.u32 $0x4000, s31;
	s1 =	sadd.s32 s1, s30  }
0xba: {  	s0 =	sor.u32 s3, s0;
	s1 =	sshll.u32 s1, $0x11  }
0xbb: {  	s0 =	sor.u32 s1, s0  }
0xbc: {  	s0 =	sadd.s32 $0x8F2B, s0  }
0xbd: {  	[sflag:s0] =	ssyncadd.remote.s32 $0x1  }
0xbe: {  	_ =	sfence.sel $0xFFFF  }
0xbf: {  	[dreg:$0x0] =	wrdreg $0xFFFFFFFF;
	(pc) =	sbr.abs _section_cstart, $3  }
0xc0: {  	[dreg:$0x1] =	wrdreg $0xFFFFFFFF  }
0xc1: {  	_ =	task.clear_ibuf [dreg:s6], $0x2FFFF;
	_ =	strace $0x9FFFFFFF  }
0xc2: {  	(tm) =	ssettm $0x7FFFFFFF  }
0xc3: {  	_ =	shalt  }
tec
execute0_lowered:
.L_overlay_start_1:
0x0: {  	(tag) =	ssettag $0x1  }
0x1: {  	s0 =	rddreg [dreg:$0x0]  }
0x2: {  	s1 =	rddreg [dreg:$0x1];
	s2 =	srdreg.scid  }
0x3: {  	s3 =	simm.s32 $0x0;
	s16 =	stileid.u32;
	s28 =	simm.s32 $0x40  }
0x4: {  	s29 =	simm.s32 $0x4800;
	s30 =	simm.s32 $0x6800;
	s31 =	simm.s32 $0xC0  }
0x5: {  	s2 =	sand.u32 $0x1, s2;
	[smem:$0x7FF] =	sst s3;
	s6 =	smul.u32 $0x50000, s16  }
0x6: {  	s10 =	sadd.s32 $0xD800, s0;
	s11 =	smul.u32 $0x14000, s16;
	s19 =	sshll.u32 s16, $0x7  }
0x7: {  	s4 =	sshll.u32 s2, $0x4;
	_ =	strace $0x8000004D;
	s8 =	ssub.s32 $0x2, s2  }
0x8: {  	s2 =	smul.u32 $0x140000, s2;
	s7 =	sor.u32 s16, s4;
	s4 =	sadd.s32 $0x17800, s0  }
0x9: {  	s17 =	sshrl.u32 s8, $0x1;
	s18 =	sshrl.u32 s6, $0x2;
	s14 =	sadd.s32 $0x4000, s11  }
0xa: {  	s15 =	sadd.s32 $0x8000, s11;
	s20 =	sadd.s32 $0xC000, s11;
	s5 =	smul.u32 $0x2800, s7  }
0xb: {  	s13 =	ssub.s32 s8, s17;
	s6 =	sadd.s32 s14, s1;
	s7 =	sshrl.u32 s7, $0x3  }
0xc: {  	s17 =	sand.u32 $0x380, s19;
	s8 =	sadd.s32 s20, s1;
	s14 =	sadd.s32 s2, s14  }
0xd: {  	s25 =	sadd.s32 s2, s15;
	s26 =	sadd.s32 s2, s20;
	s20 =	simm.s32 $0x2800  }
0xe: {  	s9 =	smul.u32 $0x14000, s7;
	s7 =	sadd.s32 s15, s1;
	s5 =	sshrl.u32 s5, $0x3  }
0xf: {  	s23 =	sshrl.u32 s14, $0x3;
	s12 =	sadd.s32 s5, s0;
	s0 =	sadd.s32 $0x3F800, s0  }
0x10: {  	s5 =	sadd.s32 s18, s1;
	s18 =	sadd.s32 $0x10000, s11;
	s17 =	sor.u32 s17, s9  }
0x11: {  	s11 =	sadd.s32 s11, s2;
	s9 =	sadd.s32 s18, s1;
	s19 =	sshrl.u32 s17, $0x3  }
0x12: {  	s21 =	sadd.s32 $0x2E00, s12;
	s17 =	sadd.s32 $0xA000, s17;
	s22 =	sshrl.u32 s11, $0x3  }
0x13: {  	s12 =	sadd.s32 $0x3080, s12;
	s24 =	sadd.s32 s0, s23;
	s2 =	sadd.s32 s2, s18  }
0x14: {  	s11 =	sshrl.u32 s26, $0x3;
	s23 =	simm.s32 $0x400;
	[dreg:$0x4] =	wrdreg s21  }
0x15: {  	s26 =	simm.s32 $0x2;
	s19 =	sadd.s32 s10, s19;
	[dreg:$0x6] =	wrdreg s12  }
0x16: {  	s17 =	sshrl.u32 s17, $0x3;
	[dreg:$0x8] =	wrdreg s24;
	s2 =	sshrl.u32 s2, $0x3  }
0x17: {  	s21 =	simm.s32 $0x5;
	s24 =	simm.s32 $0x1;
	s12 =	simm.s32 $0x2780  }
0x18: {  	[dreg:$0x3] =	wrdreg s19;
	s10 =	sadd.s32 s10, s17;
	s17 =	sadd.s32 s0, s11  }
0x19: {  	s18 =	sadd.s32 s0, s2;
	s19 =	smax.u32 s13, $0x1;
	s2 =	simm.s32 $0x3  }
0x1a: {  	s11 =	simm.s32 $0x2700;
	[dreg:$0x5] =	wrdreg s10;
	s10 =	sadd.s32 s0, s22  }
0x1b: {  	s13 =	simm.s32 $0x0;
	[dreg:$0x7] =	wrdreg s10;
	s10 =	sshrl.u32 s25, $0x3  }
0x1c: {  	s22 =	simm.s32 $0x80;
	s25 =	simm.s32 $0x1400;
	s10 =	sadd.s32 s0, s10  }
0x1d: {  	v0 =	vimm.f32 $0.0e+00;
	s0 =	simm.s32 $0x8800;
	[dreg:$0x9] =	wrdreg s10;
	s10 =	simm.s32 $0x4  }
.LBB2_1:
0x1e: {  	s14 =	simm.s32 $0x0;
	s15 =	simm.s32 $0x200  }
.LBB2_2:
0x1f: {  	p0 =	sne.s32 s15, $0xFE00;
	[tilespmem:s14+$0x2870] =	vst v0  }
0x20: {  	[tilespmem:s14+$0x2800] =	vst v0  }
0x21: {  	[tilespmem:s14+$0x2810] =	vst v0  }
.Ltmp0:
0x22: {  	[tilespmem:s14+$0x2820] =	vst v0;
	(pc) =	sbr.rel @p0 .LBB2_2-.Ltmp0, $4  }
0x23: {  	[tilespmem:s14+$0x2830] =	vst v0  }
0x24: {  	[tilespmem:s14+$0x2840] =	vst v0  }
0x25: {  	[tilespmem:s14+$0x2850] =	vst v0  }
0x26: {  	[tilespmem:s14+$0x2860] =	vst v0;
	s14 =	sshra.s32 s15, $0x2;
	s15 =	sadd.s32 $0x200, s15  }
0x27: {  	[tilespmem:s14+$0x2870] =	vst v0  }
0x28: {  	[tilespmem:s14+$0x2800] =	vst v0  }
0x29: {  	[tilespmem:s14+$0x2810] =	vst v0  }
0x2a: {  	[tilespmem:s14+$0x2820] =	vst v0  }
0x2b: {  	[tilespmem:s14+$0x2830] =	vst v0  }
0x2c: {  	[tilespmem:s14+$0x2840] =	vst v0  }
0x2d: {  	[tilespmem:s14+$0x2850] =	vst v0  }
0x2e: {  	[tilespmem:s14+$0x2860] =	vst v0  }
0x2f: {  	[spmem:s5] =	stream.linear.scatter [tilespmem:s20], [sflag:$0x5], $0x4000, $0x38;
	[tilespmem:$0x1E800] =	vst v63  }
0x30: {  	_ =	swait.ge [sflag:s21], $0x4000  }
0x31: {  	[sflag:s21] =	ssyncset.done $0x0  }
0x32: {  	[sflag:s21] =	ssyncadd.s32 $0xFFFFC000  }
0x33: {  	[spmem:s6] =	stream.linear.scatter [tilespmem:s20], [sflag:$0x5], $0x4000, $0x38;
	[tilespmem:$0x1E800] =	vst v63  }
0x34: {  	_ =	swait.ge [sflag:s21], $0x4000  }
0x35: {  	[sflag:s21] =	ssyncset.done $0x0  }
0x36: {  	[sflag:s21] =	ssyncadd.s32 $0xFFFFC000  }
0x37: {  	[spmem:s7] =	stream.linear.scatter [tilespmem:s20], [sflag:$0x5], $0x4000, $0x38;
	[tilespmem:$0x1E800] =	vst v63  }
0x38: {  	_ =	swait.ge [sflag:s21], $0x4000  }
0x39: {  	[sflag:s21] =	ssyncset.done $0x0  }
0x3a: {  	[sflag:s21] =	ssyncadd.s32 $0xFFFFC000  }
0x3b: {  	[spmem:s8] =	stream.linear.scatter [tilespmem:s20], [sflag:$0x5], $0x4000, $0x38;
	[tilespmem:$0x1E800] =	vst v63  }
0x3c: {  	_ =	swait.ge [sflag:s21], $0x4000  }
0x3d: {  	[sflag:s21] =	ssyncset.done $0x0  }
0x3e: {  	[sflag:s21] =	ssyncadd.s32 $0xFFFFC000  }
0x3f: {  	[spmem:s9] =	stream.linear.scatter [tilespmem:s20], [sflag:$0x5], $0x4000, $0x38;
	[tilespmem:$0x1E800] =	vst v63  }
0x40: {  	_ =	swait.ge [sflag:s21], $0x4000  }
0x41: {  	[sflag:s21] =	ssyncset.done $0x0  }
0x42: {  	[sflag:s21] =	ssyncadd.s32 $0xFFFFC000  }
0x43: {  	[bflag:$0x0] =	sbarrier.arrive $0xFFFF  }
0x44: {  	s14 =	simm.s32 $0x0;
	s15 =	rddreg [dreg:$0x3]  }
0x45: {  	[tilespmem:s14], [sflag:$0x1] =	stream.strided.gather [hbm4b:s15+s22], $0x1400, s23, s22, $0x38;
	[tilespmem:$0x1E800] =	vst v63  }
0x46: {  	_ =	swait.ge [sflag:s24], $0x1400  }
0x47: {  	[sflag:s24] =	ssyncset.done $0x0  }
0x48: {  	s16 =	rddreg [dreg:$0x4];
	[sflag:s24] =	ssyncadd.s32 $0xFFFFEC00  }
0x49: {  	[tilespmem:s25], [sflag:$0x2] =	stream.linear.gather [hbm4b:s16+s14], $0x1400, $0x38;
	[tilespmem:$0x1E800] =	vst v63  }
0x4a: {  	_ =	swait.ge [sflag:s26], $0x1400  }
0x4b: {  	[sflag:s26] =	ssyncset.done $0x0  }
0x4c: {  	[sflag:s26] =	ssyncadd.s32 $0xFFFFEC00  }
0x4d: {  	[tilespmem:s20], [sflag:$0x1] =	stream.indirect.gather [hbm4b:s4+s28], $0x80, s14, s28, $0xb8;
	[tilespmem:$0x1E800] =	vst v63  }
0x4e: {  	_ = 	snop  }
0x4f: {  	[tilespmem:s29], [sflag:$0x1] =	stream.indirect.gather [hbm4b:s4+s28], $0x80, s28, s28, $0xb8;
	[tilespmem:$0x1E800] =	vst v63  }
0x50: {  	_ = 	snop  }
0x51: {  	[tilespmem:s30], [sflag:$0x2] =	stream.indirect.gather [hbm4b:s4+s28], $0x80, s22, s28, $0xb8;
	[tilespmem:$0x1E800] =	vst v63  }
0x52: {  	_ = 	snop  }
0x53: {  	[tilespmem:s0], [sflag:$0x2] =	stream.indirect.gather [hbm4b:s4+s28], $0x80, s31, s28, $0xb8;
	[tilespmem:$0x1E800] =	vst v63  }
0x54: {  	_ =	swait.ge [sflag:s24], $0x2000  }
0x55: {  	[sflag:s24] =	ssyncset.done $0x0  }
0x56: {  	[sflag:s24] =	ssyncadd.s32 $0xFFFFE000  }
0x57: {  	_ =	swait.ge [sflag:s24], $0x2000  }
0x58: {  	[sflag:s24] =	ssyncset.done $0x0  }
0x59: {  	s16 =	simm.s32 $0x1400;
	[sflag:s24] =	ssyncadd.s32 $0xFFFFE000  }
0x5a: {  	[spmem:s1] =	stream.indirect.scatter.add.f32 [tilespmem:s20], [sflag:$0x3], $0x80, s16, s22, $0xb8;
	[tilespmem:$0x1E800] =	vst v63  }
0x5b: {  	_ =	swait.ge [sflag:s26], $0x2000  }
0x5c: {  	[sflag:s26] =	ssyncset.done $0x0  }
0x5d: {  	[sflag:s26] =	ssyncadd.s32 $0xFFFFE000  }
0x5e: {  	_ =	swait.ge [sflag:s26], $0x2000  }
0x5f: {  	[sflag:s26] =	ssyncset.done $0x0  }
0x60: {  	s15 =	simm.s32 $0x1480;
	[sflag:s26] =	ssyncadd.s32 $0xFFFFE000  }
0x61: {  	[spmem:s1] =	stream.indirect.scatter.add.f32 [tilespmem:s30], [sflag:$0x4], $0x80, s15, s22, $0xb8;
	[tilespmem:$0x1E800] =	vst v63  }
0x62: {  	_ =	swait.ge [sflag:s2], $0x4000  }
0x63: {  	[sflag:s2] =	ssyncset.done $0x0  }
0x64: {  	s16 =	simm.s32 $0x100;
	[sflag:s2] =	ssyncadd.s32 $0xFFFFC000  }
0x65: {  	[tilespmem:s20], [sflag:$0x1] =	stream.indirect.gather [hbm4b:s4+s28], $0x80, s16, s28, $0xb8;
	[tilespmem:$0x1E800] =	vst v63  }
0x66: {  	s15 =	simm.s32 $0x140  }
0x67: {  	[tilespmem:s29], [sflag:$0x1] =	stream.indirect.gather [hbm4b:s4+s28], $0x80, s15, s28, $0xb8;
	[tilespmem:$0x1E800] =	vst v63  }
0x68: {  	_ =	swait.ge [sflag:s10], $0x4000  }
0x69: {  	s14 =	simm.s32 $0x400;
	[sflag:s10] =	ssyncset.done $0x0  }
0x6a: {  	s16 =	simm.s32 $0x180;
	s15 =	simm.s32 $0x1C0;
	[sflag:s10] =	ssyncadd.s32 $0xFFFFC000  }
0x6b: {  	[tilespmem:s30], [sflag:$0x2] =	stream.indirect.gather [hbm4b:s4+s28], $0x80, s16, s28, $0xb8;
	[tilespmem:$0x1E800] =	vst v63  }
.LBB2_4:
0x6c: {  	[tilespmem:s0], [sflag:$0x2] =	stream.indirect.gather [hbm4b:s4+s28], $0x80, s15, s28, $0xb8;
	[tilespmem:$0x1E800] =	vst v63  }
0x6d: {  	s15 =	smov.u32 s14  }
0x6e: {  	p0 =	sne.s32 s14, $0x4800;
	s14 =	sadd.s32 $0x400, s14;
	_ =	swait.ge [sflag:s24], $0x2000  }
0x6f: {  	[sflag:s24] =	ssyncset.done $0x0  }
0x70: {  	[sflag:s24] =	ssyncadd.s32 $0xFFFFE000  }
0x71: {  	_ =	swait.ge [sflag:s24], $0x2000  }
0x72: {  	s15 =	sshra.s32 s15, $0x2;
	[sflag:s24] =	ssyncset.done $0x0  }
0x73: {  	s16 =	sadd.s32 $0x1400, s15;
	[sflag:s24] =	ssyncadd.s32 $0xFFFFE000  }
0x74: {  	[spmem:s1] =	stream.indirect.scatter.add.f32 [tilespmem:s20], [sflag:$0x3], $0x80, s16, s22, $0xb8;
	[tilespmem:$0x1E800] =	vst v63  }
0x75: {  	_ =	swait.ge [sflag:s26], $0x2000  }
0x76: {  	[sflag:s26] =	ssyncset.done $0x0  }
0x77: {  	[sflag:s26] =	ssyncadd.s32 $0xFFFFE000  }
0x78: {  	_ =	swait.ge [sflag:s26], $0x2000  }
0x79: {  	[sflag:s26] =	ssyncset.done $0x0  }
0x7a: {  	s16 =	sadd.s32 $0x1480, s15;
	[sflag:s26] =	ssyncadd.s32 $0xFFFFE000  }
0x7b: {  	[spmem:s1] =	stream.indirect.scatter.add.f32 [tilespmem:s30], [sflag:$0x4], $0x80, s16, s22, $0xb8;
	[tilespmem:$0x1E800] =	vst v63  }
0x7c: {  	_ =	swait.ge [sflag:s2], $0x4000  }
0x7d: {  	[sflag:s2] =	ssyncset.done $0x0  }
0x7e: {  	s16 =	sadd.s32 $0x100, s15;
	[sflag:s2] =	ssyncadd.s32 $0xFFFFC000  }
0x7f: {  	[tilespmem:s20], [sflag:$0x1] =	stream.indirect.gather [hbm4b:s4+s28], $0x80, s16, s28, $0xb8;
	[tilespmem:$0x1E800] =	vst v63  }
0x80: {  	s16 =	sadd.s32 $0x140, s15  }
0x81: {  	[tilespmem:s29], [sflag:$0x1] =	stream.indirect.gather [hbm4b:s4+s28], $0x80, s16, s28, $0xb8;
	[tilespmem:$0x1E800] =	vst v63  }
.Ltmp1:
0x82: {  	_ =	swait.ge [sflag:s10], $0x4000;
	(pc) =	sbr.rel @p0 .LBB2_4-.Ltmp1, $4  }
0x83: {  	[sflag:s10] =	ssyncset.done $0x0  }
0x84: {  	s16 =	sadd.s32 $0x180, s15;
	[sflag:s10] =	ssyncadd.s32 $0xFFFFC000  }
0x85: {  	[tilespmem:s30], [sflag:$0x2] =	stream.indirect.gather [hbm4b:s4+s28], $0x80, s16, s28, $0xb8;
	[tilespmem:$0x1E800] =	vst v63  }
0x86: {  	s15 =	sadd.s32 $0x1C0, s15  }
0x87: {  	[tilespmem:s0], [sflag:$0x2] =	stream.indirect.gather [hbm4b:s4+s28], $0x80, s15, s28, $0xb8;
	[tilespmem:$0x1E800] =	vst v63  }
0x88: {  	_ =	swait.ge [sflag:s24], $0x2000  }
0x89: {  	[sflag:s24] =	ssyncset.done $0x0  }
0x8a: {  	[sflag:s24] =	ssyncadd.s32 $0xFFFFE000  }
0x8b: {  	_ =	swait.ge [sflag:s24], $0x2000  }
0x8c: {  	[sflag:s24] =	ssyncset.done $0x0  }
0x8d: {  	[sflag:s24] =	ssyncadd.s32 $0xFFFFE000  }
0x8e: {  	[spmem:s1] =	stream.indirect.scatter.add.f32 [tilespmem:s20], [sflag:$0x3], $0x80, s11, s22, $0xb8;
	[tilespmem:$0x1E800] =	vst v63  }
0x8f: {  	_ =	swait.ge [sflag:s26], $0x2000  }
0x90: {  	[sflag:s26] =	ssyncset.done $0x0  }
0x91: {  	[sflag:s26] =	ssyncadd.s32 $0xFFFFE000  }
0x92: {  	_ =	swait.ge [sflag:s26], $0x2000  }
0x93: {  	[sflag:s26] =	ssyncset.done $0x0  }
0x94: {  	[sflag:s26] =	ssyncadd.s32 $0xFFFFE000  }
0x95: {  	[spmem:s1] =	stream.indirect.scatter.add.f32 [tilespmem:s30], [sflag:$0x4], $0x80, s12, s22, $0xb8;
	[tilespmem:$0x1E800] =	vst v63  }
0x96: {  	_ =	swait.ge [sflag:s2], $0x4000  }
0x97: {  	[sflag:s2] =	ssyncset.done $0x0  }
0x98: {  	[sflag:s2] =	ssyncadd.s32 $0xFFFFC000  }
0x99: {  	_ =	swait.ge [sflag:s10], $0x4000  }
0x9a: {  	[sflag:s10] =	ssyncset.done $0x0  }
0x9b: {  	s14 =	simm.s32 $0x0;
	s16 =	rddreg [dreg:$0x5];
	[sflag:s10] =	ssyncadd.s32 $0xFFFFC000  }
0x9c: {  	[tilespmem:s14], [sflag:$0x1] =	stream.strided.gather [hbm4b:s16+s22], $0x1400, s23, s22, $0x38;
	[tilespmem:$0x1E800] =	vst v63  }
0x9d: {  	_ =	swait.ge [sflag:s24], $0x1400  }
0x9e: {  	[sflag:s24] =	ssyncset.done $0x0  }
0x9f: {  	s16 =	rddreg [dreg:$0x6];
	[sflag:s24] =	ssyncadd.s32 $0xFFFFEC00  }
0xa0: {  	[tilespmem:s25], [sflag:$0x2] =	stream.linear.gather [hbm4b:s16+s14], $0x1400, $0x38;
	[tilespmem:$0x1E800] =	vst v63  }
0xa1: {  	_ =	swait.ge [sflag:s26], $0x1400  }
0xa2: {  	[sflag:s26] =	ssyncset.done $0x0  }
0xa3: {  	[sflag:s26] =	ssyncadd.s32 $0xFFFFEC00  }
0xa4: {  	[tilespmem:s20], [sflag:$0x1] =	stream.indirect.gather [hbm4b:s4+s28], $0x80, s14, s28, $0xb8;
	[tilespmem:$0x1E800] =	vst v63  }
0xa5: {  	_ = 	snop  }
0xa6: {  	[tilespmem:s29], [sflag:$0x1] =	stream.indirect.gather [hbm4b:s4+s28], $0x80, s28, s28, $0xb8;
	[tilespmem:$0x1E800] =	vst v63  }
0xa7: {  	_ = 	snop  }
0xa8: {  	[tilespmem:s30], [sflag:$0x2] =	stream.indirect.gather [hbm4b:s4+s28], $0x80, s22, s28, $0xb8;
	[tilespmem:$0x1E800] =	vst v63  }
0xa9: {  	_ = 	snop  }
0xaa: {  	[tilespmem:s0], [sflag:$0x2] =	stream.indirect.gather [hbm4b:s4+s28], $0x80, s31, s28, $0xb8;
	[tilespmem:$0x1E800] =	vst v63  }
0xab: {  	_ =	swait.ge [sflag:s24], $0x2000  }
0xac: {  	[sflag:s24] =	ssyncset.done $0x0  }
0xad: {  	[sflag:s24] =	ssyncadd.s32 $0xFFFFE000  }
0xae: {  	_ =	swait.ge [sflag:s24], $0x2000  }
0xaf: {  	[sflag:s24] =	ssyncset.done $0x0  }
0xb0: {  	s16 =	simm.s32 $0x1400;
	[sflag:s24] =	ssyncadd.s32 $0xFFFFE000  }
0xb1: {  	[spmem:s1] =	stream.indirect.scatter.add.f32 [tilespmem:s20], [sflag:$0x3], $0x80, s16, s22, $0xb8;
	[tilespmem:$0x1E800] =	vst v63  }
0xb2: {  	_ =	swait.ge [sflag:s26], $0x2000  }
0xb3: {  	[sflag:s26] =	ssyncset.done $0x0  }
0xb4: {  	[sflag:s26] =	ssyncadd.s32 $0xFFFFE000  }
0xb5: {  	_ =	swait.ge [sflag:s26], $0x2000  }
0xb6: {  	[sflag:s26] =	ssyncset.done $0x0  }
0xb7: {  	s15 =	simm.s32 $0x1480;
	[sflag:s26] =	ssyncadd.s32 $0xFFFFE000  }
0xb8: {  	[spmem:s1] =	stream.indirect.scatter.add.f32 [tilespmem:s30], [sflag:$0x4], $0x80, s15, s22, $0xb8;
	[tilespmem:$0x1E800] =	vst v63  }
0xb9: {  	_ =	swait.ge [sflag:s2], $0x4000  }
0xba: {  	[sflag:s2] =	ssyncset.done $0x0  }
0xbb: {  	s16 =	simm.s32 $0x100;
	[sflag:s2] =	ssyncadd.s32 $0xFFFFC000  }
0xbc: {  	[tilespmem:s20], [sflag:$0x1] =	stream.indirect.gather [hbm4b:s4+s28], $0x80, s16, s28, $0xb8;
	[tilespmem:$0x1E800] =	vst v63  }
0xbd: {  	s15 =	simm.s32 $0x140  }
0xbe: {  	[tilespmem:s29], [sflag:$0x1] =	stream.indirect.gather [hbm4b:s4+s28], $0x80, s15, s28, $0xb8;
	[tilespmem:$0x1E800] =	vst v63  }
0xbf: {  	_ =	swait.ge [sflag:s10], $0x4000  }
0xc0: {  	s14 =	simm.s32 $0x400;
	[sflag:s10] =	ssyncset.done $0x0  }
0xc1: {  	s16 =	simm.s32 $0x180;
	s15 =	simm.s32 $0x1C0;
	[sflag:s10] =	ssyncadd.s32 $0xFFFFC000  }
0xc2: {  	[tilespmem:s30], [sflag:$0x2] =	stream.indirect.gather [hbm4b:s4+s28], $0x80, s16, s28, $0xb8;
	[tilespmem:$0x1E800] =	vst v63  }
.LBB2_6:
0xc3: {  	[tilespmem:s0], [sflag:$0x2] =	stream.indirect.gather [hbm4b:s4+s28], $0x80, s15, s28, $0xb8;
	[tilespmem:$0x1E800] =	vst v63  }
0xc4: {  	s15 =	smov.u32 s14  }
0xc5: {  	p0 =	sne.s32 s14, $0x4800;
	s14 =	sadd.s32 $0x400, s14;
	_ =	swait.ge [sflag:s24], $0x2000  }
0xc6: {  	[sflag:s24] =	ssyncset.done $0x0  }
0xc7: {  	[sflag:s24] =	ssyncadd.s32 $0xFFFFE000  }
0xc8: {  	_ =	swait.ge [sflag:s24], $0x2000  }
0xc9: {  	s15 =	sshra.s32 s15, $0x2;
	[sflag:s24] =	ssyncset.done $0x0  }
0xca: {  	s16 =	sadd.s32 $0x1400, s15;
	[sflag:s24] =	ssyncadd.s32 $0xFFFFE000  }
0xcb: {  	[spmem:s1] =	stream.indirect.scatter.add.f32 [tilespmem:s20], [sflag:$0x3], $0x80, s16, s22, $0xb8;
	[tilespmem:$0x1E800] =	vst v63  }
0xcc: {  	_ =	swait.ge [sflag:s26], $0x2000  }
0xcd: {  	[sflag:s26] =	ssyncset.done $0x0  }
0xce: {  	[sflag:s26] =	ssyncadd.s32 $0xFFFFE000  }
0xcf: {  	_ =	swait.ge [sflag:s26], $0x2000  }
0xd0: {  	[sflag:s26] =	ssyncset.done $0x0  }
0xd1: {  	s16 =	sadd.s32 $0x1480, s15;
	[sflag:s26] =	ssyncadd.s32 $0xFFFFE000  }
0xd2: {  	[spmem:s1] =	stream.indirect.scatter.add.f32 [tilespmem:s30], [sflag:$0x4], $0x80, s16, s22, $0xb8;
	[tilespmem:$0x1E800] =	vst v63  }
0xd3: {  	_ =	swait.ge [sflag:s2], $0x4000  }
0xd4: {  	[sflag:s2] =	ssyncset.done $0x0  }
0xd5: {  	s16 =	sadd.s32 $0x100, s15;
	[sflag:s2] =	ssyncadd.s32 $0xFFFFC000  }
0xd6: {  	[tilespmem:s20], [sflag:$0x1] =	stream.indirect.gather [hbm4b:s4+s28], $0x80, s16, s28, $0xb8;
	[tilespmem:$0x1E800] =	vst v63  }
0xd7: {  	s16 =	sadd.s32 $0x140, s15  }
0xd8: {  	[tilespmem:s29], [sflag:$0x1] =	stream.indirect.gather [hbm4b:s4+s28], $0x80, s16, s28, $0xb8;
	[tilespmem:$0x1E800] =	vst v63  }
.Ltmp2:
0xd9: {  	_ =	swait.ge [sflag:s10], $0x4000;
	(pc) =	sbr.rel @p0 .LBB2_6-.Ltmp2, $4  }
0xda: {  	[sflag:s10] =	ssyncset.done $0x0  }
0xdb: {  	s16 =	sadd.s32 $0x180, s15;
	[sflag:s10] =	ssyncadd.s32 $0xFFFFC000  }
0xdc: {  	[tilespmem:s30], [sflag:$0x2] =	stream.indirect.gather [hbm4b:s4+s28], $0x80, s16, s28, $0xb8;
	[tilespmem:$0x1E800] =	vst v63  }
0xdd: {  	s15 =	sadd.s32 $0x1C0, s15  }
0xde: {  	[tilespmem:s0], [sflag:$0x2] =	stream.indirect.gather [hbm4b:s4+s28], $0x80, s15, s28, $0xb8;
	[tilespmem:$0x1E800] =	vst v63  }
0xdf: {  	_ =	swait.ge [sflag:s24], $0x2000  }
0xe0: {  	[sflag:s24] =	ssyncset.done $0x0  }
0xe1: {  	[sflag:s24] =	ssyncadd.s32 $0xFFFFE000  }
0xe2: {  	_ =	swait.ge [sflag:s24], $0x2000  }
0xe3: {  	[sflag:s24] =	ssyncset.done $0x0  }
0xe4: {  	[sflag:s24] =	ssyncadd.s32 $0xFFFFE000  }
0xe5: {  	[spmem:s1] =	stream.indirect.scatter.add.f32 [tilespmem:s20], [sflag:$0x3], $0x80, s11, s22, $0xb8;
	[tilespmem:$0x1E800] =	vst v63  }
0xe6: {  	_ =	swait.ge [sflag:s26], $0x2000  }
0xe7: {  	[sflag:s26] =	ssyncset.done $0x0  }
0xe8: {  	[sflag:s26] =	ssyncadd.s32 $0xFFFFE000  }
0xe9: {  	_ =	swait.ge [sflag:s26], $0x2000  }
0xea: {  	[sflag:s26] =	ssyncset.done $0x0  }
0xeb: {  	[sflag:s26] =	ssyncadd.s32 $0xFFFFE000  }
0xec: {  	[spmem:s1] =	stream.indirect.scatter.add.f32 [tilespmem:s30], [sflag:$0x4], $0x80, s12, s22, $0xb8;
	[tilespmem:$0x1E800] =	vst v63  }
0xed: {  	_ =	swait.ge [sflag:s2], $0x4000  }
0xee: {  	[sflag:s2] =	ssyncset.done $0x0  }
0xef: {  	[sflag:s2] =	ssyncadd.s32 $0xFFFFC000  }
0xf0: {  	_ =	swait.ge [sflag:s10], $0x4000  }
0xf1: {  	[sflag:s10] =	ssyncset.done $0x0  }
0xf2: {  	[sflag:s10] =	ssyncadd.s32 $0xFFFFC000  }
0xf3: {  	[bflag:$0x0] =	sbarrier.arrive $0xFFFF  }
0xf4: {  	[tilespmem:s20], [sflag:$0x5] =	stream.linear.gather [spmem:s5], $0x4000, $0x38;
	[tilespmem:$0x1E800] =	vst v63  }
0xf5: {  	_ =	swait.ge [sflag:s21], $0x4000  }
0xf6: {  	[sflag:s21] =	ssyncset.done $0x0  }
0xf7: {  	s14 =	rddreg [dreg:$0x7];
	[sflag:s21] =	ssyncadd.s32 $0xFFFFC000  }
0xf8: {  	[hbm4b:s14+s3] =	stream.linear.scatter [tilespmem:s20], [sflag:$0x1], $0x4000, $0x38;
	[tilespmem:$0x1E800] =	vst v63  }
0xf9: {  	_ = 	snop  }
0xfa: {  	[tilespmem:s30], [sflag:$0x5] =	stream.linear.gather [spmem:s6], $0x4000, $0x38;
	[tilespmem:$0x1E800] =	vst v63  }
0xfb: {  	_ =	swait.ge [sflag:s21], $0x4000  }
0xfc: {  	[sflag:s21] =	ssyncset.done $0x0  }
0xfd: {  	s15 =	rddreg [dreg:$0x8];
	[sflag:s21] =	ssyncadd.s32 $0xFFFFC000  }
0xfe: {  	[hbm4b:s15+s3] =	stream.linear.scatter [tilespmem:s30], [sflag:$0x2], $0x4000, $0x38;
	[tilespmem:$0x1E800] =	vst v63  }
0xff: {  	_ =	swait.ge [sflag:s24], $0x4000  }
0x100: {  	[sflag:s24] =	ssyncset.done $0x0  }
0x101: {  	[sflag:s24] =	ssyncadd.s32 $0xFFFFC000  }
0x102: {  	[tilespmem:s20], [sflag:$0x5] =	stream.linear.gather [spmem:s7], $0x4000, $0x38;
	[tilespmem:$0x1E800] =	vst v63  }
0x103: {  	_ =	swait.ge [sflag:s21], $0x4000  }
0x104: {  	[sflag:s21] =	ssyncset.done $0x0  }
0x105: {  	s16 =	rddreg [dreg:$0x9];
	[sflag:s21] =	ssyncadd.s32 $0xFFFFC000  }
0x106: {  	[hbm4b:s16+s3] =	stream.linear.scatter [tilespmem:s20], [sflag:$0x1], $0x4000, $0x38;
	[tilespmem:$0x1E800] =	vst v63  }
0x107: {  	_ =	swait.ge [sflag:s26], $0x4000  }
0x108: {  	[sflag:s26] =	ssyncset.done $0x0  }
0x109: {  	[sflag:s26] =	ssyncadd.s32 $0xFFFFC000  }
0x10a: {  	[tilespmem:s30], [sflag:$0x5] =	stream.linear.gather [spmem:s8], $0x4000, $0x38;
	[tilespmem:$0x1E800] =	vst v63  }
0x10b: {  	_ =	swait.ge [sflag:s21], $0x4000  }
0x10c: {  	[sflag:s21] =	ssyncset.done $0x0  }
0x10d: {  	[sflag:s21] =	ssyncadd.s32 $0xFFFFC000  }
0x10e: {  	[hbm4b:s17+s3] =	stream.linear.scatter [tilespmem:s30], [sflag:$0x2], $0x4000, $0x38;
	[tilespmem:$0x1E800] =	vst v63  }
0x10f: {  	_ =	swait.ge [sflag:s24], $0x4000  }
0x110: {  	[sflag:s24] =	ssyncset.done $0x0  }
0x111: {  	[sflag:s24] =	ssyncadd.s32 $0xFFFFC000  }
0x112: {  	[tilespmem:s20], [sflag:$0x5] =	stream.linear.gather [spmem:s9], $0x4000, $0x38;
	[tilespmem:$0x1E800] =	vst v63  }
0x113: {  	_ =	swait.ge [sflag:s21], $0x4000  }
0x114: {  	[sflag:s21] =	ssyncset.done $0x0  }
0x115: {  	s13 =	sadd.s32 $0x1, s13;
	[sflag:s21] =	ssyncadd.s32 $0xFFFFC000  }
0x116: {  	[hbm4b:s18+s3] =	stream.linear.scatter [tilespmem:s20], [sflag:$0x1], $0x4000, $0x38;
	[tilespmem:$0x1E800] =	vst v63  }
0x117: {  	p0 =	sne.s32 s13, s19;
	_ =	swait.ge [sflag:s26], $0x4000  }
.Ltmp3:
0x118: {  	[sflag:s26] =	ssyncset.done $0x0;
	(pc) =	sbr.rel @p0 .LBB2_1-.Ltmp3, $4  }
0x119: {  	[sflag:s26] =	ssyncadd.s32 $0xFFFFC000  }
0x11a: {  	_ =	swait.ge [sflag:s24], $0x4000  }
0x11b: {  	[sflag:s24] =	ssyncset.done $0x0  }
0x11c: {  	[sflag:s24] =	ssyncadd.s32 $0xFFFFC000  }
0x11d: {  	_ =	sfence.sel $0x180000  }
0x11e: {  	[bflag:$0x0] =	sbarrier.arrive $0xFFFF  }
0x11f: {  	_ =	strace $0x9000004D  }
0x120: {  	s0 =	stileid.u32;
	[bflag:$0x2] =	sbarrier.arrive $0xFFFF  }
0x121: {  	p0 =	sne.s32 s0, $0x0;
	s0 =	rddreg [dreg:$0x2]  }
0x122: {  	s0 =	sadd.s32 @!p0 $0x100000, s0  }
0x123: {  	[sflag:s0] =	ssyncadd.tile.s32 @!p0 $0x1;
	_ =	shalt  }
.Lfunc_end2:
_tile_overlayer_lowered:
.L_overlay_start_2:
0x124: {  	(tag) =	ssettag $0x2  }
0x125: {  	s0 =	rddreg [dreg:$0x0];
	s2 =	stileid.u32  }
0x126: {  	s1 =	rddreg [dreg:$0x1];
	p0 =	sne.s32 s2, $0x0  }
0x127: {  	s3 =	rddreg [dreg:$0x2];
	[bflag:$0x3] =	sbarrier.arrive $0xFFFF;
	s2 =	simm.s32 @!p0 $0x1C05  }
0x128: {  	[timem:s3], [sflag:s2] =	dma.local @!p0 [hbm:s0], s1  }
0x129: {  	s0 =	simm.s32 @!p0 $0x5  }
0x12a: {  	_ =	swait.ge @!p0 [sflag:s0], s1  }
0x12b: {  	s1 =	ssub.s32 @!p0 $0x0, s1;
	[sflag:s0] =	ssyncset.done @!p0 $0x0  }
0x12c: {  	[sflag:s0] =	ssyncadd.s32 @!p0 s1  }
0x12d: {  	[bflag:$0x3] =	sbarrier.arrive $0xFFFF  }
0x12e: {  	_ =	shalt  }

// kernel: kernel.9.cloned.1.call-start
scs
__scs_entry_jumppad:
0x0: {  	(pc) =	sbr.rel $0x88, $3  }
0x1: {  	(tag) =	ssettag $0x0;
	lr =	simm.s32 $0x1  }
0x2: {  	[smem:$0x3F9B] =	sst lr;
	_ =	strace $0xD0000000  }
0x3: {  	_ = 	snop  }
0x4: {  	_ = 	snop  }
0x5: {  	_ = 	snop  }
0x6: {  	_ = 	snop  }
0x7: {  	_ = 	snop  }
__scs_overlays_trampoline_lowered:
0x8: {  	[smem:$0x3FAA] =	sst s0  }
0x9: {  	[smem:$0x3FAB] =	sst s1  }
0xa: {  	[smem:$0x3FAC] =	sst s2  }
0xb: {  	[smem:$0x3FAD] =	sst s3  }
0xc: {  	[smem:$0x3FAE] =	sst s4  }
0xd: {  	[smem:$0x3FAF] =	sst s5  }
0xe: {  	[smem:$0x3FB0] =	sst s6  }
0xf: {  	[smem:$0x3FB1] =	sst s7  }
0x10: {  	[smem:$0x3FB2] =	sst s8  }
0x11: {  	[smem:$0x3FB3] =	sst s9;
	s0 =	simm.s32 @!p0 $0x0  }
0x12: {  	s1 =	sld [smem:$0x3F99];
	s0 =	simm.s32 @p0 $0x1  }
0x13: {  	[smem:$0x3FB4] =	sst s0;
	s0 =	simm.s32 @!p1 $0x0  }
0x14: {  	s2 =	sld [smem:$0x3F98];
	s0 =	simm.s32 @p1 $0x1  }
0x15: {  	[smem:$0x3FB5] =	sst s0;
	s0 =	simm.s32 @!p2 $0x0  }
0x16: {  	s3 =	sld [smem:$0x3FDB];
	s0 =	simm.s32 @p2 $0x1  }
0x17: {  	s4 =	simm.s32 $0x1BF5;
	[smem:$0x3FB7] =	sst s0  }
0x18: {  	s0 =	sld [smem:$0x3F9A];
	_ =	swait.ge [sflag:s4], $0x0  }
0x19: {  	s7 =	sld [smem:$0x3F9B]  }
0x1a: {  	s8 =	sadd.s32 $0xFFFFE003, lr  }
0x1b: {  	s9 =	sadd.s32 $0xFFFFFEF7, lr;
	s5 =	simm.s32 $0xFFFFFFFF;
	p2 =	slt.u32 s8, $0xFFFFF086  }
0x1c: {  	p1 =	slt.u32 s9, $0xF7A;
	s5 =	simm.s32 @!p2 $0x0  }
0x1d: {  	s5 =	simm.s32 @p1 $0x1;
	p0 =	seq.s32 s7, s2  }
0x1e: {  	s7 =	smul.u32 @!p0 $0xF7A, s2;
	p2 =	seq.s32 @!p0 s5, $0x0  }
0x1f: {  	s9 =	smul.u32 $0xF7A, s1;
	s8 =	simm.s32 @!p0 $0x1BF5;
	p2 =	por !p2, p0  }
0x20: {  	[sflag:s8] =	ssyncset.s32 @!p0 $0xFFFFF086;
	s6 =	sadd.s32 @!p0 s3, s7;
	s7 =	simm.s32 @!p0 $0x108  }
0x21: {  	s3 =	sadd.s32 s3, s9;
	s6 =	sadd.s32 @!p0 $0x88, s6;
	s7 =	simm.s32 @p2 $0x1082  }
0x22: {  	[simem:s7], [sflag:s8] =	dma.local @!p0 [hbm:s6], $0xF7A  }
0x23: {  	s9 =	sor.u32 $0xD0000000, s2;
	s6 =	simm.s32 $0x108;
	_ =	swait.ge @!p0 [sflag:s8], $0x0  }
0x24: {  	s3 =	sadd.s32 $0x88, s3;
	s6 =	simm.s32 @!p1 $0x1082;
	[sflag:s4] =	ssyncset.s32 $0xFFFFF086  }
0x25: {  	[simem:s6], [sflag:s4] =	dma.local [hbm:s3], $0xF7A  }
0x26: {  	[smem:$0x3F9B] =	sst s1;
	(tag) =	ssettag s2;
	_ =	strace s9  }
0x27: {  	s1 =	sld [smem:$0x3FAB]  }
0x28: {  	s2 =	sld [smem:$0x3FAC]  }
0x29: {  	s4 =	sld [smem:$0x3FAE]  }
0x2a: {  	p0 =	seq.s32 s5, $0x0;
	s5 =	sld [smem:$0x3FAF]  }
0x2b: {  	s6 =	sld [smem:$0x3FB0]  }
0x2c: {  	s7 =	sld [smem:$0x3FB1]  }
0x2d: {  	s3 =	simm.s32 $0x108;
	s8 =	sld [smem:$0x3FB2]  }
0x2e: {  	s3 =	simm.s32 @!p0 $0x1082;
	s9 =	sld [smem:$0x3FB3]  }
0x2f: {  	lr =	sadd.s32 s0, s3;
	s0 =	sld [smem:$0x3FAA]  }
0x30: {  	s3 =	sld [smem:$0x3FAD]  }
0x31: {  	[smem:$0x3FB6] =	sst s10  }
0x32: {  	s10 =	sld [smem:$0x3FB4];
	_ =	sdelay $0x3  }
0x33: {  	p0 =	seq.s32 s10, $0x1;
	s10 =	sld [smem:$0x3FB6];
	_ =	sdelay $0x3  }
0x34: {  	[smem:$0x3FB6] =	sst s10  }
0x35: {  	s10 =	sld [smem:$0x3FB5];
	_ =	sdelay $0x3  }
0x36: {  	p1 =	seq.s32 s10, $0x1;
	s10 =	sld [smem:$0x3FB6];
	_ =	sdelay $0x3  }
0x37: {  	[smem:$0x3FB6] =	sst s10  }
0x38: {  	s10 =	sld [smem:$0x3FB7]  }
0x39: {  	_ = 	snop;
	(pc) =	sbr.ind lr, $3  }
0x3a: {  	_ = 	snop  }
0x3b: {  	_ = 	snop  }
0x3c: {  	p2 =	seq.s32 s10, $0x1;
	s10 =	sld [smem:$0x3FB6]  }
0x3d: {  	_ =	shalt  }
0x3e: {  	_ =	shalt  }
0x3f: {  	_ =	shalt  }
0x40: {  	_ =	shalt  }
0x41: {  	_ =	shalt  }
0x42: {  	_ =	shalt  }
0x43: {  	_ =	shalt  }
0x44: {  	_ =	shalt  }
0x45: {  	_ =	shalt  }
0x46: {  	_ =	shalt  }
0x47: {  	_ =	shalt  }
0x48: {  	_ =	shalt  }
0x49: {  	_ =	shalt  }
0x4a: {  	_ =	shalt  }
0x4b: {  	_ =	shalt  }
0x4c: {  	_ =	shalt  }
0x4d: {  	_ =	shalt  }
0x4e: {  	_ =	shalt  }
0x4f: {  	_ =	shalt  }
0x50: {  	_ =	shalt  }
0x51: {  	_ =	shalt  }
0x52: {  	_ =	shalt  }
0x53: {  	_ =	shalt  }
0x54: {  	_ =	shalt  }
0x55: {  	_ =	shalt  }
0x56: {  	_ =	shalt  }
0x57: {  	_ =	shalt  }
0x58: {  	_ =	shalt  }
0x59: {  	_ =	shalt  }
0x5a: {  	_ =	shalt  }
0x5b: {  	_ =	shalt  }
0x5c: {  	_ =	shalt  }
0x5d: {  	_ =	shalt  }
0x5e: {  	_ =	shalt  }
0x5f: {  	_ =	shalt  }
0x60: {  	_ =	shalt  }
0x61: {  	_ =	shalt  }
0x62: {  	_ =	shalt  }
0x63: {  	_ =	shalt  }
0x64: {  	_ =	shalt  }
0x65: {  	_ =	shalt  }
0x66: {  	_ =	shalt  }
0x67: {  	_ =	shalt  }
0x68: {  	_ =	shalt  }
0x69: {  	_ =	shalt  }
0x6a: {  	_ =	shalt  }
0x6b: {  	_ =	shalt  }
0x6c: {  	_ =	shalt  }
0x6d: {  	_ =	shalt  }
0x6e: {  	_ =	shalt  }
0x6f: {  	_ =	shalt  }
0x70: {  	_ =	shalt  }
0x71: {  	_ =	shalt  }
0x72: {  	_ =	shalt  }
0x73: {  	_ =	shalt  }
0x74: {  	_ =	shalt  }
0x75: {  	_ =	shalt  }
0x76: {  	_ =	shalt  }
0x77: {  	_ =	shalt  }
0x78: {  	_ =	shalt  }
0x79: {  	_ =	shalt  }
0x7a: {  	_ =	shalt  }
0x7b: {  	_ =	shalt  }
0x7c: {  	_ =	shalt  }
0x7d: {  	_ =	shalt  }
0x7e: {  	_ =	shalt  }
0x7f: {  	_ =	shalt  }
0x80: {  	_ =	shalt  }
0x81: {  	_ =	shalt  }
0x82: {  	_ =	shalt  }
0x83: {  	_ =	shalt  }
0x84: {  	_ =	shalt  }
0x85: {  	_ =	shalt  }
0x86: {  	_ =	shalt  }
0x87: {  	_ =	shalt  }
.Lfunc_end0:
.L_simem_size_0:
called_computation_lowered:
.L_overlay_start_0:
0x88: {  	s2 =	sld [smem:$0x3FD9]  }
0x89: {  	s3 =	sld [smem:$0x3FFE];
	_ =	sdelay $0x1  }
0x8a: {  	s1 =	srdreg.scid  }
0x8b: {  	s0 =	sand.u32 $0x1, s1  }
0x8c: {  	s17 =	sshll.u32 s0, $0xA;
	s2 =	sadd.s32 s3, s2  }
0x8d: {  	s2 =	sadd.s32 s2, s17  }
0x8e: {  	[smem:$0x3FC2] =	sst s2  }
0x8f: {  	_ = 	snop  }
0x90: {  	s2 =	sld [smem:$0x3FD0];
	(tm) =	ssettm $0x1  }
0x91: {  	s18 =	sld [smem:$0x3FFB];
	_ =	sdelay $0x3  }
0x92: {  	_ =	strace s18  }
0x93: {  	s3 =	sld [smem:$0x3FFC];
	_ =	sdelay $0x3  }
0x94: {  	_ =	strace s3  }
0x95: {  	s3 =	sld [smem:$0x3FFD];
	_ =	sdelay $0x3  }
0x96: {  	_ =	strace s3  }
0x97: {  	_ =	strace $0x8FFFFFFF  }
0x98: {  	s19 =	sld [smem:$0x3FDB];
	_ =	sdelay $0x1  }
0x99: {  	s4 =	simm.s32 $_scs_section_size  }
0x9a: {  	s5 =	simm.s32 $_size__tile_overlayer_lowered;
	s6 =	simm.s32 $_tile_overlayer_lowered  }
0x9b: {  	s22 =	simm.s32 $0x1BFF;
	s21 =	sshll.u32 s6, $0x1;
	s3 =	sadd.s32 s4, s19  }
0x9c: {  	s7 =	simm.s32 $0x0;
	s20 =	sshll.u32 s5, $0x1;
	s5 =	sadd.s32 s21, s3  }
0x9d: {  	[timem:s7], [sflag:s22] =	dma.local [hbm:s5], s20  }
0x9e: {  	_ =	swait.ge [sflag:s22], s20  }
0x9f: {  	s4 =	ssub.s32 $0x0, s20;
	[sflag:s22] =	ssyncset.done $0x0  }
0xa0: {  	[sflag:s22] =	ssyncadd.s32 s4;
	_ =	sdelay $0x1  }
0xa1: {  	s23 =	simm.s32 $0x1B8B  }
0xa2: {  	_ =	swait.ge [sflag:s23], $0x1  }
0xa3: {  	[sflag:s23] =	ssyncset.done $0x0  }
0xa4: {  	s25 =	simm.s32 $0x1B8E;
	s24 =	sld [smem:$0x3FFE];
	[sflag:s23] =	ssyncadd.s32 $0xFFFFFFFF  }
0xa5: {  	s26 =	simm.s32 $execute0_lowered;
	[smem:$0x3FD2] =	sst s25  }
0xa6: {  	s5 =	sshll.u32 s26, $0x1;
	_ =	strace $0x80000046;
	[dreg:$0x1] =	wrdreg $0xFFFFFFFF  }
0xa7: {  	s28 =	simm.s32 $_size_execute0_lowered;
	s3 =	sadd.s32 s3, s5;
	[dreg:$0x0] =	wrdreg $0x0  }
0xa8: {  	s5 =	sshll.u32 s28, $0x1;
	[dreg:$0x2] =	wrdreg s3  }
0xa9: {  	[dreg:$0x3] =	wrdreg s5  }
0xaa: {  	[dreg:$0x4] =	wrdreg $0xC0  }
0xab: {  	_ =	task [dreg:s7], $0x5FFFF  }
0xac: {  	[dreg:$0x1] =	wrdreg $0xFFFFFFFF  }
0xad: {  	[dreg:$0x0] =	wrdreg $0x60  }
0xae: {  	[dreg:$0x2] =	wrdreg s2  }
0xaf: {  	[dreg:$0x3] =	wrdreg s24  }
0xb0: {  	[dreg:$0x4] =	wrdreg $0x55000  }
0xb1: {  	[dreg:$0x5] =	wrdreg $0x9  }
0xb2: {  	_ =	task.clear_ibuf [dreg:s7], $0x6FFFF;
	_ =	strace $0x90000046  }
0xb3: {  	s29 =	simm.s32 $0x9;
	_ =	strace $0x80000048  }
0xb4: {  	_ =	swait.ge [sflag:s29], $0x1  }
0xb5: {  	[sflag:s29] =	ssyncadd.s32 $0xFFFFFFFF  }
0xb6: {  	_ =	strace $0x90000048  }
0xb7: {  	_ =	sfence  }
0xb8: {  	s30 =	sld [smem:$0x0];
	_ =	sdelay $0x2  }
0xb9: {  	s31 =	sshll.u32 s1, $0xD;
	s1 =	sshrl.u32 s1, $0x2  }
0xba: {  	s3 =	sand.u32 $0x4000, s31;
	s1 =	sadd.s32 s1, s30  }
0xbb: {  	s0 =	sor.u32 s3, s0;
	s1 =	sshll.u32 s1, $0x11  }
0xbc: {  	s0 =	sor.u32 s1, s0  }
0xbd: {  	s0 =	sadd.s32 $0x8F2B, s0  }
0xbe: {  	[sflag:s0] =	ssyncadd.remote.s32 $0x1  }
0xbf: {  	_ =	sfence.sel $0xFFFF  }
0xc0: {  	[dreg:$0x0] =	wrdreg $0xFFFFFFFF;
	(pc) =	sbr.abs _section_cstart, $3  }
0xc1: {  	[dreg:$0x1] =	wrdreg $0xFFFFFFFF  }
0xc2: {  	_ =	task.clear_ibuf [dreg:s7], $0x2FFFF;
	_ =	strace $0x9FFFFFFF  }
0xc3: {  	(tm) =	ssettm $0x7FFFFFFF  }
tec
execute0_lowered:
.L_overlay_start_1:
0x0: {  	(tag) =	ssettag $0x1  }
0x1: {  	s0 =	rddreg [dreg:$0x0]  }
0x2: {  	s1 =	rddreg [dreg:$0x1]  }
0x3: {  	s2 =	rddreg [dreg:$0x2]  }
0x4: {  	s3 =	srdreg.scid;
	s9 =	stileid.u32  }
0x5: {  	s6 =	simm.s32 $0x0;
	s28 =	simm.s32 $0x2;
	s29 =	simm.s32 $0x5000  }
0x6: {  	s31 =	simm.s32 $0x5280;
	s3 =	sand.u32 $0x1, s3;
	s4 =	smul.u32 $0x500, s9  }
0x7: {  	[smem:$0x7FF] =	sst s6;
	s23 =	sshrl.u32 s9, $0x3;
	s7 =	sshll.u32 s9, $0x7  }
0x8: {  	s5 =	sshll.u32 s3, $0x4;
	s22 =	sshll.u32 s3, $0x7;
	_ =	strace $0x80000047  }
0x9: {  	s3 =	ssub.s32 $0x2, s3;
	s6 =	smul.u32 $0x50000, s23;
	s7 =	sand.u32 $0x380, s7  }
0xa: {  	s23 =	simm.s32 $0x80;
	s5 =	sor.u32 s9, s5;
	s4 =	sor.u32 s22, s4  }
0xb: {  	s8 =	sshrl.u32 s3, $0x1;
	s9 =	smul.u32 $0x5000, s9;
	s5 =	sshrl.u32 s5, $0x3  }
0xc: {  	s4 =	sshrl.u32 s4, $0x3;
	s22 =	ssub.s32 s3, s8;
	s25 =	sshrl.u32 s6, $0x2  }
0xd: {  	s5 =	smul.u32 $0x14000, s5;
	s1 =	sadd.s32 s4, s1;
	s26 =	sshrl.u32 s9, $0x2  }
0xe: {  	s30 =	sadd.s32 s25, s2;
	s22 =	smax.u32 s22, $0x1;
	s25 =	simm.s32 $0x1  }
0xf: {  	s4 =	sadd.s32 s26, s2;
	s21 =	sadd.s32 $0xCE00, s1;
	s26 =	simm.s32 $0x2800  }
0x10: {  	s24 =	sor.u32 s7, s5;
	s5 =	sadd.s32 s7, s30;
	s6 =	sadd.s32 $0x80, s4  }
0x11: {  	s7 =	sadd.s32 $0x100, s4;
	s8 =	sadd.s32 $0x180, s4;
	s9 =	sadd.s32 $0x200, s4  }
0x12: {  	s10 =	sadd.s32 $0x280, s4;
	s11 =	sadd.s32 $0x300, s4;
	s12 =	sadd.s32 $0x380, s4  }
0x13: {  	s13 =	sadd.s32 $0x14000, s4;
	s14 =	sadd.s32 $0x14080, s4;
	s15 =	sadd.s32 $0x14100, s4  }
0x14: {  	s16 =	sadd.s32 $0x14180, s4;
	s17 =	sadd.s32 $0x14200, s4;
	s18 =	sadd.s32 $0x14280, s4  }
0x15: {  	s19 =	sadd.s32 $0x14300, s4;
	s20 =	sadd.s32 $0x14380, s4;
	s3 =	sshrl.u32 s24, $0x3  }
0x16: {  	v0 =	vimm.f32 $0.0e+00;
	v1 =	vimm.f32 $1.000000000e+00;
	s24 =	simm.s32 $0x400;
	s3 =	sadd.s32 s0, s3;
	s0 =	simm.s32 $0x0  }
.LBB2_1:
0x17: {  	s1 =	simm.s32 $0x0  }
0x18: {  	[tilespmem:s1], [sflag:$0x1] =	stream.strided.gather [hbm4b:s3+s23], $0x2800, s24, s23, $0x38;
	[tilespmem:$0x7D00] =	vst v63  }
0x19: {  	_ =	swait.ge [sflag:s25], $0x2800  }
0x1a: {  	[sflag:s25] =	ssyncset.done $0x0  }
0x1b: {  	s1 =	simm.s32 $0x0;
	[sflag:s25] =	ssyncadd.s32 $0xFFFFD800  }
.LBB2_2:
0x1c: {  	p0 =	sne.s32 s1, $0x9FC0  }
.Ltmp0:
0x1d: {  	_ = 	snop;
	(pc) =	sbr.rel @p0 .LBB2_2-.Ltmp0, $3  }
0x1e: {  	_ =	sdelay $0x1  }
0x1f: {  	s2 =	sshra.s32 s1, $0x2  }
0x20: {  	s1 =	sadd.s32 $0x40, s1;
	[tilespmem:s2+$0x2800] =	vst v0  }
0x21: {  	s2 =	simm.s32 $0x0;
	s1 =	simm.s32 $0x40  }
.LBB2_4:
0x22: {  	p0 =	sne.s32 s1, $0x9FC0;
	v2 =	vld [tilespmem:s2+$0x0];
	_ =	sdelay $0x3  }
.Ltmp1:
0x23: {  	(pc) =	sbr.rel @p0 .LBB2_4-.Ltmp1, $2  }
0x24: {  	_ =	sdelay $0x2  }
0x25: {  	s2 =	sshra.s32 s1, $0x2;
	s1 =	sadd.s32 $0x40, s1;
	[tilespmem:v2+s26+$0x0] =	vst.idx.add.f32.msk $0xffff, v1  }
0x26: {  	v2 =	vld [tilespmem:s2+$0x0];
	_ =	sdelay $0x7  }
0x27: {  	[tilespmem:v2+s26+$0x0] =	vst.idx.add.f32.msk $0xffff, v1  }
0x28: {  	[spmem:s5] =	stream.strided.scatter [tilespmem:s26], [sflag:$0x2], $0x2800, s24, s23, $0x38;
	[tilespmem:$0x7D00] =	vst v63  }
0x29: {  	_ =	swait.ge [sflag:s28], $0x2800  }
0x2a: {  	[sflag:s28] =	ssyncset.done $0x0  }
0x2b: {  	[sflag:s28] =	ssyncadd.s32 $0xFFFFD800  }
0x2c: {  	[bflag:$0x0] =	sbarrier.arrive $0xFFFF  }
0x2d: {  	[tilespmem:$0x5280] =	vst v0  }
0x2e: {  	[tilespmem:$0x5290] =	vst v0  }
0x2f: {  	[tilespmem:$0x52A0] =	vst v0  }
0x30: {  	[tilespmem:$0x52B0] =	vst v0  }
0x31: {  	[tilespmem:$0x52C0] =	vst v0  }
0x32: {  	[tilespmem:$0x52D0] =	vst v0  }
0x33: {  	[tilespmem:$0x52E0] =	vst v0  }
0x34: {  	[tilespmem:$0x52F0] =	vst v0  }
0x35: {  	[tilespmem:$0x5300] =	vst v0  }
0x36: {  	[tilespmem:$0x5310] =	vst v0  }
0x37: {  	[tilespmem:$0x5320] =	vst v0  }
0x38: {  	[tilespmem:$0x5330] =	vst v0  }
0x39: {  	[tilespmem:$0x5340] =	vst v0  }
0x3a: {  	[tilespmem:$0x5350] =	vst v0  }
0x3b: {  	[tilespmem:$0x5360] =	vst v0  }
0x3c: {  	[tilespmem:$0x5370] =	vst v0  }
0x3d: {  	[tilespmem:$0x5380] =	vst v0  }
0x3e: {  	[tilespmem:$0x5390] =	vst v0  }
0x3f: {  	[tilespmem:$0x53A0] =	vst v0  }
0x40: {  	[tilespmem:$0x53B0] =	vst v0  }
0x41: {  	[tilespmem:$0x53C0] =	vst v0  }
0x42: {  	[tilespmem:$0x53D0] =	vst v0  }
0x43: {  	[tilespmem:$0x53E0] =	vst v0  }
0x44: {  	[tilespmem:$0x53F0] =	vst v0  }
0x45: {  	[tilespmem:$0x5400] =	vst v0  }
0x46: {  	[tilespmem:$0x5410] =	vst v0  }
0x47: {  	[tilespmem:$0x5420] =	vst v0  }
0x48: {  	[tilespmem:$0x5430] =	vst v0  }
0x49: {  	[tilespmem:$0x5440] =	vst v0  }
0x4a: {  	[tilespmem:$0x5450] =	vst v0  }
0x4b: {  	[tilespmem:$0x5460] =	vst v0  }
0x4c: {  	[tilespmem:$0x5470] =	vst v0  }
0x4d: {  	[tilespmem:$0x5480] =	vst v0  }
0x4e: {  	[tilespmem:$0x5490] =	vst v0  }
0x4f: {  	[tilespmem:$0x54A0] =	vst v0  }
0x50: {  	[tilespmem:$0x54B0] =	vst v0  }
0x51: {  	[tilespmem:$0x54C0] =	vst v0  }
0x52: {  	[tilespmem:$0x54D0] =	vst v0  }
0x53: {  	[tilespmem:$0x54E0] =	vst v0  }
0x54: {  	[tilespmem:$0x54F0] =	vst v0  }
0x55: {  	[tilespmem:s29], [sflag:$0x2] =	stream.strided.gather [spmem:s4], $0x280, s24, s23, $0x38;
	[tilespmem:$0x7D00] =	vst v63  }
0x56: {  	_ =	swait.ge [sflag:s28], $0x280  }
0x57: {  	[sflag:s28] =	ssyncset.done $0x0  }
0x58: {  	s1 =	simm.s32 $0x0;
	[sflag:s28] =	ssyncadd.s32 $0xFFFFFD80  }
0x59: {  	s2 =	simm.s32 $0x40;
	v2 =	vld [tilespmem:s1+$0x5000]  }
.LBB2_6:
0x5a: {  	p0 =	sne.s32 s2, $0x9C0;
	v3 =	vld [tilespmem:s1+$0x5280];
	_ =	sdelay $0x2  }
.Ltmp2:
0x5b: {  	(pc) =	sbr.rel @p0 .LBB2_6-.Ltmp2, $4  }
0x5c: {  	_ = 	snop  }
0x5d: {  	v3 =	vadd.f32 v2, v3  }
0x5e: {  	s30 =	sshra.s32 s2, $0x2  }
0x5f: {  	s2 =	sadd.s32 $0x40, s2;
	v2 =	vld [tilespmem:s30+$0x5000];
	[tilespmem:s1+$0x5280] =	vst v3;
	s1 =	smov.u32 s30  }
0x60: {  	v3 =	vld [tilespmem:s1+$0x5280];
	_ =	sdelay $0x4  }
0x61: {  	v2 =	vadd.f32 v2, v3;
	_ =	sdelay $0x1  }
0x62: {  	[tilespmem:s1+$0x5280] =	vst v2  }
0x63: {  	[tilespmem:s29], [sflag:$0x2] =	stream.strided.gather [spmem:s6], $0x280, s24, s23, $0x38;
	[tilespmem:$0x7D00] =	vst v63  }
0x64: {  	_ =	swait.ge [sflag:s28], $0x280  }
0x65: {  	[sflag:s28] =	ssyncset.done $0x0  }
0x66: {  	s1 =	simm.s32 $0x0;
	[sflag:s28] =	ssyncadd.s32 $0xFFFFFD80  }
0x67: {  	s2 =	simm.s32 $0x40;
	v2 =	vld [tilespmem:s1+$0x5000]  }
.LBB2_8:
0x68: {  	p0 =	sne.s32 s2, $0x9C0;
	v3 =	vld [tilespmem:s1+$0x5280];
	_ =	sdelay $0x2  }
.Ltmp3:
0x69: {  	(pc) =	sbr.rel @p0 .LBB2_8-.Ltmp3, $4  }
0x6a: {  	_ = 	snop  }
0x6b: {  	v3 =	vadd.f32 v2, v3  }
0x6c: {  	s30 =	sshra.s32 s2, $0x2  }
0x6d: {  	s2 =	sadd.s32 $0x40, s2;
	v2 =	vld [tilespmem:s30+$0x5000];
	[tilespmem:s1+$0x5280] =	vst v3;
	s1 =	smov.u32 s30  }
0x6e: {  	v3 =	vld [tilespmem:s1+$0x5280];
	_ =	sdelay $0x4  }
0x6f: {  	v2 =	vadd.f32 v2, v3;
	_ =	sdelay $0x1  }
0x70: {  	[tilespmem:s1+$0x5280] =	vst v2  }
0x71: {  	[tilespmem:s29], [sflag:$0x2] =	stream.strided.gather [spmem:s7], $0x280, s24, s23, $0x38;
	[tilespmem:$0x7D00] =	vst v63  }
0x72: {  	_ =	swait.ge [sflag:s28], $0x280  }
0x73: {  	[sflag:s28] =	ssyncset.done $0x0  }
0x74: {  	s1 =	simm.s32 $0x0;
	[sflag:s28] =	ssyncadd.s32 $0xFFFFFD80  }
0x75: {  	s2 =	simm.s32 $0x40;
	v2 =	vld [tilespmem:s1+$0x5000]  }
.LBB2_10:
0x76: {  	p0 =	sne.s32 s2, $0x9C0;
	v3 =	vld [tilespmem:s1+$0x5280];
	_ =	sdelay $0x2  }
.Ltmp4:
0x77: {  	(pc) =	sbr.rel @p0 .LBB2_10-.Ltmp4, $4  }
0x78: {  	_ = 	snop  }
0x79: {  	v3 =	vadd.f32 v2, v3  }
0x7a: {  	s30 =	sshra.s32 s2, $0x2  }
0x7b: {  	s2 =	sadd.s32 $0x40, s2;
	v2 =	vld [tilespmem:s30+$0x5000];
	[tilespmem:s1+$0x5280] =	vst v3;
	s1 =	smov.u32 s30  }
0x7c: {  	v3 =	vld [tilespmem:s1+$0x5280];
	_ =	sdelay $0x4  }
0x7d: {  	v2 =	vadd.f32 v2, v3;
	_ =	sdelay $0x1  }
0x7e: {  	[tilespmem:s1+$0x5280] =	vst v2  }
0x7f: {  	[tilespmem:s29], [sflag:$0x2] =	stream.strided.gather [spmem:s8], $0x280, s24, s23, $0x38;
	[tilespmem:$0x7D00] =	vst v63  }
0x80: {  	_ =	swait.ge [sflag:s28], $0x280  }
0x81: {  	[sflag:s28] =	ssyncset.done $0x0  }
0x82: {  	s1 =	simm.s32 $0x0;
	[sflag:s28] =	ssyncadd.s32 $0xFFFFFD80  }
0x83: {  	s2 =	simm.s32 $0x40;
	v2 =	vld [tilespmem:s1+$0x5000]  }
.LBB2_12:
0x84: {  	p0 =	sne.s32 s2, $0x9C0;
	v3 =	vld [tilespmem:s1+$0x5280];
	_ =	sdelay $0x2  }
.Ltmp5:
0x85: {  	(pc) =	sbr.rel @p0 .LBB2_12-.Ltmp5, $4  }
0x86: {  	_ = 	snop  }
0x87: {  	v3 =	vadd.f32 v2, v3  }
0x88: {  	s30 =	sshra.s32 s2, $0x2  }
0x89: {  	s2 =	sadd.s32 $0x40, s2;
	v2 =	vld [tilespmem:s30+$0x5000];
	[tilespmem:s1+$0x5280] =	vst v3;
	s1 =	smov.u32 s30  }
0x8a: {  	v3 =	vld [tilespmem:s1+$0x5280];
	_ =	sdelay $0x4  }
0x8b: {  	v2 =	vadd.f32 v2, v3;
	_ =	sdelay $0x1  }
0x8c: {  	[tilespmem:s1+$0x5280] =	vst v2  }
0x8d: {  	[tilespmem:s29], [sflag:$0x2] =	stream.strided.gather [spmem:s9], $0x280, s24, s23, $0x38;
	[tilespmem:$0x7D00] =	vst v63  }
0x8e: {  	_ =	swait.ge [sflag:s28], $0x280  }
0x8f: {  	[sflag:s28] =	ssyncset.done $0x0  }
0x90: {  	s1 =	simm.s32 $0x0;
	[sflag:s28] =	ssyncadd.s32 $0xFFFFFD80  }
0x91: {  	s2 =	simm.s32 $0x40;
	v2 =	vld [tilespmem:s1+$0x5000]  }
.LBB2_14:
0x92: {  	p0 =	sne.s32 s2, $0x9C0;
	v3 =	vld [tilespmem:s1+$0x5280];
	_ =	sdelay $0x2  }
.Ltmp6:
0x93: {  	(pc) =	sbr.rel @p0 .LBB2_14-.Ltmp6, $4  }
0x94: {  	_ = 	snop  }
0x95: {  	v3 =	vadd.f32 v2, v3  }
0x96: {  	s30 =	sshra.s32 s2, $0x2  }
0x97: {  	s2 =	sadd.s32 $0x40, s2;
	v2 =	vld [tilespmem:s30+$0x5000];
	[tilespmem:s1+$0x5280] =	vst v3;
	s1 =	smov.u32 s30  }
0x98: {  	v3 =	vld [tilespmem:s1+$0x5280];
	_ =	sdelay $0x4  }
0x99: {  	v2 =	vadd.f32 v2, v3;
	_ =	sdelay $0x1  }
0x9a: {  	[tilespmem:s1+$0x5280] =	vst v2  }
0x9b: {  	[tilespmem:s29], [sflag:$0x2] =	stream.strided.gather [spmem:s10], $0x280, s24, s23, $0x38;
	[tilespmem:$0x7D00] =	vst v63  }
0x9c: {  	_ =	swait.ge [sflag:s28], $0x280  }
0x9d: {  	[sflag:s28] =	ssyncset.done $0x0  }
0x9e: {  	s1 =	simm.s32 $0x0;
	[sflag:s28] =	ssyncadd.s32 $0xFFFFFD80  }
0x9f: {  	s2 =	simm.s32 $0x40;
	v2 =	vld [tilespmem:s1+$0x5000]  }
.LBB2_16:
0xa0: {  	p0 =	sne.s32 s2, $0x9C0;
	v3 =	vld [tilespmem:s1+$0x5280];
	_ =	sdelay $0x2  }
.Ltmp7:
0xa1: {  	(pc) =	sbr.rel @p0 .LBB2_16-.Ltmp7, $4  }
0xa2: {  	_ = 	snop  }
0xa3: {  	v3 =	vadd.f32 v2, v3  }
0xa4: {  	s30 =	sshra.s32 s2, $0x2  }
0xa5: {  	s2 =	sadd.s32 $0x40, s2;
	v2 =	vld [tilespmem:s30+$0x5000];
	[tilespmem:s1+$0x5280] =	vst v3;
	s1 =	smov.u32 s30  }
0xa6: {  	v3 =	vld [tilespmem:s1+$0x5280];
	_ =	sdelay $0x4  }
0xa7: {  	v2 =	vadd.f32 v2, v3;
	_ =	sdelay $0x1  }
0xa8: {  	[tilespmem:s1+$0x5280] =	vst v2  }
0xa9: {  	[tilespmem:s29], [sflag:$0x2] =	stream.strided.gather [spmem:s11], $0x280, s24, s23, $0x38;
	[tilespmem:$0x7D00] =	vst v63  }
0xaa: {  	_ =	swait.ge [sflag:s28], $0x280  }
0xab: {  	[sflag:s28] =	ssyncset.done $0x0  }
0xac: {  	s1 =	simm.s32 $0x0;
	[sflag:s28] =	ssyncadd.s32 $0xFFFFFD80  }
0xad: {  	s2 =	simm.s32 $0x40;
	v2 =	vld [tilespmem:s1+$0x5000]  }
.LBB2_18:
0xae: {  	p0 =	sne.s32 s2, $0x9C0;
	v3 =	vld [tilespmem:s1+$0x5280];
	_ =	sdelay $0x2  }
.Ltmp8:
0xaf: {  	(pc) =	sbr.rel @p0 .LBB2_18-.Ltmp8, $4  }
0xb0: {  	_ = 	snop  }
0xb1: {  	v3 =	vadd.f32 v2, v3  }
0xb2: {  	s30 =	sshra.s32 s2, $0x2  }
0xb3: {  	s2 =	sadd.s32 $0x40, s2;
	v2 =	vld [tilespmem:s30+$0x5000];
	[tilespmem:s1+$0x5280] =	vst v3;
	s1 =	smov.u32 s30  }
0xb4: {  	v3 =	vld [tilespmem:s1+$0x5280];
	_ =	sdelay $0x4  }
0xb5: {  	v2 =	vadd.f32 v2, v3;
	_ =	sdelay $0x1  }
0xb6: {  	[tilespmem:s1+$0x5280] =	vst v2  }
0xb7: {  	[tilespmem:s29], [sflag:$0x2] =	stream.strided.gather [spmem:s12], $0x280, s24, s23, $0x38;
	[tilespmem:$0x7D00] =	vst v63  }
0xb8: {  	_ =	swait.ge [sflag:s28], $0x280  }
0xb9: {  	[sflag:s28] =	ssyncset.done $0x0  }
0xba: {  	s1 =	simm.s32 $0x0;
	[sflag:s28] =	ssyncadd.s32 $0xFFFFFD80  }
0xbb: {  	s2 =	simm.s32 $0x40;
	v2 =	vld [tilespmem:s1+$0x5000]  }
.LBB2_20:
0xbc: {  	p0 =	sne.s32 s2, $0x9C0;
	v3 =	vld [tilespmem:s1+$0x5280];
	_ =	sdelay $0x2  }
.Ltmp9:
0xbd: {  	(pc) =	sbr.rel @p0 .LBB2_20-.Ltmp9, $4  }
0xbe: {  	_ = 	snop  }
0xbf: {  	v3 =	vadd.f32 v2, v3  }
0xc0: {  	s30 =	sshra.s32 s2, $0x2  }
0xc1: {  	s2 =	sadd.s32 $0x40, s2;
	v2 =	vld [tilespmem:s30+$0x5000];
	[tilespmem:s1+$0x5280] =	vst v3;
	s1 =	smov.u32 s30  }
0xc2: {  	v3 =	vld [tilespmem:s1+$0x5280];
	_ =	sdelay $0x4  }
0xc3: {  	v2 =	vadd.f32 v2, v3;
	_ =	sdelay $0x1  }
0xc4: {  	[tilespmem:s1+$0x5280] =	vst v2  }
0xc5: {  	[tilespmem:s29], [sflag:$0x2] =	stream.strided.gather [spmem:s13], $0x280, s24, s23, $0x38;
	[tilespmem:$0x7D00] =	vst v63  }
0xc6: {  	_ =	swait.ge [sflag:s28], $0x280  }
0xc7: {  	[sflag:s28] =	ssyncset.done $0x0  }
0xc8: {  	s1 =	simm.s32 $0x0;
	[sflag:s28] =	ssyncadd.s32 $0xFFFFFD80  }
0xc9: {  	s2 =	simm.s32 $0x40;
	v2 =	vld [tilespmem:s1+$0x5000]  }
.LBB2_22:
0xca: {  	p0 =	sne.s32 s2, $0x9C0;
	v3 =	vld [tilespmem:s1+$0x5280];
	_ =	sdelay $0x2  }
.Ltmp10:
0xcb: {  	(pc) =	sbr.rel @p0 .LBB2_22-.Ltmp10, $4  }
0xcc: {  	_ = 	snop  }
0xcd: {  	v3 =	vadd.f32 v2, v3  }
0xce: {  	s30 =	sshra.s32 s2, $0x2  }
0xcf: {  	s2 =	sadd.s32 $0x40, s2;
	v2 =	vld [tilespmem:s30+$0x5000];
	[tilespmem:s1+$0x5280] =	vst v3;
	s1 =	smov.u32 s30  }
0xd0: {  	v3 =	vld [tilespmem:s1+$0x5280];
	_ =	sdelay $0x4  }
0xd1: {  	v2 =	vadd.f32 v2, v3;
	_ =	sdelay $0x1  }
0xd2: {  	[tilespmem:s1+$0x5280] =	vst v2  }
0xd3: {  	[tilespmem:s29], [sflag:$0x2] =	stream.strided.gather [spmem:s14], $0x280, s24, s23, $0x38;
	[tilespmem:$0x7D00] =	vst v63  }
0xd4: {  	_ =	swait.ge [sflag:s28], $0x280  }
0xd5: {  	[sflag:s28] =	ssyncset.done $0x0  }
0xd6: {  	s1 =	simm.s32 $0x0;
	[sflag:s28] =	ssyncadd.s32 $0xFFFFFD80  }
0xd7: {  	s2 =	simm.s32 $0x40;
	v2 =	vld [tilespmem:s1+$0x5000]  }
.LBB2_24:
0xd8: {  	p0 =	sne.s32 s2, $0x9C0;
	v3 =	vld [tilespmem:s1+$0x5280];
	_ =	sdelay $0x2  }
.Ltmp11:
0xd9: {  	(pc) =	sbr.rel @p0 .LBB2_24-.Ltmp11, $4  }
0xda: {  	_ = 	snop  }
0xdb: {  	v3 =	vadd.f32 v2, v3  }
0xdc: {  	s30 =	sshra.s32 s2, $0x2  }
0xdd: {  	s2 =	sadd.s32 $0x40, s2;
	v2 =	vld [tilespmem:s30+$0x5000];
	[tilespmem:s1+$0x5280] =	vst v3;
	s1 =	smov.u32 s30  }
0xde: {  	v3 =	vld [tilespmem:s1+$0x5280];
	_ =	sdelay $0x4  }
0xdf: {  	v2 =	vadd.f32 v2, v3;
	_ =	sdelay $0x1  }
0xe0: {  	[tilespmem:s1+$0x5280] =	vst v2  }
0xe1: {  	[tilespmem:s29], [sflag:$0x2] =	stream.strided.gather [spmem:s15], $0x280, s24, s23, $0x38;
	[tilespmem:$0x7D00] =	vst v63  }
0xe2: {  	_ =	swait.ge [sflag:s28], $0x280  }
0xe3: {  	[sflag:s28] =	ssyncset.done $0x0  }
0xe4: {  	s1 =	simm.s32 $0x0;
	[sflag:s28] =	ssyncadd.s32 $0xFFFFFD80  }
0xe5: {  	s2 =	simm.s32 $0x40;
	v2 =	vld [tilespmem:s1+$0x5000]  }
.LBB2_26:
0xe6: {  	p0 =	sne.s32 s2, $0x9C0;
	v3 =	vld [tilespmem:s1+$0x5280];
	_ =	sdelay $0x2  }
.Ltmp12:
0xe7: {  	(pc) =	sbr.rel @p0 .LBB2_26-.Ltmp12, $4  }
0xe8: {  	_ = 	snop  }
0xe9: {  	v3 =	vadd.f32 v2, v3  }
0xea: {  	s30 =	sshra.s32 s2, $0x2  }
0xeb: {  	s2 =	sadd.s32 $0x40, s2;
	v2 =	vld [tilespmem:s30+$0x5000];
	[tilespmem:s1+$0x5280] =	vst v3;
	s1 =	smov.u32 s30  }
0xec: {  	v3 =	vld [tilespmem:s1+$0x5280];
	_ =	sdelay $0x4  }
0xed: {  	v2 =	vadd.f32 v2, v3;
	_ =	sdelay $0x1  }
0xee: {  	[tilespmem:s1+$0x5280] =	vst v2  }
0xef: {  	[tilespmem:s29], [sflag:$0x2] =	stream.strided.gather [spmem:s16], $0x280, s24, s23, $0x38;
	[tilespmem:$0x7D00] =	vst v63  }
0xf0: {  	_ =	swait.ge [sflag:s28], $0x280  }
0xf1: {  	[sflag:s28] =	ssyncset.done $0x0  }
0xf2: {  	s1 =	simm.s32 $0x0;
	[sflag:s28] =	ssyncadd.s32 $0xFFFFFD80  }
0xf3: {  	s2 =	simm.s32 $0x40;
	v2 =	vld [tilespmem:s1+$0x5000]  }
.LBB2_28:
0xf4: {  	p0 =	sne.s32 s2, $0x9C0;
	v3 =	vld [tilespmem:s1+$0x5280];
	_ =	sdelay $0x2  }
.Ltmp13:
0xf5: {  	(pc) =	sbr.rel @p0 .LBB2_28-.Ltmp13, $4  }
0xf6: {  	_ = 	snop  }
0xf7: {  	v3 =	vadd.f32 v2, v3  }
0xf8: {  	s30 =	sshra.s32 s2, $0x2  }
0xf9: {  	s2 =	sadd.s32 $0x40, s2;
	v2 =	vld [tilespmem:s30+$0x5000];
	[tilespmem:s1+$0x5280] =	vst v3;
	s1 =	smov.u32 s30  }
0xfa: {  	v3 =	vld [tilespmem:s1+$0x5280];
	_ =	sdelay $0x4  }
0xfb: {  	v2 =	vadd.f32 v2, v3;
	_ =	sdelay $0x1  }
0xfc: {  	[tilespmem:s1+$0x5280] =	vst v2  }
0xfd: {  	[tilespmem:s29], [sflag:$0x2] =	stream.strided.gather [spmem:s17], $0x280, s24, s23, $0x38;
	[tilespmem:$0x7D00] =	vst v63  }
0xfe: {  	_ =	swait.ge [sflag:s28], $0x280  }
0xff: {  	[sflag:s28] =	ssyncset.done $0x0  }
0x100: {  	s1 =	simm.s32 $0x0;
	[sflag:s28] =	ssyncadd.s32 $0xFFFFFD80  }
0x101: {  	s2 =	simm.s32 $0x40;
	v2 =	vld [tilespmem:s1+$0x5000]  }
.LBB2_30:
0x102: {  	p0 =	sne.s32 s2, $0x9C0;
	v3 =	vld [tilespmem:s1+$0x5280];
	_ =	sdelay $0x2  }
.Ltmp14:
0x103: {  	(pc) =	sbr.rel @p0 .LBB2_30-.Ltmp14, $4  }
0x104: {  	_ = 	snop  }
0x105: {  	v3 =	vadd.f32 v2, v3  }
0x106: {  	s30 =	sshra.s32 s2, $0x2  }
0x107: {  	s2 =	sadd.s32 $0x40, s2;
	v2 =	vld [tilespmem:s30+$0x5000];
	[tilespmem:s1+$0x5280] =	vst v3;
	s1 =	smov.u32 s30  }
0x108: {  	v3 =	vld [tilespmem:s1+$0x5280];
	_ =	sdelay $0x4  }
0x109: {  	v2 =	vadd.f32 v2, v3;
	_ =	sdelay $0x1  }
0x10a: {  	[tilespmem:s1+$0x5280] =	vst v2  }
0x10b: {  	[tilespmem:s29], [sflag:$0x2] =	stream.strided.gather [spmem:s18], $0x280, s24, s23, $0x38;
	[tilespmem:$0x7D00] =	vst v63  }
0x10c: {  	_ =	swait.ge [sflag:s28], $0x280  }
0x10d: {  	[sflag:s28] =	ssyncset.done $0x0  }
0x10e: {  	s1 =	simm.s32 $0x0;
	[sflag:s28] =	ssyncadd.s32 $0xFFFFFD80  }
0x10f: {  	s2 =	simm.s32 $0x40;
	v2 =	vld [tilespmem:s1+$0x5000]  }
.LBB2_32:
0x110: {  	p0 =	sne.s32 s2, $0x9C0;
	v3 =	vld [tilespmem:s1+$0x5280];
	_ =	sdelay $0x2  }
.Ltmp15:
0x111: {  	(pc) =	sbr.rel @p0 .LBB2_32-.Ltmp15, $4  }
0x112: {  	_ = 	snop  }
0x113: {  	v3 =	vadd.f32 v2, v3  }
0x114: {  	s30 =	sshra.s32 s2, $0x2  }
0x115: {  	s2 =	sadd.s32 $0x40, s2;
	v2 =	vld [tilespmem:s30+$0x5000];
	[tilespmem:s1+$0x5280] =	vst v3;
	s1 =	smov.u32 s30  }
0x116: {  	v3 =	vld [tilespmem:s1+$0x5280];
	_ =	sdelay $0x4  }
0x117: {  	v2 =	vadd.f32 v2, v3;
	_ =	sdelay $0x1  }
0x118: {  	[tilespmem:s1+$0x5280] =	vst v2  }
0x119: {  	[tilespmem:s29], [sflag:$0x2] =	stream.strided.gather [spmem:s19], $0x280, s24, s23, $0x38;
	[tilespmem:$0x7D00] =	vst v63  }
0x11a: {  	_ =	swait.ge [sflag:s28], $0x280  }
0x11b: {  	[sflag:s28] =	ssyncset.done $0x0  }
0x11c: {  	s1 =	simm.s32 $0x0;
	[sflag:s28] =	ssyncadd.s32 $0xFFFFFD80  }
0x11d: {  	s2 =	simm.s32 $0x40;
	v2 =	vld [tilespmem:s1+$0x5000]  }
.LBB2_34:
0x11e: {  	p0 =	sne.s32 s2, $0x9C0;
	v3 =	vld [tilespmem:s1+$0x5280];
	_ =	sdelay $0x2  }
.Ltmp16:
0x11f: {  	(pc) =	sbr.rel @p0 .LBB2_34-.Ltmp16, $4  }
0x120: {  	_ = 	snop  }
0x121: {  	v3 =	vadd.f32 v2, v3  }
0x122: {  	s30 =	sshra.s32 s2, $0x2  }
0x123: {  	s2 =	sadd.s32 $0x40, s2;
	v2 =	vld [tilespmem:s30+$0x5000];
	[tilespmem:s1+$0x5280] =	vst v3;
	s1 =	smov.u32 s30  }
0x124: {  	v3 =	vld [tilespmem:s1+$0x5280];
	_ =	sdelay $0x4  }
0x125: {  	v2 =	vadd.f32 v2, v3;
	_ =	sdelay $0x1  }
0x126: {  	[tilespmem:s1+$0x5280] =	vst v2  }
0x127: {  	[tilespmem:s29], [sflag:$0x2] =	stream.strided.gather [spmem:s20], $0x280, s24, s23, $0x38;
	[tilespmem:$0x7D00] =	vst v63  }
0x128: {  	_ =	swait.ge [sflag:s28], $0x280  }
0x129: {  	[sflag:s28] =	ssyncset.done $0x0  }
0x12a: {  	s1 =	simm.s32 $0x0;
	[sflag:s28] =	ssyncadd.s32 $0xFFFFFD80  }
0x12b: {  	s2 =	simm.s32 $0x40;
	v2 =	vld [tilespmem:s1+$0x5000]  }
.LBB2_36:
0x12c: {  	p0 =	sne.s32 s2, $0x9C0;
	v3 =	vld [tilespmem:s1+$0x5280];
	_ =	sdelay $0x2  }
.Ltmp17:
0x12d: {  	(pc) =	sbr.rel @p0 .LBB2_36-.Ltmp17, $4  }
0x12e: {  	_ = 	snop  }
0x12f: {  	v3 =	vadd.f32 v2, v3  }
0x130: {  	s30 =	sshra.s32 s2, $0x2  }
0x131: {  	s2 =	sadd.s32 $0x40, s2;
	v2 =	vld [tilespmem:s30+$0x5000];
	[tilespmem:s1+$0x5280] =	vst v3;
	s1 =	smov.u32 s30  }
0x132: {  	v3 =	vld [tilespmem:s1+$0x5280];
	_ =	sdelay $0x4  }
0x133: {  	s0 =	sadd.s32 $0x1, s0;
	v2 =	vadd.f32 v2, v3  }
0x134: {  	p0 =	sne.s32 s0, s22  }
.Ltmp18:
0x135: {  	s30 =	simm.s32 $0x100;
	[tilespmem:s1+$0x5280] =	vst v2;
	(pc) =	sbr.rel @p0 .LBB2_1-.Ltmp18, $4  }
0x136: {  	[hbm4b:s21+s23] =	stream.strided.scatter [tilespmem:s31], [sflag:$0x2], $0x280, s30, s23, $0x38;
	[tilespmem:$0x7D00] =	vst v63  }
0x137: {  	_ =	swait.ge [sflag:s28], $0x280  }
0x138: {  	[sflag:s28] =	ssyncset.done $0x0  }
0x139: {  	[sflag:s28] =	ssyncadd.s32 $0xFFFFFD80  }
0x13a: {  	_ =	sfence.sel $0x180000  }
0x13b: {  	[bflag:$0x0] =	sbarrier.arrive $0xFFFF  }
0x13c: {  	_ =	strace $0x90000047  }
0x13d: {  	s0 =	stileid.u32;
	[bflag:$0x2] =	sbarrier.arrive $0xFFFF  }
0x13e: {  	p0 =	sne.s32 s0, $0x0;
	s0 =	rddreg [dreg:$0x3]  }
0x13f: {  	s0 =	sadd.s32 @!p0 $0x100000, s0  }
0x140: {  	[sflag:s0] =	ssyncadd.tile.s32 @!p0 $0x1;
	_ =	shalt  }
.Lfunc_end2:
_tile_overlayer_lowered:
.L_overlay_start_2:
0x141: {  	(tag) =	ssettag $0x2  }
0x142: {  	s0 =	rddreg [dreg:$0x0];
	s2 =	stileid.u32  }
0x143: {  	s1 =	rddreg [dreg:$0x1];
	p0 =	sne.s32 s2, $0x0  }
0x144: {  	s3 =	rddreg [dreg:$0x2];
	[bflag:$0x3] =	sbarrier.arrive $0xFFFF;
	s2 =	simm.s32 @!p0 $0x1C02  }
0x145: {  	[timem:s3], [sflag:s2] =	dma.local @!p0 [hbm:s0], s1  }
0x146: {  	s0 =	simm.s32 @!p0 $0x2  }
0x147: {  	_ =	swait.ge @!p0 [sflag:s0], s1  }
0x148: {  	s1 =	ssub.s32 @!p0 $0x0, s1;
	[sflag:s0] =	ssyncset.done @!p0 $0x0  }
0x149: {  	[sflag:s0] =	ssyncadd.s32 @!p0 s1  }
0x14a: {  	[bflag:$0x3] =	sbarrier.arrive $0xFFFF  }
0x14b: {  	_ =	shalt  }

</sc_bundles>
